<compile_context>
chip_gen: v7x
topology: tpu7x:2x2x1
jax: 0.10.2.dev20260603
libtpu: 0.0.44.dev20260713+nightly
codegen_flags: <defaults>
</compile_context>

<pallas_src>
import functools

import jax
import jax.numpy as jnp
from jax import lax
from jax.experimental import pallas as pl
from jax.experimental.pallas import tpu as pltpu
from jax.experimental.pallas import tpu_sc as plsc

D_MODEL = 768
N_VOICES = 4
LANES = 16
CH = 128
NLC = D_MODEL // LANES


def _make_sc_kernel(n_rows, seq_len):
    info = plsc.get_sparse_core_info()
    nc, ns = info.num_cores, info.num_subcores
    nw = nc * ns
    rows_per_w = n_rows // nw

    mesh = plsc.VectorSubcoreMesh(core_axis_name="c", subcore_axis_name="s")

    @functools.partial(
        pl.kernel,
        mesh=mesh,
        out_type=jax.ShapeDtypeStruct((n_rows, D_MODEL), jnp.float32),
        scratch_types=[
            pltpu.VMEM((CH, D_MODEL), jnp.float32),
            pltpu.VMEM((CH // N_VOICES, D_MODEL), jnp.float32),
            pltpu.VMEM((N_VOICES, D_MODEL), jnp.float32),
        ],
    )
    def sc_kernel(x_hbm, ts_hbm, v_hbm, out_hbm, xb, tsb, vb):
        wid = lax.axis_index("s") * nc + lax.axis_index("c")
        base = wid * rows_per_w
        pltpu.sync_copy(v_hbm, vb)

        def chunk_body(it, carry):
            row0 = base + it * CH
            p0 = lax.rem(row0, seq_len)
            r_idx = pl.multiple_of(row0, CH)
            t_idx = pl.multiple_of(p0 // N_VOICES, CH // N_VOICES)
            pltpu.sync_copy(x_hbm.at[pl.ds(r_idx, CH)], xb)
            pltpu.sync_copy(ts_hbm.at[pl.ds(t_idx, CH // N_VOICES)], tsb)

            def t_body(t, c2):
                for l in range(NLC):
                    sl = pl.ds(l * LANES, LANES)
                    tv = tsb[t, sl]
                    for v in range(N_VOICES):
                        r = t * N_VOICES + v
                        xb[r, sl] = xb[r, sl] + (tv + vb[v, sl])
                return c2

            lax.fori_loop(0, CH // N_VOICES, t_body, 0)
            pltpu.sync_copy(xb, out_hbm.at[pl.ds(row0, CH)])
            return carry

        lax.fori_loop(0, rows_per_w // CH, chunk_body, 0)

    return sc_kernel


def kernel(x, timestep_emb, voice_emb):
    B, L, D = x.shape
    T = L // N_VOICES
    n_rows = B * L
    ts = timestep_emb[:T]
    xf = x.reshape(n_rows, D)
    out = _make_sc_kernel(n_rows, L)(xf, ts, voice_emb)
    return out.reshape(B, L, D)

# --- scband reference (transcript-rebuilt; emitter-appended) ---
"""Pipeline reference for scband-voice-aware-positional-15393162789013 (READ-ONLY COPY).

The authoritative reference and input builder live on the scoring server;
editing this copy changes nothing except your own understanding.
"""

import jax, jax.numpy as jnp
import numpy as np

D_MODEL = 768
MAX_TIMESTEPS = 4096
N_VOICES = 4


def setup_inputs(seed: int = 0) -> dict:
    key = jax.random.key(seed)
    k1, k2, k3 = jax.random.split(key, 3)
    x = jax.random.normal(k1, (4, 8192, D_MODEL), dtype=jnp.float32)
    timestep_emb = jax.random.normal(k2, (MAX_TIMESTEPS, D_MODEL), dtype=jnp.float32) * 0.02
    voice_emb = jax.random.normal(k3, (N_VOICES, D_MODEL), dtype=jnp.float32) * 0.02
    return {"x": x, "timestep_emb": timestep_emb, "voice_emb": voice_emb}


def reference(x, timestep_emb, voice_emb):
    # non-chord layout: positions 0..L-1 packed n_voices per timestep
    L = x.shape[1]
    positions = jnp.arange(L)
    t_idx = jnp.minimum(positions // N_VOICES, MAX_TIMESTEPS - 1)
    v_idx = positions % N_VOICES
    t_pe = jnp.take(timestep_emb, t_idx, axis=0)  # (L, d_model)
    v_pe = jnp.take(voice_emb, v_idx, axis=0)     # (L, d_model)
    return x + t_pe[None, :, :] + v_pe[None, :, :]

if __name__ == "__main__":
    import jax
    _d = setup_inputs()
    print(jax.jit(kernel)(*tuple(_d.values())))

</pallas_src>

<mosaic_0001>
#map = affine_map<(d0, d1) -> (0, 0)>
module attributes {stable_mosaic.version = 14 : i64} {
  func.func @sc_kernel(%arg0: i32, %arg1: i32, %arg2: memref<32768x768xf32, #tpu.memory_space<hbm>>, %arg3: memref<2048x768xf32, #tpu.memory_space<hbm>>, %arg4: memref<4x768xf32, #tpu.memory_space<hbm>>, %arg5: memref<32768x768xf32, #tpu.memory_space<hbm>>, %arg6: memref<128x768xf32, #tpu.memory_space<vmem>>, %arg7: memref<32x768xf32, #tpu.memory_space<vmem>>, %arg8: memref<4x768xf32, #tpu.memory_space<vmem>>) attributes {dimension_semantics = [#tpu.dimension_semantics<core_parallel>, #tpu.dimension_semantics<subcore_parallel>], iteration_bounds = array<i64: 2, 16>, scalar_prefetch = 0 : i64, scratch_operands = 3 : i64, tpu.core_type = #tpu.core_type<sc_vector_subcore>, window_params = [{transform_indices = #map}, {transform_indices = #map}, {transform_indices = #map}, {transform_indices = #map}]} {
    %mul3A = arith.constant 2 : i32
    %mul3A_0 = arith.muli %arg1, %mul3A : i32
    %add3A = arith.addi %mul3A_0, %arg0 : i32
    %mul3A_1 = arith.constant 1024 : i32
    %mul3A_2 = arith.muli %add3A, %mul3A_1 : i32
    "tpu.region"() ({
      %run_scoped3A = tpu.sem_alloc : memref<!tpu.dma_semaphore, #tpu.memory_space<semaphore_mem>>
      tpu.enqueue_dma source(%arg4 : memref<4x768xf32, #tpu.memory_space<hbm>>) target(%arg8 : memref<4x768xf32, #tpu.memory_space<vmem>>) target_semaphore(%run_scoped3A : memref<!tpu.dma_semaphore, #tpu.memory_space<semaphore_mem>>)
      tpu.wait_dma2 semaphore(%run_scoped3A : memref<!tpu.dma_semaphore, #tpu.memory_space<semaphore_mem>>) src(%arg4 : memref<4x768xf32, #tpu.memory_space<hbm>>) dst(%arg8 : memref<4x768xf32, #tpu.memory_space<vmem>>)
      tpu.yield
    }) : () -> ()
    %scan3A = arith.constant 0 : i32
    %scan3A_3 = arith.constant 0 : i32
    %scan3A_4 = arith.constant 8 : i32
    %scan3A_5 = arith.addi %scan3A_3, %scan3A_4 : i32
    %scan3A_6 = arith.constant 1 : i32
    scf.for %scan3A_8 = %scan3A_3 to %scan3A_5 step %scan3A_6  : i32 {
      %mul3A_9 = arith.constant 128 : i32
      %mul3A_10 = arith.muli %scan3A_8, %mul3A_9 : i32
      %add3A_11 = arith.addi %mul3A_2, %mul3A_10 : i32
      %rem3A = arith.constant 8192 : i32
      %rem3A_12 = arith.remsi %add3A_11, %rem3A : i32
      %multiple_of3A = tpu.assume_multiple %add3A_11, 128 : i32
      %jit3A = arith.constant 4 : i32
      %div3A = arith.divsi %rem3A_12, %jit3A : i32
      %sign3A = arith.constant 0 : i32
      %sign3A_13 = arith.cmpi sgt, %rem3A_12, %sign3A : i32
      %sign3A_14 = arith.extui %sign3A_13 : i1 to i32
      %sign3A_15 = arith.constant 0 : i32
      %sign3A_16 = arith.cmpi slt, %rem3A_12, %sign3A_15 : i32
      %sign3A_17 = arith.extui %sign3A_16 : i1 to i32
      %sign3A_18 = arith.subi %sign3A_14, %sign3A_17 : i32
      %sign3A_19 = arith.constant 0 : i32
      %sign3A_20 = arith.cmpi sgt, %jit3A, %sign3A_19 : i32
      %sign3A_21 = arith.extui %sign3A_20 : i1 to i32
      %sign3A_22 = arith.constant 0 : i32
      %sign3A_23 = arith.cmpi slt, %jit3A, %sign3A_22 : i32
      %sign3A_24 = arith.extui %sign3A_23 : i1 to i32
      %sign3A_25 = arith.subi %sign3A_21, %sign3A_24 : i32
      %ne3A = arith.cmpi ne, %sign3A_18, %sign3A_25 : i32
      %rem3A_26 = arith.remsi %rem3A_12, %jit3A : i32
      %ne3A_27 = arith.constant 0 : i32
      %ne3A_28 = arith.cmpi ne, %rem3A_26, %ne3A_27 : i32
      %and3A = arith.andi %ne3A, %ne3A_28 : i1
      %sub3A = arith.constant 1 : i32
      %sub3A_29 = arith.subi %div3A, %sub3A : i32
      %select_n3A = arith.select %and3A, %sub3A_29, %div3A : i32
      %multiple_of3A_30 = tpu.assume_multiple %select_n3A, 32 : i32
      "tpu.region"() ({
        %run_scoped3A = tpu.sem_alloc : memref<!tpu.dma_semaphore, #tpu.memory_space<semaphore_mem>>
        %dma_start3A = arith.constant 0 : i32
        %dma_start3A_37 = tpu.memref_slice %arg2[%multiple_of3A, %dma_start3A] : memref<32768x768xf32, #tpu.memory_space<hbm>> -> memref<128x768xf32, #tpu.memory_space<hbm>>
        %dma_start3A_38 = arith.constant 0 : i32
        %dma_start3A_39 = tpu.memref_slice %arg2[%multiple_of3A, %dma_start3A_38] : memref<32768x768xf32, #tpu.memory_space<hbm>> -> memref<128x768xf32, #tpu.memory_space<hbm>>
        tpu.enqueue_dma source(%dma_start3A_39 : memref<128x768xf32, #tpu.memory_space<hbm>>) target(%arg6 : memref<128x768xf32, #tpu.memory_space<vmem>>) target_semaphore(%run_scoped3A : memref<!tpu.dma_semaphore, #tpu.memory_space<semaphore_mem>>)
        %dma_wait3A = arith.constant 0 : i32
        %dma_wait3A_40 = tpu.memref_slice %arg2[%multiple_of3A, %dma_wait3A] : memref<32768x768xf32, #tpu.memory_space<hbm>> -> memref<128x768xf32, #tpu.memory_space<hbm>>
        %dma_wait3A_41 = arith.constant 0 : i32
        %dma_wait3A_42 = tpu.memref_slice %arg2[%multiple_of3A, %dma_wait3A_41] : memref<32768x768xf32, #tpu.memory_space<hbm>> -> memref<128x768xf32, #tpu.memory_space<hbm>>
        tpu.wait_dma2 semaphore(%run_scoped3A : memref<!tpu.dma_semaphore, #tpu.memory_space<semaphore_mem>>) src(%dma_wait3A_42 : memref<128x768xf32, #tpu.memory_space<hbm>>) dst(%arg6 : memref<128x768xf32, #tpu.memory_space<vmem>>)
        tpu.yield
      }) : () -> ()
      "tpu.region"() ({
        %run_scoped3A = tpu.sem_alloc : memref<!tpu.dma_semaphore, #tpu.memory_space<semaphore_mem>>
        %dma_start3A = arith.constant 0 : i32
        %dma_start3A_37 = tpu.memref_slice %arg3[%multiple_of3A_30, %dma_start3A] : memref<2048x768xf32, #tpu.memory_space<hbm>> -> memref<32x768xf32, #tpu.memory_space<hbm>>
        %dma_start3A_38 = arith.constant 0 : i32
        %dma_start3A_39 = tpu.memref_slice %arg3[%multiple_of3A_30, %dma_start3A_38] : memref<2048x768xf32, #tpu.memory_space<hbm>> -> memref<32x768xf32, #tpu.memory_space<hbm>>
        tpu.enqueue_dma source(%dma_start3A_39 : memref<32x768xf32, #tpu.memory_space<hbm>>) target(%arg7 : memref<32x768xf32, #tpu.memory_space<vmem>>) target_semaphore(%run_scoped3A : memref<!tpu.dma_semaphore, #tpu.memory_space<semaphore_mem>>)
        %dma_wait3A = arith.constant 0 : i32
        %dma_wait3A_40 = tpu.memref_slice %arg3[%multiple_of3A_30, %dma_wait3A] : memref<2048x768xf32, #tpu.memory_space<hbm>> -> memref<32x768xf32, #tpu.memory_space<hbm>>
        %dma_wait3A_41 = arith.constant 0 : i32
        %dma_wait3A_42 = tpu.memref_slice %arg3[%multiple_of3A_30, %dma_wait3A_41] : memref<2048x768xf32, #tpu.memory_space<hbm>> -> memref<32x768xf32, #tpu.memory_space<hbm>>
        tpu.wait_dma2 semaphore(%run_scoped3A : memref<!tpu.dma_semaphore, #tpu.memory_space<semaphore_mem>>) src(%dma_wait3A_42 : memref<32x768xf32, #tpu.memory_space<hbm>>) dst(%arg7 : memref<32x768xf32, #tpu.memory_space<vmem>>)
        tpu.yield
      }) : () -> ()
      %scan3A_31 = arith.constant 0 : i32
      %scan3A_32 = arith.constant 0 : i32
      %scan3A_33 = arith.constant 32 : i32
      %scan3A_34 = arith.addi %scan3A_32, %scan3A_33 : i32
      %scan3A_35 = arith.constant 1 : i32
      scf.for %scan3A_37 = %scan3A_32 to %scan3A_34 step %scan3A_35  : i32 {
        %get3A = arith.index_cast %scan3A_37 : i32 to index
        %get3A_38 = arith.constant 0 : index
        %get3A_39 = tpu.vector_load %arg7[%get3A, %get3A_38] {strides = array<i32>} : memref<32x768xf32, #tpu.memory_space<vmem>>, vector<1x16xf32>,
        %get3A_40 = vector.shape_cast %get3A_39 : vector<1x16xf32> to vector<16xf32>
        %mul3A_41 = arith.constant 4 : i32
        %mul3A_42 = arith.muli %scan3A_37, %mul3A_41 : i32
        %add3A_43 = arith.constant 0 : i32
        %add3A_44 = arith.addi %mul3A_42, %add3A_43 : i32
        %get3A_45 = arith.index_cast %add3A_44 : i32 to index
        %get3A_46 = arith.constant 0 : index
        %get3A_47 = tpu.vector_load %arg6[%get3A_45, %get3A_46] {strides = array<i32>} : memref<128x768xf32, #tpu.memory_space<vmem>>, vector<1x16xf32>,
        %get3A_48 = vector.shape_cast %get3A_47 : vector<1x16xf32> to vector<16xf32>
        %get3A_49 = arith.constant 0 : i32
        %get3A_50 = arith.index_cast %get3A_49 : i32 to index
        %get3A_51 = arith.constant 0 : index
        %get3A_52 = tpu.vector_load %arg8[%get3A_50, %get3A_51] {strides = array<i32>} : memref<4x768xf32, #tpu.memory_space<vmem>>, vector<1x16xf32>,
        %get3A_53 = vector.shape_cast %get3A_52 : vector<1x16xf32> to vector<16xf32>
        %add3A_54 = arith.addf %get3A_40, %get3A_53 : vector<16xf32>
        %add3A_55 = arith.addf %get3A_48, %add3A_54 : vector<16xf32>
        %swap3A = arith.index_cast %add3A_44 : i32 to index
        %swap3A_56 = arith.constant 0 : index
        %swap3A_57 = tpu.vector_load %arg6[%swap3A, %swap3A_56] {strides = array<i32>} : memref<128x768xf32, #tpu.memory_space<vmem>>, vector<1x16xf32>,
        %swap3A_58 = vector.shape_cast %swap3A_57 : vector<1x16xf32> to vector<16xf32>
        %swap3A_59 = vector.shape_cast %add3A_55 : vector<16xf32> to vector<1x16xf32>
        tpu.vector_store %arg6[%swap3A, %swap3A_56], %swap3A_59 {strides = array<i32>} : memref<128x768xf32, #tpu.memory_space<vmem>>, vector<1x16xf32>,
        %mul3A_60 = arith.constant 4 : i32
        %mul3A_61 = arith.muli %scan3A_37, %mul3A_60 : i32
        %add3A_62 = arith.constant 1 : i32
        %add3A_63 = arith.addi %mul3A_61, %add3A_62 : i32
        %get3A_64 = arith.index_cast %add3A_63 : i32 to index
        %get3A_65 = arith.constant 0 : index
        %get3A_66 = tpu.vector_load %arg6[%get3A_64, %get3A_65] {strides = array<i32>} : memref<128x768xf32, #tpu.memory_space<vmem>>, vector<1x16xf32>,
        %get3A_67 = vector.shape_cast %get3A_66 : vector<1x16xf32> to vector<16xf32>
        %get3A_68 = arith.constant 1 : i32
        %get3A_69 = arith.index_cast %get3A_68 : i32 to index
        %get3A_70 = arith.constant 0 : index
        %get3A_71 = tpu.vector_load %arg8[%get3A_69, %get3A_70] {strides = array<i32>} : memref<4x768xf32, #tpu.memory_space<vmem>>, vector<1x16xf32>,
        %get3A_72 = vector.shape_cast %get3A_71 : vector<1x16xf32> to vector<16xf32>
        %add3A_73 = arith.addf %get3A_40, %get3A_72 : vector<16xf32>
        %add3A_74 = arith.addf %get3A_67, %add3A_73 : vector<16xf32>
        %swap3A_75 = arith.index_cast %add3A_63 : i32 to index
        %swap3A_76 = arith.constant 0 : index
        %swap3A_77 = tpu.vector_load %arg6[%swap3A_75, %swap3A_76] {strides = array<i32>} : memref<128x768xf32, #tpu.memory_space<vmem>>, vector<1x16xf32>,
        %swap3A_78 = vector.shape_cast %swap3A_77 : vector<1x16xf32> to vector<16xf32>
        %swap3A_79 = vector.shape_cast %add3A_74 : vector<16xf32> to vector<1x16xf32>
        tpu.vector_store %arg6[%swap3A_75, %swap3A_76], %swap3A_79 {strides = array<i32>} : memref<128x768xf32, #tpu.memory_space<vmem>>, vector<1x16xf32>,
        %mul3A_80 = arith.constant 4 : i32
        %mul3A_81 = arith.muli %scan3A_37, %mul3A_80 : i32
        %add3A_82 = arith.constant 2 : i32
        %add3A_83 = arith.addi %mul3A_81, %add3A_82 : i32
        %get3A_84 = arith.index_cast %add3A_83 : i32 to index
        %get3A_85 = arith.constant 0 : index
        %get3A_86 = tpu.vector_load %arg6[%get3A_84, %get3A_85] {strides = array<i32>} : memref<128x768xf32, #tpu.memory_space<vmem>>, vector<1x16xf32>,
        %get3A_87 = vector.shape_cast %get3A_86 : vector<1x16xf32> to vector<16xf32>
        %get3A_88 = arith.constant 2 : i32
        %get3A_89 = arith.index_cast %get3A_88 : i32 to index
        %get3A_90 = arith.constant 0 : index
        %get3A_91 = tpu.vector_load %arg8[%get3A_89, %get3A_90] {strides = array<i32>} : memref<4x768xf32, #tpu.memory_space<vmem>>, vector<1x16xf32>,
        %get3A_92 = vector.shape_cast %get3A_91 : vector<1x16xf32> to vector<16xf32>
        %add3A_93 = arith.addf %get3A_40, %get3A_92 : vector<16xf32>
        %add3A_94 = arith.addf %get3A_87, %add3A_93 : vector<16xf32>
        %swap3A_95 = arith.index_cast %add3A_83 : i32 to index
        %swap3A_96 = arith.constant 0 : index
        %swap3A_97 = tpu.vector_load %arg6[%swap3A_95, %swap3A_96] {strides = array<i32>} : memref<128x768xf32, #tpu.memory_space<vmem>>, vector<1x16xf32>,
        %swap3A_98 = vector.shape_cast %swap3A_97 : vector<1x16xf32> to vector<16xf32>
        %swap3A_99 = vector.shape_cast %add3A_94 : vector<16xf32> to vector<1x16xf32>
        tpu.vector_store %arg6[%swap3A_95, %swap3A_96], %swap3A_99 {strides = array<i32>} : memref<128x768xf32, #tpu.memory_space<vmem>>, vector<1x16xf32>,
        %mul3A_100 = arith.constant 4 : i32
        %mul3A_101 = arith.muli %scan3A_37, %mul3A_100 : i32
        %add3A_102 = arith.constant 3 : i32
        %add3A_103 = arith.addi %mul3A_101, %add3A_102 : i32
        %get3A_104 = arith.index_cast %add3A_103 : i32 to index
        %get3A_105 = arith.constant 0 : index
        %get3A_106 = tpu.vector_load %arg6[%get3A_104, %get3A_105] {strides = array<i32>} : memref<128x768xf32, #tpu.memory_space<vmem>>, vector<1x16xf32>,
        %get3A_107 = vector.shape_cast %get3A_106 : vector<1x16xf32> to vector<16xf32>
        %get3A_108 = arith.constant 3 : i32
        %get3A_109 = arith.index_cast %get3A_108 : i32 to index
        %get3A_110 = arith.constant 0 : index
        %get3A_111 = tpu.vector_load %arg8[%get3A_109, %get3A_110] {strides = array<i32>} : memref<4x768xf32, #tpu.memory_space<vmem>>, vector<1x16xf32>,
        %get3A_112 = vector.shape_cast %get3A_111 : vector<1x16xf32> to vector<16xf32>
        %add3A_113 = arith.addf %get3A_40, %get3A_112 : vector<16xf32>
        %add3A_114 = arith.addf %get3A_107, %add3A_113 : vector<16xf32>
        %swap3A_115 = arith.index_cast %add3A_103 : i32 to index
        %swap3A_116 = arith.constant 0 : index
        %swap3A_117 = tpu.vector_load %arg6[%swap3A_115, %swap3A_116] {strides = array<i32>} : memref<128x768xf32, #tpu.memory_space<vmem>>, vector<1x16xf32>,
        %swap3A_118 = vector.shape_cast %swap3A_117 : vector<1x16xf32> to vector<16xf32>
        %swap3A_119 = vector.shape_cast %add3A_114 : vector<16xf32> to vector<1x16xf32>
        tpu.vector_store %arg6[%swap3A_115, %swap3A_116], %swap3A_119 {strides = array<i32>} : memref<128x768xf32, #tpu.memory_space<vmem>>, vector<1x16xf32>,
        %get3A_120 = arith.index_cast %scan3A_37 : i32 to index
        %get3A_121 = arith.constant 16 : index
        %get3A_122 = tpu.vector_load %arg7[%get3A_120, %get3A_121] {strides = array<i32>} : memref<32x768xf32, #tpu.memory_space<vmem>>, vector<1x16xf32>,
        %get3A_123 = vector.shape_cast %get3A_122 : vector<1x16xf32> to vector<16xf32>
        %mul3A_124 = arith.constant 4 : i32
        %mul3A_125 = arith.muli %scan3A_37, %mul3A_124 : i32
        %add3A_126 = arith.constant 0 : i32
        %add3A_127 = arith.addi %mul3A_125, %add3A_126 : i32
        %get3A_128 = arith.index_cast %add3A_127 : i32 to index
        %get3A_129 = arith.constant 16 : index
        %get3A_130 = tpu.vector_load %arg6[%get3A_128, %get3A_129] {strides = array<i32>} : memref<128x768xf32, #tpu.memory_space<vmem>>, vector<1x16xf32>,
        %get3A_131 = vector.shape_cast %get3A_130 : vector<1x16xf32> to vector<16xf32>
        %get3A_132 = arith.constant 0 : i32
        %get3A_133 = arith.index_cast %get3A_132 : i32 to index
        %get3A_134 = arith.constant 16 : index
        %get3A_135 = tpu.vector_load %arg8[%get3A_133, %get3A_134] {strides = array<i32>} : memref<4x768xf32, #tpu.memory_space<vmem>>, vector<1x16xf32>,
        %get3A_136 = vector.shape_cast %get3A_135 : vector<1x16xf32> to vector<16xf32>
        %add3A_137 = arith.addf %get3A_123, %get3A_136 : vector<16xf32>
        %add3A_138 = arith.addf %get3A_131, %add3A_137 : vector<16xf32>
        %swap3A_139 = arith.index_cast %add3A_127 : i32 to index
        %swap3A_140 = arith.constant 16 : index
        %swap3A_141 = tpu.vector_load %arg6[%swap3A_139, %swap3A_140] {strides = array<i32>} : memref<128x768xf32, #tpu.memory_space<vmem>>, vector<1x16xf32>,
        %swap3A_142 = vector.shape_cast %swap3A_141 : vector<1x16xf32> to vector<16xf32>
        %swap3A_143 = vector.shape_cast %add3A_138 : vector<16xf32> to vector<1x16xf32>
        tpu.vector_store %arg6[%swap3A_139, %swap3A_140], %swap3A_143 {strides = array<i32>} : memref<128x768xf32, #tpu.memory_space<vmem>>, vector<1x16xf32>,
        %mul3A_144 = arith.constant 4 : i32
        %mul3A_145 = arith.muli %scan3A_37, %mul3A_144 : i32
        %add3A_146 = arith.constant 1 : i32
        %add3A_147 = arith.addi %mul3A_145, %add3A_146 : i32
        %get3A_148 = arith.index_cast %add3A_147 : i32 to index
        %get3A_149 = arith.constant 16 : index
        %get3A_150 = tpu.vector_load %arg6[%get3A_148, %get3A_149] {strides = array<i32>} : memref<128x768xf32, #tpu.memory_space<vmem>>, vector<1x16xf32>,
        %get3A_151 = vector.shape_cast %get3A_150 : vector<1x16xf32> to vector<16xf32>
        %get3A_152 = arith.constant 1 : i32
        %get3A_153 = arith.index_cast %get3A_152 : i32 to index
        %get3A_154 = arith.constant 16 : index
        %get3A_155 = tpu.vector_load %arg8[%get3A_153, %get3A_154] {strides = array<i32>} : memref<4x768xf32, #tpu.memory_space<vmem>>, vector<1x16xf32>,
        %get3A_156 = vector.shape_cast %get3A_155 : vector<1x16xf32> to vector<16xf32>
        %add3A_157 = arith.addf %get3A_123, %get3A_156 : vector<16xf32>
        %add3A_158 = arith.addf %get3A_151, %add3A_157 : vector<16xf32>
        %swap3A_159 = arith.index_cast %add3A_147 : i32 to index
        %swap3A_160 = arith.constant 16 : index
        %swap3A_161 = tpu.vector_load %arg6[%swap3A_159, %swap3A_160] {strides = array<i32>} : memref<128x768xf32, #tpu.memory_space<vmem>>, vector<1x16xf32>,
        %swap3A_162 = vector.shape_cast %swap3A_161 : vector<1x16xf32> to vector<16xf32>
        %swap3A_163 = vector.shape_cast %add3A_158 : vector<16xf32> to vector<1x16xf32>
        tpu.vector_store %arg6[%swap3A_159, %swap3A_160], %swap3A_163 {strides = array<i32>} : memref<128x768xf32, #tpu.memory_space<vmem>>, vector<1x16xf32>,
        %mul3A_164 = arith.constant 4 : i32
        %mul3A_165 = arith.muli %scan3A_37, %mul3A_164 : i32
        %add3A_166 = arith.constant 2 : i32
        %add3A_167 = arith.addi %mul3A_165, %add3A_166 : i32
        %get3A_168 = arith.index_cast %add3A_167 : i32 to index
        %get3A_169 = arith.constant 16 : index
        %get3A_170 = tpu.vector_load %arg6[%get3A_168, %get3A_169] {strides = array<i32>} : memref<128x768xf32, #tpu.memory_space<vmem>>, vector<1x16xf32>,
        %get3A_171 = vector.shape_cast %get3A_170 : vector<1x16xf32> to vector<16xf32>
        %get3A_172 = arith.constant 2 : i32
        %get3A_173 = arith.index_cast %get3A_172 : i32 to index
        %get3A_174 = arith.constant 16 : index
        %get3A_175 = tpu.vector_load %arg8[%get3A_173, %get3A_174] {strides = array<i32>} : memref<4x768xf32, #tpu.memory_space<vmem>>, vector<1x16xf32>,
        %get3A_176 = vector.shape_cast %get3A_175 : vector<1x16xf32> to vector<16xf32>
        %add3A_177 = arith.addf %get3A_123, %get3A_176 : vector<16xf32>
        %add3A_178 = arith.addf %get3A_171, %add3A_177 : vector<16xf32>
        %swap3A_179 = arith.index_cast %add3A_167 : i32 to index
        %swap3A_180 = arith.constant 16 : index
        %swap3A_181 = tpu.vector_load %arg6[%swap3A_179, %swap3A_180] {strides = array<i32>} : memref<128x768xf32, #tpu.memory_space<vmem>>, vector<1x16xf32>,
        %swap3A_182 = vector.shape_cast %swap3A_181 : vector<1x16xf32> to vector<16xf32>
        %swap3A_183 = vector.shape_cast %add3A_178 : vector<16xf32> to vector<1x16xf32>
        tpu.vector_store %arg6[%swap3A_179, %swap3A_180], %swap3A_183 {strides = array<i32>} : memref<128x768xf32, #tpu.memory_space<vmem>>, vector<1x16xf32>,
        %mul3A_184 = arith.constant 4 : i32
        %mul3A_185 = arith.muli %scan3A_37, %mul3A_184 : i32
        %add3A_186 = arith.constant 3 : i32
        %add3A_187 = arith.addi %mul3A_185, %add3A_186 : i32
        %get3A_188 = arith.index_cast %add3A_187 : i32 to index
        %get3A_189 = arith.constant 16 : index
        %get3A_190 = tpu.vector_load %arg6[%get3A_188, %get3A_189] {strides = array<i32>} : memref<128x768xf32, #tpu.memory_space<vmem>>, vector<1x16xf32>,
        %get3A_191 = vector.shape_cast %get3A_190 : vector<1x16xf32> to vector<16xf32>
        %get3A_192 = arith.constant 3 : i32
        %get3A_193 = arith.index_cast %get3A_192 : i32 to index
        %get3A_194 = arith.constant 16 : index
        %get3A_195 = tpu.vector_load %arg8[%get3A_193, %get3A_194] {strides = array<i32>} : memref<4x768xf32, #tpu.memory_space<vmem>>, vector<1x16xf32>,
        %get3A_196 = vector.shape_cast %get3A_195 : vector<1x16xf32> to vector<16xf32>
        %add3A_197 = arith.addf %get3A_123, %get3A_196 : vector<16xf32>
        %add3A_198 = arith.addf %get3A_191, %add3A_197 : vector<16xf32>
        %swap3A_199 = arith.index_cast %add3A_187 : i32 to index
        %swap3A_200 = arith.constant 16 : index
        %swap3A_201 = tpu.vector_load %arg6[%swap3A_199, %swap3A_200] {strides = array<i32>} : memref<128x768xf32, #tpu.memory_space<vmem>>, vector<1x16xf32>,
        %swap3A_202 = vector.shape_cast %swap3A_201 : vector<1x16xf32> to vector<16xf32>
        %swap3A_203 = vector.shape_cast %add3A_198 : vector<16xf32> to vector<1x16xf32>
        tpu.vector_store %arg6[%swap3A_199, %swap3A_200], %swap3A_203 {strides = array<i32>} : memref<128x768xf32, #tpu.memory_space<vmem>>, vector<1x16xf32>,
        %get3A_204 = arith.index_cast %scan3A_37 : i32 to index
        %get3A_205 = arith.constant 32 : index
        %get3A_206 = tpu.vector_load %arg7[%get3A_204, %get3A_205] {strides = array<i32>} : memref<32x768xf32, #tpu.memory_space<vmem>>, vector<1x16xf32>,
        %get3A_207 = vector.shape_cast %get3A_206 : vector<1x16xf32> to vector<16xf32>
        %mul3A_208 = arith.constant 4 : i32
        %mul3A_209 = arith.muli %scan3A_37, %mul3A_208 : i32
        %add3A_210 = arith.constant 0 : i32
        %add3A_211 = arith.addi %mul3A_209, %add3A_210 : i32
        %get3A_212 = arith.index_cast %add3A_211 : i32 to index
        %get3A_213 = arith.constant 32 : index
        %get3A_214 = tpu.vector_load %arg6[%get3A_212, %get3A_213] {strides = array<i32>} : memref<128x768xf32, #tpu.memory_space<vmem>>, vector<1x16xf32>,
        %get3A_215 = vector.shape_cast %get3A_214 : vector<1x16xf32> to vector<16xf32>
        %get3A_216 = arith.constant 0 : i32
        %get3A_217 = arith.index_cast %get3A_216 : i32 to index
        %get3A_218 = arith.constant 32 : index
        %get3A_219 = tpu.vector_load %arg8[%get3A_217, %get3A_218] {strides = array<i32>} : memref<4x768xf32, #tpu.memory_space<vmem>>, vector<1x16xf32>,
        %get3A_220 = vector.shape_cast %get3A_219 : vector<1x16xf32> to vector<16xf32>
        %add3A_221 = arith.addf %get3A_207, %get3A_220 : vector<16xf32>
        %add3A_222 = arith.addf %get3A_215, %add3A_221 : vector<16xf32>
        %swap3A_223 = arith.index_cast %add3A_211 : i32 to index
        %swap3A_224 = arith.constant 32 : index
        %swap3A_225 = tpu.vector_load %arg6[%swap3A_223, %swap3A_224] {strides = array<i32>} : memref<128x768xf32, #tpu.memory_space<vmem>>, vector<1x16xf32>,
        %swap3A_226 = vector.shape_cast %swap3A_225 : vector<1x16xf32> to vector<16xf32>
        %swap3A_227 = vector.shape_cast %add3A_222 : vector<16xf32> to vector<1x16xf32>
        tpu.vector_store %arg6[%swap3A_223, %swap3A_224], %swap3A_227 {strides = array<i32>} : memref<128x768xf32, #tpu.memory_space<vmem>>, vector<1x16xf32>,
        %mul3A_228 = arith.constant 4 : i32
        %mul3A_229 = arith.muli %scan3A_37, %mul3A_228 : i32
        %add3A_230 = arith.constant 1 : i32
        %add3A_231 = arith.addi %mul3A_229, %add3A_230 : i32
        %get3A_232 = arith.index_cast %add3A_231 : i32 to index
        %get3A_233 = arith.constant 32 : index
        %get3A_234 = tpu.vector_load %arg6[%get3A_232, %get3A_233] {strides = array<i32>} : memref<128x768xf32, #tpu.memory_space<vmem>>, vector<1x16xf32>,
        %get3A_235 = vector.shape_cast %get3A_234 : vector<1x16xf32> to vector<16xf32>
        %get3A_236 = arith.constant 1 : i32
        %get3A_237 = arith.index_cast %get3A_236 : i32 to index
        %get3A_238 = arith.constant 32 : index
        %get3A_239 = tpu.vector_load %arg8[%get3A_237, %get3A_238] {strides = array<i32>} : memref<4x768xf32, #tpu.memory_space<vmem>>, vector<1x16xf32>,
        %get3A_240 = vector.shape_cast %get3A_239 : vector<1x16xf32> to vector<16xf32>
        %add3A_241 = arith.addf %get3A_207, %get3A_240 : vector<16xf32>
        %add3A_242 = arith.addf %get3A_235, %add3A_241 : vector<16xf32>
        %swap3A_243 = arith.index_cast %add3A_231 : i32 to index
        %swap3A_244 = arith.constant 32 : index
        %swap3A_245 = tpu.vector_load %arg6[%swap3A_243, %swap3A_244] {strides = array<i32>} : memref<128x768xf32, #tpu.memory_space<vmem>>, vector<1x16xf32>,
        %swap3A_246 = vector.shape_cast %swap3A_245 : vector<1x16xf32> to vector<16xf32>
        %swap3A_247 = vector.shape_cast %add3A_242 : vector<16xf32> to vector<1x16xf32>
        tpu.vector_store %arg6[%swap3A_243, %swap3A_244], %swap3A_247 {strides = array<i32>} : memref<128x768xf32, #tpu.memory_space<vmem>>, vector<1x16xf32>,
        %mul3A_248 = arith.constant 4 : i32
        %mul3A_249 = arith.muli %scan3A_37, %mul3A_248 : i32
        %add3A_250 = arith.constant 2 : i32
        %add3A_251 = arith.addi %mul3A_249, %add3A_250 : i32
        %get3A_252 = arith.index_cast %add3A_251 : i32 to index
        %get3A_253 = arith.constant 32 : index
        %get3A_254 = tpu.vector_load %arg6[%get3A_252, %get3A_253] {strides = array<i32>} : memref<128x768xf32, #tpu.memory_space<vmem>>, vector<1x16xf32>,
        %get3A_255 = vector.shape_cast %get3A_254 : vector<1x16xf32> to vector<16xf32>
        %get3A_256 = arith.constant 2 : i32
        %get3A_257 = arith.index_cast %get3A_256 : i32 to index
        %get3A_258 = arith.constant 32 : index
        %get3A_259 = tpu.vector_load %arg8[%get3A_257, %get3A_258] {strides = array<i32>} : memref<4x768xf32, #tpu.memory_space<vmem>>, vector<1x16xf32>,
        %get3A_260 = vector.shape_cast %get3A_259 : vector<1x16xf32> to vector<16xf32>
        %add3A_261 = arith.addf %get3A_207, %get3A_260 : vector<16xf32>
        %add3A_262 = arith.addf %get3A_255, %add3A_261 : vector<16xf32>
        %swap3A_263 = arith.index_cast %add3A_251 : i32 to index
        %swap3A_264 = arith.constant 32 : index
        %swap3A_265 = tpu.vector_load %arg6[%swap3A_263, %swap3A_264] {strides = array<i32>} : memref<128x768xf32, #tpu.memory_space<vmem>>, vector<1x16xf32>,
        %swap3A_266 = vector.shape_cast %swap3A_265 : vector<1x16xf32> to vector<16xf32>
        %swap3A_267 = vector.shape_cast %add3A_262 : vector<16xf32> to vector<1x16xf32>
        tpu.vector_store %arg6[%swap3A_263, %swap3A_264], %swap3A_267 {strides = array<i32>} : memref<128x768xf32, #tpu.memory_space<vmem>>, vector<1x16xf32>,
        %mul3A_268 = arith.constant 4 : i32
        %mul3A_269 = arith.muli %scan3A_37, %mul3A_268 : i32
        %add3A_270 = arith.constant 3 : i32
        %add3A_271 = arith.addi %mul3A_269, %add3A_270 : i32
        %get3A_272 = arith.index_cast %add3A_271 : i32 to index
        %get3A_273 = arith.constant 32 : index
        %get3A_274 = tpu.vector_load %arg6[%get3A_272, %get3A_273] {strides = array<i32>} : memref<128x768xf32, #tpu.memory_space<vmem>>, vector<1x16xf32>,
        %get3A_275 = vector.shape_cast %get3A_274 : vector<1x16xf32> to vector<16xf32>
        %get3A_276 = arith.constant 3 : i32
        %get3A_277 = arith.index_cast %get3A_276 : i32 to index
        %get3A_278 = arith.constant 32 : index
        %get3A_279 = tpu.vector_load %arg8[%get3A_277, %get3A_278] {strides = array<i32>} : memref<4x768xf32, #tpu.memory_space<vmem>>, vector<1x16xf32>,
        %get3A_280 = vector.shape_cast %get3A_279 : vector<1x16xf32> to vector<16xf32>
        %add3A_281 = arith.addf %get3A_207, %get3A_280 : vector<16xf32>
        %add3A_282 = arith.addf %get3A_275, %add3A_281 : vector<16xf32>
        %swap3A_283 = arith.index_cast %add3A_271 : i32 to index
        %swap3A_284 = arith.constant 32 : index
        %swap3A_285 = tpu.vector_load %arg6[%swap3A_283, %swap3A_284] {strides = array<i32>} : memref<128x768xf32, #tpu.memory_space<vmem>>, vector<1x16xf32>,
        %swap3A_286 = vector.shape_cast %swap3A_285 : vector<1x16xf32> to vector<16xf32>
        %swap3A_287 = vector.shape_cast %add3A_282 : vector<16xf32> to vector<1x16xf32>
        tpu.vector_store %arg6[%swap3A_283, %swap3A_284], %swap3A_287 {strides = array<i32>} : memref<128x768xf32, #tpu.memory_space<vmem>>, vector<1x16xf32>,
        %get3A_288 = arith.index_cast %scan3A_37 : i32 to index
        %get3A_289 = arith.constant 48 : index
        %get3A_290 = tpu.vector_load %arg7[%get3A_288, %get3A_289] {strides = array<i32>} : memref<32x768xf32, #tpu.memory_space<vmem>>, vector<1x16xf32>,
        %get3A_291 = vector.shape_cast %get3A_290 : vector<1x16xf32> to vector<16xf32>
        %mul3A_292 = arith.constant 4 : i32
        %mul3A_293 = arith.muli %scan3A_37, %mul3A_292 : i32
        %add3A_294 = arith.constant 0 : i32
        %add3A_295 = arith.addi %mul3A_293, %add3A_294 : i32
        %get3A_296 = arith.index_cast %add3A_295 : i32 to index
        %get3A_297 = arith.constant 48 : index
        %get3A_298 = tpu.vector_load %arg6[%get3A_296, %get3A_297] {strides = array<i32>} : memref<128x768xf32, #tpu.memory_space<vmem>>, vector<1x16xf32>,
        %get3A_299 = vector.shape_cast %get3A_298 : vector<1x16xf32> to vector<16xf32>
        %get3A_300 = arith.constant 0 : i32
        %get3A_301 = arith.index_cast %get3A_300 : i32 to index
        %get3A_302 = arith.constant 48 : index
        %get3A_303 = tpu.vector_load %arg8[%get3A_301, %get3A_302] {strides = array<i32>} : memref<4x768xf32, #tpu.memory_space<vmem>>, vector<1x16xf32>,
        %get3A_304 = vector.shape_cast %get3A_303 : vector<1x16xf32> to vector<16xf32>
        %add3A_305 = arith.addf %get3A_291, %get3A_304 : vector<16xf32>
        %add3A_306 = arith.addf %get3A_299, %add3A_305 : vector<16xf32>
        %swap3A_307 = arith.index_cast %add3A_295 : i32 to index
        %swap3A_308 = arith.constant 48 : index
        %swap3A_309 = tpu.vector_load %arg6[%swap3A_307, %swap3A_308] {strides = array<i32>} : memref<128x768xf32, #tpu.memory_space<vmem>>, vector<1x16xf32>,
        %swap3A_310 = vector.shape_cast %swap3A_309 : vector<1x16xf32> to vector<16xf32>
        %swap3A_311 = vector.shape_cast %add3A_306 : vector<16xf32> to vector<1x16xf32>
        tpu.vector_store %arg6[%swap3A_307, %swap3A_308], %swap3A_311 {strides = array<i32>} : memref<128x768xf32, #tpu.memory_space<vmem>>, vector<1x16xf32>,
        %mul3A_312 = arith.constant 4 : i32
        %mul3A_313 = arith.muli %scan3A_37, %mul3A_312 : i32
        %add3A_314 = arith.constant 1 : i32
        %add3A_315 = arith.addi %mul3A_313, %add3A_314 : i32
        %get3A_316 = arith.index_cast %add3A_315 : i32 to index
        %get3A_317 = arith.constant 48 : index
        %get3A_318 = tpu.vector_load %arg6[%get3A_316, %get3A_317] {strides = array<i32>} : memref<128x768xf32, #tpu.memory_space<vmem>>, vector<1x16xf32>,
        %get3A_319 = vector.shape_cast %get3A_318 : vector<1x16xf32> to vector<16xf32>
        %get3A_320 = arith.constant 1 : i32
        %get3A_321 = arith.index_cast %get3A_320 : i32 to index
        %get3A_322 = arith.constant 48 : index
        %get3A_323 = tpu.vector_load %arg8[%get3A_321, %get3A_322] {strides = array<i32>} : memref<4x768xf32, #tpu.memory_space<vmem>>, vector<1x16xf32>,
        %get3A_324 = vector.shape_cast %get3A_323 : vector<1x16xf32> to vector<16xf32>
        %add3A_325 = arith.addf %get3A_291, %get3A_324 : vector<16xf32>
        %add3A_326 = arith.addf %get3A_319, %add3A_325 : vector<16xf32>
        %swap3A_327 = arith.index_cast %add3A_315 : i32 to index
        %swap3A_328 = arith.constant 48 : index
        %swap3A_329 = tpu.vector_load %arg6[%swap3A_327, %swap3A_328] {strides = array<i32>} : memref<128x768xf32, #tpu.memory_space<vmem>>, vector<1x16xf32>,
        %swap3A_330 = vector.shape_cast %swap3A_329 : vector<1x16xf32> to vector<16xf32>
        %swap3A_331 = vector.shape_cast %add3A_326 : vector<16xf32> to vector<1x16xf32>
        tpu.vector_store %arg6[%swap3A_327, %swap3A_328], %swap3A_331 {strides = array<i32>} : memref<128x768xf32, #tpu.memory_space<vmem>>, vector<1x16xf32>,
        %mul3A_332 = arith.constant 4 : i32
        %mul3A_333 = arith.muli %scan3A_37, %mul3A_332 : i32
        %add3A_334 = arith.constant 2 : i32
        %add3A_335 = arith.addi %mul3A_333, %add3A_334 : i32
        %get3A_336 = arith.index_cast %add3A_335 : i32 to index
        %get3A_337 = arith.constant 48 : index
        %get3A_338 = tpu.vector_load %arg6[%get3A_336, %get3A_337] {strides = array<i32>} : memref<128x768xf32, #tpu.memory_space<vmem>>, vector<1x16xf32>,
        %get3A_339 = vector.shape_cast %get3A_338 : vector<1x16xf32> to vector<16xf32>
        %get3A_340 = arith.constant 2 : i32
        %get3A_341 = arith.index_cast %get3A_340 : i32 to index
        %get3A_342 = arith.constant 48 : index
        %get3A_343 = tpu.vector_load %arg8[%get3A_341, %get3A_342] {strides = array<i32>} : memref<4x768xf32, #tpu.memory_space<vmem>>, vector<1x16xf32>,
        %get3A_344 = vector.shape_cast %get3A_343 : vector<1x16xf32> to vector<16xf32>
        %add3A_345 = arith.addf %get3A_291, %get3A_344 : vector<16xf32>
        %add3A_346 = arith.addf %get3A_339, %add3A_345 : vector<16xf32>
        %swap3A_347 = arith.index_cast %add3A_335 : i32 to index
        %swap3A_348 = arith.constant 48 : index
        %swap3A_349 = tpu.vector_load %arg6[%swap3A_347, %swap3A_348] {strides = array<i32>} : memref<128x768xf32, #tpu.memory_space<vmem>>, vector<1x16xf32>,
        %swap3A_350 = vector.shape_cast %swap3A_349 : vector<1x16xf32> to vector<16xf32>
        %swap3A_351 = vector.shape_cast %add3A_346 : vector<16xf32> to vector<1x16xf32>
        tpu.vector_store %arg6[%swap3A_347, %swap3A_348], %swap3A_351 {strides = array<i32>} : memref<128x768xf32, #tpu.memory_space<vmem>>, vector<1x16xf32>,
        %mul3A_352 = arith.constant 4 : i32
        %mul3A_353 = arith.muli %scan3A_37, %mul3A_352 : i32
        %add3A_354 = arith.constant 3 : i32
        %add3A_355 = arith.addi %mul3A_353, %add3A_354 : i32
        %get3A_356 = arith.index_cast %add3A_355 : i32 to index
        %get3A_357 = arith.constant 48 : index
        %get3A_358 = tpu.vector_load %arg6[%get3A_356, %get3A_357] {strides = array<i32>} : memref<128x768xf32, #tpu.memory_space<vmem>>, vector<1x16xf32>,
        %get3A_359 = vector.shape_cast %get3A_358 : vector<1x16xf32> to vector<16xf32>
        %get3A_360 = arith.constant 3 : i32
        %get3A_361 = arith.index_cast %get3A_360 : i32 to index
        %get3A_362 = arith.constant 48 : index
        %get3A_363 = tpu.vector_load %arg8[%get3A_361, %get3A_362] {strides = array<i32>} : memref<4x768xf32, #tpu.memory_space<vmem>>, vector<1x16xf32>,
        %get3A_364 = vector.shape_cast %get3A_363 : vector<1x16xf32> to vector<16xf32>
        %add3A_365 = arith.addf %get3A_291, %get3A_364 : vector<16xf32>
        %add3A_366 = arith.addf %get3A_359, %add3A_365 : vector<16xf32>
        %swap3A_367 = arith.index_cast %add3A_355 : i32 to index
        %swap3A_368 = arith.constant 48 : index
        %swap3A_369 = tpu.vector_load %arg6[%swap3A_367, %swap3A_368] {strides = array<i32>} : memref<128x768xf32, #tpu.memory_space<vmem>>, vector<1x16xf32>,
        %swap3A_370 = vector.shape_cast %swap3A_369 : vector<1x16xf32> to vector<16xf32>
        %swap3A_371 = vector.shape_cast %add3A_366 : vector<16xf32> to vector<1x16xf32>
        tpu.vector_store %arg6[%swap3A_367, %swap3A_368], %swap3A_371 {strides = array<i32>} : memref<128x768xf32, #tpu.memory_space<vmem>>, vector<1x16xf32>,
        %get3A_372 = arith.index_cast %scan3A_37 : i32 to index
        %get3A_373 = arith.constant 64 : index
        %get3A_374 = tpu.vector_load %arg7[%get3A_372, %get3A_373] {strides = array<i32>} : memref<32x768xf32, #tpu.memory_space<vmem>>, vector<1x16xf32>,
        %get3A_375 = vector.shape_cast %get3A_374 : vector<1x16xf32> to vector<16xf32>
        %mul3A_376 = arith.constant 4 : i32
        %mul3A_377 = arith.muli %scan3A_37, %mul3A_376 : i32
        %add3A_378 = arith.constant 0 : i32
        %add3A_379 = arith.addi %mul3A_377, %add3A_378 : i32
        %get3A_380 = arith.index_cast %add3A_379 : i32 to index
        %get3A_381 = arith.constant 64 : index
        %get3A_382 = tpu.vector_load %arg6[%get3A_380, %get3A_381] {strides = array<i32>} : memref<128x768xf32, #tpu.memory_space<vmem>>, vector<1x16xf32>,
        %get3A_383 = vector.shape_cast %get3A_382 : vector<1x16xf32> to vector<16xf32>
        %get3A_384 = arith.constant 0 : i32
        %get3A_385 = arith.index_cast %get3A_384 : i32 to index
        %get3A_386 = arith.constant 64 : index
        %get3A_387 = tpu.vector_load %arg8[%get3A_385, %get3A_386] {strides = array<i32>} : memref<4x768xf32, #tpu.memory_space<vmem>>, vector<1x16xf32>,
        %get3A_388 = vector.shape_cast %get3A_387 : vector<1x16xf32> to vector<16xf32>
        %add3A_389 = arith.addf %get3A_375, %get3A_388 : vector<16xf32>
        %add3A_390 = arith.addf %get3A_383, %add3A_389 : vector<16xf32>
        %swap3A_391 = arith.index_cast %add3A_379 : i32 to index
        %swap3A_392 = arith.constant 64 : index
        %swap3A_393 = tpu.vector_load %arg6[%swap3A_391, %swap3A_392] {strides = array<i32>} : memref<128x768xf32, #tpu.memory_space<vmem>>, vector<1x16xf32>,
        %swap3A_394 = vector.shape_cast %swap3A_393 : vector<1x16xf32> to vector<16xf32>
        %swap3A_395 = vector.shape_cast %add3A_390 : vector<16xf32> to vector<1x16xf32>
        tpu.vector_store %arg6[%swap3A_391, %swap3A_392], %swap3A_395 {strides = array<i32>} : memref<128x768xf32, #tpu.memory_space<vmem>>, vector<1x16xf32>,
        %mul3A_396 = arith.constant 4 : i32
        %mul3A_397 = arith.muli %scan3A_37, %mul3A_396 : i32
        %add3A_398 = arith.constant 1 : i32
        %add3A_399 = arith.addi %mul3A_397, %add3A_398 : i32
        %get3A_400 = arith.index_cast %add3A_399 : i32 to index
        %get3A_401 = arith.constant 64 : index
        %get3A_402 = tpu.vector_load %arg6[%get3A_400, %get3A_401] {strides = array<i32>} : memref<128x768xf32, #tpu.memory_space<vmem>>, vector<1x16xf32>,
        %get3A_403 = vector.shape_cast %get3A_402 : vector<1x16xf32> to vector<16xf32>
        %get3A_404 = arith.constant 1 : i32
        %get3A_405 = arith.index_cast %get3A_404 : i32 to index
        %get3A_406 = arith.constant 64 : index
        %get3A_407 = tpu.vector_load %arg8[%get3A_405, %get3A_406] {strides = array<i32>} : memref<4x768xf32, #tpu.memory_space<vmem>>, vector<1x16xf32>,
        %get3A_408 = vector.shape_cast %get3A_407 : vector<1x16xf32> to vector<16xf32>
        %add3A_409 = arith.addf %get3A_375, %get3A_408 : vector<16xf32>
        %add3A_410 = arith.addf %get3A_403, %add3A_409 : vector<16xf32>
        %swap3A_411 = arith.index_cast %add3A_399 : i32 to index
        %swap3A_412 = arith.constant 64 : index
        %swap3A_413 = tpu.vector_load %arg6[%swap3A_411, %swap3A_412] {strides = array<i32>} : memref<128x768xf32, #tpu.memory_space<vmem>>, vector<1x16xf32>,
        %swap3A_414 = vector.shape_cast %swap3A_413 : vector<1x16xf32> to vector<16xf32>
        %swap3A_415 = vector.shape_cast %add3A_410 : vector<16xf32> to vector<1x16xf32>
        tpu.vector_store %arg6[%swap3A_411, %swap3A_412], %swap3A_415 {strides = array<i32>} : memref<128x768xf32, #tpu.memory_space<vmem>>, vector<1x16xf32>,
        %mul3A_416 = arith.constant 4 : i32
        %mul3A_417 = arith.muli %scan3A_37, %mul3A_416 : i32
        %add3A_418 = arith.constant 2 : i32
        %add3A_419 = arith.addi %mul3A_417, %add3A_418 : i32
        %get3A_420 = arith.index_cast %add3A_419 : i32 to index
        %get3A_421 = arith.constant 64 : index
        %get3A_422 = tpu.vector_load %arg6[%get3A_420, %get3A_421] {strides = array<i32>} : memref<128x768xf32, #tpu.memory_space<vmem>>, vector<1x16xf32>,
        %get3A_423 = vector.shape_cast %get3A_422 : vector<1x16xf32> to vector<16xf32>
        %get3A_424 = arith.constant 2 : i32
        %get3A_425 = arith.index_cast %get3A_424 : i32 to index
        %get3A_426 = arith.constant 64 : index
        %get3A_427 = tpu.vector_load %arg8[%get3A_425, %get3A_426] {strides = array<i32>} : memref<4x768xf32, #tpu.memory_space<vmem>>, vector<1x16xf32>,
        %get3A_428 = vector.shape_cast %get3A_427 : vector<1x16xf32> to vector<16xf32>
        %add3A_429 = arith.addf %get3A_375, %get3A_428 : vector<16xf32>
        %add3A_430 = arith.addf %get3A_423, %add3A_429 : vector<16xf32>
        %swap3A_431 = arith.index_cast %add3A_419 : i32 to index
        %swap3A_432 = arith.constant 64 : index
        %swap3A_433 = tpu.vector_load %arg6[%swap3A_431, %swap3A_432] {strides = array<i32>} : memref<128x768xf32, #tpu.memory_space<vmem>>, vector<1x16xf32>,
        %swap3A_434 = vector.shape_cast %swap3A_433 : vector<1x16xf32> to vector<16xf32>
        %swap3A_435 = vector.shape_cast %add3A_430 : vector<16xf32> to vector<1x16xf32>
        tpu.vector_store %arg6[%swap3A_431, %swap3A_432], %swap3A_435 {strides = array<i32>} : memref<128x768xf32, #tpu.memory_space<vmem>>, vector<1x16xf32>,
        %mul3A_436 = arith.constant 4 : i32
        %mul3A_437 = arith.muli %scan3A_37, %mul3A_436 : i32
        %add3A_438 = arith.constant 3 : i32
        %add3A_439 = arith.addi %mul3A_437, %add3A_438 : i32
        %get3A_440 = arith.index_cast %add3A_439 : i32 to index
        %get3A_441 = arith.constant 64 : index
        %get3A_442 = tpu.vector_load %arg6[%get3A_440, %get3A_441] {strides = array<i32>} : memref<128x768xf32, #tpu.memory_space<vmem>>, vector<1x16xf32>,
        %get3A_443 = vector.shape_cast %get3A_442 : vector<1x16xf32> to vector<16xf32>
        %get3A_444 = arith.constant 3 : i32
        %get3A_445 = arith.index_cast %get3A_444 : i32 to index
        %get3A_446 = arith.constant 64 : index
        %get3A_447 = tpu.vector_load %arg8[%get3A_445, %get3A_446] {strides = array<i32>} : memref<4x768xf32, #tpu.memory_space<vmem>>, vector<1x16xf32>,
        %get3A_448 = vector.shape_cast %get3A_447 : vector<1x16xf32> to vector<16xf32>
        %add3A_449 = arith.addf %get3A_375, %get3A_448 : vector<16xf32>
        %add3A_450 = arith.addf %get3A_443, %add3A_449 : vector<16xf32>
        %swap3A_451 = arith.index_cast %add3A_439 : i32 to index
        %swap3A_452 = arith.constant 64 : index
        %swap3A_453 = tpu.vector_load %arg6[%swap3A_451, %swap3A_452] {strides = array<i32>} : memref<128x768xf32, #tpu.memory_space<vmem>>, vector<1x16xf32>,
        %swap3A_454 = vector.shape_cast %swap3A_453 : vector<1x16xf32> to vector<16xf32>
        %swap3A_455 = vector.shape_cast %add3A_450 : vector<16xf32> to vector<1x16xf32>
        tpu.vector_store %arg6[%swap3A_451, %swap3A_452], %swap3A_455 {strides = array<i32>} : memref<128x768xf32, #tpu.memory_space<vmem>>, vector<1x16xf32>,
        %get3A_456 = arith.index_cast %scan3A_37 : i32 to index
        %get3A_457 = arith.constant 80 : index
        %get3A_458 = tpu.vector_load %arg7[%get3A_456, %get3A_457] {strides = array<i32>} : memref<32x768xf32, #tpu.memory_space<vmem>>, vector<1x16xf32>,
        %get3A_459 = vector.shape_cast %get3A_458 : vector<1x16xf32> to vector<16xf32>
        %mul3A_460 = arith.constant 4 : i32
        %mul3A_461 = arith.muli %scan3A_37, %mul3A_460 : i32
        %add3A_462 = arith.constant 0 : i32
        %add3A_463 = arith.addi %mul3A_461, %add3A_462 : i32
        %get3A_464 = arith.index_cast %add3A_463 : i32 to index
        %get3A_465 = arith.constant 80 : index
        %get3A_466 = tpu.vector_load %arg6[%get3A_464, %get3A_465] {strides = array<i32>} : memref<128x768xf32, #tpu.memory_space<vmem>>, vector<1x16xf32>,
        %get3A_467 = vector.shape_cast %get3A_466 : vector<1x16xf32> to vector<16xf32>
        %get3A_468 = arith.constant 0 : i32
        %get3A_469 = arith.index_cast %get3A_468 : i32 to index
        %get3A_470 = arith.constant 80 : index
        %get3A_471 = tpu.vector_load %arg8[%get3A_469, %get3A_470] {strides = array<i32>} : memref<4x768xf32, #tpu.memory_space<vmem>>, vector<1x16xf32>,
        %get3A_472 = vector.shape_cast %get3A_471 : vector<1x16xf32> to vector<16xf32>
        %add3A_473 = arith.addf %get3A_459, %get3A_472 : vector<16xf32>
        %add3A_474 = arith.addf %get3A_467, %add3A_473 : vector<16xf32>
        %swap3A_475 = arith.index_cast %add3A_463 : i32 to index
        %swap3A_476 = arith.constant 80 : index
        %swap3A_477 = tpu.vector_load %arg6[%swap3A_475, %swap3A_476] {strides = array<i32>} : memref<128x768xf32, #tpu.memory_space<vmem>>, vector<1x16xf32>,
        %swap3A_478 = vector.shape_cast %swap3A_477 : vector<1x16xf32> to vector<16xf32>
        %swap3A_479 = vector.shape_cast %add3A_474 : vector<16xf32> to vector<1x16xf32>
        tpu.vector_store %arg6[%swap3A_475, %swap3A_476], %swap3A_479 {strides = array<i32>} : memref<128x768xf32, #tpu.memory_space<vmem>>, vector<1x16xf32>,
        %mul3A_480 = arith.constant 4 : i32
        %mul3A_481 = arith.muli %scan3A_37, %mul3A_480 : i32
        %add3A_482 = arith.constant 1 : i32
        %add3A_483 = arith.addi %mul3A_481, %add3A_482 : i32
        %get3A_484 = arith.index_cast %add3A_483 : i32 to index
        %get3A_485 = arith.constant 80 : index
        %get3A_486 = tpu.vector_load %arg6[%get3A_484, %get3A_485] {strides = array<i32>} : memref<128x768xf32, #tpu.memory_space<vmem>>, vector<1x16xf32>,
        %get3A_487 = vector.shape_cast %get3A_486 : vector<1x16xf32> to vector<16xf32>
        %get3A_488 = arith.constant 1 : i32
        %get3A_489 = arith.index_cast %get3A_488 : i32 to index
        %get3A_490 = arith.constant 80 : index
        %get3A_491 = tpu.vector_load %arg8[%get3A_489, %get3A_490] {strides = array<i32>} : memref<4x768xf32, #tpu.memory_space<vmem>>, vector<1x16xf32>,
        %get3A_492 = vector.shape_cast %get3A_491 : vector<1x16xf32> to vector<16xf32>
        %add3A_493 = arith.addf %get3A_459, %get3A_492 : vector<16xf32>
        %add3A_494 = arith.addf %get3A_487, %add3A_493 : vector<16xf32>
        %swap3A_495 = arith.index_cast %add3A_483 : i32 to index
        %swap3A_496 = arith.constant 80 : index
        %swap3A_497 = tpu.vector_load %arg6[%swap3A_495, %swap3A_496] {strides = array<i32>} : memref<128x768xf32, #tpu.memory_space<vmem>>, vector<1x16xf32>,
        %swap3A_498 = vector.shape_cast %swap3A_497 : vector<1x16xf32> to vector<16xf32>
        %swap3A_499 = vector.shape_cast %add3A_494 : vector<16xf32> to vector<1x16xf32>
        tpu.vector_store %arg6[%swap3A_495, %swap3A_496], %swap3A_499 {strides = array<i32>} : memref<128x768xf32, #tpu.memory_space<vmem>>, vector<1x16xf32>,
        %mul3A_500 = arith.constant 4 : i32
        %mul3A_501 = arith.muli %scan3A_37, %mul3A_500 : i32
        %add3A_502 = arith.constant 2 : i32
        %add3A_503 = arith.addi %mul3A_501, %add3A_502 : i32
        %get3A_504 = arith.index_cast %add3A_503 : i32 to index
        %get3A_505 = arith.constant 80 : index
        %get3A_506 = tpu.vector_load %arg6[%get3A_504, %get3A_505] {strides = array<i32>} : memref<128x768xf32, #tpu.memory_space<vmem>>, vector<1x16xf32>,
        %get3A_507 = vector.shape_cast %get3A_506 : vector<1x16xf32> to vector<16xf32>
        %get3A_508 = arith.constant 2 : i32
        %get3A_509 = arith.index_cast %get3A_508 : i32 to index
        %get3A_510 = arith.constant 80 : index
        %get3A_511 = tpu.vector_load %arg8[%get3A_509, %get3A_510] {strides = array<i32>} : memref<4x768xf32, #tpu.memory_space<vmem>>, vector<1x16xf32>,
        %get3A_512 = vector.shape_cast %get3A_511 : vector<1x16xf32> to vector<16xf32>
        %add3A_513 = arith.addf %get3A_459, %get3A_512 : vector<16xf32>
        %add3A_514 = arith.addf %get3A_507, %add3A_513 : vector<16xf32>
        %swap3A_515 = arith.index_cast %add3A_503 : i32 to index
        %swap3A_516 = arith.constant 80 : index
        %swap3A_517 = tpu.vector_load %arg6[%swap3A_515, %swap3A_516] {strides = array<i32>} : memref<128x768xf32, #tpu.memory_space<vmem>>, vector<1x16xf32>,
        %swap3A_518 = vector.shape_cast %swap3A_517 : vector<1x16xf32> to vector<16xf32>
        %swap3A_519 = vector.shape_cast %add3A_514 : vector<16xf32> to vector<1x16xf32>
        tpu.vector_store %arg6[%swap3A_515, %swap3A_516], %swap3A_519 {strides = array<i32>} : memref<128x768xf32, #tpu.memory_space<vmem>>, vector<1x16xf32>,
        %mul3A_520 = arith.constant 4 : i32
        %mul3A_521 = arith.muli %scan3A_37, %mul3A_520 : i32
        %add3A_522 = arith.constant 3 : i32
        %add3A_523 = arith.addi %mul3A_521, %add3A_522 : i32
        %get3A_524 = arith.index_cast %add3A_523 : i32 to index
        %get3A_525 = arith.constant 80 : index
        %get3A_526 = tpu.vector_load %arg6[%get3A_524, %get3A_525] {strides = array<i32>} : memref<128x768xf32, #tpu.memory_space<vmem>>, vector<1x16xf32>,
        %get3A_527 = vector.shape_cast %get3A_526 : vector<1x16xf32> to vector<16xf32>
        %get3A_528 = arith.constant 3 : i32
        %get3A_529 = arith.index_cast %get3A_528 : i32 to index
        %get3A_530 = arith.constant 80 : index
        %get3A_531 = tpu.vector_load %arg8[%get3A_529, %get3A_530] {strides = array<i32>} : memref<4x768xf32, #tpu.memory_space<vmem>>, vector<1x16xf32>,
        %get3A_532 = vector.shape_cast %get3A_531 : vector<1x16xf32> to vector<16xf32>
        %add3A_533 = arith.addf %get3A_459, %get3A_532 : vector<16xf32>
        %add3A_534 = arith.addf %get3A_527, %add3A_533 : vector<16xf32>
        %swap3A_535 = arith.index_cast %add3A_523 : i32 to index
        %swap3A_536 = arith.constant 80 : index
        %swap3A_537 = tpu.vector_load %arg6[%swap3A_535, %swap3A_536] {strides = array<i32>} : memref<128x768xf32, #tpu.memory_space<vmem>>, vector<1x16xf32>,
        %swap3A_538 = vector.shape_cast %swap3A_537 : vector<1x16xf32> to vector<16xf32>
        %swap3A_539 = vector.shape_cast %add3A_534 : vector<16xf32> to vector<1x16xf32>
        tpu.vector_store %arg6[%swap3A_535, %swap3A_536], %swap3A_539 {strides = array<i32>} : memref<128x768xf32, #tpu.memory_space<vmem>>, vector<1x16xf32>,
        %get3A_540 = arith.index_cast %scan3A_37 : i32 to index
        %get3A_541 = arith.constant 96 : index
        %get3A_542 = tpu.vector_load %arg7[%get3A_540, %get3A_541] {strides = array<i32>} : memref<32x768xf32, #tpu.memory_space<vmem>>, vector<1x16xf32>,
        %get3A_543 = vector.shape_cast %get3A_542 : vector<1x16xf32> to vector<16xf32>
        %mul3A_544 = arith.constant 4 : i32
        %mul3A_545 = arith.muli %scan3A_37, %mul3A_544 : i32
        %add3A_546 = arith.constant 0 : i32
        %add3A_547 = arith.addi %mul3A_545, %add3A_546 : i32
        %get3A_548 = arith.index_cast %add3A_547 : i32 to index
        %get3A_549 = arith.constant 96 : index
        %get3A_550 = tpu.vector_load %arg6[%get3A_548, %get3A_549] {strides = array<i32>} : memref<128x768xf32, #tpu.memory_space<vmem>>, vector<1x16xf32>,
        %get3A_551 = vector.shape_cast %get3A_550 : vector<1x16xf32> to vector<16xf32>
        %get3A_552 = arith.constant 0 : i32
        %get3A_553 = arith.index_cast %get3A_552 : i32 to index
        %get3A_554 = arith.constant 96 : index
        %get3A_555 = tpu.vector_load %arg8[%get3A_553, %get3A_554] {strides = array<i32>} : memref<4x768xf32, #tpu.memory_space<vmem>>, vector<1x16xf32>,
        %get3A_556 = vector.shape_cast %get3A_555 : vector<1x16xf32> to vector<16xf32>
        %add3A_557 = arith.addf %get3A_543, %get3A_556 : vector<16xf32>
        %add3A_558 = arith.addf %get3A_551, %add3A_557 : vector<16xf32>
        %swap3A_559 = arith.index_cast %add3A_547 : i32 to index
        %swap3A_560 = arith.constant 96 : index
        %swap3A_561 = tpu.vector_load %arg6[%swap3A_559, %swap3A_560] {strides = array<i32>} : memref<128x768xf32, #tpu.memory_space<vmem>>, vector<1x16xf32>,
        %swap3A_562 = vector.shape_cast %swap3A_561 : vector<1x16xf32> to vector<16xf32>
        %swap3A_563 = vector.shape_cast %add3A_558 : vector<16xf32> to vector<1x16xf32>
        tpu.vector_store %arg6[%swap3A_559, %swap3A_560], %swap3A_563 {strides = array<i32>} : memref<128x768xf32, #tpu.memory_space<vmem>>, vector<1x16xf32>,
        %mul3A_564 = arith.constant 4 : i32
        %mul3A_565 = arith.muli %scan3A_37, %mul3A_564 : i32
        %add3A_566 = arith.constant 1 : i32
        %add3A_567 = arith.addi %mul3A_565, %add3A_566 : i32
        %get3A_568 = arith.index_cast %add3A_567 : i32 to index
        %get3A_569 = arith.constant 96 : index
        %get3A_570 = tpu.vector_load %arg6[%get3A_568, %get3A_569] {strides = array<i32>} : memref<128x768xf32, #tpu.memory_space<vmem>>, vector<1x16xf32>,
        %get3A_571 = vector.shape_cast %get3A_570 : vector<1x16xf32> to vector<16xf32>
        %get3A_572 = arith.constant 1 : i32
        %get3A_573 = arith.index_cast %get3A_572 : i32 to index
        %get3A_574 = arith.constant 96 : index
        %get3A_575 = tpu.vector_load %arg8[%get3A_573, %get3A_574] {strides = array<i32>} : memref<4x768xf32, #tpu.memory_space<vmem>>, vector<1x16xf32>,
        %get3A_576 = vector.shape_cast %get3A_575 : vector<1x16xf32> to vector<16xf32>
        %add3A_577 = arith.addf %get3A_543, %get3A_576 : vector<16xf32>
        %add3A_578 = arith.addf %get3A_571, %add3A_577 : vector<16xf32>
        %swap3A_579 = arith.index_cast %add3A_567 : i32 to index
        %swap3A_580 = arith.constant 96 : index
        %swap3A_581 = tpu.vector_load %arg6[%swap3A_579, %swap3A_580] {strides = array<i32>} : memref<128x768xf32, #tpu.memory_space<vmem>>, vector<1x16xf32>,
        %swap3A_582 = vector.shape_cast %swap3A_581 : vector<1x16xf32> to vector<16xf32>
        %swap3A_583 = vector.shape_cast %add3A_578 : vector<16xf32> to vector<1x16xf32>
        tpu.vector_store %arg6[%swap3A_579, %swap3A_580], %swap3A_583 {strides = array<i32>} : memref<128x768xf32, #tpu.memory_space<vmem>>, vector<1x16xf32>,
        %mul3A_584 = arith.constant 4 : i32
        %mul3A_585 = arith.muli %scan3A_37, %mul3A_584 : i32
        %add3A_586 = arith.constant 2 : i32
        %add3A_587 = arith.addi %mul3A_585, %add3A_586 : i32
        %get3A_588 = arith.index_cast %add3A_587 : i32 to index
        %get3A_589 = arith.constant 96 : index
        %get3A_590 = tpu.vector_load %arg6[%get3A_588, %get3A_589] {strides = array<i32>} : memref<128x768xf32, #tpu.memory_space<vmem>>, vector<1x16xf32>,
        %get3A_591 = vector.shape_cast %get3A_590 : vector<1x16xf32> to vector<16xf32>
        %get3A_592 = arith.constant 2 : i32
        %get3A_593 = arith.index_cast %get3A_592 : i32 to index
        %get3A_594 = arith.constant 96 : index
        %get3A_595 = tpu.vector_load %arg8[%get3A_593, %get3A_594] {strides = array<i32>} : memref<4x768xf32, #tpu.memory_space<vmem>>, vector<1x16xf32>,
        %get3A_596 = vector.shape_cast %get3A_595 : vector<1x16xf32> to vector<16xf32>
        %add3A_597 = arith.addf %get3A_543, %get3A_596 : vector<16xf32>
        %add3A_598 = arith.addf %get3A_591, %add3A_597 : vector<16xf32>
        %swap3A_599 = arith.index_cast %add3A_587 : i32 to index
        %swap3A_600 = arith.constant 96 : index
        %swap3A_601 = tpu.vector_load %arg6[%swap3A_599, %swap3A_600] {strides = array<i32>} : memref<128x768xf32, #tpu.memory_space<vmem>>, vector<1x16xf32>,
        %swap3A_602 = vector.shape_cast %swap3A_601 : vector<1x16xf32> to vector<16xf32>
        %swap3A_603 = vector.shape_cast %add3A_598 : vector<16xf32> to vector<1x16xf32>
        tpu.vector_store %arg6[%swap3A_599, %swap3A_600], %swap3A_603 {strides = array<i32>} : memref<128x768xf32, #tpu.memory_space<vmem>>, vector<1x16xf32>,
        %mul3A_604 = arith.constant 4 : i32
        %mul3A_605 = arith.muli %scan3A_37, %mul3A_604 : i32
        %add3A_606 = arith.constant 3 : i32
        %add3A_607 = arith.addi %mul3A_605, %add3A_606 : i32
        %get3A_608 = arith.index_cast %add3A_607 : i32 to index
        %get3A_609 = arith.constant 96 : index
        %get3A_610 = tpu.vector_load %arg6[%get3A_608, %get3A_609] {strides = array<i32>} : memref<128x768xf32, #tpu.memory_space<vmem>>, vector<1x16xf32>,
        %get3A_611 = vector.shape_cast %get3A_610 : vector<1x16xf32> to vector<16xf32>
        %get3A_612 = arith.constant 3 : i32
        %get3A_613 = arith.index_cast %get3A_612 : i32 to index
        %get3A_614 = arith.constant 96 : index
        %get3A_615 = tpu.vector_load %arg8[%get3A_613, %get3A_614] {strides = array<i32>} : memref<4x768xf32, #tpu.memory_space<vmem>>, vector<1x16xf32>,
        %get3A_616 = vector.shape_cast %get3A_615 : vector<1x16xf32> to vector<16xf32>
        %add3A_617 = arith.addf %get3A_543, %get3A_616 : vector<16xf32>
        %add3A_618 = arith.addf %get3A_611, %add3A_617 : vector<16xf32>
        %swap3A_619 = arith.index_cast %add3A_607 : i32 to index
        %swap3A_620 = arith.constant 96 : index
        %swap3A_621 = tpu.vector_load %arg6[%swap3A_619, %swap3A_620] {strides = array<i32>} : memref<128x768xf32, #tpu.memory_space<vmem>>, vector<1x16xf32>,
        %swap3A_622 = vector.shape_cast %swap3A_621 : vector<1x16xf32> to vector<16xf32>
        %swap3A_623 = vector.shape_cast %add3A_618 : vector<16xf32> to vector<1x16xf32>
        tpu.vector_store %arg6[%swap3A_619, %swap3A_620], %swap3A_623 {strides = array<i32>} : memref<128x768xf32, #tpu.memory_space<vmem>>, vector<1x16xf32>,
        %get3A_624 = arith.index_cast %scan3A_37 : i32 to index
        %get3A_625 = arith.constant 112 : index
        %get3A_626 = tpu.vector_load %arg7[%get3A_624, %get3A_625] {strides = array<i32>} : memref<32x768xf32, #tpu.memory_space<vmem>>, vector<1x16xf32>,
        %get3A_627 = vector.shape_cast %get3A_626 : vector<1x16xf32> to vector<16xf32>
        %mul3A_628 = arith.constant 4 : i32
        %mul3A_629 = arith.muli %scan3A_37, %mul3A_628 : i32
        %add3A_630 = arith.constant 0 : i32
        %add3A_631 = arith.addi %mul3A_629, %add3A_630 : i32
        %get3A_632 = arith.index_cast %add3A_631 : i32 to index
        %get3A_633 = arith.constant 112 : index
        %get3A_634 = tpu.vector_load %arg6[%get3A_632, %get3A_633] {strides = array<i32>} : memref<128x768xf32, #tpu.memory_space<vmem>>, vector<1x16xf32>,
        %get3A_635 = vector.shape_cast %get3A_634 : vector<1x16xf32> to vector<16xf32>
        %get3A_636 = arith.constant 0 : i32
        %get3A_637 = arith.index_cast %get3A_636 : i32 to index
        %get3A_638 = arith.constant 112 : index
        %get3A_639 = tpu.vector_load %arg8[%get3A_637, %get3A_638] {strides = array<i32>} : memref<4x768xf32, #tpu.memory_space<vmem>>, vector<1x16xf32>,
        %get3A_640 = vector.shape_cast %get3A_639 : vector<1x16xf32> to vector<16xf32>
        %add3A_641 = arith.addf %get3A_627, %get3A_640 : vector<16xf32>
        %add3A_642 = arith.addf %get3A_635, %add3A_641 : vector<16xf32>
        %swap3A_643 = arith.index_cast %add3A_631 : i32 to index
        %swap3A_644 = arith.constant 112 : index
        %swap3A_645 = tpu.vector_load %arg6[%swap3A_643, %swap3A_644] {strides = array<i32>} : memref<128x768xf32, #tpu.memory_space<vmem>>, vector<1x16xf32>,
        %swap3A_646 = vector.shape_cast %swap3A_645 : vector<1x16xf32> to vector<16xf32>
        %swap3A_647 = vector.shape_cast %add3A_642 : vector<16xf32> to vector<1x16xf32>
        tpu.vector_store %arg6[%swap3A_643, %swap3A_644], %swap3A_647 {strides = array<i32>} : memref<128x768xf32, #tpu.memory_space<vmem>>, vector<1x16xf32>,
        %mul3A_648 = arith.constant 4 : i32
        %mul3A_649 = arith.muli %scan3A_37, %mul3A_648 : i32
        %add3A_650 = arith.constant 1 : i32
        %add3A_651 = arith.addi %mul3A_649, %add3A_650 : i32
        %get3A_652 = arith.index_cast %add3A_651 : i32 to index
        %get3A_653 = arith.constant 112 : index
        %get3A_654 = tpu.vector_load %arg6[%get3A_652, %get3A_653] {strides = array<i32>} : memref<128x768xf32, #tpu.memory_space<vmem>>, vector<1x16xf32>,
        %get3A_655 = vector.shape_cast %get3A_654 : vector<1x16xf32> to vector<16xf32>
        %get3A_656 = arith.constant 1 : i32
        %get3A_657 = arith.index_cast %get3A_656 : i32 to index
        %get3A_658 = arith.constant 112 : index
        %get3A_659 = tpu.vector_load %arg8[%get3A_657, %get3A_658] {strides = array<i32>} : memref<4x768xf32, #tpu.memory_space<vmem>>, vector<1x16xf32>,
        %get3A_660 = vector.shape_cast %get3A_659 : vector<1x16xf32> to vector<16xf32>
        %add3A_661 = arith.addf %get3A_627, %get3A_660 : vector<16xf32>
        %add3A_662 = arith.addf %get3A_655, %add3A_661 : vector<16xf32>
        %swap3A_663 = arith.index_cast %add3A_651 : i32 to index
        %swap3A_664 = arith.constant 112 : index
        %swap3A_665 = tpu.vector_load %arg6[%swap3A_663, %swap3A_664] {strides = array<i32>} : memref<128x768xf32, #tpu.memory_space<vmem>>, vector<1x16xf32>,
        %swap3A_666 = vector.shape_cast %swap3A_665 : vector<1x16xf32> to vector<16xf32>
        %swap3A_667 = vector.shape_cast %add3A_662 : vector<16xf32> to vector<1x16xf32>
        tpu.vector_store %arg6[%swap3A_663, %swap3A_664], %swap3A_667 {strides = array<i32>} : memref<128x768xf32, #tpu.memory_space<vmem>>, vector<1x16xf32>,
        %mul3A_668 = arith.constant 4 : i32
        %mul3A_669 = arith.muli %scan3A_37, %mul3A_668 : i32
        %add3A_670 = arith.constant 2 : i32
        %add3A_671 = arith.addi %mul3A_669, %add3A_670 : i32
        %get3A_672 = arith.index_cast %add3A_671 : i32 to index
        %get3A_673 = arith.constant 112 : index
        %get3A_674 = tpu.vector_load %arg6[%get3A_672, %get3A_673] {strides = array<i32>} : memref<128x768xf32, #tpu.memory_space<vmem>>, vector<1x16xf32>,
        %get3A_675 = vector.shape_cast %get3A_674 : vector<1x16xf32> to vector<16xf32>
        %get3A_676 = arith.constant 2 : i32
        %get3A_677 = arith.index_cast %get3A_676 : i32 to index
        %get3A_678 = arith.constant 112 : index
        %get3A_679 = tpu.vector_load %arg8[%get3A_677, %get3A_678] {strides = array<i32>} : memref<4x768xf32, #tpu.memory_space<vmem>>, vector<1x16xf32>,
        %get3A_680 = vector.shape_cast %get3A_679 : vector<1x16xf32> to vector<16xf32>
        %add3A_681 = arith.addf %get3A_627, %get3A_680 : vector<16xf32>
        %add3A_682 = arith.addf %get3A_675, %add3A_681 : vector<16xf32>
        %swap3A_683 = arith.index_cast %add3A_671 : i32 to index
        %swap3A_684 = arith.constant 112 : index
        %swap3A_685 = tpu.vector_load %arg6[%swap3A_683, %swap3A_684] {strides = array<i32>} : memref<128x768xf32, #tpu.memory_space<vmem>>, vector<1x16xf32>,
        %swap3A_686 = vector.shape_cast %swap3A_685 : vector<1x16xf32> to vector<16xf32>
        %swap3A_687 = vector.shape_cast %add3A_682 : vector<16xf32> to vector<1x16xf32>
        tpu.vector_store %arg6[%swap3A_683, %swap3A_684], %swap3A_687 {strides = array<i32>} : memref<128x768xf32, #tpu.memory_space<vmem>>, vector<1x16xf32>,
        %mul3A_688 = arith.constant 4 : i32
        %mul3A_689 = arith.muli %scan3A_37, %mul3A_688 : i32
        %add3A_690 = arith.constant 3 : i32
        %add3A_691 = arith.addi %mul3A_689, %add3A_690 : i32
        %get3A_692 = arith.index_cast %add3A_691 : i32 to index
        %get3A_693 = arith.constant 112 : index
        %get3A_694 = tpu.vector_load %arg6[%get3A_692, %get3A_693] {strides = array<i32>} : memref<128x768xf32, #tpu.memory_space<vmem>>, vector<1x16xf32>,
        %get3A_695 = vector.shape_cast %get3A_694 : vector<1x16xf32> to vector<16xf32>
        %get3A_696 = arith.constant 3 : i32
        %get3A_697 = arith.index_cast %get3A_696 : i32 to index
        %get3A_698 = arith.constant 112 : index
        %get3A_699 = tpu.vector_load %arg8[%get3A_697, %get3A_698] {strides = array<i32>} : memref<4x768xf32, #tpu.memory_space<vmem>>, vector<1x16xf32>,
        %get3A_700 = vector.shape_cast %get3A_699 : vector<1x16xf32> to vector<16xf32>
        %add3A_701 = arith.addf %get3A_627, %get3A_700 : vector<16xf32>
        %add3A_702 = arith.addf %get3A_695, %add3A_701 : vector<16xf32>
        %swap3A_703 = arith.index_cast %add3A_691 : i32 to index
        %swap3A_704 = arith.constant 112 : index
        %swap3A_705 = tpu.vector_load %arg6[%swap3A_703, %swap3A_704] {strides = array<i32>} : memref<128x768xf32, #tpu.memory_space<vmem>>, vector<1x16xf32>,
        %swap3A_706 = vector.shape_cast %swap3A_705 : vector<1x16xf32> to vector<16xf32>
        %swap3A_707 = vector.shape_cast %add3A_702 : vector<16xf32> to vector<1x16xf32>
        tpu.vector_store %arg6[%swap3A_703, %swap3A_704], %swap3A_707 {strides = array<i32>} : memref<128x768xf32, #tpu.memory_space<vmem>>, vector<1x16xf32>,
        %get3A_708 = arith.index_cast %scan3A_37 : i32 to index
        %get3A_709 = arith.constant 128 : index
        %get3A_710 = tpu.vector_load %arg7[%get3A_708, %get3A_709] {strides = array<i32>} : memref<32x768xf32, #tpu.memory_space<vmem>>, vector<1x16xf32>,
        %get3A_711 = vector.shape_cast %get3A_710 : vector<1x16xf32> to vector<16xf32>
        %mul3A_712 = arith.constant 4 : i32
        %mul3A_713 = arith.muli %scan3A_37, %mul3A_712 : i32
        %add3A_714 = arith.constant 0 : i32
        %add3A_715 = arith.addi %mul3A_713, %add3A_714 : i32
        %get3A_716 = arith.index_cast %add3A_715 : i32 to index
        %get3A_717 = arith.constant 128 : index
        %get3A_718 = tpu.vector_load %arg6[%get3A_716, %get3A_717] {strides = array<i32>} : memref<128x768xf32, #tpu.memory_space<vmem>>, vector<1x16xf32>,
        %get3A_719 = vector.shape_cast %get3A_718 : vector<1x16xf32> to vector<16xf32>
        %get3A_720 = arith.constant 0 : i32
        %get3A_721 = arith.index_cast %get3A_720 : i32 to index
        %get3A_722 = arith.constant 128 : index
        %get3A_723 = tpu.vector_load %arg8[%get3A_721, %get3A_722] {strides = array<i32>} : memref<4x768xf32, #tpu.memory_space<vmem>>, vector<1x16xf32>,
        %get3A_724 = vector.shape_cast %get3A_723 : vector<1x16xf32> to vector<16xf32>
        %add3A_725 = arith.addf %get3A_711, %get3A_724 : vector<16xf32>
        %add3A_726 = arith.addf %get3A_719, %add3A_725 : vector<16xf32>
        %swap3A_727 = arith.index_cast %add3A_715 : i32 to index
        %swap3A_728 = arith.constant 128 : index
        %swap3A_729 = tpu.vector_load %arg6[%swap3A_727, %swap3A_728] {strides = array<i32>} : memref<128x768xf32, #tpu.memory_space<vmem>>, vector<1x16xf32>,
        %swap3A_730 = vector.shape_cast %swap3A_729 : vector<1x16xf32> to vector<16xf32>
        %swap3A_731 = vector.shape_cast %add3A_726 : vector<16xf32> to vector<1x16xf32>
        tpu.vector_store %arg6[%swap3A_727, %swap3A_728], %swap3A_731 {strides = array<i32>} : memref<128x768xf32, #tpu.memory_space<vmem>>, vector<1x16xf32>,
        %mul3A_732 = arith.constant 4 : i32
        %mul3A_733 = arith.muli %scan3A_37, %mul3A_732 : i32
        %add3A_734 = arith.constant 1 : i32
        %add3A_735 = arith.addi %mul3A_733, %add3A_734 : i32
        %get3A_736 = arith.index_cast %add3A_735 : i32 to index
        %get3A_737 = arith.constant 128 : index
        %get3A_738 = tpu.vector_load %arg6[%get3A_736, %get3A_737] {strides = array<i32>} : memref<128x768xf32, #tpu.memory_space<vmem>>, vector<1x16xf32>,
        %get3A_739 = vector.shape_cast %get3A_738 : vector<1x16xf32> to vector<16xf32>
        %get3A_740 = arith.constant 1 : i32
        %get3A_741 = arith.index_cast %get3A_740 : i32 to index
        %get3A_742 = arith.constant 128 : index
        %get3A_743 = tpu.vector_load %arg8[%get3A_741, %get3A_742] {strides = array<i32>} : memref<4x768xf32, #tpu.memory_space<vmem>>, vector<1x16xf32>,
        %get3A_744 = vector.shape_cast %get3A_743 : vector<1x16xf32> to vector<16xf32>
        %add3A_745 = arith.addf %get3A_711, %get3A_744 : vector<16xf32>
        %add3A_746 = arith.addf %get3A_739, %add3A_745 : vector<16xf32>
        %swap3A_747 = arith.index_cast %add3A_735 : i32 to index
        %swap3A_748 = arith.constant 128 : index
        %swap3A_749 = tpu.vector_load %arg6[%swap3A_747, %swap3A_748] {strides = array<i32>} : memref<128x768xf32, #tpu.memory_space<vmem>>, vector<1x16xf32>,
        %swap3A_750 = vector.shape_cast %swap3A_749 : vector<1x16xf32> to vector<16xf32>
        %swap3A_751 = vector.shape_cast %add3A_746 : vector<16xf32> to vector<1x16xf32>
        tpu.vector_store %arg6[%swap3A_747, %swap3A_748], %swap3A_751 {strides = array<i32>} : memref<128x768xf32, #tpu.memory_space<vmem>>, vector<1x16xf32>,
        %mul3A_752 = arith.constant 4 : i32
        %mul3A_753 = arith.muli %scan3A_37, %mul3A_752 : i32
        %add3A_754 = arith.constant 2 : i32
        %add3A_755 = arith.addi %mul3A_753, %add3A_754 : i32
        %get3A_756 = arith.index_cast %add3A_755 : i32 to index
        %get3A_757 = arith.constant 128 : index
        %get3A_758 = tpu.vector_load %arg6[%get3A_756, %get3A_757] {strides = array<i32>} : memref<128x768xf32, #tpu.memory_space<vmem>>, vector<1x16xf32>,
        %get3A_759 = vector.shape_cast %get3A_758 : vector<1x16xf32> to vector<16xf32>
        %get3A_760 = arith.constant 2 : i32
        %get3A_761 = arith.index_cast %get3A_760 : i32 to index
        %get3A_762 = arith.constant 128 : index
        %get3A_763 = tpu.vector_load %arg8[%get3A_761, %get3A_762] {strides = array<i32>} : memref<4x768xf32, #tpu.memory_space<vmem>>, vector<1x16xf32>,
        %get3A_764 = vector.shape_cast %get3A_763 : vector<1x16xf32> to vector<16xf32>
        %add3A_765 = arith.addf %get3A_711, %get3A_764 : vector<16xf32>
        %add3A_766 = arith.addf %get3A_759, %add3A_765 : vector<16xf32>
        %swap3A_767 = arith.index_cast %add3A_755 : i32 to index
        %swap3A_768 = arith.constant 128 : index
        %swap3A_769 = tpu.vector_load %arg6[%swap3A_767, %swap3A_768] {strides = array<i32>} : memref<128x768xf32, #tpu.memory_space<vmem>>, vector<1x16xf32>,
        %swap3A_770 = vector.shape_cast %swap3A_769 : vector<1x16xf32> to vector<16xf32>
        %swap3A_771 = vector.shape_cast %add3A_766 : vector<16xf32> to vector<1x16xf32>
        tpu.vector_store %arg6[%swap3A_767, %swap3A_768], %swap3A_771 {strides = array<i32>} : memref<128x768xf32, #tpu.memory_space<vmem>>, vector<1x16xf32>,
        %mul3A_772 = arith.constant 4 : i32
        %mul3A_773 = arith.muli %scan3A_37, %mul3A_772 : i32
        %add3A_774 = arith.constant 3 : i32
        %add3A_775 = arith.addi %mul3A_773, %add3A_774 : i32
        %get3A_776 = arith.index_cast %add3A_775 : i32 to index
        %get3A_777 = arith.constant 128 : index
        %get3A_778 = tpu.vector_load %arg6[%get3A_776, %get3A_777] {strides = array<i32>} : memref<128x768xf32, #tpu.memory_space<vmem>>, vector<1x16xf32>,
        %get3A_779 = vector.shape_cast %get3A_778 : vector<1x16xf32> to vector<16xf32>
        %get3A_780 = arith.constant 3 : i32
        %get3A_781 = arith.index_cast %get3A_780 : i32 to index
        %get3A_782 = arith.constant 128 : index
        %get3A_783 = tpu.vector_load %arg8[%get3A_781, %get3A_782] {strides = array<i32>} : memref<4x768xf32, #tpu.memory_space<vmem>>, vector<1x16xf32>,
        %get3A_784 = vector.shape_cast %get3A_783 : vector<1x16xf32> to vector<16xf32>
        %add3A_785 = arith.addf %get3A_711, %get3A_784 : vector<16xf32>
        %add3A_786 = arith.addf %get3A_779, %add3A_785 : vector<16xf32>
        %swap3A_787 = arith.index_cast %add3A_775 : i32 to index
        %swap3A_788 = arith.constant 128 : index
        %swap3A_789 = tpu.vector_load %arg6[%swap3A_787, %swap3A_788] {strides = array<i32>} : memref<128x768xf32, #tpu.memory_space<vmem>>, vector<1x16xf32>,
        %swap3A_790 = vector.shape_cast %swap3A_789 : vector<1x16xf32> to vector<16xf32>
        %swap3A_791 = vector.shape_cast %add3A_786 : vector<16xf32> to vector<1x16xf32>
        tpu.vector_store %arg6[%swap3A_787, %swap3A_788], %swap3A_791 {strides = array<i32>} : memref<128x768xf32, #tpu.memory_space<vmem>>, vector<1x16xf32>,
        %get3A_792 = arith.index_cast %scan3A_37 : i32 to index
        %get3A_793 = arith.constant 144 : index
        %get3A_794 = tpu.vector_load %arg7[%get3A_792, %get3A_793] {strides = array<i32>} : memref<32x768xf32, #tpu.memory_space<vmem>>, vector<1x16xf32>,
        %get3A_795 = vector.shape_cast %get3A_794 : vector<1x16xf32> to vector<16xf32>
        %mul3A_796 = arith.constant 4 : i32
        %mul3A_797 = arith.muli %scan3A_37, %mul3A_796 : i32
        %add3A_798 = arith.constant 0 : i32
        %add3A_799 = arith.addi %mul3A_797, %add3A_798 : i32
        %get3A_800 = arith.index_cast %add3A_799 : i32 to index
        %get3A_801 = arith.constant 144 : index
        %get3A_802 = tpu.vector_load %arg6[%get3A_800, %get3A_801] {strides = array<i32>} : memref<128x768xf32, #tpu.memory_space<vmem>>, vector<1x16xf32>,
        %get3A_803 = vector.shape_cast %get3A_802 : vector<1x16xf32> to vector<16xf32>
        %get3A_804 = arith.constant 0 : i32
        %get3A_805 = arith.index_cast %get3A_804 : i32 to index
        %get3A_806 = arith.constant 144 : index
        %get3A_807 = tpu.vector_load %arg8[%get3A_805, %get3A_806] {strides = array<i32>} : memref<4x768xf32, #tpu.memory_space<vmem>>, vector<1x16xf32>,
        %get3A_808 = vector.shape_cast %get3A_807 : vector<1x16xf32> to vector<16xf32>
        %add3A_809 = arith.addf %get3A_795, %get3A_808 : vector<16xf32>
        %add3A_810 = arith.addf %get3A_803, %add3A_809 : vector<16xf32>
        %swap3A_811 = arith.index_cast %add3A_799 : i32 to index
        %swap3A_812 = arith.constant 144 : index
        %swap3A_813 = tpu.vector_load %arg6[%swap3A_811, %swap3A_812] {strides = array<i32>} : memref<128x768xf32, #tpu.memory_space<vmem>>, vector<1x16xf32>,
        %swap3A_814 = vector.shape_cast %swap3A_813 : vector<1x16xf32> to vector<16xf32>
        %swap3A_815 = vector.shape_cast %add3A_810 : vector<16xf32> to vector<1x16xf32>
        tpu.vector_store %arg6[%swap3A_811, %swap3A_812], %swap3A_815 {strides = array<i32>} : memref<128x768xf32, #tpu.memory_space<vmem>>, vector<1x16xf32>,
        %mul3A_816 = arith.constant 4 : i32
        %mul3A_817 = arith.muli %scan3A_37, %mul3A_816 : i32
        %add3A_818 = arith.constant 1 : i32
        %add3A_819 = arith.addi %mul3A_817, %add3A_818 : i32
        %get3A_820 = arith.index_cast %add3A_819 : i32 to index
        %get3A_821 = arith.constant 144 : index
        %get3A_822 = tpu.vector_load %arg6[%get3A_820, %get3A_821] {strides = array<i32>} : memref<128x768xf32, #tpu.memory_space<vmem>>, vector<1x16xf32>,
        %get3A_823 = vector.shape_cast %get3A_822 : vector<1x16xf32> to vector<16xf32>
        %get3A_824 = arith.constant 1 : i32
        %get3A_825 = arith.index_cast %get3A_824 : i32 to index
        %get3A_826 = arith.constant 144 : index
        %get3A_827 = tpu.vector_load %arg8[%get3A_825, %get3A_826] {strides = array<i32>} : memref<4x768xf32, #tpu.memory_space<vmem>>, vector<1x16xf32>,
        %get3A_828 = vector.shape_cast %get3A_827 : vector<1x16xf32> to vector<16xf32>
        %add3A_829 = arith.addf %get3A_795, %get3A_828 : vector<16xf32>
        %add3A_830 = arith.addf %get3A_823, %add3A_829 : vector<16xf32>
        %swap3A_831 = arith.index_cast %add3A_819 : i32 to index
        %swap3A_832 = arith.constant 144 : index
        %swap3A_833 = tpu.vector_load %arg6[%swap3A_831, %swap3A_832] {strides = array<i32>} : memref<128x768xf32, #tpu.memory_space<vmem>>, vector<1x16xf32>,
        %swap3A_834 = vector.shape_cast %swap3A_833 : vector<1x16xf32> to vector<16xf32>
        %swap3A_835 = vector.shape_cast %add3A_830 : vector<16xf32> to vector<1x16xf32>
        tpu.vector_store %arg6[%swap3A_831, %swap3A_832], %swap3A_835 {strides = array<i32>} : memref<128x768xf32, #tpu.memory_space<vmem>>, vector<1x16xf32>,
        %mul3A_836 = arith.constant 4 : i32
        %mul3A_837 = arith.muli %scan3A_37, %mul3A_836 : i32
        %add3A_838 = arith.constant 2 : i32
        %add3A_839 = arith.addi %mul3A_837, %add3A_838 : i32
        %get3A_840 = arith.index_cast %add3A_839 : i32 to index
        %get3A_841 = arith.constant 144 : index
        %get3A_842 = tpu.vector_load %arg6[%get3A_840, %get3A_841] {strides = array<i32>} : memref<128x768xf32, #tpu.memory_space<vmem>>, vector<1x16xf32>,
        %get3A_843 = vector.shape_cast %get3A_842 : vector<1x16xf32> to vector<16xf32>
        %get3A_844 = arith.constant 2 : i32
        %get3A_845 = arith.index_cast %get3A_844 : i32 to index
        %get3A_846 = arith.constant 144 : index
        %get3A_847 = tpu.vector_load %arg8[%get3A_845, %get3A_846] {strides = array<i32>} : memref<4x768xf32, #tpu.memory_space<vmem>>, vector<1x16xf32>,
        %get3A_848 = vector.shape_cast %get3A_847 : vector<1x16xf32> to vector<16xf32>
        %add3A_849 = arith.addf %get3A_795, %get3A_848 : vector<16xf32>
        %add3A_850 = arith.addf %get3A_843, %add3A_849 : vector<16xf32>
        %swap3A_851 = arith.index_cast %add3A_839 : i32 to index
        %swap3A_852 = arith.constant 144 : index
        %swap3A_853 = tpu.vector_load %arg6[%swap3A_851, %swap3A_852] {strides = array<i32>} : memref<128x768xf32, #tpu.memory_space<vmem>>, vector<1x16xf32>,
        %swap3A_854 = vector.shape_cast %swap3A_853 : vector<1x16xf32> to vector<16xf32>
        %swap3A_855 = vector.shape_cast %add3A_850 : vector<16xf32> to vector<1x16xf32>
        tpu.vector_store %arg6[%swap3A_851, %swap3A_852], %swap3A_855 {strides = array<i32>} : memref<128x768xf32, #tpu.memory_space<vmem>>, vector<1x16xf32>,
        %mul3A_856 = arith.constant 4 : i32
        %mul3A_857 = arith.muli %scan3A_37, %mul3A_856 : i32
        %add3A_858 = arith.constant 3 : i32
        %add3A_859 = arith.addi %mul3A_857, %add3A_858 : i32
        %get3A_860 = arith.index_cast %add3A_859 : i32 to index
        %get3A_861 = arith.constant 144 : index
        %get3A_862 = tpu.vector_load %arg6[%get3A_860, %get3A_861] {strides = array<i32>} : memref<128x768xf32, #tpu.memory_space<vmem>>, vector<1x16xf32>,
        %get3A_863 = vector.shape_cast %get3A_862 : vector<1x16xf32> to vector<16xf32>
        %get3A_864 = arith.constant 3 : i32
        %get3A_865 = arith.index_cast %get3A_864 : i32 to index
        %get3A_866 = arith.constant 144 : index
        %get3A_867 = tpu.vector_load %arg8[%get3A_865, %get3A_866] {strides = array<i32>} : memref<4x768xf32, #tpu.memory_space<vmem>>, vector<1x16xf32>,
        %get3A_868 = vector.shape_cast %get3A_867 : vector<1x16xf32> to vector<16xf32>
        %add3A_869 = arith.addf %get3A_795, %get3A_868 : vector<16xf32>
        %add3A_870 = arith.addf %get3A_863, %add3A_869 : vector<16xf32>
        %swap3A_871 = arith.index_cast %add3A_859 : i32 to index
        %swap3A_872 = arith.constant 144 : index
        %swap3A_873 = tpu.vector_load %arg6[%swap3A_871, %swap3A_872] {strides = array<i32>} : memref<128x768xf32, #tpu.memory_space<vmem>>, vector<1x16xf32>,
        %swap3A_874 = vector.shape_cast %swap3A_873 : vector<1x16xf32> to vector<16xf32>
        %swap3A_875 = vector.shape_cast %add3A_870 : vector<16xf32> to vector<1x16xf32>
        tpu.vector_store %arg6[%swap3A_871, %swap3A_872], %swap3A_875 {strides = array<i32>} : memref<128x768xf32, #tpu.memory_space<vmem>>, vector<1x16xf32>,
        %get3A_876 = arith.index_cast %scan3A_37 : i32 to index
        %get3A_877 = arith.constant 160 : index
        %get3A_878 = tpu.vector_load %arg7[%get3A_876, %get3A_877] {strides = array<i32>} : memref<32x768xf32, #tpu.memory_space<vmem>>, vector<1x16xf32>,
        %get3A_879 = vector.shape_cast %get3A_878 : vector<1x16xf32> to vector<16xf32>
        %mul3A_880 = arith.constant 4 : i32
        %mul3A_881 = arith.muli %scan3A_37, %mul3A_880 : i32
        %add3A_882 = arith.constant 0 : i32
        %add3A_883 = arith.addi %mul3A_881, %add3A_882 : i32
        %get3A_884 = arith.index_cast %add3A_883 : i32 to index
        %get3A_885 = arith.constant 160 : index
        %get3A_886 = tpu.vector_load %arg6[%get3A_884, %get3A_885] {strides = array<i32>} : memref<128x768xf32, #tpu.memory_space<vmem>>, vector<1x16xf32>,
        %get3A_887 = vector.shape_cast %get3A_886 : vector<1x16xf32> to vector<16xf32>
        %get3A_888 = arith.constant 0 : i32
        %get3A_889 = arith.index_cast %get3A_888 : i32 to index
        %get3A_890 = arith.constant 160 : index
        %get3A_891 = tpu.vector_load %arg8[%get3A_889, %get3A_890] {strides = array<i32>} : memref<4x768xf32, #tpu.memory_space<vmem>>, vector<1x16xf32>,
        %get3A_892 = vector.shape_cast %get3A_891 : vector<1x16xf32> to vector<16xf32>
        %add3A_893 = arith.addf %get3A_879, %get3A_892 : vector<16xf32>
        %add3A_894 = arith.addf %get3A_887, %add3A_893 : vector<16xf32>
        %swap3A_895 = arith.index_cast %add3A_883 : i32 to index
        %swap3A_896 = arith.constant 160 : index
        %swap3A_897 = tpu.vector_load %arg6[%swap3A_895, %swap3A_896] {strides = array<i32>} : memref<128x768xf32, #tpu.memory_space<vmem>>, vector<1x16xf32>,
        %swap3A_898 = vector.shape_cast %swap3A_897 : vector<1x16xf32> to vector<16xf32>
        %swap3A_899 = vector.shape_cast %add3A_894 : vector<16xf32> to vector<1x16xf32>
        tpu.vector_store %arg6[%swap3A_895, %swap3A_896], %swap3A_899 {strides = array<i32>} : memref<128x768xf32, #tpu.memory_space<vmem>>, vector<1x16xf32>,
        %mul3A_900 = arith.constant 4 : i32
        %mul3A_901 = arith.muli %scan3A_37, %mul3A_900 : i32
        %add3A_902 = arith.constant 1 : i32
        %add3A_903 = arith.addi %mul3A_901, %add3A_902 : i32
        %get3A_904 = arith.index_cast %add3A_903 : i32 to index
        %get3A_905 = arith.constant 160 : index
        %get3A_906 = tpu.vector_load %arg6[%get3A_904, %get3A_905] {strides = array<i32>} : memref<128x768xf32, #tpu.memory_space<vmem>>, vector<1x16xf32>,
        %get3A_907 = vector.shape_cast %get3A_906 : vector<1x16xf32> to vector<16xf32>
        %get3A_908 = arith.constant 1 : i32
        %get3A_909 = arith.index_cast %get3A_908 : i32 to index
        %get3A_910 = arith.constant 160 : index
        %get3A_911 = tpu.vector_load %arg8[%get3A_909, %get3A_910] {strides = array<i32>} : memref<4x768xf32, #tpu.memory_space<vmem>>, vector<1x16xf32>,
        %get3A_912 = vector.shape_cast %get3A_911 : vector<1x16xf32> to vector<16xf32>
        %add3A_913 = arith.addf %get3A_879, %get3A_912 : vector<16xf32>
        %add3A_914 = arith.addf %get3A_907, %add3A_913 : vector<16xf32>
        %swap3A_915 = arith.index_cast %add3A_903 : i32 to index
        %swap3A_916 = arith.constant 160 : index
        %swap3A_917 = tpu.vector_load %arg6[%swap3A_915, %swap3A_916] {strides = array<i32>} : memref<128x768xf32, #tpu.memory_space<vmem>>, vector<1x16xf32>,
        %swap3A_918 = vector.shape_cast %swap3A_917 : vector<1x16xf32> to vector<16xf32>
        %swap3A_919 = vector.shape_cast %add3A_914 : vector<16xf32> to vector<1x16xf32>
        tpu.vector_store %arg6[%swap3A_915, %swap3A_916], %swap3A_919 {strides = array<i32>} : memref<128x768xf32, #tpu.memory_space<vmem>>, vector<1x16xf32>,
        %mul3A_920 = arith.constant 4 : i32
        %mul3A_921 = arith.muli %scan3A_37, %mul3A_920 : i32
        %add3A_922 = arith.constant 2 : i32
        %add3A_923 = arith.addi %mul3A_921, %add3A_922 : i32
        %get3A_924 = arith.index_cast %add3A_923 : i32 to index
        %get3A_925 = arith.constant 160 : index
        %get3A_926 = tpu.vector_load %arg6[%get3A_924, %get3A_925] {strides = array<i32>} : memref<128x768xf32, #tpu.memory_space<vmem>>, vector<1x16xf32>,
        %get3A_927 = vector.shape_cast %get3A_926 : vector<1x16xf32> to vector<16xf32>
        %get3A_928 = arith.constant 2 : i32
        %get3A_929 = arith.index_cast %get3A_928 : i32 to index
        %get3A_930 = arith.constant 160 : index
        %get3A_931 = tpu.vector_load %arg8[%get3A_929, %get3A_930] {strides = array<i32>} : memref<4x768xf32, #tpu.memory_space<vmem>>, vector<1x16xf32>,
        %get3A_932 = vector.shape_cast %get3A_931 : vector<1x16xf32> to vector<16xf32>
        %add3A_933 = arith.addf %get3A_879, %get3A_932 : vector<16xf32>
        %add3A_934 = arith.addf %get3A_927, %add3A_933 : vector<16xf32>
        %swap3A_935 = arith.index_cast %add3A_923 : i32 to index
        %swap3A_936 = arith.constant 160 : index
        %swap3A_937 = tpu.vector_load %arg6[%swap3A_935, %swap3A_936] {strides = array<i32>} : memref<128x768xf32, #tpu.memory_space<vmem>>, vector<1x16xf32>,
        %swap3A_938 = vector.shape_cast %swap3A_937 : vector<1x16xf32> to vector<16xf32>
        %swap3A_939 = vector.shape_cast %add3A_934 : vector<16xf32> to vector<1x16xf32>
        tpu.vector_store %arg6[%swap3A_935, %swap3A_936], %swap3A_939 {strides = array<i32>} : memref<128x768xf32, #tpu.memory_space<vmem>>, vector<1x16xf32>,
        %mul3A_940 = arith.constant 4 : i32
        %mul3A_941 = arith.muli %scan3A_37, %mul3A_940 : i32
        %add3A_942 = arith.constant 3 : i32
        %add3A_943 = arith.addi %mul3A_941, %add3A_942 : i32
        %get3A_944 = arith.index_cast %add3A_943 : i32 to index
        %get3A_945 = arith.constant 160 : index
        %get3A_946 = tpu.vector_load %arg6[%get3A_944, %get3A_945] {strides = array<i32>} : memref<128x768xf32, #tpu.memory_space<vmem>>, vector<1x16xf32>,
        %get3A_947 = vector.shape_cast %get3A_946 : vector<1x16xf32> to vector<16xf32>
        %get3A_948 = arith.constant 3 : i32
        %get3A_949 = arith.index_cast %get3A_948 : i32 to index
        %get3A_950 = arith.constant 160 : index
        %get3A_951 = tpu.vector_load %arg8[%get3A_949, %get3A_950] {strides = array<i32>} : memref<4x768xf32, #tpu.memory_space<vmem>>, vector<1x16xf32>,
        %get3A_952 = vector.shape_cast %get3A_951 : vector<1x16xf32> to vector<16xf32>
        %add3A_953 = arith.addf %get3A_879, %get3A_952 : vector<16xf32>
        %add3A_954 = arith.addf %get3A_947, %add3A_953 : vector<16xf32>
        %swap3A_955 = arith.index_cast %add3A_943 : i32 to index
        %swap3A_956 = arith.constant 160 : index
        %swap3A_957 = tpu.vector_load %arg6[%swap3A_955, %swap3A_956] {strides = array<i32>} : memref<128x768xf32, #tpu.memory_space<vmem>>, vector<1x16xf32>,
        %swap3A_958 = vector.shape_cast %swap3A_957 : vector<1x16xf32> to vector<16xf32>
        %swap3A_959 = vector.shape_cast %add3A_954 : vector<16xf32> to vector<1x16xf32>
        tpu.vector_store %arg6[%swap3A_955, %swap3A_956], %swap3A_959 {strides = array<i32>} : memref<128x768xf32, #tpu.memory_space<vmem>>, vector<1x16xf32>,
        %get3A_960 = arith.index_cast %scan3A_37 : i32 to index
        %get3A_961 = arith.constant 176 : index
        %get3A_962 = tpu.vector_load %arg7[%get3A_960, %get3A_961] {strides = array<i32>} : memref<32x768xf32, #tpu.memory_space<vmem>>, vector<1x16xf32>,
        %get3A_963 = vector.shape_cast %get3A_962 : vector<1x16xf32> to vector<16xf32>
        %mul3A_964 = arith.constant 4 : i32
        %mul3A_965 = arith.muli %scan3A_37, %mul3A_964 : i32
        %add3A_966 = arith.constant 0 : i32
        %add3A_967 = arith.addi %mul3A_965, %add3A_966 : i32
        %get3A_968 = arith.index_cast %add3A_967 : i32 to index
        %get3A_969 = arith.constant 176 : index
        %get3A_970 = tpu.vector_load %arg6[%get3A_968, %get3A_969] {strides = array<i32>} : memref<128x768xf32, #tpu.memory_space<vmem>>, vector<1x16xf32>,
        %get3A_971 = vector.shape_cast %get3A_970 : vector<1x16xf32> to vector<16xf32>
        %get3A_972 = arith.constant 0 : i32
        %get3A_973 = arith.index_cast %get3A_972 : i32 to index
        %get3A_974 = arith.constant 176 : index
        %get3A_975 = tpu.vector_load %arg8[%get3A_973, %get3A_974] {strides = array<i32>} : memref<4x768xf32, #tpu.memory_space<vmem>>, vector<1x16xf32>,
        %get3A_976 = vector.shape_cast %get3A_975 : vector<1x16xf32> to vector<16xf32>
        %add3A_977 = arith.addf %get3A_963, %get3A_976 : vector<16xf32>
        %add3A_978 = arith.addf %get3A_971, %add3A_977 : vector<16xf32>
        %swap3A_979 = arith.index_cast %add3A_967 : i32 to index
        %swap3A_980 = arith.constant 176 : index
        %swap3A_981 = tpu.vector_load %arg6[%swap3A_979, %swap3A_980] {strides = array<i32>} : memref<128x768xf32, #tpu.memory_space<vmem>>, vector<1x16xf32>,
        %swap3A_982 = vector.shape_cast %swap3A_981 : vector<1x16xf32> to vector<16xf32>
        %swap3A_983 = vector.shape_cast %add3A_978 : vector<16xf32> to vector<1x16xf32>
        tpu.vector_store %arg6[%swap3A_979, %swap3A_980], %swap3A_983 {strides = array<i32>} : memref<128x768xf32, #tpu.memory_space<vmem>>, vector<1x16xf32>,
        %mul3A_984 = arith.constant 4 : i32
        %mul3A_985 = arith.muli %scan3A_37, %mul3A_984 : i32
        %add3A_986 = arith.constant 1 : i32
        %add3A_987 = arith.addi %mul3A_985, %add3A_986 : i32
        %get3A_988 = arith.index_cast %add3A_987 : i32 to index
        %get3A_989 = arith.constant 176 : index
        %get3A_990 = tpu.vector_load %arg6[%get3A_988, %get3A_989] {strides = array<i32>} : memref<128x768xf32, #tpu.memory_space<vmem>>, vector<1x16xf32>,
        %get3A_991 = vector.shape_cast %get3A_990 : vector<1x16xf32> to vector<16xf32>
        %get3A_992 = arith.constant 1 : i32
        %get3A_993 = arith.index_cast %get3A_992 : i32 to index
        %get3A_994 = arith.constant 176 : index
        %get3A_995 = tpu.vector_load %arg8[%get3A_993, %get3A_994] {strides = array<i32>} : memref<4x768xf32, #tpu.memory_space<vmem>>, vector<1x16xf32>,
        %get3A_996 = vector.shape_cast %get3A_995 : vector<1x16xf32> to vector<16xf32>
        %add3A_997 = arith.addf %get3A_963, %get3A_996 : vector<16xf32>
        %add3A_998 = arith.addf %get3A_991, %add3A_997 : vector<16xf32>
        %swap3A_999 = arith.index_cast %add3A_987 : i32 to index
        %swap3A_1000 = arith.constant 176 : index
        %swap3A_1001 = tpu.vector_load %arg6[%swap3A_999, %swap3A_1000] {strides = array<i32>} : memref<128x768xf32, #tpu.memory_space<vmem>>, vector<1x16xf32>,
        %swap3A_1002 = vector.shape_cast %swap3A_1001 : vector<1x16xf32> to vector<16xf32>
        %swap3A_1003 = vector.shape_cast %add3A_998 : vector<16xf32> to vector<1x16xf32>
        tpu.vector_store %arg6[%swap3A_999, %swap3A_1000], %swap3A_1003 {strides = array<i32>} : memref<128x768xf32, #tpu.memory_space<vmem>>, vector<1x16xf32>,
        %mul3A_1004 = arith.constant 4 : i32
        %mul3A_1005 = arith.muli %scan3A_37, %mul3A_1004 : i32
        %add3A_1006 = arith.constant 2 : i32
        %add3A_1007 = arith.addi %mul3A_1005, %add3A_1006 : i32
        %get3A_1008 = arith.index_cast %add3A_1007 : i32 to index
        %get3A_1009 = arith.constant 176 : index
        %get3A_1010 = tpu.vector_load %arg6[%get3A_1008, %get3A_1009] {strides = array<i32>} : memref<128x768xf32, #tpu.memory_space<vmem>>, vector<1x16xf32>,
        %get3A_1011 = vector.shape_cast %get3A_1010 : vector<1x16xf32> to vector<16xf32>
        %get3A_1012 = arith.constant 2 : i32
        %get3A_1013 = arith.index_cast %get3A_1012 : i32 to index
        %get3A_1014 = arith.constant 176 : index
        %get3A_1015 = tpu.vector_load %arg8[%get3A_1013, %get3A_1014] {strides = array<i32>} : memref<4x768xf32, #tpu.memory_space<vmem>>, vector<1x16xf32>,
        %get3A_1016 = vector.shape_cast %get3A_1015 : vector<1x16xf32> to vector<16xf32>
        %add3A_1017 = arith.addf %get3A_963, %get3A_1016 : vector<16xf32>
        %add3A_1018 = arith.addf %get3A_1011, %add3A_1017 : vector<16xf32>
        %swap3A_1019 = arith.index_cast %add3A_1007 : i32 to index
        %swap3A_1020 = arith.constant 176 : index
        %swap3A_1021 = tpu.vector_load %arg6[%swap3A_1019, %swap3A_1020] {strides = array<i32>} : memref<128x768xf32, #tpu.memory_space<vmem>>, vector<1x16xf32>,
        %swap3A_1022 = vector.shape_cast %swap3A_1021 : vector<1x16xf32> to vector<16xf32>
        %swap3A_1023 = vector.shape_cast %add3A_1018 : vector<16xf32> to vector<1x16xf32>
        tpu.vector_store %arg6[%swap3A_1019, %swap3A_1020], %swap3A_1023 {strides = array<i32>} : memref<128x768xf32, #tpu.memory_space<vmem>>, vector<1x16xf32>,
        %mul3A_1024 = arith.constant 4 : i32
        %mul3A_1025 = arith.muli %scan3A_37, %mul3A_1024 : i32
        %add3A_1026 = arith.constant 3 : i32
        %add3A_1027 = arith.addi %mul3A_1025, %add3A_1026 : i32
        %get3A_1028 = arith.index_cast %add3A_1027 : i32 to index
        %get3A_1029 = arith.constant 176 : index
        %get3A_1030 = tpu.vector_load %arg6[%get3A_1028, %get3A_1029] {strides = array<i32>} : memref<128x768xf32, #tpu.memory_space<vmem>>, vector<1x16xf32>,
        %get3A_1031 = vector.shape_cast %get3A_1030 : vector<1x16xf32> to vector<16xf32>
        %get3A_1032 = arith.constant 3 : i32
        %get3A_1033 = arith.index_cast %get3A_1032 : i32 to index
        %get3A_1034 = arith.constant 176 : index
        %get3A_1035 = tpu.vector_load %arg8[%get3A_1033, %get3A_1034] {strides = array<i32>} : memref<4x768xf32, #tpu.memory_space<vmem>>, vector<1x16xf32>,
        %get3A_1036 = vector.shape_cast %get3A_1035 : vector<1x16xf32> to vector<16xf32>
        %add3A_1037 = arith.addf %get3A_963, %get3A_1036 : vector<16xf32>
        %add3A_1038 = arith.addf %get3A_1031, %add3A_1037 : vector<16xf32>
        %swap3A_1039 = arith.index_cast %add3A_1027 : i32 to index
        %swap3A_1040 = arith.constant 176 : index
        %swap3A_1041 = tpu.vector_load %arg6[%swap3A_1039, %swap3A_1040] {strides = array<i32>} : memref<128x768xf32, #tpu.memory_space<vmem>>, vector<1x16xf32>,
        %swap3A_1042 = vector.shape_cast %swap3A_1041 : vector<1x16xf32> to vector<16xf32>
        %swap3A_1043 = vector.shape_cast %add3A_1038 : vector<16xf32> to vector<1x16xf32>
        tpu.vector_store %arg6[%swap3A_1039, %swap3A_1040], %swap3A_1043 {strides = array<i32>} : memref<128x768xf32, #tpu.memory_space<vmem>>, vector<1x16xf32>,
        %get3A_1044 = arith.index_cast %scan3A_37 : i32 to index
        %get3A_1045 = arith.constant 192 : index
        %get3A_1046 = tpu.vector_load %arg7[%get3A_1044, %get3A_1045] {strides = array<i32>} : memref<32x768xf32, #tpu.memory_space<vmem>>, vector<1x16xf32>,
        %get3A_1047 = vector.shape_cast %get3A_1046 : vector<1x16xf32> to vector<16xf32>
        %mul3A_1048 = arith.constant 4 : i32
        %mul3A_1049 = arith.muli %scan3A_37, %mul3A_1048 : i32
        %add3A_1050 = arith.constant 0 : i32
        %add3A_1051 = arith.addi %mul3A_1049, %add3A_1050 : i32
        %get3A_1052 = arith.index_cast %add3A_1051 : i32 to index
        %get3A_1053 = arith.constant 192 : index
        %get3A_1054 = tpu.vector_load %arg6[%get3A_1052, %get3A_1053] {strides = array<i32>} : memref<128x768xf32, #tpu.memory_space<vmem>>, vector<1x16xf32>,
        %get3A_1055 = vector.shape_cast %get3A_1054 : vector<1x16xf32> to vector<16xf32>
        %get3A_1056 = arith.constant 0 : i32
        %get3A_1057 = arith.index_cast %get3A_1056 : i32 to index
        %get3A_1058 = arith.constant 192 : index
        %get3A_1059 = tpu.vector_load %arg8[%get3A_1057, %get3A_1058] {strides = array<i32>} : memref<4x768xf32, #tpu.memory_space<vmem>>, vector<1x16xf32>,
        %get3A_1060 = vector.shape_cast %get3A_1059 : vector<1x16xf32> to vector<16xf32>
        %add3A_1061 = arith.addf %get3A_1047, %get3A_1060 : vector<16xf32>
        %add3A_1062 = arith.addf %get3A_1055, %add3A_1061 : vector<16xf32>
        %swap3A_1063 = arith.index_cast %add3A_1051 : i32 to index
        %swap3A_1064 = arith.constant 192 : index
        %swap3A_1065 = tpu.vector_load %arg6[%swap3A_1063, %swap3A_1064] {strides = array<i32>} : memref<128x768xf32, #tpu.memory_space<vmem>>, vector<1x16xf32>,
        %swap3A_1066 = vector.shape_cast %swap3A_1065 : vector<1x16xf32> to vector<16xf32>
        %swap3A_1067 = vector.shape_cast %add3A_1062 : vector<16xf32> to vector<1x16xf32>
        tpu.vector_store %arg6[%swap3A_1063, %swap3A_1064], %swap3A_1067 {strides = array<i32>} : memref<128x768xf32, #tpu.memory_space<vmem>>, vector<1x16xf32>,
        %mul3A_1068 = arith.constant 4 : i32
        %mul3A_1069 = arith.muli %scan3A_37, %mul3A_1068 : i32
        %add3A_1070 = arith.constant 1 : i32
        %add3A_1071 = arith.addi %mul3A_1069, %add3A_1070 : i32
        %get3A_1072 = arith.index_cast %add3A_1071 : i32 to index
        %get3A_1073 = arith.constant 192 : index
        %get3A_1074 = tpu.vector_load %arg6[%get3A_1072, %get3A_1073] {strides = array<i32>} : memref<128x768xf32, #tpu.memory_space<vmem>>, vector<1x16xf32>,
        %get3A_1075 = vector.shape_cast %get3A_1074 : vector<1x16xf32> to vector<16xf32>
        %get3A_1076 = arith.constant 1 : i32
        %get3A_1077 = arith.index_cast %get3A_1076 : i32 to index
        %get3A_1078 = arith.constant 192 : index
        %get3A_1079 = tpu.vector_load %arg8[%get3A_1077, %get3A_1078] {strides = array<i32>} : memref<4x768xf32, #tpu.memory_space<vmem>>, vector<1x16xf32>,
        %get3A_1080 = vector.shape_cast %get3A_1079 : vector<1x16xf32> to vector<16xf32>
        %add3A_1081 = arith.addf %get3A_1047, %get3A_1080 : vector<16xf32>
        %add3A_1082 = arith.addf %get3A_1075, %add3A_1081 : vector<16xf32>
        %swap3A_1083 = arith.index_cast %add3A_1071 : i32 to index
        %swap3A_1084 = arith.constant 192 : index
        %swap3A_1085 = tpu.vector_load %arg6[%swap3A_1083, %swap3A_1084] {strides = array<i32>} : memref<128x768xf32, #tpu.memory_space<vmem>>, vector<1x16xf32>,
        %swap3A_1086 = vector.shape_cast %swap3A_1085 : vector<1x16xf32> to vector<16xf32>
        %swap3A_1087 = vector.shape_cast %add3A_1082 : vector<16xf32> to vector<1x16xf32>
        tpu.vector_store %arg6[%swap3A_1083, %swap3A_1084], %swap3A_1087 {strides = array<i32>} : memref<128x768xf32, #tpu.memory_space<vmem>>, vector<1x16xf32>,
        %mul3A_1088 = arith.constant 4 : i32
        %mul3A_1089 = arith.muli %scan3A_37, %mul3A_1088 : i32
        %add3A_1090 = arith.constant 2 : i32
        %add3A_1091 = arith.addi %mul3A_1089, %add3A_1090 : i32
        %get3A_1092 = arith.index_cast %add3A_1091 : i32 to index
        %get3A_1093 = arith.constant 192 : index
        %get3A_1094 = tpu.vector_load %arg6[%get3A_1092, %get3A_1093] {strides = array<i32>} : memref<128x768xf32, #tpu.memory_space<vmem>>, vector<1x16xf32>,
        %get3A_1095 = vector.shape_cast %get3A_1094 : vector<1x16xf32> to vector<16xf32>
        %get3A_1096 = arith.constant 2 : i32
        %get3A_1097 = arith.index_cast %get3A_1096 : i32 to index
        %get3A_1098 = arith.constant 192 : index
        %get3A_1099 = tpu.vector_load %arg8[%get3A_1097, %get3A_1098] {strides = array<i32>} : memref<4x768xf32, #tpu.memory_space<vmem>>, vector<1x16xf32>,
        %get3A_1100 = vector.shape_cast %get3A_1099 : vector<1x16xf32> to vector<16xf32>
        %add3A_1101 = arith.addf %get3A_1047, %get3A_1100 : vector<16xf32>
        %add3A_1102 = arith.addf %get3A_1095, %add3A_1101 : vector<16xf32>
        %swap3A_1103 = arith.index_cast %add3A_1091 : i32 to index
        %swap3A_1104 = arith.constant 192 : index
        %swap3A_1105 = tpu.vector_load %arg6[%swap3A_1103, %swap3A_1104] {strides = array<i32>} : memref<128x768xf32, #tpu.memory_space<vmem>>, vector<1x16xf32>,
        %swap3A_1106 = vector.shape_cast %swap3A_1105 : vector<1x16xf32> to vector<16xf32>
        %swap3A_1107 = vector.shape_cast %add3A_1102 : vector<16xf32> to vector<1x16xf32>
        tpu.vector_store %arg6[%swap3A_1103, %swap3A_1104], %swap3A_1107 {strides = array<i32>} : memref<128x768xf32, #tpu.memory_space<vmem>>, vector<1x16xf32>,
        %mul3A_1108 = arith.constant 4 : i32
        %mul3A_1109 = arith.muli %scan3A_37, %mul3A_1108 : i32
        %add3A_1110 = arith.constant 3 : i32
        %add3A_1111 = arith.addi %mul3A_1109, %add3A_1110 : i32
        %get3A_1112 = arith.index_cast %add3A_1111 : i32 to index
        %get3A_1113 = arith.constant 192 : index
        %get3A_1114 = tpu.vector_load %arg6[%get3A_1112, %get3A_1113] {strides = array<i32>} : memref<128x768xf32, #tpu.memory_space<vmem>>, vector<1x16xf32>,
        %get3A_1115 = vector.shape_cast %get3A_1114 : vector<1x16xf32> to vector<16xf32>
        %get3A_1116 = arith.constant 3 : i32
        %get3A_1117 = arith.index_cast %get3A_1116 : i32 to index
        %get3A_1118 = arith.constant 192 : index
        %get3A_1119 = tpu.vector_load %arg8[%get3A_1117, %get3A_1118] {strides = array<i32>} : memref<4x768xf32, #tpu.memory_space<vmem>>, vector<1x16xf32>,
        %get3A_1120 = vector.shape_cast %get3A_1119 : vector<1x16xf32> to vector<16xf32>
        %add3A_1121 = arith.addf %get3A_1047, %get3A_1120 : vector<16xf32>
        %add3A_1122 = arith.addf %get3A_1115, %add3A_1121 : vector<16xf32>
        %swap3A_1123 = arith.index_cast %add3A_1111 : i32 to index
        %swap3A_1124 = arith.constant 192 : index
        %swap3A_1125 = tpu.vector_load %arg6[%swap3A_1123, %swap3A_1124] {strides = array<i32>} : memref<128x768xf32, #tpu.memory_space<vmem>>, vector<1x16xf32>,
        %swap3A_1126 = vector.shape_cast %swap3A_1125 : vector<1x16xf32> to vector<16xf32>
        %swap3A_1127 = vector.shape_cast %add3A_1122 : vector<16xf32> to vector<1x16xf32>
        tpu.vector_store %arg6[%swap3A_1123, %swap3A_1124], %swap3A_1127 {strides = array<i32>} : memref<128x768xf32, #tpu.memory_space<vmem>>, vector<1x16xf32>,
        %get3A_1128 = arith.index_cast %scan3A_37 : i32 to index
        %get3A_1129 = arith.constant 208 : index
        %get3A_1130 = tpu.vector_load %arg7[%get3A_1128, %get3A_1129] {strides = array<i32>} : memref<32x768xf32, #tpu.memory_space<vmem>>, vector<1x16xf32>,
        %get3A_1131 = vector.shape_cast %get3A_1130 : vector<1x16xf32> to vector<16xf32>
        %mul3A_1132 = arith.constant 4 : i32
        %mul3A_1133 = arith.muli %scan3A_37, %mul3A_1132 : i32
        %add3A_1134 = arith.constant 0 : i32
        %add3A_1135 = arith.addi %mul3A_1133, %add3A_1134 : i32
        %get3A_1136 = arith.index_cast %add3A_1135 : i32 to index
        %get3A_1137 = arith.constant 208 : index
        %get3A_1138 = tpu.vector_load %arg6[%get3A_1136, %get3A_1137] {strides = array<i32>} : memref<128x768xf32, #tpu.memory_space<vmem>>, vector<1x16xf32>,
        %get3A_1139 = vector.shape_cast %get3A_1138 : vector<1x16xf32> to vector<16xf32>
        %get3A_1140 = arith.constant 0 : i32
        %get3A_1141 = arith.index_cast %get3A_1140 : i32 to index
        %get3A_1142 = arith.constant 208 : index
        %get3A_1143 = tpu.vector_load %arg8[%get3A_1141, %get3A_1142] {strides = array<i32>} : memref<4x768xf32, #tpu.memory_space<vmem>>, vector<1x16xf32>,
        %get3A_1144 = vector.shape_cast %get3A_1143 : vector<1x16xf32> to vector<16xf32>
        %add3A_1145 = arith.addf %get3A_1131, %get3A_1144 : vector<16xf32>
        %add3A_1146 = arith.addf %get3A_1139, %add3A_1145 : vector<16xf32>
        %swap3A_1147 = arith.index_cast %add3A_1135 : i32 to index
        %swap3A_1148 = arith.constant 208 : index
        %swap3A_1149 = tpu.vector_load %arg6[%swap3A_1147, %swap3A_1148] {strides = array<i32>} : memref<128x768xf32, #tpu.memory_space<vmem>>, vector<1x16xf32>,
        %swap3A_1150 = vector.shape_cast %swap3A_1149 : vector<1x16xf32> to vector<16xf32>
        %swap3A_1151 = vector.shape_cast %add3A_1146 : vector<16xf32> to vector<1x16xf32>
        tpu.vector_store %arg6[%swap3A_1147, %swap3A_1148], %swap3A_1151 {strides = array<i32>} : memref<128x768xf32, #tpu.memory_space<vmem>>, vector<1x16xf32>,
        %mul3A_1152 = arith.constant 4 : i32
        %mul3A_1153 = arith.muli %scan3A_37, %mul3A_1152 : i32
        %add3A_1154 = arith.constant 1 : i32
        %add3A_1155 = arith.addi %mul3A_1153, %add3A_1154 : i32
        %get3A_1156 = arith.index_cast %add3A_1155 : i32 to index
        %get3A_1157 = arith.constant 208 : index
        %get3A_1158 = tpu.vector_load %arg6[%get3A_1156, %get3A_1157] {strides = array<i32>} : memref<128x768xf32, #tpu.memory_space<vmem>>, vector<1x16xf32>,
        %get3A_1159 = vector.shape_cast %get3A_1158 : vector<1x16xf32> to vector<16xf32>
        %get3A_1160 = arith.constant 1 : i32
        %get3A_1161 = arith.index_cast %get3A_1160 : i32 to index
        %get3A_1162 = arith.constant 208 : index
        %get3A_1163 = tpu.vector_load %arg8[%get3A_1161, %get3A_1162] {strides = array<i32>} : memref<4x768xf32, #tpu.memory_space<vmem>>, vector<1x16xf32>,
        %get3A_1164 = vector.shape_cast %get3A_1163 : vector<1x16xf32> to vector<16xf32>
        %add3A_1165 = arith.addf %get3A_1131, %get3A_1164 : vector<16xf32>
        %add3A_1166 = arith.addf %get3A_1159, %add3A_1165 : vector<16xf32>
        %swap3A_1167 = arith.index_cast %add3A_1155 : i32 to index
        %swap3A_1168 = arith.constant 208 : index
        %swap3A_1169 = tpu.vector_load %arg6[%swap3A_1167, %swap3A_1168] {strides = array<i32>} : memref<128x768xf32, #tpu.memory_space<vmem>>, vector<1x16xf32>,
        %swap3A_1170 = vector.shape_cast %swap3A_1169 : vector<1x16xf32> to vector<16xf32>
        %swap3A_1171 = vector.shape_cast %add3A_1166 : vector<16xf32> to vector<1x16xf32>
        tpu.vector_store %arg6[%swap3A_1167, %swap3A_1168], %swap3A_1171 {strides = array<i32>} : memref<128x768xf32, #tpu.memory_space<vmem>>, vector<1x16xf32>,
        %mul3A_1172 = arith.constant 4 : i32
        %mul3A_1173 = arith.muli %scan3A_37, %mul3A_1172 : i32
        %add3A_1174 = arith.constant 2 : i32
        %add3A_1175 = arith.addi %mul3A_1173, %add3A_1174 : i32
        %get3A_1176 = arith.index_cast %add3A_1175 : i32 to index
        %get3A_1177 = arith.constant 208 : index
        %get3A_1178 = tpu.vector_load %arg6[%get3A_1176, %get3A_1177] {strides = array<i32>} : memref<128x768xf32, #tpu.memory_space<vmem>>, vector<1x16xf32>,
        %get3A_1179 = vector.shape_cast %get3A_1178 : vector<1x16xf32> to vector<16xf32>
        %get3A_1180 = arith.constant 2 : i32
        %get3A_1181 = arith.index_cast %get3A_1180 : i32 to index
        %get3A_1182 = arith.constant 208 : index
        %get3A_1183 = tpu.vector_load %arg8[%get3A_1181, %get3A_1182] {strides = array<i32>} : memref<4x768xf32, #tpu.memory_space<vmem>>, vector<1x16xf32>,
        %get3A_1184 = vector.shape_cast %get3A_1183 : vector<1x16xf32> to vector<16xf32>
        %add3A_1185 = arith.addf %get3A_1131, %get3A_1184 : vector<16xf32>
        %add3A_1186 = arith.addf %get3A_1179, %add3A_1185 : vector<16xf32>
        %swap3A_1187 = arith.index_cast %add3A_1175 : i32 to index
        %swap3A_1188 = arith.constant 208 : index
        %swap3A_1189 = tpu.vector_load %arg6[%swap3A_1187, %swap3A_1188] {strides = array<i32>} : memref<128x768xf32, #tpu.memory_space<vmem>>, vector<1x16xf32>,
        %swap3A_1190 = vector.shape_cast %swap3A_1189 : vector<1x16xf32> to vector<16xf32>
        %swap3A_1191 = vector.shape_cast %add3A_1186 : vector<16xf32> to vector<1x16xf32>
        tpu.vector_store %arg6[%swap3A_1187, %swap3A_1188], %swap3A_1191 {strides = array<i32>} : memref<128x768xf32, #tpu.memory_space<vmem>>, vector<1x16xf32>,
        %mul3A_1192 = arith.constant 4 : i32
        %mul3A_1193 = arith.muli %scan3A_37, %mul3A_1192 : i32
        %add3A_1194 = arith.constant 3 : i32
        %add3A_1195 = arith.addi %mul3A_1193, %add3A_1194 : i32
        %get3A_1196 = arith.index_cast %add3A_1195 : i32 to index
        %get3A_1197 = arith.constant 208 : index
        %get3A_1198 = tpu.vector_load %arg6[%get3A_1196, %get3A_1197] {strides = array<i32>} : memref<128x768xf32, #tpu.memory_space<vmem>>, vector<1x16xf32>,
        %get3A_1199 = vector.shape_cast %get3A_1198 : vector<1x16xf32> to vector<16xf32>
        %get3A_1200 = arith.constant 3 : i32
        %get3A_1201 = arith.index_cast %get3A_1200 : i32 to index
        %get3A_1202 = arith.constant 208 : index
        %get3A_1203 = tpu.vector_load %arg8[%get3A_1201, %get3A_1202] {strides = array<i32>} : memref<4x768xf32, #tpu.memory_space<vmem>>, vector<1x16xf32>,
        %get3A_1204 = vector.shape_cast %get3A_1203 : vector<1x16xf32> to vector<16xf32>
        %add3A_1205 = arith.addf %get3A_1131, %get3A_1204 : vector<16xf32>
        %add3A_1206 = arith.addf %get3A_1199, %add3A_1205 : vector<16xf32>
        %swap3A_1207 = arith.index_cast %add3A_1195 : i32 to index
        %swap3A_1208 = arith.constant 208 : index
        %swap3A_1209 = tpu.vector_load %arg6[%swap3A_1207, %swap3A_1208] {strides = array<i32>} : memref<128x768xf32, #tpu.memory_space<vmem>>, vector<1x16xf32>,
        %swap3A_1210 = vector.shape_cast %swap3A_1209 : vector<1x16xf32> to vector<16xf32>
        %swap3A_1211 = vector.shape_cast %add3A_1206 : vector<16xf32> to vector<1x16xf32>
        tpu.vector_store %arg6[%swap3A_1207, %swap3A_1208], %swap3A_1211 {strides = array<i32>} : memref<128x768xf32, #tpu.memory_space<vmem>>, vector<1x16xf32>,
        %get3A_1212 = arith.index_cast %scan3A_37 : i32 to index
        %get3A_1213 = arith.constant 224 : index
        %get3A_1214 = tpu.vector_load %arg7[%get3A_1212, %get3A_1213] {strides = array<i32>} : memref<32x768xf32, #tpu.memory_space<vmem>>, vector<1x16xf32>,
        %get3A_1215 = vector.shape_cast %get3A_1214 : vector<1x16xf32> to vector<16xf32>
        %mul3A_1216 = arith.constant 4 : i32
        %mul3A_1217 = arith.muli %scan3A_37, %mul3A_1216 : i32
        %add3A_1218 = arith.constant 0 : i32
        %add3A_1219 = arith.addi %mul3A_1217, %add3A_1218 : i32
        %get3A_1220 = arith.index_cast %add3A_1219 : i32 to index
        %get3A_1221 = arith.constant 224 : index
        %get3A_1222 = tpu.vector_load %arg6[%get3A_1220, %get3A_1221] {strides = array<i32>} : memref<128x768xf32, #tpu.memory_space<vmem>>, vector<1x16xf32>,
        %get3A_1223 = vector.shape_cast %get3A_1222 : vector<1x16xf32> to vector<16xf32>
        %get3A_1224 = arith.constant 0 : i32
        %get3A_1225 = arith.index_cast %get3A_1224 : i32 to index
        %get3A_1226 = arith.constant 224 : index
        %get3A_1227 = tpu.vector_load %arg8[%get3A_1225, %get3A_1226] {strides = array<i32>} : memref<4x768xf32, #tpu.memory_space<vmem>>, vector<1x16xf32>,
        %get3A_1228 = vector.shape_cast %get3A_1227 : vector<1x16xf32> to vector<16xf32>
        %add3A_1229 = arith.addf %get3A_1215, %get3A_1228 : vector<16xf32>
        %add3A_1230 = arith.addf %get3A_1223, %add3A_1229 : vector<16xf32>
        %swap3A_1231 = arith.index_cast %add3A_1219 : i32 to index
        %swap3A_1232 = arith.constant 224 : index
        %swap3A_1233 = tpu.vector_load %arg6[%swap3A_1231, %swap3A_1232] {strides = array<i32>} : memref<128x768xf32, #tpu.memory_space<vmem>>, vector<1x16xf32>,
        %swap3A_1234 = vector.shape_cast %swap3A_1233 : vector<1x16xf32> to vector<16xf32>
        %swap3A_1235 = vector.shape_cast %add3A_1230 : vector<16xf32> to vector<1x16xf32>
        tpu.vector_store %arg6[%swap3A_1231, %swap3A_1232], %swap3A_1235 {strides = array<i32>} : memref<128x768xf32, #tpu.memory_space<vmem>>, vector<1x16xf32>,
        %mul3A_1236 = arith.constant 4 : i32
        %mul3A_1237 = arith.muli %scan3A_37, %mul3A_1236 : i32
        %add3A_1238 = arith.constant 1 : i32
        %add3A_1239 = arith.addi %mul3A_1237, %add3A_1238 : i32
        %get3A_1240 = arith.index_cast %add3A_1239 : i32 to index
        %get3A_1241 = arith.constant 224 : index
        %get3A_1242 = tpu.vector_load %arg6[%get3A_1240, %get3A_1241] {strides = array<i32>} : memref<128x768xf32, #tpu.memory_space<vmem>>, vector<1x16xf32>,
        %get3A_1243 = vector.shape_cast %get3A_1242 : vector<1x16xf32> to vector<16xf32>
        %get3A_1244 = arith.constant 1 : i32
        %get3A_1245 = arith.index_cast %get3A_1244 : i32 to index
        %get3A_1246 = arith.constant 224 : index
        %get3A_1247 = tpu.vector_load %arg8[%get3A_1245, %get3A_1246] {strides = array<i32>} : memref<4x768xf32, #tpu.memory_space<vmem>>, vector<1x16xf32>,
        %get3A_1248 = vector.shape_cast %get3A_1247 : vector<1x16xf32> to vector<16xf32>
        %add3A_1249 = arith.addf %get3A_1215, %get3A_1248 : vector<16xf32>
        %add3A_1250 = arith.addf %get3A_1243, %add3A_1249 : vector<16xf32>
        %swap3A_1251 = arith.index_cast %add3A_1239 : i32 to index
        %swap3A_1252 = arith.constant 224 : index
        %swap3A_1253 = tpu.vector_load %arg6[%swap3A_1251, %swap3A_1252] {strides = array<i32>} : memref<128x768xf32, #tpu.memory_space<vmem>>, vector<1x16xf32>,
        %swap3A_1254 = vector.shape_cast %swap3A_1253 : vector<1x16xf32> to vector<16xf32>
        %swap3A_1255 = vector.shape_cast %add3A_1250 : vector<16xf32> to vector<1x16xf32>
        tpu.vector_store %arg6[%swap3A_1251, %swap3A_1252], %swap3A_1255 {strides = array<i32>} : memref<128x768xf32, #tpu.memory_space<vmem>>, vector<1x16xf32>,
        %mul3A_1256 = arith.constant 4 : i32
        %mul3A_1257 = arith.muli %scan3A_37, %mul3A_1256 : i32
        %add3A_1258 = arith.constant 2 : i32
        %add3A_1259 = arith.addi %mul3A_1257, %add3A_1258 : i32
        %get3A_1260 = arith.index_cast %add3A_1259 : i32 to index
        %get3A_1261 = arith.constant 224 : index
        %get3A_1262 = tpu.vector_load %arg6[%get3A_1260, %get3A_1261] {strides = array<i32>} : memref<128x768xf32, #tpu.memory_space<vmem>>, vector<1x16xf32>,
        %get3A_1263 = vector.shape_cast %get3A_1262 : vector<1x16xf32> to vector<16xf32>
        %get3A_1264 = arith.constant 2 : i32
        %get3A_1265 = arith.index_cast %get3A_1264 : i32 to index
        %get3A_1266 = arith.constant 224 : index
        %get3A_1267 = tpu.vector_load %arg8[%get3A_1265, %get3A_1266] {strides = array<i32>} : memref<4x768xf32, #tpu.memory_space<vmem>>, vector<1x16xf32>,
        %get3A_1268 = vector.shape_cast %get3A_1267 : vector<1x16xf32> to vector<16xf32>
        %add3A_1269 = arith.addf %get3A_1215, %get3A_1268 : vector<16xf32>
        %add3A_1270 = arith.addf %get3A_1263, %add3A_1269 : vector<16xf32>
        %swap3A_1271 = arith.index_cast %add3A_1259 : i32 to index
        %swap3A_1272 = arith.constant 224 : index
        %swap3A_1273 = tpu.vector_load %arg6[%swap3A_1271, %swap3A_1272] {strides = array<i32>} : memref<128x768xf32, #tpu.memory_space<vmem>>, vector<1x16xf32>,
        %swap3A_1274 = vector.shape_cast %swap3A_1273 : vector<1x16xf32> to vector<16xf32>
        %swap3A_1275 = vector.shape_cast %add3A_1270 : vector<16xf32> to vector<1x16xf32>
        tpu.vector_store %arg6[%swap3A_1271, %swap3A_1272], %swap3A_1275 {strides = array<i32>} : memref<128x768xf32, #tpu.memory_space<vmem>>, vector<1x16xf32>,
        %mul3A_1276 = arith.constant 4 : i32
        %mul3A_1277 = arith.muli %scan3A_37, %mul3A_1276 : i32
        %add3A_1278 = arith.constant 3 : i32
        %add3A_1279 = arith.addi %mul3A_1277, %add3A_1278 : i32
        %get3A_1280 = arith.index_cast %add3A_1279 : i32 to index
        %get3A_1281 = arith.constant 224 : index
        %get3A_1282 = tpu.vector_load %arg6[%get3A_1280, %get3A_1281] {strides = array<i32>} : memref<128x768xf32, #tpu.memory_space<vmem>>, vector<1x16xf32>,
        %get3A_1283 = vector.shape_cast %get3A_1282 : vector<1x16xf32> to vector<16xf32>
        %get3A_1284 = arith.constant 3 : i32
        %get3A_1285 = arith.index_cast %get3A_1284 : i32 to index
        %get3A_1286 = arith.constant 224 : index
        %get3A_1287 = tpu.vector_load %arg8[%get3A_1285, %get3A_1286] {strides = array<i32>} : memref<4x768xf32, #tpu.memory_space<vmem>>, vector<1x16xf32>,
        %get3A_1288 = vector.shape_cast %get3A_1287 : vector<1x16xf32> to vector<16xf32>
        %add3A_1289 = arith.addf %get3A_1215, %get3A_1288 : vector<16xf32>
        %add3A_1290 = arith.addf %get3A_1283, %add3A_1289 : vector<16xf32>
        %swap3A_1291 = arith.index_cast %add3A_1279 : i32 to index
        %swap3A_1292 = arith.constant 224 : index
        %swap3A_1293 = tpu.vector_load %arg6[%swap3A_1291, %swap3A_1292] {strides = array<i32>} : memref<128x768xf32, #tpu.memory_space<vmem>>, vector<1x16xf32>,
        %swap3A_1294 = vector.shape_cast %swap3A_1293 : vector<1x16xf32> to vector<16xf32>
        %swap3A_1295 = vector.shape_cast %add3A_1290 : vector<16xf32> to vector<1x16xf32>
        tpu.vector_store %arg6[%swap3A_1291, %swap3A_1292], %swap3A_1295 {strides = array<i32>} : memref<128x768xf32, #tpu.memory_space<vmem>>, vector<1x16xf32>,
        %get3A_1296 = arith.index_cast %scan3A_37 : i32 to index
        %get3A_1297 = arith.constant 240 : index
        %get3A_1298 = tpu.vector_load %arg7[%get3A_1296, %get3A_1297] {strides = array<i32>} : memref<32x768xf32, #tpu.memory_space<vmem>>, vector<1x16xf32>,
        %get3A_1299 = vector.shape_cast %get3A_1298 : vector<1x16xf32> to vector<16xf32>
        %mul3A_1300 = arith.constant 4 : i32
        %mul3A_1301 = arith.muli %scan3A_37, %mul3A_1300 : i32
        %add3A_1302 = arith.constant 0 : i32
        %add3A_1303 = arith.addi %mul3A_1301, %add3A_1302 : i32
        %get3A_1304 = arith.index_cast %add3A_1303 : i32 to index
        %get3A_1305 = arith.constant 240 : index
        %get3A_1306 = tpu.vector_load %arg6[%get3A_1304, %get3A_1305] {strides = array<i32>} : memref<128x768xf32, #tpu.memory_space<vmem>>, vector<1x16xf32>,
        %get3A_1307 = vector.shape_cast %get3A_1306 : vector<1x16xf32> to vector<16xf32>
        %get3A_1308 = arith.constant 0 : i32
        %get3A_1309 = arith.index_cast %get3A_1308 : i32 to index
        %get3A_1310 = arith.constant 240 : index
        %get3A_1311 = tpu.vector_load %arg8[%get3A_1309, %get3A_1310] {strides = array<i32>} : memref<4x768xf32, #tpu.memory_space<vmem>>, vector<1x16xf32>,
        %get3A_1312 = vector.shape_cast %get3A_1311 : vector<1x16xf32> to vector<16xf32>
        %add3A_1313 = arith.addf %get3A_1299, %get3A_1312 : vector<16xf32>
        %add3A_1314 = arith.addf %get3A_1307, %add3A_1313 : vector<16xf32>
        %swap3A_1315 = arith.index_cast %add3A_1303 : i32 to index
        %swap3A_1316 = arith.constant 240 : index
        %swap3A_1317 = tpu.vector_load %arg6[%swap3A_1315, %swap3A_1316] {strides = array<i32>} : memref<128x768xf32, #tpu.memory_space<vmem>>, vector<1x16xf32>,
        %swap3A_1318 = vector.shape_cast %swap3A_1317 : vector<1x16xf32> to vector<16xf32>
        %swap3A_1319 = vector.shape_cast %add3A_1314 : vector<16xf32> to vector<1x16xf32>
        tpu.vector_store %arg6[%swap3A_1315, %swap3A_1316], %swap3A_1319 {strides = array<i32>} : memref<128x768xf32, #tpu.memory_space<vmem>>, vector<1x16xf32>,
        %mul3A_1320 = arith.constant 4 : i32
        %mul3A_1321 = arith.muli %scan3A_37, %mul3A_1320 : i32
        %add3A_1322 = arith.constant 1 : i32
        %add3A_1323 = arith.addi %mul3A_1321, %add3A_1322 : i32
        %get3A_1324 = arith.index_cast %add3A_1323 : i32 to index
        %get3A_1325 = arith.constant 240 : index
        %get3A_1326 = tpu.vector_load %arg6[%get3A_1324, %get3A_1325] {strides = array<i32>} : memref<128x768xf32, #tpu.memory_space<vmem>>, vector<1x16xf32>,
        %get3A_1327 = vector.shape_cast %get3A_1326 : vector<1x16xf32> to vector<16xf32>
        %get3A_1328 = arith.constant 1 : i32
        %get3A_1329 = arith.index_cast %get3A_1328 : i32 to index
        %get3A_1330 = arith.constant 240 : index
        %get3A_1331 = tpu.vector_load %arg8[%get3A_1329, %get3A_1330] {strides = array<i32>} : memref<4x768xf32, #tpu.memory_space<vmem>>, vector<1x16xf32>,
        %get3A_1332 = vector.shape_cast %get3A_1331 : vector<1x16xf32> to vector<16xf32>
        %add3A_1333 = arith.addf %get3A_1299, %get3A_1332 : vector<16xf32>
        %add3A_1334 = arith.addf %get3A_1327, %add3A_1333 : vector<16xf32>
        %swap3A_1335 = arith.index_cast %add3A_1323 : i32 to index
        %swap3A_1336 = arith.constant 240 : index
        %swap3A_1337 = tpu.vector_load %arg6[%swap3A_1335, %swap3A_1336] {strides = array<i32>} : memref<128x768xf32, #tpu.memory_space<vmem>>, vector<1x16xf32>,
        %swap3A_1338 = vector.shape_cast %swap3A_1337 : vector<1x16xf32> to vector<16xf32>
        %swap3A_1339 = vector.shape_cast %add3A_1334 : vector<16xf32> to vector<1x16xf32>
        tpu.vector_store %arg6[%swap3A_1335, %swap3A_1336], %swap3A_1339 {strides = array<i32>} : memref<128x768xf32, #tpu.memory_space<vmem>>, vector<1x16xf32>,
        %mul3A_1340 = arith.constant 4 : i32
        %mul3A_1341 = arith.muli %scan3A_37, %mul3A_1340 : i32
        %add3A_1342 = arith.constant 2 : i32
        %add3A_1343 = arith.addi %mul3A_1341, %add3A_1342 : i32
        %get3A_1344 = arith.index_cast %add3A_1343 : i32 to index
        %get3A_1345 = arith.constant 240 : index
        %get3A_1346 = tpu.vector_load %arg6[%get3A_1344, %get3A_1345] {strides = array<i32>} : memref<128x768xf32, #tpu.memory_space<vmem>>, vector<1x16xf32>,
        %get3A_1347 = vector.shape_cast %get3A_1346 : vector<1x16xf32> to vector<16xf32>
        %get3A_1348 = arith.constant 2 : i32
        %get3A_1349 = arith.index_cast %get3A_1348 : i32 to index
        %get3A_1350 = arith.constant 240 : index
        %get3A_1351 = tpu.vector_load %arg8[%get3A_1349, %get3A_1350] {strides = array<i32>} : memref<4x768xf32, #tpu.memory_space<vmem>>, vector<1x16xf32>,
        %get3A_1352 = vector.shape_cast %get3A_1351 : vector<1x16xf32> to vector<16xf32>
        %add3A_1353 = arith.addf %get3A_1299, %get3A_1352 : vector<16xf32>
        %add3A_1354 = arith.addf %get3A_1347, %add3A_1353 : vector<16xf32>
        %swap3A_1355 = arith.index_cast %add3A_1343 : i32 to index
        %swap3A_1356 = arith.constant 240 : index
        %swap3A_1357 = tpu.vector_load %arg6[%swap3A_1355, %swap3A_1356] {strides = array<i32>} : memref<128x768xf32, #tpu.memory_space<vmem>>, vector<1x16xf32>,
        %swap3A_1358 = vector.shape_cast %swap3A_1357 : vector<1x16xf32> to vector<16xf32>
        %swap3A_1359 = vector.shape_cast %add3A_1354 : vector<16xf32> to vector<1x16xf32>
        tpu.vector_store %arg6[%swap3A_1355, %swap3A_1356], %swap3A_1359 {strides = array<i32>} : memref<128x768xf32, #tpu.memory_space<vmem>>, vector<1x16xf32>,
        %mul3A_1360 = arith.constant 4 : i32
        %mul3A_1361 = arith.muli %scan3A_37, %mul3A_1360 : i32
        %add3A_1362 = arith.constant 3 : i32
        %add3A_1363 = arith.addi %mul3A_1361, %add3A_1362 : i32
        %get3A_1364 = arith.index_cast %add3A_1363 : i32 to index
        %get3A_1365 = arith.constant 240 : index
        %get3A_1366 = tpu.vector_load %arg6[%get3A_1364, %get3A_1365] {strides = array<i32>} : memref<128x768xf32, #tpu.memory_space<vmem>>, vector<1x16xf32>,
        %get3A_1367 = vector.shape_cast %get3A_1366 : vector<1x16xf32> to vector<16xf32>
        %get3A_1368 = arith.constant 3 : i32
        %get3A_1369 = arith.index_cast %get3A_1368 : i32 to index
        %get3A_1370 = arith.constant 240 : index
        %get3A_1371 = tpu.vector_load %arg8[%get3A_1369, %get3A_1370] {strides = array<i32>} : memref<4x768xf32, #tpu.memory_space<vmem>>, vector<1x16xf32>,
        %get3A_1372 = vector.shape_cast %get3A_1371 : vector<1x16xf32> to vector<16xf32>
        %add3A_1373 = arith.addf %get3A_1299, %get3A_1372 : vector<16xf32>
        %add3A_1374 = arith.addf %get3A_1367, %add3A_1373 : vector<16xf32>
        %swap3A_1375 = arith.index_cast %add3A_1363 : i32 to index
        %swap3A_1376 = arith.constant 240 : index
        %swap3A_1377 = tpu.vector_load %arg6[%swap3A_1375, %swap3A_1376] {strides = array<i32>} : memref<128x768xf32, #tpu.memory_space<vmem>>, vector<1x16xf32>,
        %swap3A_1378 = vector.shape_cast %swap3A_1377 : vector<1x16xf32> to vector<16xf32>
        %swap3A_1379 = vector.shape_cast %add3A_1374 : vector<16xf32> to vector<1x16xf32>
        tpu.vector_store %arg6[%swap3A_1375, %swap3A_1376], %swap3A_1379 {strides = array<i32>} : memref<128x768xf32, #tpu.memory_space<vmem>>, vector<1x16xf32>,
        %get3A_1380 = arith.index_cast %scan3A_37 : i32 to index
        %get3A_1381 = arith.constant 256 : index
        %get3A_1382 = tpu.vector_load %arg7[%get3A_1380, %get3A_1381] {strides = array<i32>} : memref<32x768xf32, #tpu.memory_space<vmem>>, vector<1x16xf32>,
        %get3A_1383 = vector.shape_cast %get3A_1382 : vector<1x16xf32> to vector<16xf32>
        %mul3A_1384 = arith.constant 4 : i32
        %mul3A_1385 = arith.muli %scan3A_37, %mul3A_1384 : i32
        %add3A_1386 = arith.constant 0 : i32
        %add3A_1387 = arith.addi %mul3A_1385, %add3A_1386 : i32
        %get3A_1388 = arith.index_cast %add3A_1387 : i32 to index
        %get3A_1389 = arith.constant 256 : index
        %get3A_1390 = tpu.vector_load %arg6[%get3A_1388, %get3A_1389] {strides = array<i32>} : memref<128x768xf32, #tpu.memory_space<vmem>>, vector<1x16xf32>,
        %get3A_1391 = vector.shape_cast %get3A_1390 : vector<1x16xf32> to vector<16xf32>
        %get3A_1392 = arith.constant 0 : i32
        %get3A_1393 = arith.index_cast %get3A_1392 : i32 to index
        %get3A_1394 = arith.constant 256 : index
        %get3A_1395 = tpu.vector_load %arg8[%get3A_1393, %get3A_1394] {strides = array<i32>} : memref<4x768xf32, #tpu.memory_space<vmem>>, vector<1x16xf32>,
        %get3A_1396 = vector.shape_cast %get3A_1395 : vector<1x16xf32> to vector<16xf32>
        %add3A_1397 = arith.addf %get3A_1383, %get3A_1396 : vector<16xf32>
        %add3A_1398 = arith.addf %get3A_1391, %add3A_1397 : vector<16xf32>
        %swap3A_1399 = arith.index_cast %add3A_1387 : i32 to index
        %swap3A_1400 = arith.constant 256 : index
        %swap3A_1401 = tpu.vector_load %arg6[%swap3A_1399, %swap3A_1400] {strides = array<i32>} : memref<128x768xf32, #tpu.memory_space<vmem>>, vector<1x16xf32>,
        %swap3A_1402 = vector.shape_cast %swap3A_1401 : vector<1x16xf32> to vector<16xf32>
        %swap3A_1403 = vector.shape_cast %add3A_1398 : vector<16xf32> to vector<1x16xf32>
        tpu.vector_store %arg6[%swap3A_1399, %swap3A_1400], %swap3A_1403 {strides = array<i32>} : memref<128x768xf32, #tpu.memory_space<vmem>>, vector<1x16xf32>,
        %mul3A_1404 = arith.constant 4 : i32
        %mul3A_1405 = arith.muli %scan3A_37, %mul3A_1404 : i32
        %add3A_1406 = arith.constant 1 : i32
        %add3A_1407 = arith.addi %mul3A_1405, %add3A_1406 : i32
        %get3A_1408 = arith.index_cast %add3A_1407 : i32 to index
        %get3A_1409 = arith.constant 256 : index
        %get3A_1410 = tpu.vector_load %arg6[%get3A_1408, %get3A_1409] {strides = array<i32>} : memref<128x768xf32, #tpu.memory_space<vmem>>, vector<1x16xf32>,
        %get3A_1411 = vector.shape_cast %get3A_1410 : vector<1x16xf32> to vector<16xf32>
        %get3A_1412 = arith.constant 1 : i32
        %get3A_1413 = arith.index_cast %get3A_1412 : i32 to index
        %get3A_1414 = arith.constant 256 : index
        %get3A_1415 = tpu.vector_load %arg8[%get3A_1413, %get3A_1414] {strides = array<i32>} : memref<4x768xf32, #tpu.memory_space<vmem>>, vector<1x16xf32>,
        %get3A_1416 = vector.shape_cast %get3A_1415 : vector<1x16xf32> to vector<16xf32>
        %add3A_1417 = arith.addf %get3A_1383, %get3A_1416 : vector<16xf32>
        %add3A_1418 = arith.addf %get3A_1411, %add3A_1417 : vector<16xf32>
        %swap3A_1419 = arith.index_cast %add3A_1407 : i32 to index
        %swap3A_1420 = arith.constant 256 : index
        %swap3A_1421 = tpu.vector_load %arg6[%swap3A_1419, %swap3A_1420] {strides = array<i32>} : memref<128x768xf32, #tpu.memory_space<vmem>>, vector<1x16xf32>,
        %swap3A_1422 = vector.shape_cast %swap3A_1421 : vector<1x16xf32> to vector<16xf32>
        %swap3A_1423 = vector.shape_cast %add3A_1418 : vector<16xf32> to vector<1x16xf32>
        tpu.vector_store %arg6[%swap3A_1419, %swap3A_1420], %swap3A_1423 {strides = array<i32>} : memref<128x768xf32, #tpu.memory_space<vmem>>, vector<1x16xf32>,
        %mul3A_1424 = arith.constant 4 : i32
        %mul3A_1425 = arith.muli %scan3A_37, %mul3A_1424 : i32
        %add3A_1426 = arith.constant 2 : i32
        %add3A_1427 = arith.addi %mul3A_1425, %add3A_1426 : i32
        %get3A_1428 = arith.index_cast %add3A_1427 : i32 to index
        %get3A_1429 = arith.constant 256 : index
        %get3A_1430 = tpu.vector_load %arg6[%get3A_1428, %get3A_1429] {strides = array<i32>} : memref<128x768xf32, #tpu.memory_space<vmem>>, vector<1x16xf32>,
        %get3A_1431 = vector.shape_cast %get3A_1430 : vector<1x16xf32> to vector<16xf32>
        %get3A_1432 = arith.constant 2 : i32
        %get3A_1433 = arith.index_cast %get3A_1432 : i32 to index
        %get3A_1434 = arith.constant 256 : index
        %get3A_1435 = tpu.vector_load %arg8[%get3A_1433, %get3A_1434] {strides = array<i32>} : memref<4x768xf32, #tpu.memory_space<vmem>>, vector<1x16xf32>,
        %get3A_1436 = vector.shape_cast %get3A_1435 : vector<1x16xf32> to vector<16xf32>
        %add3A_1437 = arith.addf %get3A_1383, %get3A_1436 : vector<16xf32>
        %add3A_1438 = arith.addf %get3A_1431, %add3A_1437 : vector<16xf32>
        %swap3A_1439 = arith.index_cast %add3A_1427 : i32 to index
        %swap3A_1440 = arith.constant 256 : index
        %swap3A_1441 = tpu.vector_load %arg6[%swap3A_1439, %swap3A_1440] {strides = array<i32>} : memref<128x768xf32, #tpu.memory_space<vmem>>, vector<1x16xf32>,
        %swap3A_1442 = vector.shape_cast %swap3A_1441 : vector<1x16xf32> to vector<16xf32>
        %swap3A_1443 = vector.shape_cast %add3A_1438 : vector<16xf32> to vector<1x16xf32>
        tpu.vector_store %arg6[%swap3A_1439, %swap3A_1440], %swap3A_1443 {strides = array<i32>} : memref<128x768xf32, #tpu.memory_space<vmem>>, vector<1x16xf32>,
        %mul3A_1444 = arith.constant 4 : i32
        %mul3A_1445 = arith.muli %scan3A_37, %mul3A_1444 : i32
        %add3A_1446 = arith.constant 3 : i32
        %add3A_1447 = arith.addi %mul3A_1445, %add3A_1446 : i32
        %get3A_1448 = arith.index_cast %add3A_1447 : i32 to index
        %get3A_1449 = arith.constant 256 : index
        %get3A_1450 = tpu.vector_load %arg6[%get3A_1448, %get3A_1449] {strides = array<i32>} : memref<128x768xf32, #tpu.memory_space<vmem>>, vector<1x16xf32>,
        %get3A_1451 = vector.shape_cast %get3A_1450 : vector<1x16xf32> to vector<16xf32>
        %get3A_1452 = arith.constant 3 : i32
        %get3A_1453 = arith.index_cast %get3A_1452 : i32 to index
        %get3A_1454 = arith.constant 256 : index
        %get3A_1455 = tpu.vector_load %arg8[%get3A_1453, %get3A_1454] {strides = array<i32>} : memref<4x768xf32, #tpu.memory_space<vmem>>, vector<1x16xf32>,
        %get3A_1456 = vector.shape_cast %get3A_1455 : vector<1x16xf32> to vector<16xf32>
        %add3A_1457 = arith.addf %get3A_1383, %get3A_1456 : vector<16xf32>
        %add3A_1458 = arith.addf %get3A_1451, %add3A_1457 : vector<16xf32>
        %swap3A_1459 = arith.index_cast %add3A_1447 : i32 to index
        %swap3A_1460 = arith.constant 256 : index
        %swap3A_1461 = tpu.vector_load %arg6[%swap3A_1459, %swap3A_1460] {strides = array<i32>} : memref<128x768xf32, #tpu.memory_space<vmem>>, vector<1x16xf32>,
        %swap3A_1462 = vector.shape_cast %swap3A_1461 : vector<1x16xf32> to vector<16xf32>
        %swap3A_1463 = vector.shape_cast %add3A_1458 : vector<16xf32> to vector<1x16xf32>
        tpu.vector_store %arg6[%swap3A_1459, %swap3A_1460], %swap3A_1463 {strides = array<i32>} : memref<128x768xf32, #tpu.memory_space<vmem>>, vector<1x16xf32>,
        %get3A_1464 = arith.index_cast %scan3A_37 : i32 to index
        %get3A_1465 = arith.constant 272 : index
        %get3A_1466 = tpu.vector_load %arg7[%get3A_1464, %get3A_1465] {strides = array<i32>} : memref<32x768xf32, #tpu.memory_space<vmem>>, vector<1x16xf32>,
        %get3A_1467 = vector.shape_cast %get3A_1466 : vector<1x16xf32> to vector<16xf32>
        %mul3A_1468 = arith.constant 4 : i32
        %mul3A_1469 = arith.muli %scan3A_37, %mul3A_1468 : i32
        %add3A_1470 = arith.constant 0 : i32
        %add3A_1471 = arith.addi %mul3A_1469, %add3A_1470 : i32
        %get3A_1472 = arith.index_cast %add3A_1471 : i32 to index
        %get3A_1473 = arith.constant 272 : index
        %get3A_1474 = tpu.vector_load %arg6[%get3A_1472, %get3A_1473] {strides = array<i32>} : memref<128x768xf32, #tpu.memory_space<vmem>>, vector<1x16xf32>,
        %get3A_1475 = vector.shape_cast %get3A_1474 : vector<1x16xf32> to vector<16xf32>
        %get3A_1476 = arith.constant 0 : i32
        %get3A_1477 = arith.index_cast %get3A_1476 : i32 to index
        %get3A_1478 = arith.constant 272 : index
        %get3A_1479 = tpu.vector_load %arg8[%get3A_1477, %get3A_1478] {strides = array<i32>} : memref<4x768xf32, #tpu.memory_space<vmem>>, vector<1x16xf32>,
        %get3A_1480 = vector.shape_cast %get3A_1479 : vector<1x16xf32> to vector<16xf32>
        %add3A_1481 = arith.addf %get3A_1467, %get3A_1480 : vector<16xf32>
        %add3A_1482 = arith.addf %get3A_1475, %add3A_1481 : vector<16xf32>
        %swap3A_1483 = arith.index_cast %add3A_1471 : i32 to index
        %swap3A_1484 = arith.constant 272 : index
        %swap3A_1485 = tpu.vector_load %arg6[%swap3A_1483, %swap3A_1484] {strides = array<i32>} : memref<128x768xf32, #tpu.memory_space<vmem>>, vector<1x16xf32>,
        %swap3A_1486 = vector.shape_cast %swap3A_1485 : vector<1x16xf32> to vector<16xf32>
        %swap3A_1487 = vector.shape_cast %add3A_1482 : vector<16xf32> to vector<1x16xf32>
        tpu.vector_store %arg6[%swap3A_1483, %swap3A_1484], %swap3A_1487 {strides = array<i32>} : memref<128x768xf32, #tpu.memory_space<vmem>>, vector<1x16xf32>,
        %mul3A_1488 = arith.constant 4 : i32
        %mul3A_1489 = arith.muli %scan3A_37, %mul3A_1488 : i32
        %add3A_1490 = arith.constant 1 : i32
        %add3A_1491 = arith.addi %mul3A_1489, %add3A_1490 : i32
        %get3A_1492 = arith.index_cast %add3A_1491 : i32 to index
        %get3A_1493 = arith.constant 272 : index
        %get3A_1494 = tpu.vector_load %arg6[%get3A_1492, %get3A_1493] {strides = array<i32>} : memref<128x768xf32, #tpu.memory_space<vmem>>, vector<1x16xf32>,
        %get3A_1495 = vector.shape_cast %get3A_1494 : vector<1x16xf32> to vector<16xf32>
        %get3A_1496 = arith.constant 1 : i32
        %get3A_1497 = arith.index_cast %get3A_1496 : i32 to index
        %get3A_1498 = arith.constant 272 : index
        %get3A_1499 = tpu.vector_load %arg8[%get3A_1497, %get3A_1498] {strides = array<i32>} : memref<4x768xf32, #tpu.memory_space<vmem>>, vector<1x16xf32>,
        %get3A_1500 = vector.shape_cast %get3A_1499 : vector<1x16xf32> to vector<16xf32>
        %add3A_1501 = arith.addf %get3A_1467, %get3A_1500 : vector<16xf32>
        %add3A_1502 = arith.addf %get3A_1495, %add3A_1501 : vector<16xf32>
        %swap3A_1503 = arith.index_cast %add3A_1491 : i32 to index
        %swap3A_1504 = arith.constant 272 : index
        %swap3A_1505 = tpu.vector_load %arg6[%swap3A_1503, %swap3A_1504] {strides = array<i32>} : memref<128x768xf32, #tpu.memory_space<vmem>>, vector<1x16xf32>,
        %swap3A_1506 = vector.shape_cast %swap3A_1505 : vector<1x16xf32> to vector<16xf32>
        %swap3A_1507 = vector.shape_cast %add3A_1502 : vector<16xf32> to vector<1x16xf32>
        tpu.vector_store %arg6[%swap3A_1503, %swap3A_1504], %swap3A_1507 {strides = array<i32>} : memref<128x768xf32, #tpu.memory_space<vmem>>, vector<1x16xf32>,
        %mul3A_1508 = arith.constant 4 : i32
        %mul3A_1509 = arith.muli %scan3A_37, %mul3A_1508 : i32
        %add3A_1510 = arith.constant 2 : i32
        %add3A_1511 = arith.addi %mul3A_1509, %add3A_1510 : i32
        %get3A_1512 = arith.index_cast %add3A_1511 : i32 to index
        %get3A_1513 = arith.constant 272 : index
        %get3A_1514 = tpu.vector_load %arg6[%get3A_1512, %get3A_1513] {strides = array<i32>} : memref<128x768xf32, #tpu.memory_space<vmem>>, vector<1x16xf32>,
        %get3A_1515 = vector.shape_cast %get3A_1514 : vector<1x16xf32> to vector<16xf32>
        %get3A_1516 = arith.constant 2 : i32
        %get3A_1517 = arith.index_cast %get3A_1516 : i32 to index
        %get3A_1518 = arith.constant 272 : index
        %get3A_1519 = tpu.vector_load %arg8[%get3A_1517, %get3A_1518] {strides = array<i32>} : memref<4x768xf32, #tpu.memory_space<vmem>>, vector<1x16xf32>,
        %get3A_1520 = vector.shape_cast %get3A_1519 : vector<1x16xf32> to vector<16xf32>
        %add3A_1521 = arith.addf %get3A_1467, %get3A_1520 : vector<16xf32>
        %add3A_1522 = arith.addf %get3A_1515, %add3A_1521 : vector<16xf32>
        %swap3A_1523 = arith.index_cast %add3A_1511 : i32 to index
        %swap3A_1524 = arith.constant 272 : index
        %swap3A_1525 = tpu.vector_load %arg6[%swap3A_1523, %swap3A_1524] {strides = array<i32>} : memref<128x768xf32, #tpu.memory_space<vmem>>, vector<1x16xf32>,
        %swap3A_1526 = vector.shape_cast %swap3A_1525 : vector<1x16xf32> to vector<16xf32>
        %swap3A_1527 = vector.shape_cast %add3A_1522 : vector<16xf32> to vector<1x16xf32>
        tpu.vector_store %arg6[%swap3A_1523, %swap3A_1524], %swap3A_1527 {strides = array<i32>} : memref<128x768xf32, #tpu.memory_space<vmem>>, vector<1x16xf32>,
        %mul3A_1528 = arith.constant 4 : i32
        %mul3A_1529 = arith.muli %scan3A_37, %mul3A_1528 : i32
        %add3A_1530 = arith.constant 3 : i32
        %add3A_1531 = arith.addi %mul3A_1529, %add3A_1530 : i32
        %get3A_1532 = arith.index_cast %add3A_1531 : i32 to index
        %get3A_1533 = arith.constant 272 : index
        %get3A_1534 = tpu.vector_load %arg6[%get3A_1532, %get3A_1533] {strides = array<i32>} : memref<128x768xf32, #tpu.memory_space<vmem>>, vector<1x16xf32>,
        %get3A_1535 = vector.shape_cast %get3A_1534 : vector<1x16xf32> to vector<16xf32>
        %get3A_1536 = arith.constant 3 : i32
        %get3A_1537 = arith.index_cast %get3A_1536 : i32 to index
        %get3A_1538 = arith.constant 272 : index
        %get3A_1539 = tpu.vector_load %arg8[%get3A_1537, %get3A_1538] {strides = array<i32>} : memref<4x768xf32, #tpu.memory_space<vmem>>, vector<1x16xf32>,
        %get3A_1540 = vector.shape_cast %get3A_1539 : vector<1x16xf32> to vector<16xf32>
        %add3A_1541 = arith.addf %get3A_1467, %get3A_1540 : vector<16xf32>
        %add3A_1542 = arith.addf %get3A_1535, %add3A_1541 : vector<16xf32>
        %swap3A_1543 = arith.index_cast %add3A_1531 : i32 to index
        %swap3A_1544 = arith.constant 272 : index
        %swap3A_1545 = tpu.vector_load %arg6[%swap3A_1543, %swap3A_1544] {strides = array<i32>} : memref<128x768xf32, #tpu.memory_space<vmem>>, vector<1x16xf32>,
        %swap3A_1546 = vector.shape_cast %swap3A_1545 : vector<1x16xf32> to vector<16xf32>
        %swap3A_1547 = vector.shape_cast %add3A_1542 : vector<16xf32> to vector<1x16xf32>
        tpu.vector_store %arg6[%swap3A_1543, %swap3A_1544], %swap3A_1547 {strides = array<i32>} : memref<128x768xf32, #tpu.memory_space<vmem>>, vector<1x16xf32>,
        %get3A_1548 = arith.index_cast %scan3A_37 : i32 to index
        %get3A_1549 = arith.constant 288 : index
        %get3A_1550 = tpu.vector_load %arg7[%get3A_1548, %get3A_1549] {strides = array<i32>} : memref<32x768xf32, #tpu.memory_space<vmem>>, vector<1x16xf32>,
        %get3A_1551 = vector.shape_cast %get3A_1550 : vector<1x16xf32> to vector<16xf32>
        %mul3A_1552 = arith.constant 4 : i32
        %mul3A_1553 = arith.muli %scan3A_37, %mul3A_1552 : i32
        %add3A_1554 = arith.constant 0 : i32
        %add3A_1555 = arith.addi %mul3A_1553, %add3A_1554 : i32
        %get3A_1556 = arith.index_cast %add3A_1555 : i32 to index
        %get3A_1557 = arith.constant 288 : index
        %get3A_1558 = tpu.vector_load %arg6[%get3A_1556, %get3A_1557] {strides = array<i32>} : memref<128x768xf32, #tpu.memory_space<vmem>>, vector<1x16xf32>,
        %get3A_1559 = vector.shape_cast %get3A_1558 : vector<1x16xf32> to vector<16xf32>
        %get3A_1560 = arith.constant 0 : i32
        %get3A_1561 = arith.index_cast %get3A_1560 : i32 to index
        %get3A_1562 = arith.constant 288 : index
        %get3A_1563 = tpu.vector_load %arg8[%get3A_1561, %get3A_1562] {strides = array<i32>} : memref<4x768xf32, #tpu.memory_space<vmem>>, vector<1x16xf32>,
        %get3A_1564 = vector.shape_cast %get3A_1563 : vector<1x16xf32> to vector<16xf32>
        %add3A_1565 = arith.addf %get3A_1551, %get3A_1564 : vector<16xf32>
        %add3A_1566 = arith.addf %get3A_1559, %add3A_1565 : vector<16xf32>
        %swap3A_1567 = arith.index_cast %add3A_1555 : i32 to index
        %swap3A_1568 = arith.constant 288 : index
        %swap3A_1569 = tpu.vector_load %arg6[%swap3A_1567, %swap3A_1568] {strides = array<i32>} : memref<128x768xf32, #tpu.memory_space<vmem>>, vector<1x16xf32>,
        %swap3A_1570 = vector.shape_cast %swap3A_1569 : vector<1x16xf32> to vector<16xf32>
        %swap3A_1571 = vector.shape_cast %add3A_1566 : vector<16xf32> to vector<1x16xf32>
        tpu.vector_store %arg6[%swap3A_1567, %swap3A_1568], %swap3A_1571 {strides = array<i32>} : memref<128x768xf32, #tpu.memory_space<vmem>>, vector<1x16xf32>,
        %mul3A_1572 = arith.constant 4 : i32
        %mul3A_1573 = arith.muli %scan3A_37, %mul3A_1572 : i32
        %add3A_1574 = arith.constant 1 : i32
        %add3A_1575 = arith.addi %mul3A_1573, %add3A_1574 : i32
        %get3A_1576 = arith.index_cast %add3A_1575 : i32 to index
        %get3A_1577 = arith.constant 288 : index
        %get3A_1578 = tpu.vector_load %arg6[%get3A_1576, %get3A_1577] {strides = array<i32>} : memref<128x768xf32, #tpu.memory_space<vmem>>, vector<1x16xf32>,
        %get3A_1579 = vector.shape_cast %get3A_1578 : vector<1x16xf32> to vector<16xf32>
        %get3A_1580 = arith.constant 1 : i32
        %get3A_1581 = arith.index_cast %get3A_1580 : i32 to index
        %get3A_1582 = arith.constant 288 : index
        %get3A_1583 = tpu.vector_load %arg8[%get3A_1581, %get3A_1582] {strides = array<i32>} : memref<4x768xf32, #tpu.memory_space<vmem>>, vector<1x16xf32>,
        %get3A_1584 = vector.shape_cast %get3A_1583 : vector<1x16xf32> to vector<16xf32>
        %add3A_1585 = arith.addf %get3A_1551, %get3A_1584 : vector<16xf32>
        %add3A_1586 = arith.addf %get3A_1579, %add3A_1585 : vector<16xf32>
        %swap3A_1587 = arith.index_cast %add3A_1575 : i32 to index
        %swap3A_1588 = arith.constant 288 : index
        %swap3A_1589 = tpu.vector_load %arg6[%swap3A_1587, %swap3A_1588] {strides = array<i32>} : memref<128x768xf32, #tpu.memory_space<vmem>>, vector<1x16xf32>,
        %swap3A_1590 = vector.shape_cast %swap3A_1589 : vector<1x16xf32> to vector<16xf32>
        %swap3A_1591 = vector.shape_cast %add3A_1586 : vector<16xf32> to vector<1x16xf32>
        tpu.vector_store %arg6[%swap3A_1587, %swap3A_1588], %swap3A_1591 {strides = array<i32>} : memref<128x768xf32, #tpu.memory_space<vmem>>, vector<1x16xf32>,
        %mul3A_1592 = arith.constant 4 : i32
        %mul3A_1593 = arith.muli %scan3A_37, %mul3A_1592 : i32
        %add3A_1594 = arith.constant 2 : i32
        %add3A_1595 = arith.addi %mul3A_1593, %add3A_1594 : i32
        %get3A_1596 = arith.index_cast %add3A_1595 : i32 to index
        %get3A_1597 = arith.constant 288 : index
        %get3A_1598 = tpu.vector_load %arg6[%get3A_1596, %get3A_1597] {strides = array<i32>} : memref<128x768xf32, #tpu.memory_space<vmem>>, vector<1x16xf32>,
        %get3A_1599 = vector.shape_cast %get3A_1598 : vector<1x16xf32> to vector<16xf32>
        %get3A_1600 = arith.constant 2 : i32
        %get3A_1601 = arith.index_cast %get3A_1600 : i32 to index
        %get3A_1602 = arith.constant 288 : index
        %get3A_1603 = tpu.vector_load %arg8[%get3A_1601, %get3A_1602] {strides = array<i32>} : memref<4x768xf32, #tpu.memory_space<vmem>>, vector<1x16xf32>,
        %get3A_1604 = vector.shape_cast %get3A_1603 : vector<1x16xf32> to vector<16xf32>
        %add3A_1605 = arith.addf %get3A_1551, %get3A_1604 : vector<16xf32>
        %add3A_1606 = arith.addf %get3A_1599, %add3A_1605 : vector<16xf32>
        %swap3A_1607 = arith.index_cast %add3A_1595 : i32 to index
        %swap3A_1608 = arith.constant 288 : index
        %swap3A_1609 = tpu.vector_load %arg6[%swap3A_1607, %swap3A_1608] {strides = array<i32>} : memref<128x768xf32, #tpu.memory_space<vmem>>, vector<1x16xf32>,
        %swap3A_1610 = vector.shape_cast %swap3A_1609 : vector<1x16xf32> to vector<16xf32>
        %swap3A_1611 = vector.shape_cast %add3A_1606 : vector<16xf32> to vector<1x16xf32>
        tpu.vector_store %arg6[%swap3A_1607, %swap3A_1608], %swap3A_1611 {strides = array<i32>} : memref<128x768xf32, #tpu.memory_space<vmem>>, vector<1x16xf32>,
        %mul3A_1612 = arith.constant 4 : i32
        %mul3A_1613 = arith.muli %scan3A_37, %mul3A_1612 : i32
        %add3A_1614 = arith.constant 3 : i32
        %add3A_1615 = arith.addi %mul3A_1613, %add3A_1614 : i32
        %get3A_1616 = arith.index_cast %add3A_1615 : i32 to index
        %get3A_1617 = arith.constant 288 : index
        %get3A_1618 = tpu.vector_load %arg6[%get3A_1616, %get3A_1617] {strides = array<i32>} : memref<128x768xf32, #tpu.memory_space<vmem>>, vector<1x16xf32>,
        %get3A_1619 = vector.shape_cast %get3A_1618 : vector<1x16xf32> to vector<16xf32>
        %get3A_1620 = arith.constant 3 : i32
        %get3A_1621 = arith.index_cast %get3A_1620 : i32 to index
        %get3A_1622 = arith.constant 288 : index
        %get3A_1623 = tpu.vector_load %arg8[%get3A_1621, %get3A_1622] {strides = array<i32>} : memref<4x768xf32, #tpu.memory_space<vmem>>, vector<1x16xf32>,
        %get3A_1624 = vector.shape_cast %get3A_1623 : vector<1x16xf32> to vector<16xf32>
        %add3A_1625 = arith.addf %get3A_1551, %get3A_1624 : vector<16xf32>
        %add3A_1626 = arith.addf %get3A_1619, %add3A_1625 : vector<16xf32>
        %swap3A_1627 = arith.index_cast %add3A_1615 : i32 to index
        %swap3A_1628 = arith.constant 288 : index
        %swap3A_1629 = tpu.vector_load %arg6[%swap3A_1627, %swap3A_1628] {strides = array<i32>} : memref<128x768xf32, #tpu.memory_space<vmem>>, vector<1x16xf32>,
        %swap3A_1630 = vector.shape_cast %swap3A_1629 : vector<1x16xf32> to vector<16xf32>
        %swap3A_1631 = vector.shape_cast %add3A_1626 : vector<16xf32> to vector<1x16xf32>
        tpu.vector_store %arg6[%swap3A_1627, %swap3A_1628], %swap3A_1631 {strides = array<i32>} : memref<128x768xf32, #tpu.memory_space<vmem>>, vector<1x16xf32>,
        %get3A_1632 = arith.index_cast %scan3A_37 : i32 to index
        %get3A_1633 = arith.constant 304 : index
        %get3A_1634 = tpu.vector_load %arg7[%get3A_1632, %get3A_1633] {strides = array<i32>} : memref<32x768xf32, #tpu.memory_space<vmem>>, vector<1x16xf32>,
        %get3A_1635 = vector.shape_cast %get3A_1634 : vector<1x16xf32> to vector<16xf32>
        %mul3A_1636 = arith.constant 4 : i32
        %mul3A_1637 = arith.muli %scan3A_37, %mul3A_1636 : i32
        %add3A_1638 = arith.constant 0 : i32
        %add3A_1639 = arith.addi %mul3A_1637, %add3A_1638 : i32
        %get3A_1640 = arith.index_cast %add3A_1639 : i32 to index
        %get3A_1641 = arith.constant 304 : index
        %get3A_1642 = tpu.vector_load %arg6[%get3A_1640, %get3A_1641] {strides = array<i32>} : memref<128x768xf32, #tpu.memory_space<vmem>>, vector<1x16xf32>,
        %get3A_1643 = vector.shape_cast %get3A_1642 : vector<1x16xf32> to vector<16xf32>
        %get3A_1644 = arith.constant 0 : i32
        %get3A_1645 = arith.index_cast %get3A_1644 : i32 to index
        %get3A_1646 = arith.constant 304 : index
        %get3A_1647 = tpu.vector_load %arg8[%get3A_1645, %get3A_1646] {strides = array<i32>} : memref<4x768xf32, #tpu.memory_space<vmem>>, vector<1x16xf32>,
        %get3A_1648 = vector.shape_cast %get3A_1647 : vector<1x16xf32> to vector<16xf32>
        %add3A_1649 = arith.addf %get3A_1635, %get3A_1648 : vector<16xf32>
        %add3A_1650 = arith.addf %get3A_1643, %add3A_1649 : vector<16xf32>
        %swap3A_1651 = arith.index_cast %add3A_1639 : i32 to index
        %swap3A_1652 = arith.constant 304 : index
        %swap3A_1653 = tpu.vector_load %arg6[%swap3A_1651, %swap3A_1652] {strides = array<i32>} : memref<128x768xf32, #tpu.memory_space<vmem>>, vector<1x16xf32>,
        %swap3A_1654 = vector.shape_cast %swap3A_1653 : vector<1x16xf32> to vector<16xf32>
        %swap3A_1655 = vector.shape_cast %add3A_1650 : vector<16xf32> to vector<1x16xf32>
        tpu.vector_store %arg6[%swap3A_1651, %swap3A_1652], %swap3A_1655 {strides = array<i32>} : memref<128x768xf32, #tpu.memory_space<vmem>>, vector<1x16xf32>,
        %mul3A_1656 = arith.constant 4 : i32
        %mul3A_1657 = arith.muli %scan3A_37, %mul3A_1656 : i32
        %add3A_1658 = arith.constant 1 : i32
        %add3A_1659 = arith.addi %mul3A_1657, %add3A_1658 : i32
        %get3A_1660 = arith.index_cast %add3A_1659 : i32 to index
        %get3A_1661 = arith.constant 304 : index
        %get3A_1662 = tpu.vector_load %arg6[%get3A_1660, %get3A_1661] {strides = array<i32>} : memref<128x768xf32, #tpu.memory_space<vmem>>, vector<1x16xf32>,
        %get3A_1663 = vector.shape_cast %get3A_1662 : vector<1x16xf32> to vector<16xf32>
        %get3A_1664 = arith.constant 1 : i32
        %get3A_1665 = arith.index_cast %get3A_1664 : i32 to index
        %get3A_1666 = arith.constant 304 : index
        %get3A_1667 = tpu.vector_load %arg8[%get3A_1665, %get3A_1666] {strides = array<i32>} : memref<4x768xf32, #tpu.memory_space<vmem>>, vector<1x16xf32>,
        %get3A_1668 = vector.shape_cast %get3A_1667 : vector<1x16xf32> to vector<16xf32>
        %add3A_1669 = arith.addf %get3A_1635, %get3A_1668 : vector<16xf32>
        %add3A_1670 = arith.addf %get3A_1663, %add3A_1669 : vector<16xf32>
        %swap3A_1671 = arith.index_cast %add3A_1659 : i32 to index
        %swap3A_1672 = arith.constant 304 : index
        %swap3A_1673 = tpu.vector_load %arg6[%swap3A_1671, %swap3A_1672] {strides = array<i32>} : memref<128x768xf32, #tpu.memory_space<vmem>>, vector<1x16xf32>,
        %swap3A_1674 = vector.shape_cast %swap3A_1673 : vector<1x16xf32> to vector<16xf32>
        %swap3A_1675 = vector.shape_cast %add3A_1670 : vector<16xf32> to vector<1x16xf32>
        tpu.vector_store %arg6[%swap3A_1671, %swap3A_1672], %swap3A_1675 {strides = array<i32>} : memref<128x768xf32, #tpu.memory_space<vmem>>, vector<1x16xf32>,
        %mul3A_1676 = arith.constant 4 : i32
        %mul3A_1677 = arith.muli %scan3A_37, %mul3A_1676 : i32
        %add3A_1678 = arith.constant 2 : i32
        %add3A_1679 = arith.addi %mul3A_1677, %add3A_1678 : i32
        %get3A_1680 = arith.index_cast %add3A_1679 : i32 to index
        %get3A_1681 = arith.constant 304 : index
        %get3A_1682 = tpu.vector_load %arg6[%get3A_1680, %get3A_1681] {strides = array<i32>} : memref<128x768xf32, #tpu.memory_space<vmem>>, vector<1x16xf32>,
        %get3A_1683 = vector.shape_cast %get3A_1682 : vector<1x16xf32> to vector<16xf32>
        %get3A_1684 = arith.constant 2 : i32
        %get3A_1685 = arith.index_cast %get3A_1684 : i32 to index
        %get3A_1686 = arith.constant 304 : index
        %get3A_1687 = tpu.vector_load %arg8[%get3A_1685, %get3A_1686] {strides = array<i32>} : memref<4x768xf32, #tpu.memory_space<vmem>>, vector<1x16xf32>,
        %get3A_1688 = vector.shape_cast %get3A_1687 : vector<1x16xf32> to vector<16xf32>
        %add3A_1689 = arith.addf %get3A_1635, %get3A_1688 : vector<16xf32>
        %add3A_1690 = arith.addf %get3A_1683, %add3A_1689 : vector<16xf32>
        %swap3A_1691 = arith.index_cast %add3A_1679 : i32 to index
        %swap3A_1692 = arith.constant 304 : index
        %swap3A_1693 = tpu.vector_load %arg6[%swap3A_1691, %swap3A_1692] {strides = array<i32>} : memref<128x768xf32, #tpu.memory_space<vmem>>, vector<1x16xf32>,
        %swap3A_1694 = vector.shape_cast %swap3A_1693 : vector<1x16xf32> to vector<16xf32>
        %swap3A_1695 = vector.shape_cast %add3A_1690 : vector<16xf32> to vector<1x16xf32>
        tpu.vector_store %arg6[%swap3A_1691, %swap3A_1692], %swap3A_1695 {strides = array<i32>} : memref<128x768xf32, #tpu.memory_space<vmem>>, vector<1x16xf32>,
        %mul3A_1696 = arith.constant 4 : i32
        %mul3A_1697 = arith.muli %scan3A_37, %mul3A_1696 : i32
        %add3A_1698 = arith.constant 3 : i32
        %add3A_1699 = arith.addi %mul3A_1697, %add3A_1698 : i32
        %get3A_1700 = arith.index_cast %add3A_1699 : i32 to index
        %get3A_1701 = arith.constant 304 : index
        %get3A_1702 = tpu.vector_load %arg6[%get3A_1700, %get3A_1701] {strides = array<i32>} : memref<128x768xf32, #tpu.memory_space<vmem>>, vector<1x16xf32>,
        %get3A_1703 = vector.shape_cast %get3A_1702 : vector<1x16xf32> to vector<16xf32>
        %get3A_1704 = arith.constant 3 : i32
        %get3A_1705 = arith.index_cast %get3A_1704 : i32 to index
        %get3A_1706 = arith.constant 304 : index
        %get3A_1707 = tpu.vector_load %arg8[%get3A_1705, %get3A_1706] {strides = array<i32>} : memref<4x768xf32, #tpu.memory_space<vmem>>, vector<1x16xf32>,
        %get3A_1708 = vector.shape_cast %get3A_1707 : vector<1x16xf32> to vector<16xf32>
        %add3A_1709 = arith.addf %get3A_1635, %get3A_1708 : vector<16xf32>
        %add3A_1710 = arith.addf %get3A_1703, %add3A_1709 : vector<16xf32>
        %swap3A_1711 = arith.index_cast %add3A_1699 : i32 to index
        %swap3A_1712 = arith.constant 304 : index
        %swap3A_1713 = tpu.vector_load %arg6[%swap3A_1711, %swap3A_1712] {strides = array<i32>} : memref<128x768xf32, #tpu.memory_space<vmem>>, vector<1x16xf32>,
        %swap3A_1714 = vector.shape_cast %swap3A_1713 : vector<1x16xf32> to vector<16xf32>
        %swap3A_1715 = vector.shape_cast %add3A_1710 : vector<16xf32> to vector<1x16xf32>
        tpu.vector_store %arg6[%swap3A_1711, %swap3A_1712], %swap3A_1715 {strides = array<i32>} : memref<128x768xf32, #tpu.memory_space<vmem>>, vector<1x16xf32>,
        %get3A_1716 = arith.index_cast %scan3A_37 : i32 to index
        %get3A_1717 = arith.constant 320 : index
        %get3A_1718 = tpu.vector_load %arg7[%get3A_1716, %get3A_1717] {strides = array<i32>} : memref<32x768xf32, #tpu.memory_space<vmem>>, vector<1x16xf32>,
        %get3A_1719 = vector.shape_cast %get3A_1718 : vector<1x16xf32> to vector<16xf32>
        %mul3A_1720 = arith.constant 4 : i32
        %mul3A_1721 = arith.muli %scan3A_37, %mul3A_1720 : i32
        %add3A_1722 = arith.constant 0 : i32
        %add3A_1723 = arith.addi %mul3A_1721, %add3A_1722 : i32
        %get3A_1724 = arith.index_cast %add3A_1723 : i32 to index
        %get3A_1725 = arith.constant 320 : index
        %get3A_1726 = tpu.vector_load %arg6[%get3A_1724, %get3A_1725] {strides = array<i32>} : memref<128x768xf32, #tpu.memory_space<vmem>>, vector<1x16xf32>,
        %get3A_1727 = vector.shape_cast %get3A_1726 : vector<1x16xf32> to vector<16xf32>
        %get3A_1728 = arith.constant 0 : i32
        %get3A_1729 = arith.index_cast %get3A_1728 : i32 to index
        %get3A_1730 = arith.constant 320 : index
        %get3A_1731 = tpu.vector_load %arg8[%get3A_1729, %get3A_1730] {strides = array<i32>} : memref<4x768xf32, #tpu.memory_space<vmem>>, vector<1x16xf32>,
        %get3A_1732 = vector.shape_cast %get3A_1731 : vector<1x16xf32> to vector<16xf32>
        %add3A_1733 = arith.addf %get3A_1719, %get3A_1732 : vector<16xf32>
        %add3A_1734 = arith.addf %get3A_1727, %add3A_1733 : vector<16xf32>
        %swap3A_1735 = arith.index_cast %add3A_1723 : i32 to index
        %swap3A_1736 = arith.constant 320 : index
        %swap3A_1737 = tpu.vector_load %arg6[%swap3A_1735, %swap3A_1736] {strides = array<i32>} : memref<128x768xf32, #tpu.memory_space<vmem>>, vector<1x16xf32>,
        %swap3A_1738 = vector.shape_cast %swap3A_1737 : vector<1x16xf32> to vector<16xf32>
        %swap3A_1739 = vector.shape_cast %add3A_1734 : vector<16xf32> to vector<1x16xf32>
        tpu.vector_store %arg6[%swap3A_1735, %swap3A_1736], %swap3A_1739 {strides = array<i32>} : memref<128x768xf32, #tpu.memory_space<vmem>>, vector<1x16xf32>,
        %mul3A_1740 = arith.constant 4 : i32
        %mul3A_1741 = arith.muli %scan3A_37, %mul3A_1740 : i32
        %add3A_1742 = arith.constant 1 : i32
        %add3A_1743 = arith.addi %mul3A_1741, %add3A_1742 : i32
        %get3A_1744 = arith.index_cast %add3A_1743 : i32 to index
        %get3A_1745 = arith.constant 320 : index
        %get3A_1746 = tpu.vector_load %arg6[%get3A_1744, %get3A_1745] {strides = array<i32>} : memref<128x768xf32, #tpu.memory_space<vmem>>, vector<1x16xf32>,
        %get3A_1747 = vector.shape_cast %get3A_1746 : vector<1x16xf32> to vector<16xf32>
        %get3A_1748 = arith.constant 1 : i32
        %get3A_1749 = arith.index_cast %get3A_1748 : i32 to index
        %get3A_1750 = arith.constant 320 : index
        %get3A_1751 = tpu.vector_load %arg8[%get3A_1749, %get3A_1750] {strides = array<i32>} : memref<4x768xf32, #tpu.memory_space<vmem>>, vector<1x16xf32>,
        %get3A_1752 = vector.shape_cast %get3A_1751 : vector<1x16xf32> to vector<16xf32>
        %add3A_1753 = arith.addf %get3A_1719, %get3A_1752 : vector<16xf32>
        %add3A_1754 = arith.addf %get3A_1747, %add3A_1753 : vector<16xf32>
        %swap3A_1755 = arith.index_cast %add3A_1743 : i32 to index
        %swap3A_1756 = arith.constant 320 : index
        %swap3A_1757 = tpu.vector_load %arg6[%swap3A_1755, %swap3A_1756] {strides = array<i32>} : memref<128x768xf32, #tpu.memory_space<vmem>>, vector<1x16xf32>,
        %swap3A_1758 = vector.shape_cast %swap3A_1757 : vector<1x16xf32> to vector<16xf32>
        %swap3A_1759 = vector.shape_cast %add3A_1754 : vector<16xf32> to vector<1x16xf32>
        tpu.vector_store %arg6[%swap3A_1755, %swap3A_1756], %swap3A_1759 {strides = array<i32>} : memref<128x768xf32, #tpu.memory_space<vmem>>, vector<1x16xf32>,
        %mul3A_1760 = arith.constant 4 : i32
        %mul3A_1761 = arith.muli %scan3A_37, %mul3A_1760 : i32
        %add3A_1762 = arith.constant 2 : i32
        %add3A_1763 = arith.addi %mul3A_1761, %add3A_1762 : i32
        %get3A_1764 = arith.index_cast %add3A_1763 : i32 to index
        %get3A_1765 = arith.constant 320 : index
        %get3A_1766 = tpu.vector_load %arg6[%get3A_1764, %get3A_1765] {strides = array<i32>} : memref<128x768xf32, #tpu.memory_space<vmem>>, vector<1x16xf32>,
        %get3A_1767 = vector.shape_cast %get3A_1766 : vector<1x16xf32> to vector<16xf32>
        %get3A_1768 = arith.constant 2 : i32
        %get3A_1769 = arith.index_cast %get3A_1768 : i32 to index
        %get3A_1770 = arith.constant 320 : index
        %get3A_1771 = tpu.vector_load %arg8[%get3A_1769, %get3A_1770] {strides = array<i32>} : memref<4x768xf32, #tpu.memory_space<vmem>>, vector<1x16xf32>,
        %get3A_1772 = vector.shape_cast %get3A_1771 : vector<1x16xf32> to vector<16xf32>
        %add3A_1773 = arith.addf %get3A_1719, %get3A_1772 : vector<16xf32>
        %add3A_1774 = arith.addf %get3A_1767, %add3A_1773 : vector<16xf32>
        %swap3A_1775 = arith.index_cast %add3A_1763 : i32 to index
        %swap3A_1776 = arith.constant 320 : index
        %swap3A_1777 = tpu.vector_load %arg6[%swap3A_1775, %swap3A_1776] {strides = array<i32>} : memref<128x768xf32, #tpu.memory_space<vmem>>, vector<1x16xf32>,
        %swap3A_1778 = vector.shape_cast %swap3A_1777 : vector<1x16xf32> to vector<16xf32>
        %swap3A_1779 = vector.shape_cast %add3A_1774 : vector<16xf32> to vector<1x16xf32>
        tpu.vector_store %arg6[%swap3A_1775, %swap3A_1776], %swap3A_1779 {strides = array<i32>} : memref<128x768xf32, #tpu.memory_space<vmem>>, vector<1x16xf32>,
        %mul3A_1780 = arith.constant 4 : i32
        %mul3A_1781 = arith.muli %scan3A_37, %mul3A_1780 : i32
        %add3A_1782 = arith.constant 3 : i32
        %add3A_1783 = arith.addi %mul3A_1781, %add3A_1782 : i32
        %get3A_1784 = arith.index_cast %add3A_1783 : i32 to index
        %get3A_1785 = arith.constant 320 : index
        %get3A_1786 = tpu.vector_load %arg6[%get3A_1784, %get3A_1785] {strides = array<i32>} : memref<128x768xf32, #tpu.memory_space<vmem>>, vector<1x16xf32>,
        %get3A_1787 = vector.shape_cast %get3A_1786 : vector<1x16xf32> to vector<16xf32>
        %get3A_1788 = arith.constant 3 : i32
        %get3A_1789 = arith.index_cast %get3A_1788 : i32 to index
        %get3A_1790 = arith.constant 320 : index
        %get3A_1791 = tpu.vector_load %arg8[%get3A_1789, %get3A_1790] {strides = array<i32>} : memref<4x768xf32, #tpu.memory_space<vmem>>, vector<1x16xf32>,
        %get3A_1792 = vector.shape_cast %get3A_1791 : vector<1x16xf32> to vector<16xf32>
        %add3A_1793 = arith.addf %get3A_1719, %get3A_1792 : vector<16xf32>
        %add3A_1794 = arith.addf %get3A_1787, %add3A_1793 : vector<16xf32>
        %swap3A_1795 = arith.index_cast %add3A_1783 : i32 to index
        %swap3A_1796 = arith.constant 320 : index
        %swap3A_1797 = tpu.vector_load %arg6[%swap3A_1795, %swap3A_1796] {strides = array<i32>} : memref<128x768xf32, #tpu.memory_space<vmem>>, vector<1x16xf32>,
        %swap3A_1798 = vector.shape_cast %swap3A_1797 : vector<1x16xf32> to vector<16xf32>
        %swap3A_1799 = vector.shape_cast %add3A_1794 : vector<16xf32> to vector<1x16xf32>
        tpu.vector_store %arg6[%swap3A_1795, %swap3A_1796], %swap3A_1799 {strides = array<i32>} : memref<128x768xf32, #tpu.memory_space<vmem>>, vector<1x16xf32>,
        %get3A_1800 = arith.index_cast %scan3A_37 : i32 to index
        %get3A_1801 = arith.constant 336 : index
        %get3A_1802 = tpu.vector_load %arg7[%get3A_1800, %get3A_1801] {strides = array<i32>} : memref<32x768xf32, #tpu.memory_space<vmem>>, vector<1x16xf32>,
        %get3A_1803 = vector.shape_cast %get3A_1802 : vector<1x16xf32> to vector<16xf32>
        %mul3A_1804 = arith.constant 4 : i32
        %mul3A_1805 = arith.muli %scan3A_37, %mul3A_1804 : i32
        %add3A_1806 = arith.constant 0 : i32
        %add3A_1807 = arith.addi %mul3A_1805, %add3A_1806 : i32
        %get3A_1808 = arith.index_cast %add3A_1807 : i32 to index
        %get3A_1809 = arith.constant 336 : index
        %get3A_1810 = tpu.vector_load %arg6[%get3A_1808, %get3A_1809] {strides = array<i32>} : memref<128x768xf32, #tpu.memory_space<vmem>>, vector<1x16xf32>,
        %get3A_1811 = vector.shape_cast %get3A_1810 : vector<1x16xf32> to vector<16xf32>
        %get3A_1812 = arith.constant 0 : i32
        %get3A_1813 = arith.index_cast %get3A_1812 : i32 to index
        %get3A_1814 = arith.constant 336 : index
        %get3A_1815 = tpu.vector_load %arg8[%get3A_1813, %get3A_1814] {strides = array<i32>} : memref<4x768xf32, #tpu.memory_space<vmem>>, vector<1x16xf32>,
        %get3A_1816 = vector.shape_cast %get3A_1815 : vector<1x16xf32> to vector<16xf32>
        %add3A_1817 = arith.addf %get3A_1803, %get3A_1816 : vector<16xf32>
        %add3A_1818 = arith.addf %get3A_1811, %add3A_1817 : vector<16xf32>
        %swap3A_1819 = arith.index_cast %add3A_1807 : i32 to index
        %swap3A_1820 = arith.constant 336 : index
        %swap3A_1821 = tpu.vector_load %arg6[%swap3A_1819, %swap3A_1820] {strides = array<i32>} : memref<128x768xf32, #tpu.memory_space<vmem>>, vector<1x16xf32>,
        %swap3A_1822 = vector.shape_cast %swap3A_1821 : vector<1x16xf32> to vector<16xf32>
        %swap3A_1823 = vector.shape_cast %add3A_1818 : vector<16xf32> to vector<1x16xf32>
        tpu.vector_store %arg6[%swap3A_1819, %swap3A_1820], %swap3A_1823 {strides = array<i32>} : memref<128x768xf32, #tpu.memory_space<vmem>>, vector<1x16xf32>,
        %mul3A_1824 = arith.constant 4 : i32
        %mul3A_1825 = arith.muli %scan3A_37, %mul3A_1824 : i32
        %add3A_1826 = arith.constant 1 : i32
        %add3A_1827 = arith.addi %mul3A_1825, %add3A_1826 : i32
        %get3A_1828 = arith.index_cast %add3A_1827 : i32 to index
        %get3A_1829 = arith.constant 336 : index
        %get3A_1830 = tpu.vector_load %arg6[%get3A_1828, %get3A_1829] {strides = array<i32>} : memref<128x768xf32, #tpu.memory_space<vmem>>, vector<1x16xf32>,
        %get3A_1831 = vector.shape_cast %get3A_1830 : vector<1x16xf32> to vector<16xf32>
        %get3A_1832 = arith.constant 1 : i32
        %get3A_1833 = arith.index_cast %get3A_1832 : i32 to index
        %get3A_1834 = arith.constant 336 : index
        %get3A_1835 = tpu.vector_load %arg8[%get3A_1833, %get3A_1834] {strides = array<i32>} : memref<4x768xf32, #tpu.memory_space<vmem>>, vector<1x16xf32>,
        %get3A_1836 = vector.shape_cast %get3A_1835 : vector<1x16xf32> to vector<16xf32>
        %add3A_1837 = arith.addf %get3A_1803, %get3A_1836 : vector<16xf32>
        %add3A_1838 = arith.addf %get3A_1831, %add3A_1837 : vector<16xf32>
        %swap3A_1839 = arith.index_cast %add3A_1827 : i32 to index
        %swap3A_1840 = arith.constant 336 : index
        %swap3A_1841 = tpu.vector_load %arg6[%swap3A_1839, %swap3A_1840] {strides = array<i32>} : memref<128x768xf32, #tpu.memory_space<vmem>>, vector<1x16xf32>,
        %swap3A_1842 = vector.shape_cast %swap3A_1841 : vector<1x16xf32> to vector<16xf32>
        %swap3A_1843 = vector.shape_cast %add3A_1838 : vector<16xf32> to vector<1x16xf32>
        tpu.vector_store %arg6[%swap3A_1839, %swap3A_1840], %swap3A_1843 {strides = array<i32>} : memref<128x768xf32, #tpu.memory_space<vmem>>, vector<1x16xf32>,
        %mul3A_1844 = arith.constant 4 : i32
        %mul3A_1845 = arith.muli %scan3A_37, %mul3A_1844 : i32
        %add3A_1846 = arith.constant 2 : i32
        %add3A_1847 = arith.addi %mul3A_1845, %add3A_1846 : i32
        %get3A_1848 = arith.index_cast %add3A_1847 : i32 to index
        %get3A_1849 = arith.constant 336 : index
        %get3A_1850 = tpu.vector_load %arg6[%get3A_1848, %get3A_1849] {strides = array<i32>} : memref<128x768xf32, #tpu.memory_space<vmem>>, vector<1x16xf32>,
        %get3A_1851 = vector.shape_cast %get3A_1850 : vector<1x16xf32> to vector<16xf32>
        %get3A_1852 = arith.constant 2 : i32
        %get3A_1853 = arith.index_cast %get3A_1852 : i32 to index
        %get3A_1854 = arith.constant 336 : index
        %get3A_1855 = tpu.vector_load %arg8[%get3A_1853, %get3A_1854] {strides = array<i32>} : memref<4x768xf32, #tpu.memory_space<vmem>>, vector<1x16xf32>,
        %get3A_1856 = vector.shape_cast %get3A_1855 : vector<1x16xf32> to vector<16xf32>
        %add3A_1857 = arith.addf %get3A_1803, %get3A_1856 : vector<16xf32>
        %add3A_1858 = arith.addf %get3A_1851, %add3A_1857 : vector<16xf32>
        %swap3A_1859 = arith.index_cast %add3A_1847 : i32 to index
        %swap3A_1860 = arith.constant 336 : index
        %swap3A_1861 = tpu.vector_load %arg6[%swap3A_1859, %swap3A_1860] {strides = array<i32>} : memref<128x768xf32, #tpu.memory_space<vmem>>, vector<1x16xf32>,
        %swap3A_1862 = vector.shape_cast %swap3A_1861 : vector<1x16xf32> to vector<16xf32>
        %swap3A_1863 = vector.shape_cast %add3A_1858 : vector<16xf32> to vector<1x16xf32>
        tpu.vector_store %arg6[%swap3A_1859, %swap3A_1860], %swap3A_1863 {strides = array<i32>} : memref<128x768xf32, #tpu.memory_space<vmem>>, vector<1x16xf32>,
        %mul3A_1864 = arith.constant 4 : i32
        %mul3A_1865 = arith.muli %scan3A_37, %mul3A_1864 : i32
        %add3A_1866 = arith.constant 3 : i32
        %add3A_1867 = arith.addi %mul3A_1865, %add3A_1866 : i32
        %get3A_1868 = arith.index_cast %add3A_1867 : i32 to index
        %get3A_1869 = arith.constant 336 : index
        %get3A_1870 = tpu.vector_load %arg6[%get3A_1868, %get3A_1869] {strides = array<i32>} : memref<128x768xf32, #tpu.memory_space<vmem>>, vector<1x16xf32>,
        %get3A_1871 = vector.shape_cast %get3A_1870 : vector<1x16xf32> to vector<16xf32>
        %get3A_1872 = arith.constant 3 : i32
        %get3A_1873 = arith.index_cast %get3A_1872 : i32 to index
        %get3A_1874 = arith.constant 336 : index
        %get3A_1875 = tpu.vector_load %arg8[%get3A_1873, %get3A_1874] {strides = array<i32>} : memref<4x768xf32, #tpu.memory_space<vmem>>, vector<1x16xf32>,
        %get3A_1876 = vector.shape_cast %get3A_1875 : vector<1x16xf32> to vector<16xf32>
        %add3A_1877 = arith.addf %get3A_1803, %get3A_1876 : vector<16xf32>
        %add3A_1878 = arith.addf %get3A_1871, %add3A_1877 : vector<16xf32>
        %swap3A_1879 = arith.index_cast %add3A_1867 : i32 to index
        %swap3A_1880 = arith.constant 336 : index
        %swap3A_1881 = tpu.vector_load %arg6[%swap3A_1879, %swap3A_1880] {strides = array<i32>} : memref<128x768xf32, #tpu.memory_space<vmem>>, vector<1x16xf32>,
        %swap3A_1882 = vector.shape_cast %swap3A_1881 : vector<1x16xf32> to vector<16xf32>
        %swap3A_1883 = vector.shape_cast %add3A_1878 : vector<16xf32> to vector<1x16xf32>
        tpu.vector_store %arg6[%swap3A_1879, %swap3A_1880], %swap3A_1883 {strides = array<i32>} : memref<128x768xf32, #tpu.memory_space<vmem>>, vector<1x16xf32>,
        %get3A_1884 = arith.index_cast %scan3A_37 : i32 to index
        %get3A_1885 = arith.constant 352 : index
        %get3A_1886 = tpu.vector_load %arg7[%get3A_1884, %get3A_1885] {strides = array<i32>} : memref<32x768xf32, #tpu.memory_space<vmem>>, vector<1x16xf32>,
        %get3A_1887 = vector.shape_cast %get3A_1886 : vector<1x16xf32> to vector<16xf32>
        %mul3A_1888 = arith.constant 4 : i32
        %mul3A_1889 = arith.muli %scan3A_37, %mul3A_1888 : i32
        %add3A_1890 = arith.constant 0 : i32
        %add3A_1891 = arith.addi %mul3A_1889, %add3A_1890 : i32
        %get3A_1892 = arith.index_cast %add3A_1891 : i32 to index
        %get3A_1893 = arith.constant 352 : index
        %get3A_1894 = tpu.vector_load %arg6[%get3A_1892, %get3A_1893] {strides = array<i32>} : memref<128x768xf32, #tpu.memory_space<vmem>>, vector<1x16xf32>,
        %get3A_1895 = vector.shape_cast %get3A_1894 : vector<1x16xf32> to vector<16xf32>
        %get3A_1896 = arith.constant 0 : i32
        %get3A_1897 = arith.index_cast %get3A_1896 : i32 to index
        %get3A_1898 = arith.constant 352 : index
        %get3A_1899 = tpu.vector_load %arg8[%get3A_1897, %get3A_1898] {strides = array<i32>} : memref<4x768xf32, #tpu.memory_space<vmem>>, vector<1x16xf32>,
        %get3A_1900 = vector.shape_cast %get3A_1899 : vector<1x16xf32> to vector<16xf32>
        %add3A_1901 = arith.addf %get3A_1887, %get3A_1900 : vector<16xf32>
        %add3A_1902 = arith.addf %get3A_1895, %add3A_1901 : vector<16xf32>
        %swap3A_1903 = arith.index_cast %add3A_1891 : i32 to index
        %swap3A_1904 = arith.constant 352 : index
        %swap3A_1905 = tpu.vector_load %arg6[%swap3A_1903, %swap3A_1904] {strides = array<i32>} : memref<128x768xf32, #tpu.memory_space<vmem>>, vector<1x16xf32>,
        %swap3A_1906 = vector.shape_cast %swap3A_1905 : vector<1x16xf32> to vector<16xf32>
        %swap3A_1907 = vector.shape_cast %add3A_1902 : vector<16xf32> to vector<1x16xf32>
        tpu.vector_store %arg6[%swap3A_1903, %swap3A_1904], %swap3A_1907 {strides = array<i32>} : memref<128x768xf32, #tpu.memory_space<vmem>>, vector<1x16xf32>,
        %mul3A_1908 = arith.constant 4 : i32
        %mul3A_1909 = arith.muli %scan3A_37, %mul3A_1908 : i32
        %add3A_1910 = arith.constant 1 : i32
        %add3A_1911 = arith.addi %mul3A_1909, %add3A_1910 : i32
        %get3A_1912 = arith.index_cast %add3A_1911 : i32 to index
        %get3A_1913 = arith.constant 352 : index
        %get3A_1914 = tpu.vector_load %arg6[%get3A_1912, %get3A_1913] {strides = array<i32>} : memref<128x768xf32, #tpu.memory_space<vmem>>, vector<1x16xf32>,
        %get3A_1915 = vector.shape_cast %get3A_1914 : vector<1x16xf32> to vector<16xf32>
        %get3A_1916 = arith.constant 1 : i32
        %get3A_1917 = arith.index_cast %get3A_1916 : i32 to index
        %get3A_1918 = arith.constant 352 : index
        %get3A_1919 = tpu.vector_load %arg8[%get3A_1917, %get3A_1918] {strides = array<i32>} : memref<4x768xf32, #tpu.memory_space<vmem>>, vector<1x16xf32>,
        %get3A_1920 = vector.shape_cast %get3A_1919 : vector<1x16xf32> to vector<16xf32>
        %add3A_1921 = arith.addf %get3A_1887, %get3A_1920 : vector<16xf32>
        %add3A_1922 = arith.addf %get3A_1915, %add3A_1921 : vector<16xf32>
        %swap3A_1923 = arith.index_cast %add3A_1911 : i32 to index
        %swap3A_1924 = arith.constant 352 : index
        %swap3A_1925 = tpu.vector_load %arg6[%swap3A_1923, %swap3A_1924] {strides = array<i32>} : memref<128x768xf32, #tpu.memory_space<vmem>>, vector<1x16xf32>,
        %swap3A_1926 = vector.shape_cast %swap3A_1925 : vector<1x16xf32> to vector<16xf32>
        %swap3A_1927 = vector.shape_cast %add3A_1922 : vector<16xf32> to vector<1x16xf32>
        tpu.vector_store %arg6[%swap3A_1923, %swap3A_1924], %swap3A_1927 {strides = array<i32>} : memref<128x768xf32, #tpu.memory_space<vmem>>, vector<1x16xf32>,
        %mul3A_1928 = arith.constant 4 : i32
        %mul3A_1929 = arith.muli %scan3A_37, %mul3A_1928 : i32
        %add3A_1930 = arith.constant 2 : i32
        %add3A_1931 = arith.addi %mul3A_1929, %add3A_1930 : i32
        %get3A_1932 = arith.index_cast %add3A_1931 : i32 to index
        %get3A_1933 = arith.constant 352 : index
        %get3A_1934 = tpu.vector_load %arg6[%get3A_1932, %get3A_1933] {strides = array<i32>} : memref<128x768xf32, #tpu.memory_space<vmem>>, vector<1x16xf32>,
        %get3A_1935 = vector.shape_cast %get3A_1934 : vector<1x16xf32> to vector<16xf32>
        %get3A_1936 = arith.constant 2 : i32
        %get3A_1937 = arith.index_cast %get3A_1936 : i32 to index
        %get3A_1938 = arith.constant 352 : index
        %get3A_1939 = tpu.vector_load %arg8[%get3A_1937, %get3A_1938] {strides = array<i32>} : memref<4x768xf32, #tpu.memory_space<vmem>>, vector<1x16xf32>,
        %get3A_1940 = vector.shape_cast %get3A_1939 : vector<1x16xf32> to vector<16xf32>
        %add3A_1941 = arith.addf %get3A_1887, %get3A_1940 : vector<16xf32>
        %add3A_1942 = arith.addf %get3A_1935, %add3A_1941 : vector<16xf32>
        %swap3A_1943 = arith.index_cast %add3A_1931 : i32 to index
        %swap3A_1944 = arith.constant 352 : index
        %swap3A_1945 = tpu.vector_load %arg6[%swap3A_1943, %swap3A_1944] {strides = array<i32>} : memref<128x768xf32, #tpu.memory_space<vmem>>, vector<1x16xf32>,
        %swap3A_1946 = vector.shape_cast %swap3A_1945 : vector<1x16xf32> to vector<16xf32>
        %swap3A_1947 = vector.shape_cast %add3A_1942 : vector<16xf32> to vector<1x16xf32>
        tpu.vector_store %arg6[%swap3A_1943, %swap3A_1944], %swap3A_1947 {strides = array<i32>} : memref<128x768xf32, #tpu.memory_space<vmem>>, vector<1x16xf32>,
        %mul3A_1948 = arith.constant 4 : i32
        %mul3A_1949 = arith.muli %scan3A_37, %mul3A_1948 : i32
        %add3A_1950 = arith.constant 3 : i32
        %add3A_1951 = arith.addi %mul3A_1949, %add3A_1950 : i32
        %get3A_1952 = arith.index_cast %add3A_1951 : i32 to index
        %get3A_1953 = arith.constant 352 : index
        %get3A_1954 = tpu.vector_load %arg6[%get3A_1952, %get3A_1953] {strides = array<i32>} : memref<128x768xf32, #tpu.memory_space<vmem>>, vector<1x16xf32>,
        %get3A_1955 = vector.shape_cast %get3A_1954 : vector<1x16xf32> to vector<16xf32>
        %get3A_1956 = arith.constant 3 : i32
        %get3A_1957 = arith.index_cast %get3A_1956 : i32 to index
        %get3A_1958 = arith.constant 352 : index
        %get3A_1959 = tpu.vector_load %arg8[%get3A_1957, %get3A_1958] {strides = array<i32>} : memref<4x768xf32, #tpu.memory_space<vmem>>, vector<1x16xf32>,
        %get3A_1960 = vector.shape_cast %get3A_1959 : vector<1x16xf32> to vector<16xf32>
        %add3A_1961 = arith.addf %get3A_1887, %get3A_1960 : vector<16xf32>
        %add3A_1962 = arith.addf %get3A_1955, %add3A_1961 : vector<16xf32>
        %swap3A_1963 = arith.index_cast %add3A_1951 : i32 to index
        %swap3A_1964 = arith.constant 352 : index
        %swap3A_1965 = tpu.vector_load %arg6[%swap3A_1963, %swap3A_1964] {strides = array<i32>} : memref<128x768xf32, #tpu.memory_space<vmem>>, vector<1x16xf32>,
        %swap3A_1966 = vector.shape_cast %swap3A_1965 : vector<1x16xf32> to vector<16xf32>
        %swap3A_1967 = vector.shape_cast %add3A_1962 : vector<16xf32> to vector<1x16xf32>
        tpu.vector_store %arg6[%swap3A_1963, %swap3A_1964], %swap3A_1967 {strides = array<i32>} : memref<128x768xf32, #tpu.memory_space<vmem>>, vector<1x16xf32>,
        %get3A_1968 = arith.index_cast %scan3A_37 : i32 to index
        %get3A_1969 = arith.constant 368 : index
        %get3A_1970 = tpu.vector_load %arg7[%get3A_1968, %get3A_1969] {strides = array<i32>} : memref<32x768xf32, #tpu.memory_space<vmem>>, vector<1x16xf32>,
        %get3A_1971 = vector.shape_cast %get3A_1970 : vector<1x16xf32> to vector<16xf32>
        %mul3A_1972 = arith.constant 4 : i32
        %mul3A_1973 = arith.muli %scan3A_37, %mul3A_1972 : i32
        %add3A_1974 = arith.constant 0 : i32
        %add3A_1975 = arith.addi %mul3A_1973, %add3A_1974 : i32
        %get3A_1976 = arith.index_cast %add3A_1975 : i32 to index
        %get3A_1977 = arith.constant 368 : index
        %get3A_1978 = tpu.vector_load %arg6[%get3A_1976, %get3A_1977] {strides = array<i32>} : memref<128x768xf32, #tpu.memory_space<vmem>>, vector<1x16xf32>,
        %get3A_1979 = vector.shape_cast %get3A_1978 : vector<1x16xf32> to vector<16xf32>
        %get3A_1980 = arith.constant 0 : i32
        %get3A_1981 = arith.index_cast %get3A_1980 : i32 to index
        %get3A_1982 = arith.constant 368 : index
        %get3A_1983 = tpu.vector_load %arg8[%get3A_1981, %get3A_1982] {strides = array<i32>} : memref<4x768xf32, #tpu.memory_space<vmem>>, vector<1x16xf32>,
        %get3A_1984 = vector.shape_cast %get3A_1983 : vector<1x16xf32> to vector<16xf32>
        %add3A_1985 = arith.addf %get3A_1971, %get3A_1984 : vector<16xf32>
        %add3A_1986 = arith.addf %get3A_1979, %add3A_1985 : vector<16xf32>
        %swap3A_1987 = arith.index_cast %add3A_1975 : i32 to index
        %swap3A_1988 = arith.constant 368 : index
        %swap3A_1989 = tpu.vector_load %arg6[%swap3A_1987, %swap3A_1988] {strides = array<i32>} : memref<128x768xf32, #tpu.memory_space<vmem>>, vector<1x16xf32>,
        %swap3A_1990 = vector.shape_cast %swap3A_1989 : vector<1x16xf32> to vector<16xf32>
        %swap3A_1991 = vector.shape_cast %add3A_1986 : vector<16xf32> to vector<1x16xf32>
        tpu.vector_store %arg6[%swap3A_1987, %swap3A_1988], %swap3A_1991 {strides = array<i32>} : memref<128x768xf32, #tpu.memory_space<vmem>>, vector<1x16xf32>,
        %mul3A_1992 = arith.constant 4 : i32
        %mul3A_1993 = arith.muli %scan3A_37, %mul3A_1992 : i32
        %add3A_1994 = arith.constant 1 : i32
        %add3A_1995 = arith.addi %mul3A_1993, %add3A_1994 : i32
        %get3A_1996 = arith.index_cast %add3A_1995 : i32 to index
        %get3A_1997 = arith.constant 368 : index
        %get3A_1998 = tpu.vector_load %arg6[%get3A_1996, %get3A_1997] {strides = array<i32>} : memref<128x768xf32, #tpu.memory_space<vmem>>, vector<1x16xf32>,
        %get3A_1999 = vector.shape_cast %get3A_1998 : vector<1x16xf32> to vector<16xf32>
        %get3A_2000 = arith.constant 1 : i32
        %get3A_2001 = arith.index_cast %get3A_2000 : i32 to index
        %get3A_2002 = arith.constant 368 : index
        %get3A_2003 = tpu.vector_load %arg8[%get3A_2001, %get3A_2002] {strides = array<i32>} : memref<4x768xf32, #tpu.memory_space<vmem>>, vector<1x16xf32>,
        %get3A_2004 = vector.shape_cast %get3A_2003 : vector<1x16xf32> to vector<16xf32>
        %add3A_2005 = arith.addf %get3A_1971, %get3A_2004 : vector<16xf32>
        %add3A_2006 = arith.addf %get3A_1999, %add3A_2005 : vector<16xf32>
        %swap3A_2007 = arith.index_cast %add3A_1995 : i32 to index
        %swap3A_2008 = arith.constant 368 : index
        %swap3A_2009 = tpu.vector_load %arg6[%swap3A_2007, %swap3A_2008] {strides = array<i32>} : memref<128x768xf32, #tpu.memory_space<vmem>>, vector<1x16xf32>,
        %swap3A_2010 = vector.shape_cast %swap3A_2009 : vector<1x16xf32> to vector<16xf32>
        %swap3A_2011 = vector.shape_cast %add3A_2006 : vector<16xf32> to vector<1x16xf32>
        tpu.vector_store %arg6[%swap3A_2007, %swap3A_2008], %swap3A_2011 {strides = array<i32>} : memref<128x768xf32, #tpu.memory_space<vmem>>, vector<1x16xf32>,
        %mul3A_2012 = arith.constant 4 : i32
        %mul3A_2013 = arith.muli %scan3A_37, %mul3A_2012 : i32
        %add3A_2014 = arith.constant 2 : i32
        %add3A_2015 = arith.addi %mul3A_2013, %add3A_2014 : i32
        %get3A_2016 = arith.index_cast %add3A_2015 : i32 to index
        %get3A_2017 = arith.constant 368 : index
        %get3A_2018 = tpu.vector_load %arg6[%get3A_2016, %get3A_2017] {strides = array<i32>} : memref<128x768xf32, #tpu.memory_space<vmem>>, vector<1x16xf32>,
        %get3A_2019 = vector.shape_cast %get3A_2018 : vector<1x16xf32> to vector<16xf32>
        %get3A_2020 = arith.constant 2 : i32
        %get3A_2021 = arith.index_cast %get3A_2020 : i32 to index
        %get3A_2022 = arith.constant 368 : index
        %get3A_2023 = tpu.vector_load %arg8[%get3A_2021, %get3A_2022] {strides = array<i32>} : memref<4x768xf32, #tpu.memory_space<vmem>>, vector<1x16xf32>,
        %get3A_2024 = vector.shape_cast %get3A_2023 : vector<1x16xf32> to vector<16xf32>
        %add3A_2025 = arith.addf %get3A_1971, %get3A_2024 : vector<16xf32>
        %add3A_2026 = arith.addf %get3A_2019, %add3A_2025 : vector<16xf32>
        %swap3A_2027 = arith.index_cast %add3A_2015 : i32 to index
        %swap3A_2028 = arith.constant 368 : index
        %swap3A_2029 = tpu.vector_load %arg6[%swap3A_2027, %swap3A_2028] {strides = array<i32>} : memref<128x768xf32, #tpu.memory_space<vmem>>, vector<1x16xf32>,
        %swap3A_2030 = vector.shape_cast %swap3A_2029 : vector<1x16xf32> to vector<16xf32>
        %swap3A_2031 = vector.shape_cast %add3A_2026 : vector<16xf32> to vector<1x16xf32>
        tpu.vector_store %arg6[%swap3A_2027, %swap3A_2028], %swap3A_2031 {strides = array<i32>} : memref<128x768xf32, #tpu.memory_space<vmem>>, vector<1x16xf32>,
        %mul3A_2032 = arith.constant 4 : i32
        %mul3A_2033 = arith.muli %scan3A_37, %mul3A_2032 : i32
        %add3A_2034 = arith.constant 3 : i32
        %add3A_2035 = arith.addi %mul3A_2033, %add3A_2034 : i32
        %get3A_2036 = arith.index_cast %add3A_2035 : i32 to index
        %get3A_2037 = arith.constant 368 : index
        %get3A_2038 = tpu.vector_load %arg6[%get3A_2036, %get3A_2037] {strides = array<i32>} : memref<128x768xf32, #tpu.memory_space<vmem>>, vector<1x16xf32>,
        %get3A_2039 = vector.shape_cast %get3A_2038 : vector<1x16xf32> to vector<16xf32>
        %get3A_2040 = arith.constant 3 : i32
        %get3A_2041 = arith.index_cast %get3A_2040 : i32 to index
        %get3A_2042 = arith.constant 368 : index
        %get3A_2043 = tpu.vector_load %arg8[%get3A_2041, %get3A_2042] {strides = array<i32>} : memref<4x768xf32, #tpu.memory_space<vmem>>, vector<1x16xf32>,
        %get3A_2044 = vector.shape_cast %get3A_2043 : vector<1x16xf32> to vector<16xf32>
        %add3A_2045 = arith.addf %get3A_1971, %get3A_2044 : vector<16xf32>
        %add3A_2046 = arith.addf %get3A_2039, %add3A_2045 : vector<16xf32>
        %swap3A_2047 = arith.index_cast %add3A_2035 : i32 to index
        %swap3A_2048 = arith.constant 368 : index
        %swap3A_2049 = tpu.vector_load %arg6[%swap3A_2047, %swap3A_2048] {strides = array<i32>} : memref<128x768xf32, #tpu.memory_space<vmem>>, vector<1x16xf32>,
        %swap3A_2050 = vector.shape_cast %swap3A_2049 : vector<1x16xf32> to vector<16xf32>
        %swap3A_2051 = vector.shape_cast %add3A_2046 : vector<16xf32> to vector<1x16xf32>
        tpu.vector_store %arg6[%swap3A_2047, %swap3A_2048], %swap3A_2051 {strides = array<i32>} : memref<128x768xf32, #tpu.memory_space<vmem>>, vector<1x16xf32>,
        %get3A_2052 = arith.index_cast %scan3A_37 : i32 to index
        %get3A_2053 = arith.constant 384 : index
        %get3A_2054 = tpu.vector_load %arg7[%get3A_2052, %get3A_2053] {strides = array<i32>} : memref<32x768xf32, #tpu.memory_space<vmem>>, vector<1x16xf32>,
        %get3A_2055 = vector.shape_cast %get3A_2054 : vector<1x16xf32> to vector<16xf32>
        %mul3A_2056 = arith.constant 4 : i32
        %mul3A_2057 = arith.muli %scan3A_37, %mul3A_2056 : i32
        %add3A_2058 = arith.constant 0 : i32
        %add3A_2059 = arith.addi %mul3A_2057, %add3A_2058 : i32
        %get3A_2060 = arith.index_cast %add3A_2059 : i32 to index
        %get3A_2061 = arith.constant 384 : index
        %get3A_2062 = tpu.vector_load %arg6[%get3A_2060, %get3A_2061] {strides = array<i32>} : memref<128x768xf32, #tpu.memory_space<vmem>>, vector<1x16xf32>,
        %get3A_2063 = vector.shape_cast %get3A_2062 : vector<1x16xf32> to vector<16xf32>
        %get3A_2064 = arith.constant 0 : i32
        %get3A_2065 = arith.index_cast %get3A_2064 : i32 to index
        %get3A_2066 = arith.constant 384 : index
        %get3A_2067 = tpu.vector_load %arg8[%get3A_2065, %get3A_2066] {strides = array<i32>} : memref<4x768xf32, #tpu.memory_space<vmem>>, vector<1x16xf32>,
        %get3A_2068 = vector.shape_cast %get3A_2067 : vector<1x16xf32> to vector<16xf32>
        %add3A_2069 = arith.addf %get3A_2055, %get3A_2068 : vector<16xf32>
        %add3A_2070 = arith.addf %get3A_2063, %add3A_2069 : vector<16xf32>
        %swap3A_2071 = arith.index_cast %add3A_2059 : i32 to index
        %swap3A_2072 = arith.constant 384 : index
        %swap3A_2073 = tpu.vector_load %arg6[%swap3A_2071, %swap3A_2072] {strides = array<i32>} : memref<128x768xf32, #tpu.memory_space<vmem>>, vector<1x16xf32>,
        %swap3A_2074 = vector.shape_cast %swap3A_2073 : vector<1x16xf32> to vector<16xf32>
        %swap3A_2075 = vector.shape_cast %add3A_2070 : vector<16xf32> to vector<1x16xf32>
        tpu.vector_store %arg6[%swap3A_2071, %swap3A_2072], %swap3A_2075 {strides = array<i32>} : memref<128x768xf32, #tpu.memory_space<vmem>>, vector<1x16xf32>,
        %mul3A_2076 = arith.constant 4 : i32
        %mul3A_2077 = arith.muli %scan3A_37, %mul3A_2076 : i32
        %add3A_2078 = arith.constant 1 : i32
        %add3A_2079 = arith.addi %mul3A_2077, %add3A_2078 : i32
        %get3A_2080 = arith.index_cast %add3A_2079 : i32 to index
        %get3A_2081 = arith.constant 384 : index
        %get3A_2082 = tpu.vector_load %arg6[%get3A_2080, %get3A_2081] {strides = array<i32>} : memref<128x768xf32, #tpu.memory_space<vmem>>, vector<1x16xf32>,
        %get3A_2083 = vector.shape_cast %get3A_2082 : vector<1x16xf32> to vector<16xf32>
        %get3A_2084 = arith.constant 1 : i32
        %get3A_2085 = arith.index_cast %get3A_2084 : i32 to index
        %get3A_2086 = arith.constant 384 : index
        %get3A_2087 = tpu.vector_load %arg8[%get3A_2085, %get3A_2086] {strides = array<i32>} : memref<4x768xf32, #tpu.memory_space<vmem>>, vector<1x16xf32>,
        %get3A_2088 = vector.shape_cast %get3A_2087 : vector<1x16xf32> to vector<16xf32>
        %add3A_2089 = arith.addf %get3A_2055, %get3A_2088 : vector<16xf32>
        %add3A_2090 = arith.addf %get3A_2083, %add3A_2089 : vector<16xf32>
        %swap3A_2091 = arith.index_cast %add3A_2079 : i32 to index
        %swap3A_2092 = arith.constant 384 : index
        %swap3A_2093 = tpu.vector_load %arg6[%swap3A_2091, %swap3A_2092] {strides = array<i32>} : memref<128x768xf32, #tpu.memory_space<vmem>>, vector<1x16xf32>,
        %swap3A_2094 = vector.shape_cast %swap3A_2093 : vector<1x16xf32> to vector<16xf32>
        %swap3A_2095 = vector.shape_cast %add3A_2090 : vector<16xf32> to vector<1x16xf32>
        tpu.vector_store %arg6[%swap3A_2091, %swap3A_2092], %swap3A_2095 {strides = array<i32>} : memref<128x768xf32, #tpu.memory_space<vmem>>, vector<1x16xf32>,
        %mul3A_2096 = arith.constant 4 : i32
        %mul3A_2097 = arith.muli %scan3A_37, %mul3A_2096 : i32
        %add3A_2098 = arith.constant 2 : i32
        %add3A_2099 = arith.addi %mul3A_2097, %add3A_2098 : i32
        %get3A_2100 = arith.index_cast %add3A_2099 : i32 to index
        %get3A_2101 = arith.constant 384 : index
        %get3A_2102 = tpu.vector_load %arg6[%get3A_2100, %get3A_2101] {strides = array<i32>} : memref<128x768xf32, #tpu.memory_space<vmem>>, vector<1x16xf32>,
        %get3A_2103 = vector.shape_cast %get3A_2102 : vector<1x16xf32> to vector<16xf32>
        %get3A_2104 = arith.constant 2 : i32
        %get3A_2105 = arith.index_cast %get3A_2104 : i32 to index
        %get3A_2106 = arith.constant 384 : index
        %get3A_2107 = tpu.vector_load %arg8[%get3A_2105, %get3A_2106] {strides = array<i32>} : memref<4x768xf32, #tpu.memory_space<vmem>>, vector<1x16xf32>,
        %get3A_2108 = vector.shape_cast %get3A_2107 : vector<1x16xf32> to vector<16xf32>
        %add3A_2109 = arith.addf %get3A_2055, %get3A_2108 : vector<16xf32>
        %add3A_2110 = arith.addf %get3A_2103, %add3A_2109 : vector<16xf32>
        %swap3A_2111 = arith.index_cast %add3A_2099 : i32 to index
        %swap3A_2112 = arith.constant 384 : index
        %swap3A_2113 = tpu.vector_load %arg6[%swap3A_2111, %swap3A_2112] {strides = array<i32>} : memref<128x768xf32, #tpu.memory_space<vmem>>, vector<1x16xf32>,
        %swap3A_2114 = vector.shape_cast %swap3A_2113 : vector<1x16xf32> to vector<16xf32>
        %swap3A_2115 = vector.shape_cast %add3A_2110 : vector<16xf32> to vector<1x16xf32>
        tpu.vector_store %arg6[%swap3A_2111, %swap3A_2112], %swap3A_2115 {strides = array<i32>} : memref<128x768xf32, #tpu.memory_space<vmem>>, vector<1x16xf32>,
        %mul3A_2116 = arith.constant 4 : i32
        %mul3A_2117 = arith.muli %scan3A_37, %mul3A_2116 : i32
        %add3A_2118 = arith.constant 3 : i32
        %add3A_2119 = arith.addi %mul3A_2117, %add3A_2118 : i32
        %get3A_2120 = arith.index_cast %add3A_2119 : i32 to index
        %get3A_2121 = arith.constant 384 : index
        %get3A_2122 = tpu.vector_load %arg6[%get3A_2120, %get3A_2121] {strides = array<i32>} : memref<128x768xf32, #tpu.memory_space<vmem>>, vector<1x16xf32>,
        %get3A_2123 = vector.shape_cast %get3A_2122 : vector<1x16xf32> to vector<16xf32>
        %get3A_2124 = arith.constant 3 : i32
        %get3A_2125 = arith.index_cast %get3A_2124 : i32 to index
        %get3A_2126 = arith.constant 384 : index
        %get3A_2127 = tpu.vector_load %arg8[%get3A_2125, %get3A_2126] {strides = array<i32>} : memref<4x768xf32, #tpu.memory_space<vmem>>, vector<1x16xf32>,
        %get3A_2128 = vector.shape_cast %get3A_2127 : vector<1x16xf32> to vector<16xf32>
        %add3A_2129 = arith.addf %get3A_2055, %get3A_2128 : vector<16xf32>
        %add3A_2130 = arith.addf %get3A_2123, %add3A_2129 : vector<16xf32>
        %swap3A_2131 = arith.index_cast %add3A_2119 : i32 to index
        %swap3A_2132 = arith.constant 384 : index
        %swap3A_2133 = tpu.vector_load %arg6[%swap3A_2131, %swap3A_2132] {strides = array<i32>} : memref<128x768xf32, #tpu.memory_space<vmem>>, vector<1x16xf32>,
        %swap3A_2134 = vector.shape_cast %swap3A_2133 : vector<1x16xf32> to vector<16xf32>
        %swap3A_2135 = vector.shape_cast %add3A_2130 : vector<16xf32> to vector<1x16xf32>
        tpu.vector_store %arg6[%swap3A_2131, %swap3A_2132], %swap3A_2135 {strides = array<i32>} : memref<128x768xf32, #tpu.memory_space<vmem>>, vector<1x16xf32>,
        %get3A_2136 = arith.index_cast %scan3A_37 : i32 to index
        %get3A_2137 = arith.constant 400 : index
        %get3A_2138 = tpu.vector_load %arg7[%get3A_2136, %get3A_2137] {strides = array<i32>} : memref<32x768xf32, #tpu.memory_space<vmem>>, vector<1x16xf32>,
        %get3A_2139 = vector.shape_cast %get3A_2138 : vector<1x16xf32> to vector<16xf32>
        %mul3A_2140 = arith.constant 4 : i32
        %mul3A_2141 = arith.muli %scan3A_37, %mul3A_2140 : i32
        %add3A_2142 = arith.constant 0 : i32
        %add3A_2143 = arith.addi %mul3A_2141, %add3A_2142 : i32
        %get3A_2144 = arith.index_cast %add3A_2143 : i32 to index
        %get3A_2145 = arith.constant 400 : index
        %get3A_2146 = tpu.vector_load %arg6[%get3A_2144, %get3A_2145] {strides = array<i32>} : memref<128x768xf32, #tpu.memory_space<vmem>>, vector<1x16xf32>,
        %get3A_2147 = vector.shape_cast %get3A_2146 : vector<1x16xf32> to vector<16xf32>
        %get3A_2148 = arith.constant 0 : i32
        %get3A_2149 = arith.index_cast %get3A_2148 : i32 to index
        %get3A_2150 = arith.constant 400 : index
        %get3A_2151 = tpu.vector_load %arg8[%get3A_2149, %get3A_2150] {strides = array<i32>} : memref<4x768xf32, #tpu.memory_space<vmem>>, vector<1x16xf32>,
        %get3A_2152 = vector.shape_cast %get3A_2151 : vector<1x16xf32> to vector<16xf32>
        %add3A_2153 = arith.addf %get3A_2139, %get3A_2152 : vector<16xf32>
        %add3A_2154 = arith.addf %get3A_2147, %add3A_2153 : vector<16xf32>
        %swap3A_2155 = arith.index_cast %add3A_2143 : i32 to index
        %swap3A_2156 = arith.constant 400 : index
        %swap3A_2157 = tpu.vector_load %arg6[%swap3A_2155, %swap3A_2156] {strides = array<i32>} : memref<128x768xf32, #tpu.memory_space<vmem>>, vector<1x16xf32>,
        %swap3A_2158 = vector.shape_cast %swap3A_2157 : vector<1x16xf32> to vector<16xf32>
        %swap3A_2159 = vector.shape_cast %add3A_2154 : vector<16xf32> to vector<1x16xf32>
        tpu.vector_store %arg6[%swap3A_2155, %swap3A_2156], %swap3A_2159 {strides = array<i32>} : memref<128x768xf32, #tpu.memory_space<vmem>>, vector<1x16xf32>,
        %mul3A_2160 = arith.constant 4 : i32
        %mul3A_2161 = arith.muli %scan3A_37, %mul3A_2160 : i32
        %add3A_2162 = arith.constant 1 : i32
        %add3A_2163 = arith.addi %mul3A_2161, %add3A_2162 : i32
        %get3A_2164 = arith.index_cast %add3A_2163 : i32 to index
        %get3A_2165 = arith.constant 400 : index
        %get3A_2166 = tpu.vector_load %arg6[%get3A_2164, %get3A_2165] {strides = array<i32>} : memref<128x768xf32, #tpu.memory_space<vmem>>, vector<1x16xf32>,
        %get3A_2167 = vector.shape_cast %get3A_2166 : vector<1x16xf32> to vector<16xf32>
        %get3A_2168 = arith.constant 1 : i32
        %get3A_2169 = arith.index_cast %get3A_2168 : i32 to index
        %get3A_2170 = arith.constant 400 : index
        %get3A_2171 = tpu.vector_load %arg8[%get3A_2169, %get3A_2170] {strides = array<i32>} : memref<4x768xf32, #tpu.memory_space<vmem>>, vector<1x16xf32>,
        %get3A_2172 = vector.shape_cast %get3A_2171 : vector<1x16xf32> to vector<16xf32>
        %add3A_2173 = arith.addf %get3A_2139, %get3A_2172 : vector<16xf32>
        %add3A_2174 = arith.addf %get3A_2167, %add3A_2173 : vector<16xf32>
        %swap3A_2175 = arith.index_cast %add3A_2163 : i32 to index
        %swap3A_2176 = arith.constant 400 : index
        %swap3A_2177 = tpu.vector_load %arg6[%swap3A_2175, %swap3A_2176] {strides = array<i32>} : memref<128x768xf32, #tpu.memory_space<vmem>>, vector<1x16xf32>,
        %swap3A_2178 = vector.shape_cast %swap3A_2177 : vector<1x16xf32> to vector<16xf32>
        %swap3A_2179 = vector.shape_cast %add3A_2174 : vector<16xf32> to vector<1x16xf32>
        tpu.vector_store %arg6[%swap3A_2175, %swap3A_2176], %swap3A_2179 {strides = array<i32>} : memref<128x768xf32, #tpu.memory_space<vmem>>, vector<1x16xf32>,
        %mul3A_2180 = arith.constant 4 : i32
        %mul3A_2181 = arith.muli %scan3A_37, %mul3A_2180 : i32
        %add3A_2182 = arith.constant 2 : i32
        %add3A_2183 = arith.addi %mul3A_2181, %add3A_2182 : i32
        %get3A_2184 = arith.index_cast %add3A_2183 : i32 to index
        %get3A_2185 = arith.constant 400 : index
        %get3A_2186 = tpu.vector_load %arg6[%get3A_2184, %get3A_2185] {strides = array<i32>} : memref<128x768xf32, #tpu.memory_space<vmem>>, vector<1x16xf32>,
        %get3A_2187 = vector.shape_cast %get3A_2186 : vector<1x16xf32> to vector<16xf32>
        %get3A_2188 = arith.constant 2 : i32
        %get3A_2189 = arith.index_cast %get3A_2188 : i32 to index
        %get3A_2190 = arith.constant 400 : index
        %get3A_2191 = tpu.vector_load %arg8[%get3A_2189, %get3A_2190] {strides = array<i32>} : memref<4x768xf32, #tpu.memory_space<vmem>>, vector<1x16xf32>,
        %get3A_2192 = vector.shape_cast %get3A_2191 : vector<1x16xf32> to vector<16xf32>
        %add3A_2193 = arith.addf %get3A_2139, %get3A_2192 : vector<16xf32>
        %add3A_2194 = arith.addf %get3A_2187, %add3A_2193 : vector<16xf32>
        %swap3A_2195 = arith.index_cast %add3A_2183 : i32 to index
        %swap3A_2196 = arith.constant 400 : index
        %swap3A_2197 = tpu.vector_load %arg6[%swap3A_2195, %swap3A_2196] {strides = array<i32>} : memref<128x768xf32, #tpu.memory_space<vmem>>, vector<1x16xf32>,
        %swap3A_2198 = vector.shape_cast %swap3A_2197 : vector<1x16xf32> to vector<16xf32>
        %swap3A_2199 = vector.shape_cast %add3A_2194 : vector<16xf32> to vector<1x16xf32>
        tpu.vector_store %arg6[%swap3A_2195, %swap3A_2196], %swap3A_2199 {strides = array<i32>} : memref<128x768xf32, #tpu.memory_space<vmem>>, vector<1x16xf32>,
        %mul3A_2200 = arith.constant 4 : i32
        %mul3A_2201 = arith.muli %scan3A_37, %mul3A_2200 : i32
        %add3A_2202 = arith.constant 3 : i32
        %add3A_2203 = arith.addi %mul3A_2201, %add3A_2202 : i32
        %get3A_2204 = arith.index_cast %add3A_2203 : i32 to index
        %get3A_2205 = arith.constant 400 : index
        %get3A_2206 = tpu.vector_load %arg6[%get3A_2204, %get3A_2205] {strides = array<i32>} : memref<128x768xf32, #tpu.memory_space<vmem>>, vector<1x16xf32>,
        %get3A_2207 = vector.shape_cast %get3A_2206 : vector<1x16xf32> to vector<16xf32>
        %get3A_2208 = arith.constant 3 : i32
        %get3A_2209 = arith.index_cast %get3A_2208 : i32 to index
        %get3A_2210 = arith.constant 400 : index
        %get3A_2211 = tpu.vector_load %arg8[%get3A_2209, %get3A_2210] {strides = array<i32>} : memref<4x768xf32, #tpu.memory_space<vmem>>, vector<1x16xf32>,
        %get3A_2212 = vector.shape_cast %get3A_2211 : vector<1x16xf32> to vector<16xf32>
        %add3A_2213 = arith.addf %get3A_2139, %get3A_2212 : vector<16xf32>
        %add3A_2214 = arith.addf %get3A_2207, %add3A_2213 : vector<16xf32>
        %swap3A_2215 = arith.index_cast %add3A_2203 : i32 to index
        %swap3A_2216 = arith.constant 400 : index
        %swap3A_2217 = tpu.vector_load %arg6[%swap3A_2215, %swap3A_2216] {strides = array<i32>} : memref<128x768xf32, #tpu.memory_space<vmem>>, vector<1x16xf32>,
        %swap3A_2218 = vector.shape_cast %swap3A_2217 : vector<1x16xf32> to vector<16xf32>
        %swap3A_2219 = vector.shape_cast %add3A_2214 : vector<16xf32> to vector<1x16xf32>
        tpu.vector_store %arg6[%swap3A_2215, %swap3A_2216], %swap3A_2219 {strides = array<i32>} : memref<128x768xf32, #tpu.memory_space<vmem>>, vector<1x16xf32>,
        %get3A_2220 = arith.index_cast %scan3A_37 : i32 to index
        %get3A_2221 = arith.constant 416 : index
        %get3A_2222 = tpu.vector_load %arg7[%get3A_2220, %get3A_2221] {strides = array<i32>} : memref<32x768xf32, #tpu.memory_space<vmem>>, vector<1x16xf32>,
        %get3A_2223 = vector.shape_cast %get3A_2222 : vector<1x16xf32> to vector<16xf32>
        %mul3A_2224 = arith.constant 4 : i32
        %mul3A_2225 = arith.muli %scan3A_37, %mul3A_2224 : i32
        %add3A_2226 = arith.constant 0 : i32
        %add3A_2227 = arith.addi %mul3A_2225, %add3A_2226 : i32
        %get3A_2228 = arith.index_cast %add3A_2227 : i32 to index
        %get3A_2229 = arith.constant 416 : index
        %get3A_2230 = tpu.vector_load %arg6[%get3A_2228, %get3A_2229] {strides = array<i32>} : memref<128x768xf32, #tpu.memory_space<vmem>>, vector<1x16xf32>,
        %get3A_2231 = vector.shape_cast %get3A_2230 : vector<1x16xf32> to vector<16xf32>
        %get3A_2232 = arith.constant 0 : i32
        %get3A_2233 = arith.index_cast %get3A_2232 : i32 to index
        %get3A_2234 = arith.constant 416 : index
        %get3A_2235 = tpu.vector_load %arg8[%get3A_2233, %get3A_2234] {strides = array<i32>} : memref<4x768xf32, #tpu.memory_space<vmem>>, vector<1x16xf32>,
        %get3A_2236 = vector.shape_cast %get3A_2235 : vector<1x16xf32> to vector<16xf32>
        %add3A_2237 = arith.addf %get3A_2223, %get3A_2236 : vector<16xf32>
        %add3A_2238 = arith.addf %get3A_2231, %add3A_2237 : vector<16xf32>
        %swap3A_2239 = arith.index_cast %add3A_2227 : i32 to index
        %swap3A_2240 = arith.constant 416 : index
        %swap3A_2241 = tpu.vector_load %arg6[%swap3A_2239, %swap3A_2240] {strides = array<i32>} : memref<128x768xf32, #tpu.memory_space<vmem>>, vector<1x16xf32>,
        %swap3A_2242 = vector.shape_cast %swap3A_2241 : vector<1x16xf32> to vector<16xf32>
        %swap3A_2243 = vector.shape_cast %add3A_2238 : vector<16xf32> to vector<1x16xf32>
        tpu.vector_store %arg6[%swap3A_2239, %swap3A_2240], %swap3A_2243 {strides = array<i32>} : memref<128x768xf32, #tpu.memory_space<vmem>>, vector<1x16xf32>,
        %mul3A_2244 = arith.constant 4 : i32
        %mul3A_2245 = arith.muli %scan3A_37, %mul3A_2244 : i32
        %add3A_2246 = arith.constant 1 : i32
        %add3A_2247 = arith.addi %mul3A_2245, %add3A_2246 : i32
        %get3A_2248 = arith.index_cast %add3A_2247 : i32 to index
        %get3A_2249 = arith.constant 416 : index
        %get3A_2250 = tpu.vector_load %arg6[%get3A_2248, %get3A_2249] {strides = array<i32>} : memref<128x768xf32, #tpu.memory_space<vmem>>, vector<1x16xf32>,
        %get3A_2251 = vector.shape_cast %get3A_2250 : vector<1x16xf32> to vector<16xf32>
        %get3A_2252 = arith.constant 1 : i32
        %get3A_2253 = arith.index_cast %get3A_2252 : i32 to index
        %get3A_2254 = arith.constant 416 : index
        %get3A_2255 = tpu.vector_load %arg8[%get3A_2253, %get3A_2254] {strides = array<i32>} : memref<4x768xf32, #tpu.memory_space<vmem>>, vector<1x16xf32>,
        %get3A_2256 = vector.shape_cast %get3A_2255 : vector<1x16xf32> to vector<16xf32>
        %add3A_2257 = arith.addf %get3A_2223, %get3A_2256 : vector<16xf32>
        %add3A_2258 = arith.addf %get3A_2251, %add3A_2257 : vector<16xf32>
        %swap3A_2259 = arith.index_cast %add3A_2247 : i32 to index
        %swap3A_2260 = arith.constant 416 : index
        %swap3A_2261 = tpu.vector_load %arg6[%swap3A_2259, %swap3A_2260] {strides = array<i32>} : memref<128x768xf32, #tpu.memory_space<vmem>>, vector<1x16xf32>,
        %swap3A_2262 = vector.shape_cast %swap3A_2261 : vector<1x16xf32> to vector<16xf32>
        %swap3A_2263 = vector.shape_cast %add3A_2258 : vector<16xf32> to vector<1x16xf32>
        tpu.vector_store %arg6[%swap3A_2259, %swap3A_2260], %swap3A_2263 {strides = array<i32>} : memref<128x768xf32, #tpu.memory_space<vmem>>, vector<1x16xf32>,
        %mul3A_2264 = arith.constant 4 : i32
        %mul3A_2265 = arith.muli %scan3A_37, %mul3A_2264 : i32
        %add3A_2266 = arith.constant 2 : i32
        %add3A_2267 = arith.addi %mul3A_2265, %add3A_2266 : i32
        %get3A_2268 = arith.index_cast %add3A_2267 : i32 to index
        %get3A_2269 = arith.constant 416 : index
        %get3A_2270 = tpu.vector_load %arg6[%get3A_2268, %get3A_2269] {strides = array<i32>} : memref<128x768xf32, #tpu.memory_space<vmem>>, vector<1x16xf32>,
        %get3A_2271 = vector.shape_cast %get3A_2270 : vector<1x16xf32> to vector<16xf32>
        %get3A_2272 = arith.constant 2 : i32
        %get3A_2273 = arith.index_cast %get3A_2272 : i32 to index
        %get3A_2274 = arith.constant 416 : index
        %get3A_2275 = tpu.vector_load %arg8[%get3A_2273, %get3A_2274] {strides = array<i32>} : memref<4x768xf32, #tpu.memory_space<vmem>>, vector<1x16xf32>,
        %get3A_2276 = vector.shape_cast %get3A_2275 : vector<1x16xf32> to vector<16xf32>
        %add3A_2277 = arith.addf %get3A_2223, %get3A_2276 : vector<16xf32>
        %add3A_2278 = arith.addf %get3A_2271, %add3A_2277 : vector<16xf32>
        %swap3A_2279 = arith.index_cast %add3A_2267 : i32 to index
        %swap3A_2280 = arith.constant 416 : index
        %swap3A_2281 = tpu.vector_load %arg6[%swap3A_2279, %swap3A_2280] {strides = array<i32>} : memref<128x768xf32, #tpu.memory_space<vmem>>, vector<1x16xf32>,
        %swap3A_2282 = vector.shape_cast %swap3A_2281 : vector<1x16xf32> to vector<16xf32>
        %swap3A_2283 = vector.shape_cast %add3A_2278 : vector<16xf32> to vector<1x16xf32>
        tpu.vector_store %arg6[%swap3A_2279, %swap3A_2280], %swap3A_2283 {strides = array<i32>} : memref<128x768xf32, #tpu.memory_space<vmem>>, vector<1x16xf32>,
        %mul3A_2284 = arith.constant 4 : i32
        %mul3A_2285 = arith.muli %scan3A_37, %mul3A_2284 : i32
        %add3A_2286 = arith.constant 3 : i32
        %add3A_2287 = arith.addi %mul3A_2285, %add3A_2286 : i32
        %get3A_2288 = arith.index_cast %add3A_2287 : i32 to index
        %get3A_2289 = arith.constant 416 : index
        %get3A_2290 = tpu.vector_load %arg6[%get3A_2288, %get3A_2289] {strides = array<i32>} : memref<128x768xf32, #tpu.memory_space<vmem>>, vector<1x16xf32>,
        %get3A_2291 = vector.shape_cast %get3A_2290 : vector<1x16xf32> to vector<16xf32>
        %get3A_2292 = arith.constant 3 : i32
        %get3A_2293 = arith.index_cast %get3A_2292 : i32 to index
        %get3A_2294 = arith.constant 416 : index
        %get3A_2295 = tpu.vector_load %arg8[%get3A_2293, %get3A_2294] {strides = array<i32>} : memref<4x768xf32, #tpu.memory_space<vmem>>, vector<1x16xf32>,
        %get3A_2296 = vector.shape_cast %get3A_2295 : vector<1x16xf32> to vector<16xf32>
        %add3A_2297 = arith.addf %get3A_2223, %get3A_2296 : vector<16xf32>
        %add3A_2298 = arith.addf %get3A_2291, %add3A_2297 : vector<16xf32>
        %swap3A_2299 = arith.index_cast %add3A_2287 : i32 to index
        %swap3A_2300 = arith.constant 416 : index
        %swap3A_2301 = tpu.vector_load %arg6[%swap3A_2299, %swap3A_2300] {strides = array<i32>} : memref<128x768xf32, #tpu.memory_space<vmem>>, vector<1x16xf32>,
        %swap3A_2302 = vector.shape_cast %swap3A_2301 : vector<1x16xf32> to vector<16xf32>
        %swap3A_2303 = vector.shape_cast %add3A_2298 : vector<16xf32> to vector<1x16xf32>
        tpu.vector_store %arg6[%swap3A_2299, %swap3A_2300], %swap3A_2303 {strides = array<i32>} : memref<128x768xf32, #tpu.memory_space<vmem>>, vector<1x16xf32>,
        %get3A_2304 = arith.index_cast %scan3A_37 : i32 to index
        %get3A_2305 = arith.constant 432 : index
        %get3A_2306 = tpu.vector_load %arg7[%get3A_2304, %get3A_2305] {strides = array<i32>} : memref<32x768xf32, #tpu.memory_space<vmem>>, vector<1x16xf32>,
        %get3A_2307 = vector.shape_cast %get3A_2306 : vector<1x16xf32> to vector<16xf32>
        %mul3A_2308 = arith.constant 4 : i32
        %mul3A_2309 = arith.muli %scan3A_37, %mul3A_2308 : i32
        %add3A_2310 = arith.constant 0 : i32
        %add3A_2311 = arith.addi %mul3A_2309, %add3A_2310 : i32
        %get3A_2312 = arith.index_cast %add3A_2311 : i32 to index
        %get3A_2313 = arith.constant 432 : index
        %get3A_2314 = tpu.vector_load %arg6[%get3A_2312, %get3A_2313] {strides = array<i32>} : memref<128x768xf32, #tpu.memory_space<vmem>>, vector<1x16xf32>,
        %get3A_2315 = vector.shape_cast %get3A_2314 : vector<1x16xf32> to vector<16xf32>
        %get3A_2316 = arith.constant 0 : i32
        %get3A_2317 = arith.index_cast %get3A_2316 : i32 to index
        %get3A_2318 = arith.constant 432 : index
        %get3A_2319 = tpu.vector_load %arg8[%get3A_2317, %get3A_2318] {strides = array<i32>} : memref<4x768xf32, #tpu.memory_space<vmem>>, vector<1x16xf32>,
        %get3A_2320 = vector.shape_cast %get3A_2319 : vector<1x16xf32> to vector<16xf32>
        %add3A_2321 = arith.addf %get3A_2307, %get3A_2320 : vector<16xf32>
        %add3A_2322 = arith.addf %get3A_2315, %add3A_2321 : vector<16xf32>
        %swap3A_2323 = arith.index_cast %add3A_2311 : i32 to index
        %swap3A_2324 = arith.constant 432 : index
        %swap3A_2325 = tpu.vector_load %arg6[%swap3A_2323, %swap3A_2324] {strides = array<i32>} : memref<128x768xf32, #tpu.memory_space<vmem>>, vector<1x16xf32>,
        %swap3A_2326 = vector.shape_cast %swap3A_2325 : vector<1x16xf32> to vector<16xf32>
        %swap3A_2327 = vector.shape_cast %add3A_2322 : vector<16xf32> to vector<1x16xf32>
        tpu.vector_store %arg6[%swap3A_2323, %swap3A_2324], %swap3A_2327 {strides = array<i32>} : memref<128x768xf32, #tpu.memory_space<vmem>>, vector<1x16xf32>,
        %mul3A_2328 = arith.constant 4 : i32
        %mul3A_2329 = arith.muli %scan3A_37, %mul3A_2328 : i32
        %add3A_2330 = arith.constant 1 : i32
        %add3A_2331 = arith.addi %mul3A_2329, %add3A_2330 : i32
        %get3A_2332 = arith.index_cast %add3A_2331 : i32 to index
        %get3A_2333 = arith.constant 432 : index
        %get3A_2334 = tpu.vector_load %arg6[%get3A_2332, %get3A_2333] {strides = array<i32>} : memref<128x768xf32, #tpu.memory_space<vmem>>, vector<1x16xf32>,
        %get3A_2335 = vector.shape_cast %get3A_2334 : vector<1x16xf32> to vector<16xf32>
        %get3A_2336 = arith.constant 1 : i32
        %get3A_2337 = arith.index_cast %get3A_2336 : i32 to index
        %get3A_2338 = arith.constant 432 : index
        %get3A_2339 = tpu.vector_load %arg8[%get3A_2337, %get3A_2338] {strides = array<i32>} : memref<4x768xf32, #tpu.memory_space<vmem>>, vector<1x16xf32>,
        %get3A_2340 = vector.shape_cast %get3A_2339 : vector<1x16xf32> to vector<16xf32>
        %add3A_2341 = arith.addf %get3A_2307, %get3A_2340 : vector<16xf32>
        %add3A_2342 = arith.addf %get3A_2335, %add3A_2341 : vector<16xf32>
        %swap3A_2343 = arith.index_cast %add3A_2331 : i32 to index
        %swap3A_2344 = arith.constant 432 : index
        %swap3A_2345 = tpu.vector_load %arg6[%swap3A_2343, %swap3A_2344] {strides = array<i32>} : memref<128x768xf32, #tpu.memory_space<vmem>>, vector<1x16xf32>,
        %swap3A_2346 = vector.shape_cast %swap3A_2345 : vector<1x16xf32> to vector<16xf32>
        %swap3A_2347 = vector.shape_cast %add3A_2342 : vector<16xf32> to vector<1x16xf32>
        tpu.vector_store %arg6[%swap3A_2343, %swap3A_2344], %swap3A_2347 {strides = array<i32>} : memref<128x768xf32, #tpu.memory_space<vmem>>, vector<1x16xf32>,
        %mul3A_2348 = arith.constant 4 : i32
        %mul3A_2349 = arith.muli %scan3A_37, %mul3A_2348 : i32
        %add3A_2350 = arith.constant 2 : i32
        %add3A_2351 = arith.addi %mul3A_2349, %add3A_2350 : i32
        %get3A_2352 = arith.index_cast %add3A_2351 : i32 to index
        %get3A_2353 = arith.constant 432 : index
        %get3A_2354 = tpu.vector_load %arg6[%get3A_2352, %get3A_2353] {strides = array<i32>} : memref<128x768xf32, #tpu.memory_space<vmem>>, vector<1x16xf32>,
        %get3A_2355 = vector.shape_cast %get3A_2354 : vector<1x16xf32> to vector<16xf32>
        %get3A_2356 = arith.constant 2 : i32
        %get3A_2357 = arith.index_cast %get3A_2356 : i32 to index
        %get3A_2358 = arith.constant 432 : index
        %get3A_2359 = tpu.vector_load %arg8[%get3A_2357, %get3A_2358] {strides = array<i32>} : memref<4x768xf32, #tpu.memory_space<vmem>>, vector<1x16xf32>,
        %get3A_2360 = vector.shape_cast %get3A_2359 : vector<1x16xf32> to vector<16xf32>
        %add3A_2361 = arith.addf %get3A_2307, %get3A_2360 : vector<16xf32>
        %add3A_2362 = arith.addf %get3A_2355, %add3A_2361 : vector<16xf32>
        %swap3A_2363 = arith.index_cast %add3A_2351 : i32 to index
        %swap3A_2364 = arith.constant 432 : index
        %swap3A_2365 = tpu.vector_load %arg6[%swap3A_2363, %swap3A_2364] {strides = array<i32>} : memref<128x768xf32, #tpu.memory_space<vmem>>, vector<1x16xf32>,
        %swap3A_2366 = vector.shape_cast %swap3A_2365 : vector<1x16xf32> to vector<16xf32>
        %swap3A_2367 = vector.shape_cast %add3A_2362 : vector<16xf32> to vector<1x16xf32>
        tpu.vector_store %arg6[%swap3A_2363, %swap3A_2364], %swap3A_2367 {strides = array<i32>} : memref<128x768xf32, #tpu.memory_space<vmem>>, vector<1x16xf32>,
        %mul3A_2368 = arith.constant 4 : i32
        %mul3A_2369 = arith.muli %scan3A_37, %mul3A_2368 : i32
        %add3A_2370 = arith.constant 3 : i32
        %add3A_2371 = arith.addi %mul3A_2369, %add3A_2370 : i32
        %get3A_2372 = arith.index_cast %add3A_2371 : i32 to index
        %get3A_2373 = arith.constant 432 : index
        %get3A_2374 = tpu.vector_load %arg6[%get3A_2372, %get3A_2373] {strides = array<i32>} : memref<128x768xf32, #tpu.memory_space<vmem>>, vector<1x16xf32>,
        %get3A_2375 = vector.shape_cast %get3A_2374 : vector<1x16xf32> to vector<16xf32>
        %get3A_2376 = arith.constant 3 : i32
        %get3A_2377 = arith.index_cast %get3A_2376 : i32 to index
        %get3A_2378 = arith.constant 432 : index
        %get3A_2379 = tpu.vector_load %arg8[%get3A_2377, %get3A_2378] {strides = array<i32>} : memref<4x768xf32, #tpu.memory_space<vmem>>, vector<1x16xf32>,
        %get3A_2380 = vector.shape_cast %get3A_2379 : vector<1x16xf32> to vector<16xf32>
        %add3A_2381 = arith.addf %get3A_2307, %get3A_2380 : vector<16xf32>
        %add3A_2382 = arith.addf %get3A_2375, %add3A_2381 : vector<16xf32>
        %swap3A_2383 = arith.index_cast %add3A_2371 : i32 to index
        %swap3A_2384 = arith.constant 432 : index
        %swap3A_2385 = tpu.vector_load %arg6[%swap3A_2383, %swap3A_2384] {strides = array<i32>} : memref<128x768xf32, #tpu.memory_space<vmem>>, vector<1x16xf32>,
        %swap3A_2386 = vector.shape_cast %swap3A_2385 : vector<1x16xf32> to vector<16xf32>
        %swap3A_2387 = vector.shape_cast %add3A_2382 : vector<16xf32> to vector<1x16xf32>
        tpu.vector_store %arg6[%swap3A_2383, %swap3A_2384], %swap3A_2387 {strides = array<i32>} : memref<128x768xf32, #tpu.memory_space<vmem>>, vector<1x16xf32>,
        %get3A_2388 = arith.index_cast %scan3A_37 : i32 to index
        %get3A_2389 = arith.constant 448 : index
        %get3A_2390 = tpu.vector_load %arg7[%get3A_2388, %get3A_2389] {strides = array<i32>} : memref<32x768xf32, #tpu.memory_space<vmem>>, vector<1x16xf32>,
        %get3A_2391 = vector.shape_cast %get3A_2390 : vector<1x16xf32> to vector<16xf32>
        %mul3A_2392 = arith.constant 4 : i32
        %mul3A_2393 = arith.muli %scan3A_37, %mul3A_2392 : i32
        %add3A_2394 = arith.constant 0 : i32
        %add3A_2395 = arith.addi %mul3A_2393, %add3A_2394 : i32
        %get3A_2396 = arith.index_cast %add3A_2395 : i32 to index
        %get3A_2397 = arith.constant 448 : index
        %get3A_2398 = tpu.vector_load %arg6[%get3A_2396, %get3A_2397] {strides = array<i32>} : memref<128x768xf32, #tpu.memory_space<vmem>>, vector<1x16xf32>,
        %get3A_2399 = vector.shape_cast %get3A_2398 : vector<1x16xf32> to vector<16xf32>
        %get3A_2400 = arith.constant 0 : i32
        %get3A_2401 = arith.index_cast %get3A_2400 : i32 to index
        %get3A_2402 = arith.constant 448 : index
        %get3A_2403 = tpu.vector_load %arg8[%get3A_2401, %get3A_2402] {strides = array<i32>} : memref<4x768xf32, #tpu.memory_space<vmem>>, vector<1x16xf32>,
        %get3A_2404 = vector.shape_cast %get3A_2403 : vector<1x16xf32> to vector<16xf32>
        %add3A_2405 = arith.addf %get3A_2391, %get3A_2404 : vector<16xf32>
        %add3A_2406 = arith.addf %get3A_2399, %add3A_2405 : vector<16xf32>
        %swap3A_2407 = arith.index_cast %add3A_2395 : i32 to index
        %swap3A_2408 = arith.constant 448 : index
        %swap3A_2409 = tpu.vector_load %arg6[%swap3A_2407, %swap3A_2408] {strides = array<i32>} : memref<128x768xf32, #tpu.memory_space<vmem>>, vector<1x16xf32>,
        %swap3A_2410 = vector.shape_cast %swap3A_2409 : vector<1x16xf32> to vector<16xf32>
        %swap3A_2411 = vector.shape_cast %add3A_2406 : vector<16xf32> to vector<1x16xf32>
        tpu.vector_store %arg6[%swap3A_2407, %swap3A_2408], %swap3A_2411 {strides = array<i32>} : memref<128x768xf32, #tpu.memory_space<vmem>>, vector<1x16xf32>,
        %mul3A_2412 = arith.constant 4 : i32
        %mul3A_2413 = arith.muli %scan3A_37, %mul3A_2412 : i32
        %add3A_2414 = arith.constant 1 : i32
        %add3A_2415 = arith.addi %mul3A_2413, %add3A_2414 : i32
        %get3A_2416 = arith.index_cast %add3A_2415 : i32 to index
        %get3A_2417 = arith.constant 448 : index
        %get3A_2418 = tpu.vector_load %arg6[%get3A_2416, %get3A_2417] {strides = array<i32>} : memref<128x768xf32, #tpu.memory_space<vmem>>, vector<1x16xf32>,
        %get3A_2419 = vector.shape_cast %get3A_2418 : vector<1x16xf32> to vector<16xf32>
        %get3A_2420 = arith.constant 1 : i32
        %get3A_2421 = arith.index_cast %get3A_2420 : i32 to index
        %get3A_2422 = arith.constant 448 : index
        %get3A_2423 = tpu.vector_load %arg8[%get3A_2421, %get3A_2422] {strides = array<i32>} : memref<4x768xf32, #tpu.memory_space<vmem>>, vector<1x16xf32>,
        %get3A_2424 = vector.shape_cast %get3A_2423 : vector<1x16xf32> to vector<16xf32>
        %add3A_2425 = arith.addf %get3A_2391, %get3A_2424 : vector<16xf32>
        %add3A_2426 = arith.addf %get3A_2419, %add3A_2425 : vector<16xf32>
        %swap3A_2427 = arith.index_cast %add3A_2415 : i32 to index
        %swap3A_2428 = arith.constant 448 : index
        %swap3A_2429 = tpu.vector_load %arg6[%swap3A_2427, %swap3A_2428] {strides = array<i32>} : memref<128x768xf32, #tpu.memory_space<vmem>>, vector<1x16xf32>,
        %swap3A_2430 = vector.shape_cast %swap3A_2429 : vector<1x16xf32> to vector<16xf32>
        %swap3A_2431 = vector.shape_cast %add3A_2426 : vector<16xf32> to vector<1x16xf32>
        tpu.vector_store %arg6[%swap3A_2427, %swap3A_2428], %swap3A_2431 {strides = array<i32>} : memref<128x768xf32, #tpu.memory_space<vmem>>, vector<1x16xf32>,
        %mul3A_2432 = arith.constant 4 : i32
        %mul3A_2433 = arith.muli %scan3A_37, %mul3A_2432 : i32
        %add3A_2434 = arith.constant 2 : i32
        %add3A_2435 = arith.addi %mul3A_2433, %add3A_2434 : i32
        %get3A_2436 = arith.index_cast %add3A_2435 : i32 to index
        %get3A_2437 = arith.constant 448 : index
        %get3A_2438 = tpu.vector_load %arg6[%get3A_2436, %get3A_2437] {strides = array<i32>} : memref<128x768xf32, #tpu.memory_space<vmem>>, vector<1x16xf32>,
        %get3A_2439 = vector.shape_cast %get3A_2438 : vector<1x16xf32> to vector<16xf32>
        %get3A_2440 = arith.constant 2 : i32
        %get3A_2441 = arith.index_cast %get3A_2440 : i32 to index
        %get3A_2442 = arith.constant 448 : index
        %get3A_2443 = tpu.vector_load %arg8[%get3A_2441, %get3A_2442] {strides = array<i32>} : memref<4x768xf32, #tpu.memory_space<vmem>>, vector<1x16xf32>,
        %get3A_2444 = vector.shape_cast %get3A_2443 : vector<1x16xf32> to vector<16xf32>
        %add3A_2445 = arith.addf %get3A_2391, %get3A_2444 : vector<16xf32>
        %add3A_2446 = arith.addf %get3A_2439, %add3A_2445 : vector<16xf32>
        %swap3A_2447 = arith.index_cast %add3A_2435 : i32 to index
        %swap3A_2448 = arith.constant 448 : index
        %swap3A_2449 = tpu.vector_load %arg6[%swap3A_2447, %swap3A_2448] {strides = array<i32>} : memref<128x768xf32, #tpu.memory_space<vmem>>, vector<1x16xf32>,
        %swap3A_2450 = vector.shape_cast %swap3A_2449 : vector<1x16xf32> to vector<16xf32>
        %swap3A_2451 = vector.shape_cast %add3A_2446 : vector<16xf32> to vector<1x16xf32>
        tpu.vector_store %arg6[%swap3A_2447, %swap3A_2448], %swap3A_2451 {strides = array<i32>} : memref<128x768xf32, #tpu.memory_space<vmem>>, vector<1x16xf32>,
        %mul3A_2452 = arith.constant 4 : i32
        %mul3A_2453 = arith.muli %scan3A_37, %mul3A_2452 : i32
        %add3A_2454 = arith.constant 3 : i32
        %add3A_2455 = arith.addi %mul3A_2453, %add3A_2454 : i32
        %get3A_2456 = arith.index_cast %add3A_2455 : i32 to index
        %get3A_2457 = arith.constant 448 : index
        %get3A_2458 = tpu.vector_load %arg6[%get3A_2456, %get3A_2457] {strides = array<i32>} : memref<128x768xf32, #tpu.memory_space<vmem>>, vector<1x16xf32>,
        %get3A_2459 = vector.shape_cast %get3A_2458 : vector<1x16xf32> to vector<16xf32>
        %get3A_2460 = arith.constant 3 : i32
        %get3A_2461 = arith.index_cast %get3A_2460 : i32 to index
        %get3A_2462 = arith.constant 448 : index
        %get3A_2463 = tpu.vector_load %arg8[%get3A_2461, %get3A_2462] {strides = array<i32>} : memref<4x768xf32, #tpu.memory_space<vmem>>, vector<1x16xf32>,
        %get3A_2464 = vector.shape_cast %get3A_2463 : vector<1x16xf32> to vector<16xf32>
        %add3A_2465 = arith.addf %get3A_2391, %get3A_2464 : vector<16xf32>
        %add3A_2466 = arith.addf %get3A_2459, %add3A_2465 : vector<16xf32>
        %swap3A_2467 = arith.index_cast %add3A_2455 : i32 to index
        %swap3A_2468 = arith.constant 448 : index
        %swap3A_2469 = tpu.vector_load %arg6[%swap3A_2467, %swap3A_2468] {strides = array<i32>} : memref<128x768xf32, #tpu.memory_space<vmem>>, vector<1x16xf32>,
        %swap3A_2470 = vector.shape_cast %swap3A_2469 : vector<1x16xf32> to vector<16xf32>
        %swap3A_2471 = vector.shape_cast %add3A_2466 : vector<16xf32> to vector<1x16xf32>
        tpu.vector_store %arg6[%swap3A_2467, %swap3A_2468], %swap3A_2471 {strides = array<i32>} : memref<128x768xf32, #tpu.memory_space<vmem>>, vector<1x16xf32>,
        %get3A_2472 = arith.index_cast %scan3A_37 : i32 to index
        %get3A_2473 = arith.constant 464 : index
        %get3A_2474 = tpu.vector_load %arg7[%get3A_2472, %get3A_2473] {strides = array<i32>} : memref<32x768xf32, #tpu.memory_space<vmem>>, vector<1x16xf32>,
        %get3A_2475 = vector.shape_cast %get3A_2474 : vector<1x16xf32> to vector<16xf32>
        %mul3A_2476 = arith.constant 4 : i32
        %mul3A_2477 = arith.muli %scan3A_37, %mul3A_2476 : i32
        %add3A_2478 = arith.constant 0 : i32
        %add3A_2479 = arith.addi %mul3A_2477, %add3A_2478 : i32
        %get3A_2480 = arith.index_cast %add3A_2479 : i32 to index
        %get3A_2481 = arith.constant 464 : index
        %get3A_2482 = tpu.vector_load %arg6[%get3A_2480, %get3A_2481] {strides = array<i32>} : memref<128x768xf32, #tpu.memory_space<vmem>>, vector<1x16xf32>,
        %get3A_2483 = vector.shape_cast %get3A_2482 : vector<1x16xf32> to vector<16xf32>
        %get3A_2484 = arith.constant 0 : i32
        %get3A_2485 = arith.index_cast %get3A_2484 : i32 to index
        %get3A_2486 = arith.constant 464 : index
        %get3A_2487 = tpu.vector_load %arg8[%get3A_2485, %get3A_2486] {strides = array<i32>} : memref<4x768xf32, #tpu.memory_space<vmem>>, vector<1x16xf32>,
        %get3A_2488 = vector.shape_cast %get3A_2487 : vector<1x16xf32> to vector<16xf32>
        %add3A_2489 = arith.addf %get3A_2475, %get3A_2488 : vector<16xf32>
        %add3A_2490 = arith.addf %get3A_2483, %add3A_2489 : vector<16xf32>
        %swap3A_2491 = arith.index_cast %add3A_2479 : i32 to index
        %swap3A_2492 = arith.constant 464 : index
        %swap3A_2493 = tpu.vector_load %arg6[%swap3A_2491, %swap3A_2492] {strides = array<i32>} : memref<128x768xf32, #tpu.memory_space<vmem>>, vector<1x16xf32>,
        %swap3A_2494 = vector.shape_cast %swap3A_2493 : vector<1x16xf32> to vector<16xf32>
        %swap3A_2495 = vector.shape_cast %add3A_2490 : vector<16xf32> to vector<1x16xf32>
        tpu.vector_store %arg6[%swap3A_2491, %swap3A_2492], %swap3A_2495 {strides = array<i32>} : memref<128x768xf32, #tpu.memory_space<vmem>>, vector<1x16xf32>,
        %mul3A_2496 = arith.constant 4 : i32
        %mul3A_2497 = arith.muli %scan3A_37, %mul3A_2496 : i32
        %add3A_2498 = arith.constant 1 : i32
        %add3A_2499 = arith.addi %mul3A_2497, %add3A_2498 : i32
        %get3A_2500 = arith.index_cast %add3A_2499 : i32 to index
        %get3A_2501 = arith.constant 464 : index
        %get3A_2502 = tpu.vector_load %arg6[%get3A_2500, %get3A_2501] {strides = array<i32>} : memref<128x768xf32, #tpu.memory_space<vmem>>, vector<1x16xf32>,
        %get3A_2503 = vector.shape_cast %get3A_2502 : vector<1x16xf32> to vector<16xf32>
        %get3A_2504 = arith.constant 1 : i32
        %get3A_2505 = arith.index_cast %get3A_2504 : i32 to index
        %get3A_2506 = arith.constant 464 : index
        %get3A_2507 = tpu.vector_load %arg8[%get3A_2505, %get3A_2506] {strides = array<i32>} : memref<4x768xf32, #tpu.memory_space<vmem>>, vector<1x16xf32>,
        %get3A_2508 = vector.shape_cast %get3A_2507 : vector<1x16xf32> to vector<16xf32>
        %add3A_2509 = arith.addf %get3A_2475, %get3A_2508 : vector<16xf32>
        %add3A_2510 = arith.addf %get3A_2503, %add3A_2509 : vector<16xf32>
        %swap3A_2511 = arith.index_cast %add3A_2499 : i32 to index
        %swap3A_2512 = arith.constant 464 : index
        %swap3A_2513 = tpu.vector_load %arg6[%swap3A_2511, %swap3A_2512] {strides = array<i32>} : memref<128x768xf32, #tpu.memory_space<vmem>>, vector<1x16xf32>,
        %swap3A_2514 = vector.shape_cast %swap3A_2513 : vector<1x16xf32> to vector<16xf32>
        %swap3A_2515 = vector.shape_cast %add3A_2510 : vector<16xf32> to vector<1x16xf32>
        tpu.vector_store %arg6[%swap3A_2511, %swap3A_2512], %swap3A_2515 {strides = array<i32>} : memref<128x768xf32, #tpu.memory_space<vmem>>, vector<1x16xf32>,
        %mul3A_2516 = arith.constant 4 : i32
        %mul3A_2517 = arith.muli %scan3A_37, %mul3A_2516 : i32
        %add3A_2518 = arith.constant 2 : i32
        %add3A_2519 = arith.addi %mul3A_2517, %add3A_2518 : i32
        %get3A_2520 = arith.index_cast %add3A_2519 : i32 to index
        %get3A_2521 = arith.constant 464 : index
        %get3A_2522 = tpu.vector_load %arg6[%get3A_2520, %get3A_2521] {strides = array<i32>} : memref<128x768xf32, #tpu.memory_space<vmem>>, vector<1x16xf32>,
        %get3A_2523 = vector.shape_cast %get3A_2522 : vector<1x16xf32> to vector<16xf32>
        %get3A_2524 = arith.constant 2 : i32
        %get3A_2525 = arith.index_cast %get3A_2524 : i32 to index
        %get3A_2526 = arith.constant 464 : index
        %get3A_2527 = tpu.vector_load %arg8[%get3A_2525, %get3A_2526] {strides = array<i32>} : memref<4x768xf32, #tpu.memory_space<vmem>>, vector<1x16xf32>,
        %get3A_2528 = vector.shape_cast %get3A_2527 : vector<1x16xf32> to vector<16xf32>
        %add3A_2529 = arith.addf %get3A_2475, %get3A_2528 : vector<16xf32>
        %add3A_2530 = arith.addf %get3A_2523, %add3A_2529 : vector<16xf32>
        %swap3A_2531 = arith.index_cast %add3A_2519 : i32 to index
        %swap3A_2532 = arith.constant 464 : index
        %swap3A_2533 = tpu.vector_load %arg6[%swap3A_2531, %swap3A_2532] {strides = array<i32>} : memref<128x768xf32, #tpu.memory_space<vmem>>, vector<1x16xf32>,
        %swap3A_2534 = vector.shape_cast %swap3A_2533 : vector<1x16xf32> to vector<16xf32>
        %swap3A_2535 = vector.shape_cast %add3A_2530 : vector<16xf32> to vector<1x16xf32>
        tpu.vector_store %arg6[%swap3A_2531, %swap3A_2532], %swap3A_2535 {strides = array<i32>} : memref<128x768xf32, #tpu.memory_space<vmem>>, vector<1x16xf32>,
        %mul3A_2536 = arith.constant 4 : i32
        %mul3A_2537 = arith.muli %scan3A_37, %mul3A_2536 : i32
        %add3A_2538 = arith.constant 3 : i32
        %add3A_2539 = arith.addi %mul3A_2537, %add3A_2538 : i32
        %get3A_2540 = arith.index_cast %add3A_2539 : i32 to index
        %get3A_2541 = arith.constant 464 : index
        %get3A_2542 = tpu.vector_load %arg6[%get3A_2540, %get3A_2541] {strides = array<i32>} : memref<128x768xf32, #tpu.memory_space<vmem>>, vector<1x16xf32>,
        %get3A_2543 = vector.shape_cast %get3A_2542 : vector<1x16xf32> to vector<16xf32>
        %get3A_2544 = arith.constant 3 : i32
        %get3A_2545 = arith.index_cast %get3A_2544 : i32 to index
        %get3A_2546 = arith.constant 464 : index
        %get3A_2547 = tpu.vector_load %arg8[%get3A_2545, %get3A_2546] {strides = array<i32>} : memref<4x768xf32, #tpu.memory_space<vmem>>, vector<1x16xf32>,
        %get3A_2548 = vector.shape_cast %get3A_2547 : vector<1x16xf32> to vector<16xf32>
        %add3A_2549 = arith.addf %get3A_2475, %get3A_2548 : vector<16xf32>
        %add3A_2550 = arith.addf %get3A_2543, %add3A_2549 : vector<16xf32>
        %swap3A_2551 = arith.index_cast %add3A_2539 : i32 to index
        %swap3A_2552 = arith.constant 464 : index
        %swap3A_2553 = tpu.vector_load %arg6[%swap3A_2551, %swap3A_2552] {strides = array<i32>} : memref<128x768xf32, #tpu.memory_space<vmem>>, vector<1x16xf32>,
        %swap3A_2554 = vector.shape_cast %swap3A_2553 : vector<1x16xf32> to vector<16xf32>
        %swap3A_2555 = vector.shape_cast %add3A_2550 : vector<16xf32> to vector<1x16xf32>
        tpu.vector_store %arg6[%swap3A_2551, %swap3A_2552], %swap3A_2555 {strides = array<i32>} : memref<128x768xf32, #tpu.memory_space<vmem>>, vector<1x16xf32>,
        %get3A_2556 = arith.index_cast %scan3A_37 : i32 to index
        %get3A_2557 = arith.constant 480 : index
        %get3A_2558 = tpu.vector_load %arg7[%get3A_2556, %get3A_2557] {strides = array<i32>} : memref<32x768xf32, #tpu.memory_space<vmem>>, vector<1x16xf32>,
        %get3A_2559 = vector.shape_cast %get3A_2558 : vector<1x16xf32> to vector<16xf32>
        %mul3A_2560 = arith.constant 4 : i32
        %mul3A_2561 = arith.muli %scan3A_37, %mul3A_2560 : i32
        %add3A_2562 = arith.constant 0 : i32
        %add3A_2563 = arith.addi %mul3A_2561, %add3A_2562 : i32
        %get3A_2564 = arith.index_cast %add3A_2563 : i32 to index
        %get3A_2565 = arith.constant 480 : index
        %get3A_2566 = tpu.vector_load %arg6[%get3A_2564, %get3A_2565] {strides = array<i32>} : memref<128x768xf32, #tpu.memory_space<vmem>>, vector<1x16xf32>,
        %get3A_2567 = vector.shape_cast %get3A_2566 : vector<1x16xf32> to vector<16xf32>
        %get3A_2568 = arith.constant 0 : i32
        %get3A_2569 = arith.index_cast %get3A_2568 : i32 to index
        %get3A_2570 = arith.constant 480 : index
        %get3A_2571 = tpu.vector_load %arg8[%get3A_2569, %get3A_2570] {strides = array<i32>} : memref<4x768xf32, #tpu.memory_space<vmem>>, vector<1x16xf32>,
        %get3A_2572 = vector.shape_cast %get3A_2571 : vector<1x16xf32> to vector<16xf32>
        %add3A_2573 = arith.addf %get3A_2559, %get3A_2572 : vector<16xf32>
        %add3A_2574 = arith.addf %get3A_2567, %add3A_2573 : vector<16xf32>
        %swap3A_2575 = arith.index_cast %add3A_2563 : i32 to index
        %swap3A_2576 = arith.constant 480 : index
        %swap3A_2577 = tpu.vector_load %arg6[%swap3A_2575, %swap3A_2576] {strides = array<i32>} : memref<128x768xf32, #tpu.memory_space<vmem>>, vector<1x16xf32>,
        %swap3A_2578 = vector.shape_cast %swap3A_2577 : vector<1x16xf32> to vector<16xf32>
        %swap3A_2579 = vector.shape_cast %add3A_2574 : vector<16xf32> to vector<1x16xf32>
        tpu.vector_store %arg6[%swap3A_2575, %swap3A_2576], %swap3A_2579 {strides = array<i32>} : memref<128x768xf32, #tpu.memory_space<vmem>>, vector<1x16xf32>,
        %mul3A_2580 = arith.constant 4 : i32
        %mul3A_2581 = arith.muli %scan3A_37, %mul3A_2580 : i32
        %add3A_2582 = arith.constant 1 : i32
        %add3A_2583 = arith.addi %mul3A_2581, %add3A_2582 : i32
        %get3A_2584 = arith.index_cast %add3A_2583 : i32 to index
        %get3A_2585 = arith.constant 480 : index
        %get3A_2586 = tpu.vector_load %arg6[%get3A_2584, %get3A_2585] {strides = array<i32>} : memref<128x768xf32, #tpu.memory_space<vmem>>, vector<1x16xf32>,
        %get3A_2587 = vector.shape_cast %get3A_2586 : vector<1x16xf32> to vector<16xf32>
        %get3A_2588 = arith.constant 1 : i32
        %get3A_2589 = arith.index_cast %get3A_2588 : i32 to index
        %get3A_2590 = arith.constant 480 : index
        %get3A_2591 = tpu.vector_load %arg8[%get3A_2589, %get3A_2590] {strides = array<i32>} : memref<4x768xf32, #tpu.memory_space<vmem>>, vector<1x16xf32>,
        %get3A_2592 = vector.shape_cast %get3A_2591 : vector<1x16xf32> to vector<16xf32>
        %add3A_2593 = arith.addf %get3A_2559, %get3A_2592 : vector<16xf32>
        %add3A_2594 = arith.addf %get3A_2587, %add3A_2593 : vector<16xf32>
        %swap3A_2595 = arith.index_cast %add3A_2583 : i32 to index
        %swap3A_2596 = arith.constant 480 : index
        %swap3A_2597 = tpu.vector_load %arg6[%swap3A_2595, %swap3A_2596] {strides = array<i32>} : memref<128x768xf32, #tpu.memory_space<vmem>>, vector<1x16xf32>,
        %swap3A_2598 = vector.shape_cast %swap3A_2597 : vector<1x16xf32> to vector<16xf32>
        %swap3A_2599 = vector.shape_cast %add3A_2594 : vector<16xf32> to vector<1x16xf32>
        tpu.vector_store %arg6[%swap3A_2595, %swap3A_2596], %swap3A_2599 {strides = array<i32>} : memref<128x768xf32, #tpu.memory_space<vmem>>, vector<1x16xf32>,
        %mul3A_2600 = arith.constant 4 : i32
        %mul3A_2601 = arith.muli %scan3A_37, %mul3A_2600 : i32
        %add3A_2602 = arith.constant 2 : i32
        %add3A_2603 = arith.addi %mul3A_2601, %add3A_2602 : i32
        %get3A_2604 = arith.index_cast %add3A_2603 : i32 to index
        %get3A_2605 = arith.constant 480 : index
        %get3A_2606 = tpu.vector_load %arg6[%get3A_2604, %get3A_2605] {strides = array<i32>} : memref<128x768xf32, #tpu.memory_space<vmem>>, vector<1x16xf32>,
        %get3A_2607 = vector.shape_cast %get3A_2606 : vector<1x16xf32> to vector<16xf32>
        %get3A_2608 = arith.constant 2 : i32
        %get3A_2609 = arith.index_cast %get3A_2608 : i32 to index
        %get3A_2610 = arith.constant 480 : index
        %get3A_2611 = tpu.vector_load %arg8[%get3A_2609, %get3A_2610] {strides = array<i32>} : memref<4x768xf32, #tpu.memory_space<vmem>>, vector<1x16xf32>,
        %get3A_2612 = vector.shape_cast %get3A_2611 : vector<1x16xf32> to vector<16xf32>
        %add3A_2613 = arith.addf %get3A_2559, %get3A_2612 : vector<16xf32>
        %add3A_2614 = arith.addf %get3A_2607, %add3A_2613 : vector<16xf32>
        %swap3A_2615 = arith.index_cast %add3A_2603 : i32 to index
        %swap3A_2616 = arith.constant 480 : index
        %swap3A_2617 = tpu.vector_load %arg6[%swap3A_2615, %swap3A_2616] {strides = array<i32>} : memref<128x768xf32, #tpu.memory_space<vmem>>, vector<1x16xf32>,
        %swap3A_2618 = vector.shape_cast %swap3A_2617 : vector<1x16xf32> to vector<16xf32>
        %swap3A_2619 = vector.shape_cast %add3A_2614 : vector<16xf32> to vector<1x16xf32>
        tpu.vector_store %arg6[%swap3A_2615, %swap3A_2616], %swap3A_2619 {strides = array<i32>} : memref<128x768xf32, #tpu.memory_space<vmem>>, vector<1x16xf32>,
        %mul3A_2620 = arith.constant 4 : i32
        %mul3A_2621 = arith.muli %scan3A_37, %mul3A_2620 : i32
        %add3A_2622 = arith.constant 3 : i32
        %add3A_2623 = arith.addi %mul3A_2621, %add3A_2622 : i32
        %get3A_2624 = arith.index_cast %add3A_2623 : i32 to index
        %get3A_2625 = arith.constant 480 : index
        %get3A_2626 = tpu.vector_load %arg6[%get3A_2624, %get3A_2625] {strides = array<i32>} : memref<128x768xf32, #tpu.memory_space<vmem>>, vector<1x16xf32>,
        %get3A_2627 = vector.shape_cast %get3A_2626 : vector<1x16xf32> to vector<16xf32>
        %get3A_2628 = arith.constant 3 : i32
        %get3A_2629 = arith.index_cast %get3A_2628 : i32 to index
        %get3A_2630 = arith.constant 480 : index
        %get3A_2631 = tpu.vector_load %arg8[%get3A_2629, %get3A_2630] {strides = array<i32>} : memref<4x768xf32, #tpu.memory_space<vmem>>, vector<1x16xf32>,
        %get3A_2632 = vector.shape_cast %get3A_2631 : vector<1x16xf32> to vector<16xf32>
        %add3A_2633 = arith.addf %get3A_2559, %get3A_2632 : vector<16xf32>
        %add3A_2634 = arith.addf %get3A_2627, %add3A_2633 : vector<16xf32>
        %swap3A_2635 = arith.index_cast %add3A_2623 : i32 to index
        %swap3A_2636 = arith.constant 480 : index
        %swap3A_2637 = tpu.vector_load %arg6[%swap3A_2635, %swap3A_2636] {strides = array<i32>} : memref<128x768xf32, #tpu.memory_space<vmem>>, vector<1x16xf32>,
        %swap3A_2638 = vector.shape_cast %swap3A_2637 : vector<1x16xf32> to vector<16xf32>
        %swap3A_2639 = vector.shape_cast %add3A_2634 : vector<16xf32> to vector<1x16xf32>
        tpu.vector_store %arg6[%swap3A_2635, %swap3A_2636], %swap3A_2639 {strides = array<i32>} : memref<128x768xf32, #tpu.memory_space<vmem>>, vector<1x16xf32>,
        %get3A_2640 = arith.index_cast %scan3A_37 : i32 to index
        %get3A_2641 = arith.constant 496 : index
        %get3A_2642 = tpu.vector_load %arg7[%get3A_2640, %get3A_2641] {strides = array<i32>} : memref<32x768xf32, #tpu.memory_space<vmem>>, vector<1x16xf32>,
        %get3A_2643 = vector.shape_cast %get3A_2642 : vector<1x16xf32> to vector<16xf32>
        %mul3A_2644 = arith.constant 4 : i32
        %mul3A_2645 = arith.muli %scan3A_37, %mul3A_2644 : i32
        %add3A_2646 = arith.constant 0 : i32
        %add3A_2647 = arith.addi %mul3A_2645, %add3A_2646 : i32
        %get3A_2648 = arith.index_cast %add3A_2647 : i32 to index
        %get3A_2649 = arith.constant 496 : index
        %get3A_2650 = tpu.vector_load %arg6[%get3A_2648, %get3A_2649] {strides = array<i32>} : memref<128x768xf32, #tpu.memory_space<vmem>>, vector<1x16xf32>,
        %get3A_2651 = vector.shape_cast %get3A_2650 : vector<1x16xf32> to vector<16xf32>
        %get3A_2652 = arith.constant 0 : i32
        %get3A_2653 = arith.index_cast %get3A_2652 : i32 to index
        %get3A_2654 = arith.constant 496 : index
        %get3A_2655 = tpu.vector_load %arg8[%get3A_2653, %get3A_2654] {strides = array<i32>} : memref<4x768xf32, #tpu.memory_space<vmem>>, vector<1x16xf32>,
        %get3A_2656 = vector.shape_cast %get3A_2655 : vector<1x16xf32> to vector<16xf32>
        %add3A_2657 = arith.addf %get3A_2643, %get3A_2656 : vector<16xf32>
        %add3A_2658 = arith.addf %get3A_2651, %add3A_2657 : vector<16xf32>
        %swap3A_2659 = arith.index_cast %add3A_2647 : i32 to index
        %swap3A_2660 = arith.constant 496 : index
        %swap3A_2661 = tpu.vector_load %arg6[%swap3A_2659, %swap3A_2660] {strides = array<i32>} : memref<128x768xf32, #tpu.memory_space<vmem>>, vector<1x16xf32>,
        %swap3A_2662 = vector.shape_cast %swap3A_2661 : vector<1x16xf32> to vector<16xf32>
        %swap3A_2663 = vector.shape_cast %add3A_2658 : vector<16xf32> to vector<1x16xf32>
        tpu.vector_store %arg6[%swap3A_2659, %swap3A_2660], %swap3A_2663 {strides = array<i32>} : memref<128x768xf32, #tpu.memory_space<vmem>>, vector<1x16xf32>,
        %mul3A_2664 = arith.constant 4 : i32
        %mul3A_2665 = arith.muli %scan3A_37, %mul3A_2664 : i32
        %add3A_2666 = arith.constant 1 : i32
        %add3A_2667 = arith.addi %mul3A_2665, %add3A_2666 : i32
        %get3A_2668 = arith.index_cast %add3A_2667 : i32 to index
        %get3A_2669 = arith.constant 496 : index
        %get3A_2670 = tpu.vector_load %arg6[%get3A_2668, %get3A_2669] {strides = array<i32>} : memref<128x768xf32, #tpu.memory_space<vmem>>, vector<1x16xf32>,
        %get3A_2671 = vector.shape_cast %get3A_2670 : vector<1x16xf32> to vector<16xf32>
        %get3A_2672 = arith.constant 1 : i32
        %get3A_2673 = arith.index_cast %get3A_2672 : i32 to index
        %get3A_2674 = arith.constant 496 : index
        %get3A_2675 = tpu.vector_load %arg8[%get3A_2673, %get3A_2674] {strides = array<i32>} : memref<4x768xf32, #tpu.memory_space<vmem>>, vector<1x16xf32>,
        %get3A_2676 = vector.shape_cast %get3A_2675 : vector<1x16xf32> to vector<16xf32>
        %add3A_2677 = arith.addf %get3A_2643, %get3A_2676 : vector<16xf32>
        %add3A_2678 = arith.addf %get3A_2671, %add3A_2677 : vector<16xf32>
        %swap3A_2679 = arith.index_cast %add3A_2667 : i32 to index
        %swap3A_2680 = arith.constant 496 : index
        %swap3A_2681 = tpu.vector_load %arg6[%swap3A_2679, %swap3A_2680] {strides = array<i32>} : memref<128x768xf32, #tpu.memory_space<vmem>>, vector<1x16xf32>,
        %swap3A_2682 = vector.shape_cast %swap3A_2681 : vector<1x16xf32> to vector<16xf32>
        %swap3A_2683 = vector.shape_cast %add3A_2678 : vector<16xf32> to vector<1x16xf32>
        tpu.vector_store %arg6[%swap3A_2679, %swap3A_2680], %swap3A_2683 {strides = array<i32>} : memref<128x768xf32, #tpu.memory_space<vmem>>, vector<1x16xf32>,
        %mul3A_2684 = arith.constant 4 : i32
        %mul3A_2685 = arith.muli %scan3A_37, %mul3A_2684 : i32
        %add3A_2686 = arith.constant 2 : i32
        %add3A_2687 = arith.addi %mul3A_2685, %add3A_2686 : i32
        %get3A_2688 = arith.index_cast %add3A_2687 : i32 to index
        %get3A_2689 = arith.constant 496 : index
        %get3A_2690 = tpu.vector_load %arg6[%get3A_2688, %get3A_2689] {strides = array<i32>} : memref<128x768xf32, #tpu.memory_space<vmem>>, vector<1x16xf32>,
        %get3A_2691 = vector.shape_cast %get3A_2690 : vector<1x16xf32> to vector<16xf32>
        %get3A_2692 = arith.constant 2 : i32
        %get3A_2693 = arith.index_cast %get3A_2692 : i32 to index
        %get3A_2694 = arith.constant 496 : index
        %get3A_2695 = tpu.vector_load %arg8[%get3A_2693, %get3A_2694] {strides = array<i32>} : memref<4x768xf32, #tpu.memory_space<vmem>>, vector<1x16xf32>,
        %get3A_2696 = vector.shape_cast %get3A_2695 : vector<1x16xf32> to vector<16xf32>
        %add3A_2697 = arith.addf %get3A_2643, %get3A_2696 : vector<16xf32>
        %add3A_2698 = arith.addf %get3A_2691, %add3A_2697 : vector<16xf32>
        %swap3A_2699 = arith.index_cast %add3A_2687 : i32 to index
        %swap3A_2700 = arith.constant 496 : index
        %swap3A_2701 = tpu.vector_load %arg6[%swap3A_2699, %swap3A_2700] {strides = array<i32>} : memref<128x768xf32, #tpu.memory_space<vmem>>, vector<1x16xf32>,
        %swap3A_2702 = vector.shape_cast %swap3A_2701 : vector<1x16xf32> to vector<16xf32>
        %swap3A_2703 = vector.shape_cast %add3A_2698 : vector<16xf32> to vector<1x16xf32>
        tpu.vector_store %arg6[%swap3A_2699, %swap3A_2700], %swap3A_2703 {strides = array<i32>} : memref<128x768xf32, #tpu.memory_space<vmem>>, vector<1x16xf32>,
        %mul3A_2704 = arith.constant 4 : i32
        %mul3A_2705 = arith.muli %scan3A_37, %mul3A_2704 : i32
        %add3A_2706 = arith.constant 3 : i32
        %add3A_2707 = arith.addi %mul3A_2705, %add3A_2706 : i32
        %get3A_2708 = arith.index_cast %add3A_2707 : i32 to index
        %get3A_2709 = arith.constant 496 : index
        %get3A_2710 = tpu.vector_load %arg6[%get3A_2708, %get3A_2709] {strides = array<i32>} : memref<128x768xf32, #tpu.memory_space<vmem>>, vector<1x16xf32>,
        %get3A_2711 = vector.shape_cast %get3A_2710 : vector<1x16xf32> to vector<16xf32>
        %get3A_2712 = arith.constant 3 : i32
        %get3A_2713 = arith.index_cast %get3A_2712 : i32 to index
        %get3A_2714 = arith.constant 496 : index
        %get3A_2715 = tpu.vector_load %arg8[%get3A_2713, %get3A_2714] {strides = array<i32>} : memref<4x768xf32, #tpu.memory_space<vmem>>, vector<1x16xf32>,
        %get3A_2716 = vector.shape_cast %get3A_2715 : vector<1x16xf32> to vector<16xf32>
        %add3A_2717 = arith.addf %get3A_2643, %get3A_2716 : vector<16xf32>
        %add3A_2718 = arith.addf %get3A_2711, %add3A_2717 : vector<16xf32>
        %swap3A_2719 = arith.index_cast %add3A_2707 : i32 to index
        %swap3A_2720 = arith.constant 496 : index
        %swap3A_2721 = tpu.vector_load %arg6[%swap3A_2719, %swap3A_2720] {strides = array<i32>} : memref<128x768xf32, #tpu.memory_space<vmem>>, vector<1x16xf32>,
        %swap3A_2722 = vector.shape_cast %swap3A_2721 : vector<1x16xf32> to vector<16xf32>
        %swap3A_2723 = vector.shape_cast %add3A_2718 : vector<16xf32> to vector<1x16xf32>
        tpu.vector_store %arg6[%swap3A_2719, %swap3A_2720], %swap3A_2723 {strides = array<i32>} : memref<128x768xf32, #tpu.memory_space<vmem>>, vector<1x16xf32>,
        %get3A_2724 = arith.index_cast %scan3A_37 : i32 to index
        %get3A_2725 = arith.constant 512 : index
        %get3A_2726 = tpu.vector_load %arg7[%get3A_2724, %get3A_2725] {strides = array<i32>} : memref<32x768xf32, #tpu.memory_space<vmem>>, vector<1x16xf32>,
        %get3A_2727 = vector.shape_cast %get3A_2726 : vector<1x16xf32> to vector<16xf32>
        %mul3A_2728 = arith.constant 4 : i32
        %mul3A_2729 = arith.muli %scan3A_37, %mul3A_2728 : i32
        %add3A_2730 = arith.constant 0 : i32
        %add3A_2731 = arith.addi %mul3A_2729, %add3A_2730 : i32
        %get3A_2732 = arith.index_cast %add3A_2731 : i32 to index
        %get3A_2733 = arith.constant 512 : index
        %get3A_2734 = tpu.vector_load %arg6[%get3A_2732, %get3A_2733] {strides = array<i32>} : memref<128x768xf32, #tpu.memory_space<vmem>>, vector<1x16xf32>,
        %get3A_2735 = vector.shape_cast %get3A_2734 : vector<1x16xf32> to vector<16xf32>
        %get3A_2736 = arith.constant 0 : i32
        %get3A_2737 = arith.index_cast %get3A_2736 : i32 to index
        %get3A_2738 = arith.constant 512 : index
        %get3A_2739 = tpu.vector_load %arg8[%get3A_2737, %get3A_2738] {strides = array<i32>} : memref<4x768xf32, #tpu.memory_space<vmem>>, vector<1x16xf32>,
        %get3A_2740 = vector.shape_cast %get3A_2739 : vector<1x16xf32> to vector<16xf32>
        %add3A_2741 = arith.addf %get3A_2727, %get3A_2740 : vector<16xf32>
        %add3A_2742 = arith.addf %get3A_2735, %add3A_2741 : vector<16xf32>
        %swap3A_2743 = arith.index_cast %add3A_2731 : i32 to index
        %swap3A_2744 = arith.constant 512 : index
        %swap3A_2745 = tpu.vector_load %arg6[%swap3A_2743, %swap3A_2744] {strides = array<i32>} : memref<128x768xf32, #tpu.memory_space<vmem>>, vector<1x16xf32>,
        %swap3A_2746 = vector.shape_cast %swap3A_2745 : vector<1x16xf32> to vector<16xf32>
        %swap3A_2747 = vector.shape_cast %add3A_2742 : vector<16xf32> to vector<1x16xf32>
        tpu.vector_store %arg6[%swap3A_2743, %swap3A_2744], %swap3A_2747 {strides = array<i32>} : memref<128x768xf32, #tpu.memory_space<vmem>>, vector<1x16xf32>,
        %mul3A_2748 = arith.constant 4 : i32
        %mul3A_2749 = arith.muli %scan3A_37, %mul3A_2748 : i32
        %add3A_2750 = arith.constant 1 : i32
        %add3A_2751 = arith.addi %mul3A_2749, %add3A_2750 : i32
        %get3A_2752 = arith.index_cast %add3A_2751 : i32 to index
        %get3A_2753 = arith.constant 512 : index
        %get3A_2754 = tpu.vector_load %arg6[%get3A_2752, %get3A_2753] {strides = array<i32>} : memref<128x768xf32, #tpu.memory_space<vmem>>, vector<1x16xf32>,
        %get3A_2755 = vector.shape_cast %get3A_2754 : vector<1x16xf32> to vector<16xf32>
        %get3A_2756 = arith.constant 1 : i32
        %get3A_2757 = arith.index_cast %get3A_2756 : i32 to index
        %get3A_2758 = arith.constant 512 : index
        %get3A_2759 = tpu.vector_load %arg8[%get3A_2757, %get3A_2758] {strides = array<i32>} : memref<4x768xf32, #tpu.memory_space<vmem>>, vector<1x16xf32>,
        %get3A_2760 = vector.shape_cast %get3A_2759 : vector<1x16xf32> to vector<16xf32>
        %add3A_2761 = arith.addf %get3A_2727, %get3A_2760 : vector<16xf32>
        %add3A_2762 = arith.addf %get3A_2755, %add3A_2761 : vector<16xf32>
        %swap3A_2763 = arith.index_cast %add3A_2751 : i32 to index
        %swap3A_2764 = arith.constant 512 : index
        %swap3A_2765 = tpu.vector_load %arg6[%swap3A_2763, %swap3A_2764] {strides = array<i32>} : memref<128x768xf32, #tpu.memory_space<vmem>>, vector<1x16xf32>,
        %swap3A_2766 = vector.shape_cast %swap3A_2765 : vector<1x16xf32> to vector<16xf32>
        %swap3A_2767 = vector.shape_cast %add3A_2762 : vector<16xf32> to vector<1x16xf32>
        tpu.vector_store %arg6[%swap3A_2763, %swap3A_2764], %swap3A_2767 {strides = array<i32>} : memref<128x768xf32, #tpu.memory_space<vmem>>, vector<1x16xf32>,
        %mul3A_2768 = arith.constant 4 : i32
        %mul3A_2769 = arith.muli %scan3A_37, %mul3A_2768 : i32
        %add3A_2770 = arith.constant 2 : i32
        %add3A_2771 = arith.addi %mul3A_2769, %add3A_2770 : i32
        %get3A_2772 = arith.index_cast %add3A_2771 : i32 to index
        %get3A_2773 = arith.constant 512 : index
        %get3A_2774 = tpu.vector_load %arg6[%get3A_2772, %get3A_2773] {strides = array<i32>} : memref<128x768xf32, #tpu.memory_space<vmem>>, vector<1x16xf32>,
        %get3A_2775 = vector.shape_cast %get3A_2774 : vector<1x16xf32> to vector<16xf32>
        %get3A_2776 = arith.constant 2 : i32
        %get3A_2777 = arith.index_cast %get3A_2776 : i32 to index
        %get3A_2778 = arith.constant 512 : index
        %get3A_2779 = tpu.vector_load %arg8[%get3A_2777, %get3A_2778] {strides = array<i32>} : memref<4x768xf32, #tpu.memory_space<vmem>>, vector<1x16xf32>,
        %get3A_2780 = vector.shape_cast %get3A_2779 : vector<1x16xf32> to vector<16xf32>
        %add3A_2781 = arith.addf %get3A_2727, %get3A_2780 : vector<16xf32>
        %add3A_2782 = arith.addf %get3A_2775, %add3A_2781 : vector<16xf32>
        %swap3A_2783 = arith.index_cast %add3A_2771 : i32 to index
        %swap3A_2784 = arith.constant 512 : index
        %swap3A_2785 = tpu.vector_load %arg6[%swap3A_2783, %swap3A_2784] {strides = array<i32>} : memref<128x768xf32, #tpu.memory_space<vmem>>, vector<1x16xf32>,
        %swap3A_2786 = vector.shape_cast %swap3A_2785 : vector<1x16xf32> to vector<16xf32>
        %swap3A_2787 = vector.shape_cast %add3A_2782 : vector<16xf32> to vector<1x16xf32>
        tpu.vector_store %arg6[%swap3A_2783, %swap3A_2784], %swap3A_2787 {strides = array<i32>} : memref<128x768xf32, #tpu.memory_space<vmem>>, vector<1x16xf32>,
        %mul3A_2788 = arith.constant 4 : i32
        %mul3A_2789 = arith.muli %scan3A_37, %mul3A_2788 : i32
        %add3A_2790 = arith.constant 3 : i32
        %add3A_2791 = arith.addi %mul3A_2789, %add3A_2790 : i32
        %get3A_2792 = arith.index_cast %add3A_2791 : i32 to index
        %get3A_2793 = arith.constant 512 : index
        %get3A_2794 = tpu.vector_load %arg6[%get3A_2792, %get3A_2793] {strides = array<i32>} : memref<128x768xf32, #tpu.memory_space<vmem>>, vector<1x16xf32>,
        %get3A_2795 = vector.shape_cast %get3A_2794 : vector<1x16xf32> to vector<16xf32>
        %get3A_2796 = arith.constant 3 : i32
        %get3A_2797 = arith.index_cast %get3A_2796 : i32 to index
        %get3A_2798 = arith.constant 512 : index
        %get3A_2799 = tpu.vector_load %arg8[%get3A_2797, %get3A_2798] {strides = array<i32>} : memref<4x768xf32, #tpu.memory_space<vmem>>, vector<1x16xf32>,
        %get3A_2800 = vector.shape_cast %get3A_2799 : vector<1x16xf32> to vector<16xf32>
        %add3A_2801 = arith.addf %get3A_2727, %get3A_2800 : vector<16xf32>
        %add3A_2802 = arith.addf %get3A_2795, %add3A_2801 : vector<16xf32>
        %swap3A_2803 = arith.index_cast %add3A_2791 : i32 to index
        %swap3A_2804 = arith.constant 512 : index
        %swap3A_2805 = tpu.vector_load %arg6[%swap3A_2803, %swap3A_2804] {strides = array<i32>} : memref<128x768xf32, #tpu.memory_space<vmem>>, vector<1x16xf32>,
        %swap3A_2806 = vector.shape_cast %swap3A_2805 : vector<1x16xf32> to vector<16xf32>
        %swap3A_2807 = vector.shape_cast %add3A_2802 : vector<16xf32> to vector<1x16xf32>
        tpu.vector_store %arg6[%swap3A_2803, %swap3A_2804], %swap3A_2807 {strides = array<i32>} : memref<128x768xf32, #tpu.memory_space<vmem>>, vector<1x16xf32>,
        %get3A_2808 = arith.index_cast %scan3A_37 : i32 to index
        %get3A_2809 = arith.constant 528 : index
        %get3A_2810 = tpu.vector_load %arg7[%get3A_2808, %get3A_2809] {strides = array<i32>} : memref<32x768xf32, #tpu.memory_space<vmem>>, vector<1x16xf32>,
        %get3A_2811 = vector.shape_cast %get3A_2810 : vector<1x16xf32> to vector<16xf32>
        %mul3A_2812 = arith.constant 4 : i32
        %mul3A_2813 = arith.muli %scan3A_37, %mul3A_2812 : i32
        %add3A_2814 = arith.constant 0 : i32
        %add3A_2815 = arith.addi %mul3A_2813, %add3A_2814 : i32
        %get3A_2816 = arith.index_cast %add3A_2815 : i32 to index
        %get3A_2817 = arith.constant 528 : index
        %get3A_2818 = tpu.vector_load %arg6[%get3A_2816, %get3A_2817] {strides = array<i32>} : memref<128x768xf32, #tpu.memory_space<vmem>>, vector<1x16xf32>,
        %get3A_2819 = vector.shape_cast %get3A_2818 : vector<1x16xf32> to vector<16xf32>
        %get3A_2820 = arith.constant 0 : i32
        %get3A_2821 = arith.index_cast %get3A_2820 : i32 to index
        %get3A_2822 = arith.constant 528 : index
        %get3A_2823 = tpu.vector_load %arg8[%get3A_2821, %get3A_2822] {strides = array<i32>} : memref<4x768xf32, #tpu.memory_space<vmem>>, vector<1x16xf32>,
        %get3A_2824 = vector.shape_cast %get3A_2823 : vector<1x16xf32> to vector<16xf32>
        %add3A_2825 = arith.addf %get3A_2811, %get3A_2824 : vector<16xf32>
        %add3A_2826 = arith.addf %get3A_2819, %add3A_2825 : vector<16xf32>
        %swap3A_2827 = arith.index_cast %add3A_2815 : i32 to index
        %swap3A_2828 = arith.constant 528 : index
        %swap3A_2829 = tpu.vector_load %arg6[%swap3A_2827, %swap3A_2828] {strides = array<i32>} : memref<128x768xf32, #tpu.memory_space<vmem>>, vector<1x16xf32>,
        %swap3A_2830 = vector.shape_cast %swap3A_2829 : vector<1x16xf32> to vector<16xf32>
        %swap3A_2831 = vector.shape_cast %add3A_2826 : vector<16xf32> to vector<1x16xf32>
        tpu.vector_store %arg6[%swap3A_2827, %swap3A_2828], %swap3A_2831 {strides = array<i32>} : memref<128x768xf32, #tpu.memory_space<vmem>>, vector<1x16xf32>,
        %mul3A_2832 = arith.constant 4 : i32
        %mul3A_2833 = arith.muli %scan3A_37, %mul3A_2832 : i32
        %add3A_2834 = arith.constant 1 : i32
        %add3A_2835 = arith.addi %mul3A_2833, %add3A_2834 : i32
        %get3A_2836 = arith.index_cast %add3A_2835 : i32 to index
        %get3A_2837 = arith.constant 528 : index
        %get3A_2838 = tpu.vector_load %arg6[%get3A_2836, %get3A_2837] {strides = array<i32>} : memref<128x768xf32, #tpu.memory_space<vmem>>, vector<1x16xf32>,
        %get3A_2839 = vector.shape_cast %get3A_2838 : vector<1x16xf32> to vector<16xf32>
        %get3A_2840 = arith.constant 1 : i32
        %get3A_2841 = arith.index_cast %get3A_2840 : i32 to index
        %get3A_2842 = arith.constant 528 : index
        %get3A_2843 = tpu.vector_load %arg8[%get3A_2841, %get3A_2842] {strides = array<i32>} : memref<4x768xf32, #tpu.memory_space<vmem>>, vector<1x16xf32>,
        %get3A_2844 = vector.shape_cast %get3A_2843 : vector<1x16xf32> to vector<16xf32>
        %add3A_2845 = arith.addf %get3A_2811, %get3A_2844 : vector<16xf32>
        %add3A_2846 = arith.addf %get3A_2839, %add3A_2845 : vector<16xf32>
        %swap3A_2847 = arith.index_cast %add3A_2835 : i32 to index
        %swap3A_2848 = arith.constant 528 : index
        %swap3A_2849 = tpu.vector_load %arg6[%swap3A_2847, %swap3A_2848] {strides = array<i32>} : memref<128x768xf32, #tpu.memory_space<vmem>>, vector<1x16xf32>,
        %swap3A_2850 = vector.shape_cast %swap3A_2849 : vector<1x16xf32> to vector<16xf32>
        %swap3A_2851 = vector.shape_cast %add3A_2846 : vector<16xf32> to vector<1x16xf32>
        tpu.vector_store %arg6[%swap3A_2847, %swap3A_2848], %swap3A_2851 {strides = array<i32>} : memref<128x768xf32, #tpu.memory_space<vmem>>, vector<1x16xf32>,
        %mul3A_2852 = arith.constant 4 : i32
        %mul3A_2853 = arith.muli %scan3A_37, %mul3A_2852 : i32
        %add3A_2854 = arith.constant 2 : i32
        %add3A_2855 = arith.addi %mul3A_2853, %add3A_2854 : i32
        %get3A_2856 = arith.index_cast %add3A_2855 : i32 to index
        %get3A_2857 = arith.constant 528 : index
        %get3A_2858 = tpu.vector_load %arg6[%get3A_2856, %get3A_2857] {strides = array<i32>} : memref<128x768xf32, #tpu.memory_space<vmem>>, vector<1x16xf32>,
        %get3A_2859 = vector.shape_cast %get3A_2858 : vector<1x16xf32> to vector<16xf32>
        %get3A_2860 = arith.constant 2 : i32
        %get3A_2861 = arith.index_cast %get3A_2860 : i32 to index
        %get3A_2862 = arith.constant 528 : index
        %get3A_2863 = tpu.vector_load %arg8[%get3A_2861, %get3A_2862] {strides = array<i32>} : memref<4x768xf32, #tpu.memory_space<vmem>>, vector<1x16xf32>,
        %get3A_2864 = vector.shape_cast %get3A_2863 : vector<1x16xf32> to vector<16xf32>
        %add3A_2865 = arith.addf %get3A_2811, %get3A_2864 : vector<16xf32>
        %add3A_2866 = arith.addf %get3A_2859, %add3A_2865 : vector<16xf32>
        %swap3A_2867 = arith.index_cast %add3A_2855 : i32 to index
        %swap3A_2868 = arith.constant 528 : index
        %swap3A_2869 = tpu.vector_load %arg6[%swap3A_2867, %swap3A_2868] {strides = array<i32>} : memref<128x768xf32, #tpu.memory_space<vmem>>, vector<1x16xf32>,
        %swap3A_2870 = vector.shape_cast %swap3A_2869 : vector<1x16xf32> to vector<16xf32>
        %swap3A_2871 = vector.shape_cast %add3A_2866 : vector<16xf32> to vector<1x16xf32>
        tpu.vector_store %arg6[%swap3A_2867, %swap3A_2868], %swap3A_2871 {strides = array<i32>} : memref<128x768xf32, #tpu.memory_space<vmem>>, vector<1x16xf32>,
        %mul3A_2872 = arith.constant 4 : i32
        %mul3A_2873 = arith.muli %scan3A_37, %mul3A_2872 : i32
        %add3A_2874 = arith.constant 3 : i32
        %add3A_2875 = arith.addi %mul3A_2873, %add3A_2874 : i32
        %get3A_2876 = arith.index_cast %add3A_2875 : i32 to index
        %get3A_2877 = arith.constant 528 : index
        %get3A_2878 = tpu.vector_load %arg6[%get3A_2876, %get3A_2877] {strides = array<i32>} : memref<128x768xf32, #tpu.memory_space<vmem>>, vector<1x16xf32>,
        %get3A_2879 = vector.shape_cast %get3A_2878 : vector<1x16xf32> to vector<16xf32>
        %get3A_2880 = arith.constant 3 : i32
        %get3A_2881 = arith.index_cast %get3A_2880 : i32 to index
        %get3A_2882 = arith.constant 528 : index
        %get3A_2883 = tpu.vector_load %arg8[%get3A_2881, %get3A_2882] {strides = array<i32>} : memref<4x768xf32, #tpu.memory_space<vmem>>, vector<1x16xf32>,
        %get3A_2884 = vector.shape_cast %get3A_2883 : vector<1x16xf32> to vector<16xf32>
        %add3A_2885 = arith.addf %get3A_2811, %get3A_2884 : vector<16xf32>
        %add3A_2886 = arith.addf %get3A_2879, %add3A_2885 : vector<16xf32>
        %swap3A_2887 = arith.index_cast %add3A_2875 : i32 to index
        %swap3A_2888 = arith.constant 528 : index
        %swap3A_2889 = tpu.vector_load %arg6[%swap3A_2887, %swap3A_2888] {strides = array<i32>} : memref<128x768xf32, #tpu.memory_space<vmem>>, vector<1x16xf32>,
        %swap3A_2890 = vector.shape_cast %swap3A_2889 : vector<1x16xf32> to vector<16xf32>
        %swap3A_2891 = vector.shape_cast %add3A_2886 : vector<16xf32> to vector<1x16xf32>
        tpu.vector_store %arg6[%swap3A_2887, %swap3A_2888], %swap3A_2891 {strides = array<i32>} : memref<128x768xf32, #tpu.memory_space<vmem>>, vector<1x16xf32>,
        %get3A_2892 = arith.index_cast %scan3A_37 : i32 to index
        %get3A_2893 = arith.constant 544 : index
        %get3A_2894 = tpu.vector_load %arg7[%get3A_2892, %get3A_2893] {strides = array<i32>} : memref<32x768xf32, #tpu.memory_space<vmem>>, vector<1x16xf32>,
        %get3A_2895 = vector.shape_cast %get3A_2894 : vector<1x16xf32> to vector<16xf32>
        %mul3A_2896 = arith.constant 4 : i32
        %mul3A_2897 = arith.muli %scan3A_37, %mul3A_2896 : i32
        %add3A_2898 = arith.constant 0 : i32
        %add3A_2899 = arith.addi %mul3A_2897, %add3A_2898 : i32
        %get3A_2900 = arith.index_cast %add3A_2899 : i32 to index
        %get3A_2901 = arith.constant 544 : index
        %get3A_2902 = tpu.vector_load %arg6[%get3A_2900, %get3A_2901] {strides = array<i32>} : memref<128x768xf32, #tpu.memory_space<vmem>>, vector<1x16xf32>,
        %get3A_2903 = vector.shape_cast %get3A_2902 : vector<1x16xf32> to vector<16xf32>
        %get3A_2904 = arith.constant 0 : i32
        %get3A_2905 = arith.index_cast %get3A_2904 : i32 to index
        %get3A_2906 = arith.constant 544 : index
        %get3A_2907 = tpu.vector_load %arg8[%get3A_2905, %get3A_2906] {strides = array<i32>} : memref<4x768xf32, #tpu.memory_space<vmem>>, vector<1x16xf32>,
        %get3A_2908 = vector.shape_cast %get3A_2907 : vector<1x16xf32> to vector<16xf32>
        %add3A_2909 = arith.addf %get3A_2895, %get3A_2908 : vector<16xf32>
        %add3A_2910 = arith.addf %get3A_2903, %add3A_2909 : vector<16xf32>
        %swap3A_2911 = arith.index_cast %add3A_2899 : i32 to index
        %swap3A_2912 = arith.constant 544 : index
        %swap3A_2913 = tpu.vector_load %arg6[%swap3A_2911, %swap3A_2912] {strides = array<i32>} : memref<128x768xf32, #tpu.memory_space<vmem>>, vector<1x16xf32>,
        %swap3A_2914 = vector.shape_cast %swap3A_2913 : vector<1x16xf32> to vector<16xf32>
        %swap3A_2915 = vector.shape_cast %add3A_2910 : vector<16xf32> to vector<1x16xf32>
        tpu.vector_store %arg6[%swap3A_2911, %swap3A_2912], %swap3A_2915 {strides = array<i32>} : memref<128x768xf32, #tpu.memory_space<vmem>>, vector<1x16xf32>,
        %mul3A_2916 = arith.constant 4 : i32
        %mul3A_2917 = arith.muli %scan3A_37, %mul3A_2916 : i32
        %add3A_2918 = arith.constant 1 : i32
        %add3A_2919 = arith.addi %mul3A_2917, %add3A_2918 : i32
        %get3A_2920 = arith.index_cast %add3A_2919 : i32 to index
        %get3A_2921 = arith.constant 544 : index
        %get3A_2922 = tpu.vector_load %arg6[%get3A_2920, %get3A_2921] {strides = array<i32>} : memref<128x768xf32, #tpu.memory_space<vmem>>, vector<1x16xf32>,
        %get3A_2923 = vector.shape_cast %get3A_2922 : vector<1x16xf32> to vector<16xf32>
        %get3A_2924 = arith.constant 1 : i32
        %get3A_2925 = arith.index_cast %get3A_2924 : i32 to index
        %get3A_2926 = arith.constant 544 : index
        %get3A_2927 = tpu.vector_load %arg8[%get3A_2925, %get3A_2926] {strides = array<i32>} : memref<4x768xf32, #tpu.memory_space<vmem>>, vector<1x16xf32>,
        %get3A_2928 = vector.shape_cast %get3A_2927 : vector<1x16xf32> to vector<16xf32>
        %add3A_2929 = arith.addf %get3A_2895, %get3A_2928 : vector<16xf32>
        %add3A_2930 = arith.addf %get3A_2923, %add3A_2929 : vector<16xf32>
        %swap3A_2931 = arith.index_cast %add3A_2919 : i32 to index
        %swap3A_2932 = arith.constant 544 : index
        %swap3A_2933 = tpu.vector_load %arg6[%swap3A_2931, %swap3A_2932] {strides = array<i32>} : memref<128x768xf32, #tpu.memory_space<vmem>>, vector<1x16xf32>,
        %swap3A_2934 = vector.shape_cast %swap3A_2933 : vector<1x16xf32> to vector<16xf32>
        %swap3A_2935 = vector.shape_cast %add3A_2930 : vector<16xf32> to vector<1x16xf32>
        tpu.vector_store %arg6[%swap3A_2931, %swap3A_2932], %swap3A_2935 {strides = array<i32>} : memref<128x768xf32, #tpu.memory_space<vmem>>, vector<1x16xf32>,
        %mul3A_2936 = arith.constant 4 : i32
        %mul3A_2937 = arith.muli %scan3A_37, %mul3A_2936 : i32
        %add3A_2938 = arith.constant 2 : i32
        %add3A_2939 = arith.addi %mul3A_2937, %add3A_2938 : i32
        %get3A_2940 = arith.index_cast %add3A_2939 : i32 to index
        %get3A_2941 = arith.constant 544 : index
        %get3A_2942 = tpu.vector_load %arg6[%get3A_2940, %get3A_2941] {strides = array<i32>} : memref<128x768xf32, #tpu.memory_space<vmem>>, vector<1x16xf32>,
        %get3A_2943 = vector.shape_cast %get3A_2942 : vector<1x16xf32> to vector<16xf32>
        %get3A_2944 = arith.constant 2 : i32
        %get3A_2945 = arith.index_cast %get3A_2944 : i32 to index
        %get3A_2946 = arith.constant 544 : index
        %get3A_2947 = tpu.vector_load %arg8[%get3A_2945, %get3A_2946] {strides = array<i32>} : memref<4x768xf32, #tpu.memory_space<vmem>>, vector<1x16xf32>,
        %get3A_2948 = vector.shape_cast %get3A_2947 : vector<1x16xf32> to vector<16xf32>
        %add3A_2949 = arith.addf %get3A_2895, %get3A_2948 : vector<16xf32>
        %add3A_2950 = arith.addf %get3A_2943, %add3A_2949 : vector<16xf32>
        %swap3A_2951 = arith.index_cast %add3A_2939 : i32 to index
        %swap3A_2952 = arith.constant 544 : index
        %swap3A_2953 = tpu.vector_load %arg6[%swap3A_2951, %swap3A_2952] {strides = array<i32>} : memref<128x768xf32, #tpu.memory_space<vmem>>, vector<1x16xf32>,
        %swap3A_2954 = vector.shape_cast %swap3A_2953 : vector<1x16xf32> to vector<16xf32>
        %swap3A_2955 = vector.shape_cast %add3A_2950 : vector<16xf32> to vector<1x16xf32>
        tpu.vector_store %arg6[%swap3A_2951, %swap3A_2952], %swap3A_2955 {strides = array<i32>} : memref<128x768xf32, #tpu.memory_space<vmem>>, vector<1x16xf32>,
        %mul3A_2956 = arith.constant 4 : i32
        %mul3A_2957 = arith.muli %scan3A_37, %mul3A_2956 : i32
        %add3A_2958 = arith.constant 3 : i32
        %add3A_2959 = arith.addi %mul3A_2957, %add3A_2958 : i32
        %get3A_2960 = arith.index_cast %add3A_2959 : i32 to index
        %get3A_2961 = arith.constant 544 : index
        %get3A_2962 = tpu.vector_load %arg6[%get3A_2960, %get3A_2961] {strides = array<i32>} : memref<128x768xf32, #tpu.memory_space<vmem>>, vector<1x16xf32>,
        %get3A_2963 = vector.shape_cast %get3A_2962 : vector<1x16xf32> to vector<16xf32>
        %get3A_2964 = arith.constant 3 : i32
        %get3A_2965 = arith.index_cast %get3A_2964 : i32 to index
        %get3A_2966 = arith.constant 544 : index
        %get3A_2967 = tpu.vector_load %arg8[%get3A_2965, %get3A_2966] {strides = array<i32>} : memref<4x768xf32, #tpu.memory_space<vmem>>, vector<1x16xf32>,
        %get3A_2968 = vector.shape_cast %get3A_2967 : vector<1x16xf32> to vector<16xf32>
        %add3A_2969 = arith.addf %get3A_2895, %get3A_2968 : vector<16xf32>
        %add3A_2970 = arith.addf %get3A_2963, %add3A_2969 : vector<16xf32>
        %swap3A_2971 = arith.index_cast %add3A_2959 : i32 to index
        %swap3A_2972 = arith.constant 544 : index
        %swap3A_2973 = tpu.vector_load %arg6[%swap3A_2971, %swap3A_2972] {strides = array<i32>} : memref<128x768xf32, #tpu.memory_space<vmem>>, vector<1x16xf32>,
        %swap3A_2974 = vector.shape_cast %swap3A_2973 : vector<1x16xf32> to vector<16xf32>
        %swap3A_2975 = vector.shape_cast %add3A_2970 : vector<16xf32> to vector<1x16xf32>
        tpu.vector_store %arg6[%swap3A_2971, %swap3A_2972], %swap3A_2975 {strides = array<i32>} : memref<128x768xf32, #tpu.memory_space<vmem>>, vector<1x16xf32>,
        %get3A_2976 = arith.index_cast %scan3A_37 : i32 to index
        %get3A_2977 = arith.constant 560 : index
        %get3A_2978 = tpu.vector_load %arg7[%get3A_2976, %get3A_2977] {strides = array<i32>} : memref<32x768xf32, #tpu.memory_space<vmem>>, vector<1x16xf32>,
        %get3A_2979 = vector.shape_cast %get3A_2978 : vector<1x16xf32> to vector<16xf32>
        %mul3A_2980 = arith.constant 4 : i32
        %mul3A_2981 = arith.muli %scan3A_37, %mul3A_2980 : i32
        %add3A_2982 = arith.constant 0 : i32
        %add3A_2983 = arith.addi %mul3A_2981, %add3A_2982 : i32
        %get3A_2984 = arith.index_cast %add3A_2983 : i32 to index
        %get3A_2985 = arith.constant 560 : index
        %get3A_2986 = tpu.vector_load %arg6[%get3A_2984, %get3A_2985] {strides = array<i32>} : memref<128x768xf32, #tpu.memory_space<vmem>>, vector<1x16xf32>,
        %get3A_2987 = vector.shape_cast %get3A_2986 : vector<1x16xf32> to vector<16xf32>
        %get3A_2988 = arith.constant 0 : i32
        %get3A_2989 = arith.index_cast %get3A_2988 : i32 to index
        %get3A_2990 = arith.constant 560 : index
        %get3A_2991 = tpu.vector_load %arg8[%get3A_2989, %get3A_2990] {strides = array<i32>} : memref<4x768xf32, #tpu.memory_space<vmem>>, vector<1x16xf32>,
        %get3A_2992 = vector.shape_cast %get3A_2991 : vector<1x16xf32> to vector<16xf32>
        %add3A_2993 = arith.addf %get3A_2979, %get3A_2992 : vector<16xf32>
        %add3A_2994 = arith.addf %get3A_2987, %add3A_2993 : vector<16xf32>
        %swap3A_2995 = arith.index_cast %add3A_2983 : i32 to index
        %swap3A_2996 = arith.constant 560 : index
        %swap3A_2997 = tpu.vector_load %arg6[%swap3A_2995, %swap3A_2996] {strides = array<i32>} : memref<128x768xf32, #tpu.memory_space<vmem>>, vector<1x16xf32>,
        %swap3A_2998 = vector.shape_cast %swap3A_2997 : vector<1x16xf32> to vector<16xf32>
        %swap3A_2999 = vector.shape_cast %add3A_2994 : vector<16xf32> to vector<1x16xf32>
        tpu.vector_store %arg6[%swap3A_2995, %swap3A_2996], %swap3A_2999 {strides = array<i32>} : memref<128x768xf32, #tpu.memory_space<vmem>>, vector<1x16xf32>,
        %mul3A_3000 = arith.constant 4 : i32
        %mul3A_3001 = arith.muli %scan3A_37, %mul3A_3000 : i32
        %add3A_3002 = arith.constant 1 : i32
        %add3A_3003 = arith.addi %mul3A_3001, %add3A_3002 : i32
        %get3A_3004 = arith.index_cast %add3A_3003 : i32 to index
        %get3A_3005 = arith.constant 560 : index
        %get3A_3006 = tpu.vector_load %arg6[%get3A_3004, %get3A_3005] {strides = array<i32>} : memref<128x768xf32, #tpu.memory_space<vmem>>, vector<1x16xf32>,
        %get3A_3007 = vector.shape_cast %get3A_3006 : vector<1x16xf32> to vector<16xf32>
        %get3A_3008 = arith.constant 1 : i32
        %get3A_3009 = arith.index_cast %get3A_3008 : i32 to index
        %get3A_3010 = arith.constant 560 : index
        %get3A_3011 = tpu.vector_load %arg8[%get3A_3009, %get3A_3010] {strides = array<i32>} : memref<4x768xf32, #tpu.memory_space<vmem>>, vector<1x16xf32>,
        %get3A_3012 = vector.shape_cast %get3A_3011 : vector<1x16xf32> to vector<16xf32>
        %add3A_3013 = arith.addf %get3A_2979, %get3A_3012 : vector<16xf32>
        %add3A_3014 = arith.addf %get3A_3007, %add3A_3013 : vector<16xf32>
        %swap3A_3015 = arith.index_cast %add3A_3003 : i32 to index
        %swap3A_3016 = arith.constant 560 : index
        %swap3A_3017 = tpu.vector_load %arg6[%swap3A_3015, %swap3A_3016] {strides = array<i32>} : memref<128x768xf32, #tpu.memory_space<vmem>>, vector<1x16xf32>,
        %swap3A_3018 = vector.shape_cast %swap3A_3017 : vector<1x16xf32> to vector<16xf32>
        %swap3A_3019 = vector.shape_cast %add3A_3014 : vector<16xf32> to vector<1x16xf32>
        tpu.vector_store %arg6[%swap3A_3015, %swap3A_3016], %swap3A_3019 {strides = array<i32>} : memref<128x768xf32, #tpu.memory_space<vmem>>, vector<1x16xf32>,
        %mul3A_3020 = arith.constant 4 : i32
        %mul3A_3021 = arith.muli %scan3A_37, %mul3A_3020 : i32
        %add3A_3022 = arith.constant 2 : i32
        %add3A_3023 = arith.addi %mul3A_3021, %add3A_3022 : i32
        %get3A_3024 = arith.index_cast %add3A_3023 : i32 to index
        %get3A_3025 = arith.constant 560 : index
        %get3A_3026 = tpu.vector_load %arg6[%get3A_3024, %get3A_3025] {strides = array<i32>} : memref<128x768xf32, #tpu.memory_space<vmem>>, vector<1x16xf32>,
        %get3A_3027 = vector.shape_cast %get3A_3026 : vector<1x16xf32> to vector<16xf32>
        %get3A_3028 = arith.constant 2 : i32
        %get3A_3029 = arith.index_cast %get3A_3028 : i32 to index
        %get3A_3030 = arith.constant 560 : index
        %get3A_3031 = tpu.vector_load %arg8[%get3A_3029, %get3A_3030] {strides = array<i32>} : memref<4x768xf32, #tpu.memory_space<vmem>>, vector<1x16xf32>,
        %get3A_3032 = vector.shape_cast %get3A_3031 : vector<1x16xf32> to vector<16xf32>
        %add3A_3033 = arith.addf %get3A_2979, %get3A_3032 : vector<16xf32>
        %add3A_3034 = arith.addf %get3A_3027, %add3A_3033 : vector<16xf32>
        %swap3A_3035 = arith.index_cast %add3A_3023 : i32 to index
        %swap3A_3036 = arith.constant 560 : index
        %swap3A_3037 = tpu.vector_load %arg6[%swap3A_3035, %swap3A_3036] {strides = array<i32>} : memref<128x768xf32, #tpu.memory_space<vmem>>, vector<1x16xf32>,
        %swap3A_3038 = vector.shape_cast %swap3A_3037 : vector<1x16xf32> to vector<16xf32>
        %swap3A_3039 = vector.shape_cast %add3A_3034 : vector<16xf32> to vector<1x16xf32>
        tpu.vector_store %arg6[%swap3A_3035, %swap3A_3036], %swap3A_3039 {strides = array<i32>} : memref<128x768xf32, #tpu.memory_space<vmem>>, vector<1x16xf32>,
        %mul3A_3040 = arith.constant 4 : i32
        %mul3A_3041 = arith.muli %scan3A_37, %mul3A_3040 : i32
        %add3A_3042 = arith.constant 3 : i32
        %add3A_3043 = arith.addi %mul3A_3041, %add3A_3042 : i32
        %get3A_3044 = arith.index_cast %add3A_3043 : i32 to index
        %get3A_3045 = arith.constant 560 : index
        %get3A_3046 = tpu.vector_load %arg6[%get3A_3044, %get3A_3045] {strides = array<i32>} : memref<128x768xf32, #tpu.memory_space<vmem>>, vector<1x16xf32>,
        %get3A_3047 = vector.shape_cast %get3A_3046 : vector<1x16xf32> to vector<16xf32>
        %get3A_3048 = arith.constant 3 : i32
        %get3A_3049 = arith.index_cast %get3A_3048 : i32 to index
        %get3A_3050 = arith.constant 560 : index
        %get3A_3051 = tpu.vector_load %arg8[%get3A_3049, %get3A_3050] {strides = array<i32>} : memref<4x768xf32, #tpu.memory_space<vmem>>, vector<1x16xf32>,
        %get3A_3052 = vector.shape_cast %get3A_3051 : vector<1x16xf32> to vector<16xf32>
        %add3A_3053 = arith.addf %get3A_2979, %get3A_3052 : vector<16xf32>
        %add3A_3054 = arith.addf %get3A_3047, %add3A_3053 : vector<16xf32>
        %swap3A_3055 = arith.index_cast %add3A_3043 : i32 to index
        %swap3A_3056 = arith.constant 560 : index
        %swap3A_3057 = tpu.vector_load %arg6[%swap3A_3055, %swap3A_3056] {strides = array<i32>} : memref<128x768xf32, #tpu.memory_space<vmem>>, vector<1x16xf32>,
        %swap3A_3058 = vector.shape_cast %swap3A_3057 : vector<1x16xf32> to vector<16xf32>
        %swap3A_3059 = vector.shape_cast %add3A_3054 : vector<16xf32> to vector<1x16xf32>
        tpu.vector_store %arg6[%swap3A_3055, %swap3A_3056], %swap3A_3059 {strides = array<i32>} : memref<128x768xf32, #tpu.memory_space<vmem>>, vector<1x16xf32>,
        %get3A_3060 = arith.index_cast %scan3A_37 : i32 to index
        %get3A_3061 = arith.constant 576 : index
        %get3A_3062 = tpu.vector_load %arg7[%get3A_3060, %get3A_3061] {strides = array<i32>} : memref<32x768xf32, #tpu.memory_space<vmem>>, vector<1x16xf32>,
        %get3A_3063 = vector.shape_cast %get3A_3062 : vector<1x16xf32> to vector<16xf32>
        %mul3A_3064 = arith.constant 4 : i32
        %mul3A_3065 = arith.muli %scan3A_37, %mul3A_3064 : i32
        %add3A_3066 = arith.constant 0 : i32
        %add3A_3067 = arith.addi %mul3A_3065, %add3A_3066 : i32
        %get3A_3068 = arith.index_cast %add3A_3067 : i32 to index
        %get3A_3069 = arith.constant 576 : index
        %get3A_3070 = tpu.vector_load %arg6[%get3A_3068, %get3A_3069] {strides = array<i32>} : memref<128x768xf32, #tpu.memory_space<vmem>>, vector<1x16xf32>,
        %get3A_3071 = vector.shape_cast %get3A_3070 : vector<1x16xf32> to vector<16xf32>
        %get3A_3072 = arith.constant 0 : i32
        %get3A_3073 = arith.index_cast %get3A_3072 : i32 to index
        %get3A_3074 = arith.constant 576 : index
        %get3A_3075 = tpu.vector_load %arg8[%get3A_3073, %get3A_3074] {strides = array<i32>} : memref<4x768xf32, #tpu.memory_space<vmem>>, vector<1x16xf32>,
        %get3A_3076 = vector.shape_cast %get3A_3075 : vector<1x16xf32> to vector<16xf32>
        %add3A_3077 = arith.addf %get3A_3063, %get3A_3076 : vector<16xf32>
        %add3A_3078 = arith.addf %get3A_3071, %add3A_3077 : vector<16xf32>
        %swap3A_3079 = arith.index_cast %add3A_3067 : i32 to index
        %swap3A_3080 = arith.constant 576 : index
        %swap3A_3081 = tpu.vector_load %arg6[%swap3A_3079, %swap3A_3080] {strides = array<i32>} : memref<128x768xf32, #tpu.memory_space<vmem>>, vector<1x16xf32>,
        %swap3A_3082 = vector.shape_cast %swap3A_3081 : vector<1x16xf32> to vector<16xf32>
        %swap3A_3083 = vector.shape_cast %add3A_3078 : vector<16xf32> to vector<1x16xf32>
        tpu.vector_store %arg6[%swap3A_3079, %swap3A_3080], %swap3A_3083 {strides = array<i32>} : memref<128x768xf32, #tpu.memory_space<vmem>>, vector<1x16xf32>,
        %mul3A_3084 = arith.constant 4 : i32
        %mul3A_3085 = arith.muli %scan3A_37, %mul3A_3084 : i32
        %add3A_3086 = arith.constant 1 : i32
        %add3A_3087 = arith.addi %mul3A_3085, %add3A_3086 : i32
        %get3A_3088 = arith.index_cast %add3A_3087 : i32 to index
        %get3A_3089 = arith.constant 576 : index
        %get3A_3090 = tpu.vector_load %arg6[%get3A_3088, %get3A_3089] {strides = array<i32>} : memref<128x768xf32, #tpu.memory_space<vmem>>, vector<1x16xf32>,
        %get3A_3091 = vector.shape_cast %get3A_3090 : vector<1x16xf32> to vector<16xf32>
        %get3A_3092 = arith.constant 1 : i32
        %get3A_3093 = arith.index_cast %get3A_3092 : i32 to index
        %get3A_3094 = arith.constant 576 : index
        %get3A_3095 = tpu.vector_load %arg8[%get3A_3093, %get3A_3094] {strides = array<i32>} : memref<4x768xf32, #tpu.memory_space<vmem>>, vector<1x16xf32>,
        %get3A_3096 = vector.shape_cast %get3A_3095 : vector<1x16xf32> to vector<16xf32>
        %add3A_3097 = arith.addf %get3A_3063, %get3A_3096 : vector<16xf32>
        %add3A_3098 = arith.addf %get3A_3091, %add3A_3097 : vector<16xf32>
        %swap3A_3099 = arith.index_cast %add3A_3087 : i32 to index
        %swap3A_3100 = arith.constant 576 : index
        %swap3A_3101 = tpu.vector_load %arg6[%swap3A_3099, %swap3A_3100] {strides = array<i32>} : memref<128x768xf32, #tpu.memory_space<vmem>>, vector<1x16xf32>,
        %swap3A_3102 = vector.shape_cast %swap3A_3101 : vector<1x16xf32> to vector<16xf32>
        %swap3A_3103 = vector.shape_cast %add3A_3098 : vector<16xf32> to vector<1x16xf32>
        tpu.vector_store %arg6[%swap3A_3099, %swap3A_3100], %swap3A_3103 {strides = array<i32>} : memref<128x768xf32, #tpu.memory_space<vmem>>, vector<1x16xf32>,
        %mul3A_3104 = arith.constant 4 : i32
        %mul3A_3105 = arith.muli %scan3A_37, %mul3A_3104 : i32
        %add3A_3106 = arith.constant 2 : i32
        %add3A_3107 = arith.addi %mul3A_3105, %add3A_3106 : i32
        %get3A_3108 = arith.index_cast %add3A_3107 : i32 to index
        %get3A_3109 = arith.constant 576 : index
        %get3A_3110 = tpu.vector_load %arg6[%get3A_3108, %get3A_3109] {strides = array<i32>} : memref<128x768xf32, #tpu.memory_space<vmem>>, vector<1x16xf32>,
        %get3A_3111 = vector.shape_cast %get3A_3110 : vector<1x16xf32> to vector<16xf32>
        %get3A_3112 = arith.constant 2 : i32
        %get3A_3113 = arith.index_cast %get3A_3112 : i32 to index
        %get3A_3114 = arith.constant 576 : index
        %get3A_3115 = tpu.vector_load %arg8[%get3A_3113, %get3A_3114] {strides = array<i32>} : memref<4x768xf32, #tpu.memory_space<vmem>>, vector<1x16xf32>,
        %get3A_3116 = vector.shape_cast %get3A_3115 : vector<1x16xf32> to vector<16xf32>
        %add3A_3117 = arith.addf %get3A_3063, %get3A_3116 : vector<16xf32>
        %add3A_3118 = arith.addf %get3A_3111, %add3A_3117 : vector<16xf32>
        %swap3A_3119 = arith.index_cast %add3A_3107 : i32 to index
        %swap3A_3120 = arith.constant 576 : index
        %swap3A_3121 = tpu.vector_load %arg6[%swap3A_3119, %swap3A_3120] {strides = array<i32>} : memref<128x768xf32, #tpu.memory_space<vmem>>, vector<1x16xf32>,
        %swap3A_3122 = vector.shape_cast %swap3A_3121 : vector<1x16xf32> to vector<16xf32>
        %swap3A_3123 = vector.shape_cast %add3A_3118 : vector<16xf32> to vector<1x16xf32>
        tpu.vector_store %arg6[%swap3A_3119, %swap3A_3120], %swap3A_3123 {strides = array<i32>} : memref<128x768xf32, #tpu.memory_space<vmem>>, vector<1x16xf32>,
        %mul3A_3124 = arith.constant 4 : i32
        %mul3A_3125 = arith.muli %scan3A_37, %mul3A_3124 : i32
        %add3A_3126 = arith.constant 3 : i32
        %add3A_3127 = arith.addi %mul3A_3125, %add3A_3126 : i32
        %get3A_3128 = arith.index_cast %add3A_3127 : i32 to index
        %get3A_3129 = arith.constant 576 : index
        %get3A_3130 = tpu.vector_load %arg6[%get3A_3128, %get3A_3129] {strides = array<i32>} : memref<128x768xf32, #tpu.memory_space<vmem>>, vector<1x16xf32>,
        %get3A_3131 = vector.shape_cast %get3A_3130 : vector<1x16xf32> to vector<16xf32>
        %get3A_3132 = arith.constant 3 : i32
        %get3A_3133 = arith.index_cast %get3A_3132 : i32 to index
        %get3A_3134 = arith.constant 576 : index
        %get3A_3135 = tpu.vector_load %arg8[%get3A_3133, %get3A_3134] {strides = array<i32>} : memref<4x768xf32, #tpu.memory_space<vmem>>, vector<1x16xf32>,
        %get3A_3136 = vector.shape_cast %get3A_3135 : vector<1x16xf32> to vector<16xf32>
        %add3A_3137 = arith.addf %get3A_3063, %get3A_3136 : vector<16xf32>
        %add3A_3138 = arith.addf %get3A_3131, %add3A_3137 : vector<16xf32>
        %swap3A_3139 = arith.index_cast %add3A_3127 : i32 to index
        %swap3A_3140 = arith.constant 576 : index
        %swap3A_3141 = tpu.vector_load %arg6[%swap3A_3139, %swap3A_3140] {strides = array<i32>} : memref<128x768xf32, #tpu.memory_space<vmem>>, vector<1x16xf32>,
        %swap3A_3142 = vector.shape_cast %swap3A_3141 : vector<1x16xf32> to vector<16xf32>
        %swap3A_3143 = vector.shape_cast %add3A_3138 : vector<16xf32> to vector<1x16xf32>
        tpu.vector_store %arg6[%swap3A_3139, %swap3A_3140], %swap3A_3143 {strides = array<i32>} : memref<128x768xf32, #tpu.memory_space<vmem>>, vector<1x16xf32>,
        %get3A_3144 = arith.index_cast %scan3A_37 : i32 to index
        %get3A_3145 = arith.constant 592 : index
        %get3A_3146 = tpu.vector_load %arg7[%get3A_3144, %get3A_3145] {strides = array<i32>} : memref<32x768xf32, #tpu.memory_space<vmem>>, vector<1x16xf32>,
        %get3A_3147 = vector.shape_cast %get3A_3146 : vector<1x16xf32> to vector<16xf32>
        %mul3A_3148 = arith.constant 4 : i32
        %mul3A_3149 = arith.muli %scan3A_37, %mul3A_3148 : i32
        %add3A_3150 = arith.constant 0 : i32
        %add3A_3151 = arith.addi %mul3A_3149, %add3A_3150 : i32
        %get3A_3152 = arith.index_cast %add3A_3151 : i32 to index
        %get3A_3153 = arith.constant 592 : index
        %get3A_3154 = tpu.vector_load %arg6[%get3A_3152, %get3A_3153] {strides = array<i32>} : memref<128x768xf32, #tpu.memory_space<vmem>>, vector<1x16xf32>,
        %get3A_3155 = vector.shape_cast %get3A_3154 : vector<1x16xf32> to vector<16xf32>
        %get3A_3156 = arith.constant 0 : i32
        %get3A_3157 = arith.index_cast %get3A_3156 : i32 to index
        %get3A_3158 = arith.constant 592 : index
        %get3A_3159 = tpu.vector_load %arg8[%get3A_3157, %get3A_3158] {strides = array<i32>} : memref<4x768xf32, #tpu.memory_space<vmem>>, vector<1x16xf32>,
        %get3A_3160 = vector.shape_cast %get3A_3159 : vector<1x16xf32> to vector<16xf32>
        %add3A_3161 = arith.addf %get3A_3147, %get3A_3160 : vector<16xf32>
        %add3A_3162 = arith.addf %get3A_3155, %add3A_3161 : vector<16xf32>
        %swap3A_3163 = arith.index_cast %add3A_3151 : i32 to index
        %swap3A_3164 = arith.constant 592 : index
        %swap3A_3165 = tpu.vector_load %arg6[%swap3A_3163, %swap3A_3164] {strides = array<i32>} : memref<128x768xf32, #tpu.memory_space<vmem>>, vector<1x16xf32>,
        %swap3A_3166 = vector.shape_cast %swap3A_3165 : vector<1x16xf32> to vector<16xf32>
        %swap3A_3167 = vector.shape_cast %add3A_3162 : vector<16xf32> to vector<1x16xf32>
        tpu.vector_store %arg6[%swap3A_3163, %swap3A_3164], %swap3A_3167 {strides = array<i32>} : memref<128x768xf32, #tpu.memory_space<vmem>>, vector<1x16xf32>,
        %mul3A_3168 = arith.constant 4 : i32
        %mul3A_3169 = arith.muli %scan3A_37, %mul3A_3168 : i32
        %add3A_3170 = arith.constant 1 : i32
        %add3A_3171 = arith.addi %mul3A_3169, %add3A_3170 : i32
        %get3A_3172 = arith.index_cast %add3A_3171 : i32 to index
        %get3A_3173 = arith.constant 592 : index
        %get3A_3174 = tpu.vector_load %arg6[%get3A_3172, %get3A_3173] {strides = array<i32>} : memref<128x768xf32, #tpu.memory_space<vmem>>, vector<1x16xf32>,
        %get3A_3175 = vector.shape_cast %get3A_3174 : vector<1x16xf32> to vector<16xf32>
        %get3A_3176 = arith.constant 1 : i32
        %get3A_3177 = arith.index_cast %get3A_3176 : i32 to index
        %get3A_3178 = arith.constant 592 : index
        %get3A_3179 = tpu.vector_load %arg8[%get3A_3177, %get3A_3178] {strides = array<i32>} : memref<4x768xf32, #tpu.memory_space<vmem>>, vector<1x16xf32>,
        %get3A_3180 = vector.shape_cast %get3A_3179 : vector<1x16xf32> to vector<16xf32>
        %add3A_3181 = arith.addf %get3A_3147, %get3A_3180 : vector<16xf32>
        %add3A_3182 = arith.addf %get3A_3175, %add3A_3181 : vector<16xf32>
        %swap3A_3183 = arith.index_cast %add3A_3171 : i32 to index
        %swap3A_3184 = arith.constant 592 : index
        %swap3A_3185 = tpu.vector_load %arg6[%swap3A_3183, %swap3A_3184] {strides = array<i32>} : memref<128x768xf32, #tpu.memory_space<vmem>>, vector<1x16xf32>,
        %swap3A_3186 = vector.shape_cast %swap3A_3185 : vector<1x16xf32> to vector<16xf32>
        %swap3A_3187 = vector.shape_cast %add3A_3182 : vector<16xf32> to vector<1x16xf32>
        tpu.vector_store %arg6[%swap3A_3183, %swap3A_3184], %swap3A_3187 {strides = array<i32>} : memref<128x768xf32, #tpu.memory_space<vmem>>, vector<1x16xf32>,
        %mul3A_3188 = arith.constant 4 : i32
        %mul3A_3189 = arith.muli %scan3A_37, %mul3A_3188 : i32
        %add3A_3190 = arith.constant 2 : i32
        %add3A_3191 = arith.addi %mul3A_3189, %add3A_3190 : i32
        %get3A_3192 = arith.index_cast %add3A_3191 : i32 to index
        %get3A_3193 = arith.constant 592 : index
        %get3A_3194 = tpu.vector_load %arg6[%get3A_3192, %get3A_3193] {strides = array<i32>} : memref<128x768xf32, #tpu.memory_space<vmem>>, vector<1x16xf32>,
        %get3A_3195 = vector.shape_cast %get3A_3194 : vector<1x16xf32> to vector<16xf32>
        %get3A_3196 = arith.constant 2 : i32
        %get3A_3197 = arith.index_cast %get3A_3196 : i32 to index
        %get3A_3198 = arith.constant 592 : index
        %get3A_3199 = tpu.vector_load %arg8[%get3A_3197, %get3A_3198] {strides = array<i32>} : memref<4x768xf32, #tpu.memory_space<vmem>>, vector<1x16xf32>,
        %get3A_3200 = vector.shape_cast %get3A_3199 : vector<1x16xf32> to vector<16xf32>
        %add3A_3201 = arith.addf %get3A_3147, %get3A_3200 : vector<16xf32>
        %add3A_3202 = arith.addf %get3A_3195, %add3A_3201 : vector<16xf32>
        %swap3A_3203 = arith.index_cast %add3A_3191 : i32 to index
        %swap3A_3204 = arith.constant 592 : index
        %swap3A_3205 = tpu.vector_load %arg6[%swap3A_3203, %swap3A_3204] {strides = array<i32>} : memref<128x768xf32, #tpu.memory_space<vmem>>, vector<1x16xf32>,
        %swap3A_3206 = vector.shape_cast %swap3A_3205 : vector<1x16xf32> to vector<16xf32>
        %swap3A_3207 = vector.shape_cast %add3A_3202 : vector<16xf32> to vector<1x16xf32>
        tpu.vector_store %arg6[%swap3A_3203, %swap3A_3204], %swap3A_3207 {strides = array<i32>} : memref<128x768xf32, #tpu.memory_space<vmem>>, vector<1x16xf32>,
        %mul3A_3208 = arith.constant 4 : i32
        %mul3A_3209 = arith.muli %scan3A_37, %mul3A_3208 : i32
        %add3A_3210 = arith.constant 3 : i32
        %add3A_3211 = arith.addi %mul3A_3209, %add3A_3210 : i32
        %get3A_3212 = arith.index_cast %add3A_3211 : i32 to index
        %get3A_3213 = arith.constant 592 : index
        %get3A_3214 = tpu.vector_load %arg6[%get3A_3212, %get3A_3213] {strides = array<i32>} : memref<128x768xf32, #tpu.memory_space<vmem>>, vector<1x16xf32>,
        %get3A_3215 = vector.shape_cast %get3A_3214 : vector<1x16xf32> to vector<16xf32>
        %get3A_3216 = arith.constant 3 : i32
        %get3A_3217 = arith.index_cast %get3A_3216 : i32 to index
        %get3A_3218 = arith.constant 592 : index
        %get3A_3219 = tpu.vector_load %arg8[%get3A_3217, %get3A_3218] {strides = array<i32>} : memref<4x768xf32, #tpu.memory_space<vmem>>, vector<1x16xf32>,
        %get3A_3220 = vector.shape_cast %get3A_3219 : vector<1x16xf32> to vector<16xf32>
        %add3A_3221 = arith.addf %get3A_3147, %get3A_3220 : vector<16xf32>
        %add3A_3222 = arith.addf %get3A_3215, %add3A_3221 : vector<16xf32>
        %swap3A_3223 = arith.index_cast %add3A_3211 : i32 to index
        %swap3A_3224 = arith.constant 592 : index
        %swap3A_3225 = tpu.vector_load %arg6[%swap3A_3223, %swap3A_3224] {strides = array<i32>} : memref<128x768xf32, #tpu.memory_space<vmem>>, vector<1x16xf32>,
        %swap3A_3226 = vector.shape_cast %swap3A_3225 : vector<1x16xf32> to vector<16xf32>
        %swap3A_3227 = vector.shape_cast %add3A_3222 : vector<16xf32> to vector<1x16xf32>
        tpu.vector_store %arg6[%swap3A_3223, %swap3A_3224], %swap3A_3227 {strides = array<i32>} : memref<128x768xf32, #tpu.memory_space<vmem>>, vector<1x16xf32>,
        %get3A_3228 = arith.index_cast %scan3A_37 : i32 to index
        %get3A_3229 = arith.constant 608 : index
        %get3A_3230 = tpu.vector_load %arg7[%get3A_3228, %get3A_3229] {strides = array<i32>} : memref<32x768xf32, #tpu.memory_space<vmem>>, vector<1x16xf32>,
        %get3A_3231 = vector.shape_cast %get3A_3230 : vector<1x16xf32> to vector<16xf32>
        %mul3A_3232 = arith.constant 4 : i32
        %mul3A_3233 = arith.muli %scan3A_37, %mul3A_3232 : i32
        %add3A_3234 = arith.constant 0 : i32
        %add3A_3235 = arith.addi %mul3A_3233, %add3A_3234 : i32
        %get3A_3236 = arith.index_cast %add3A_3235 : i32 to index
        %get3A_3237 = arith.constant 608 : index
        %get3A_3238 = tpu.vector_load %arg6[%get3A_3236, %get3A_3237] {strides = array<i32>} : memref<128x768xf32, #tpu.memory_space<vmem>>, vector<1x16xf32>,
        %get3A_3239 = vector.shape_cast %get3A_3238 : vector<1x16xf32> to vector<16xf32>
        %get3A_3240 = arith.constant 0 : i32
        %get3A_3241 = arith.index_cast %get3A_3240 : i32 to index
        %get3A_3242 = arith.constant 608 : index
        %get3A_3243 = tpu.vector_load %arg8[%get3A_3241, %get3A_3242] {strides = array<i32>} : memref<4x768xf32, #tpu.memory_space<vmem>>, vector<1x16xf32>,
        %get3A_3244 = vector.shape_cast %get3A_3243 : vector<1x16xf32> to vector<16xf32>
        %add3A_3245 = arith.addf %get3A_3231, %get3A_3244 : vector<16xf32>
        %add3A_3246 = arith.addf %get3A_3239, %add3A_3245 : vector<16xf32>
        %swap3A_3247 = arith.index_cast %add3A_3235 : i32 to index
        %swap3A_3248 = arith.constant 608 : index
        %swap3A_3249 = tpu.vector_load %arg6[%swap3A_3247, %swap3A_3248] {strides = array<i32>} : memref<128x768xf32, #tpu.memory_space<vmem>>, vector<1x16xf32>,
        %swap3A_3250 = vector.shape_cast %swap3A_3249 : vector<1x16xf32> to vector<16xf32>
        %swap3A_3251 = vector.shape_cast %add3A_3246 : vector<16xf32> to vector<1x16xf32>
        tpu.vector_store %arg6[%swap3A_3247, %swap3A_3248], %swap3A_3251 {strides = array<i32>} : memref<128x768xf32, #tpu.memory_space<vmem>>, vector<1x16xf32>,
        %mul3A_3252 = arith.constant 4 : i32
        %mul3A_3253 = arith.muli %scan3A_37, %mul3A_3252 : i32
        %add3A_3254 = arith.constant 1 : i32
        %add3A_3255 = arith.addi %mul3A_3253, %add3A_3254 : i32
        %get3A_3256 = arith.index_cast %add3A_3255 : i32 to index
        %get3A_3257 = arith.constant 608 : index
        %get3A_3258 = tpu.vector_load %arg6[%get3A_3256, %get3A_3257] {strides = array<i32>} : memref<128x768xf32, #tpu.memory_space<vmem>>, vector<1x16xf32>,
        %get3A_3259 = vector.shape_cast %get3A_3258 : vector<1x16xf32> to vector<16xf32>
        %get3A_3260 = arith.constant 1 : i32
        %get3A_3261 = arith.index_cast %get3A_3260 : i32 to index
        %get3A_3262 = arith.constant 608 : index
        %get3A_3263 = tpu.vector_load %arg8[%get3A_3261, %get3A_3262] {strides = array<i32>} : memref<4x768xf32, #tpu.memory_space<vmem>>, vector<1x16xf32>,
        %get3A_3264 = vector.shape_cast %get3A_3263 : vector<1x16xf32> to vector<16xf32>
        %add3A_3265 = arith.addf %get3A_3231, %get3A_3264 : vector<16xf32>
        %add3A_3266 = arith.addf %get3A_3259, %add3A_3265 : vector<16xf32>
        %swap3A_3267 = arith.index_cast %add3A_3255 : i32 to index
        %swap3A_3268 = arith.constant 608 : index
        %swap3A_3269 = tpu.vector_load %arg6[%swap3A_3267, %swap3A_3268] {strides = array<i32>} : memref<128x768xf32, #tpu.memory_space<vmem>>, vector<1x16xf32>,
        %swap3A_3270 = vector.shape_cast %swap3A_3269 : vector<1x16xf32> to vector<16xf32>
        %swap3A_3271 = vector.shape_cast %add3A_3266 : vector<16xf32> to vector<1x16xf32>
        tpu.vector_store %arg6[%swap3A_3267, %swap3A_3268], %swap3A_3271 {strides = array<i32>} : memref<128x768xf32, #tpu.memory_space<vmem>>, vector<1x16xf32>,
        %mul3A_3272 = arith.constant 4 : i32
        %mul3A_3273 = arith.muli %scan3A_37, %mul3A_3272 : i32
        %add3A_3274 = arith.constant 2 : i32
        %add3A_3275 = arith.addi %mul3A_3273, %add3A_3274 : i32
        %get3A_3276 = arith.index_cast %add3A_3275 : i32 to index
        %get3A_3277 = arith.constant 608 : index
        %get3A_3278 = tpu.vector_load %arg6[%get3A_3276, %get3A_3277] {strides = array<i32>} : memref<128x768xf32, #tpu.memory_space<vmem>>, vector<1x16xf32>,
        %get3A_3279 = vector.shape_cast %get3A_3278 : vector<1x16xf32> to vector<16xf32>
        %get3A_3280 = arith.constant 2 : i32
        %get3A_3281 = arith.index_cast %get3A_3280 : i32 to index
        %get3A_3282 = arith.constant 608 : index
        %get3A_3283 = tpu.vector_load %arg8[%get3A_3281, %get3A_3282] {strides = array<i32>} : memref<4x768xf32, #tpu.memory_space<vmem>>, vector<1x16xf32>,
        %get3A_3284 = vector.shape_cast %get3A_3283 : vector<1x16xf32> to vector<16xf32>
        %add3A_3285 = arith.addf %get3A_3231, %get3A_3284 : vector<16xf32>
        %add3A_3286 = arith.addf %get3A_3279, %add3A_3285 : vector<16xf32>
        %swap3A_3287 = arith.index_cast %add3A_3275 : i32 to index
        %swap3A_3288 = arith.constant 608 : index
        %swap3A_3289 = tpu.vector_load %arg6[%swap3A_3287, %swap3A_3288] {strides = array<i32>} : memref<128x768xf32, #tpu.memory_space<vmem>>, vector<1x16xf32>,
        %swap3A_3290 = vector.shape_cast %swap3A_3289 : vector<1x16xf32> to vector<16xf32>
        %swap3A_3291 = vector.shape_cast %add3A_3286 : vector<16xf32> to vector<1x16xf32>
        tpu.vector_store %arg6[%swap3A_3287, %swap3A_3288], %swap3A_3291 {strides = array<i32>} : memref<128x768xf32, #tpu.memory_space<vmem>>, vector<1x16xf32>,
        %mul3A_3292 = arith.constant 4 : i32
        %mul3A_3293 = arith.muli %scan3A_37, %mul3A_3292 : i32
        %add3A_3294 = arith.constant 3 : i32
        %add3A_3295 = arith.addi %mul3A_3293, %add3A_3294 : i32
        %get3A_3296 = arith.index_cast %add3A_3295 : i32 to index
        %get3A_3297 = arith.constant 608 : index
        %get3A_3298 = tpu.vector_load %arg6[%get3A_3296, %get3A_3297] {strides = array<i32>} : memref<128x768xf32, #tpu.memory_space<vmem>>, vector<1x16xf32>,
        %get3A_3299 = vector.shape_cast %get3A_3298 : vector<1x16xf32> to vector<16xf32>
        %get3A_3300 = arith.constant 3 : i32
        %get3A_3301 = arith.index_cast %get3A_3300 : i32 to index
        %get3A_3302 = arith.constant 608 : index
        %get3A_3303 = tpu.vector_load %arg8[%get3A_3301, %get3A_3302] {strides = array<i32>} : memref<4x768xf32, #tpu.memory_space<vmem>>, vector<1x16xf32>,
        %get3A_3304 = vector.shape_cast %get3A_3303 : vector<1x16xf32> to vector<16xf32>
        %add3A_3305 = arith.addf %get3A_3231, %get3A_3304 : vector<16xf32>
        %add3A_3306 = arith.addf %get3A_3299, %add3A_3305 : vector<16xf32>
        %swap3A_3307 = arith.index_cast %add3A_3295 : i32 to index
        %swap3A_3308 = arith.constant 608 : index
        %swap3A_3309 = tpu.vector_load %arg6[%swap3A_3307, %swap3A_3308] {strides = array<i32>} : memref<128x768xf32, #tpu.memory_space<vmem>>, vector<1x16xf32>,
        %swap3A_3310 = vector.shape_cast %swap3A_3309 : vector<1x16xf32> to vector<16xf32>
        %swap3A_3311 = vector.shape_cast %add3A_3306 : vector<16xf32> to vector<1x16xf32>
        tpu.vector_store %arg6[%swap3A_3307, %swap3A_3308], %swap3A_3311 {strides = array<i32>} : memref<128x768xf32, #tpu.memory_space<vmem>>, vector<1x16xf32>,
        %get3A_3312 = arith.index_cast %scan3A_37 : i32 to index
        %get3A_3313 = arith.constant 624 : index
        %get3A_3314 = tpu.vector_load %arg7[%get3A_3312, %get3A_3313] {strides = array<i32>} : memref<32x768xf32, #tpu.memory_space<vmem>>, vector<1x16xf32>,
        %get3A_3315 = vector.shape_cast %get3A_3314 : vector<1x16xf32> to vector<16xf32>
        %mul3A_3316 = arith.constant 4 : i32
        %mul3A_3317 = arith.muli %scan3A_37, %mul3A_3316 : i32
        %add3A_3318 = arith.constant 0 : i32
        %add3A_3319 = arith.addi %mul3A_3317, %add3A_3318 : i32
        %get3A_3320 = arith.index_cast %add3A_3319 : i32 to index
        %get3A_3321 = arith.constant 624 : index
        %get3A_3322 = tpu.vector_load %arg6[%get3A_3320, %get3A_3321] {strides = array<i32>} : memref<128x768xf32, #tpu.memory_space<vmem>>, vector<1x16xf32>,
        %get3A_3323 = vector.shape_cast %get3A_3322 : vector<1x16xf32> to vector<16xf32>
        %get3A_3324 = arith.constant 0 : i32
        %get3A_3325 = arith.index_cast %get3A_3324 : i32 to index
        %get3A_3326 = arith.constant 624 : index
        %get3A_3327 = tpu.vector_load %arg8[%get3A_3325, %get3A_3326] {strides = array<i32>} : memref<4x768xf32, #tpu.memory_space<vmem>>, vector<1x16xf32>,
        %get3A_3328 = vector.shape_cast %get3A_3327 : vector<1x16xf32> to vector<16xf32>
        %add3A_3329 = arith.addf %get3A_3315, %get3A_3328 : vector<16xf32>
        %add3A_3330 = arith.addf %get3A_3323, %add3A_3329 : vector<16xf32>
        %swap3A_3331 = arith.index_cast %add3A_3319 : i32 to index
        %swap3A_3332 = arith.constant 624 : index
        %swap3A_3333 = tpu.vector_load %arg6[%swap3A_3331, %swap3A_3332] {strides = array<i32>} : memref<128x768xf32, #tpu.memory_space<vmem>>, vector<1x16xf32>,
        %swap3A_3334 = vector.shape_cast %swap3A_3333 : vector<1x16xf32> to vector<16xf32>
        %swap3A_3335 = vector.shape_cast %add3A_3330 : vector<16xf32> to vector<1x16xf32>
        tpu.vector_store %arg6[%swap3A_3331, %swap3A_3332], %swap3A_3335 {strides = array<i32>} : memref<128x768xf32, #tpu.memory_space<vmem>>, vector<1x16xf32>,
        %mul3A_3336 = arith.constant 4 : i32
        %mul3A_3337 = arith.muli %scan3A_37, %mul3A_3336 : i32
        %add3A_3338 = arith.constant 1 : i32
        %add3A_3339 = arith.addi %mul3A_3337, %add3A_3338 : i32
        %get3A_3340 = arith.index_cast %add3A_3339 : i32 to index
        %get3A_3341 = arith.constant 624 : index
        %get3A_3342 = tpu.vector_load %arg6[%get3A_3340, %get3A_3341] {strides = array<i32>} : memref<128x768xf32, #tpu.memory_space<vmem>>, vector<1x16xf32>,
        %get3A_3343 = vector.shape_cast %get3A_3342 : vector<1x16xf32> to vector<16xf32>
        %get3A_3344 = arith.constant 1 : i32
        %get3A_3345 = arith.index_cast %get3A_3344 : i32 to index
        %get3A_3346 = arith.constant 624 : index
        %get3A_3347 = tpu.vector_load %arg8[%get3A_3345, %get3A_3346] {strides = array<i32>} : memref<4x768xf32, #tpu.memory_space<vmem>>, vector<1x16xf32>,
        %get3A_3348 = vector.shape_cast %get3A_3347 : vector<1x16xf32> to vector<16xf32>
        %add3A_3349 = arith.addf %get3A_3315, %get3A_3348 : vector<16xf32>
        %add3A_3350 = arith.addf %get3A_3343, %add3A_3349 : vector<16xf32>
        %swap3A_3351 = arith.index_cast %add3A_3339 : i32 to index
        %swap3A_3352 = arith.constant 624 : index
        %swap3A_3353 = tpu.vector_load %arg6[%swap3A_3351, %swap3A_3352] {strides = array<i32>} : memref<128x768xf32, #tpu.memory_space<vmem>>, vector<1x16xf32>,
        %swap3A_3354 = vector.shape_cast %swap3A_3353 : vector<1x16xf32> to vector<16xf32>
        %swap3A_3355 = vector.shape_cast %add3A_3350 : vector<16xf32> to vector<1x16xf32>
        tpu.vector_store %arg6[%swap3A_3351, %swap3A_3352], %swap3A_3355 {strides = array<i32>} : memref<128x768xf32, #tpu.memory_space<vmem>>, vector<1x16xf32>,
        %mul3A_3356 = arith.constant 4 : i32
        %mul3A_3357 = arith.muli %scan3A_37, %mul3A_3356 : i32
        %add3A_3358 = arith.constant 2 : i32
        %add3A_3359 = arith.addi %mul3A_3357, %add3A_3358 : i32
        %get3A_3360 = arith.index_cast %add3A_3359 : i32 to index
        %get3A_3361 = arith.constant 624 : index
        %get3A_3362 = tpu.vector_load %arg6[%get3A_3360, %get3A_3361] {strides = array<i32>} : memref<128x768xf32, #tpu.memory_space<vmem>>, vector<1x16xf32>,
        %get3A_3363 = vector.shape_cast %get3A_3362 : vector<1x16xf32> to vector<16xf32>
        %get3A_3364 = arith.constant 2 : i32
        %get3A_3365 = arith.index_cast %get3A_3364 : i32 to index
        %get3A_3366 = arith.constant 624 : index
        %get3A_3367 = tpu.vector_load %arg8[%get3A_3365, %get3A_3366] {strides = array<i32>} : memref<4x768xf32, #tpu.memory_space<vmem>>, vector<1x16xf32>,
        %get3A_3368 = vector.shape_cast %get3A_3367 : vector<1x16xf32> to vector<16xf32>
        %add3A_3369 = arith.addf %get3A_3315, %get3A_3368 : vector<16xf32>
        %add3A_3370 = arith.addf %get3A_3363, %add3A_3369 : vector<16xf32>
        %swap3A_3371 = arith.index_cast %add3A_3359 : i32 to index
        %swap3A_3372 = arith.constant 624 : index
        %swap3A_3373 = tpu.vector_load %arg6[%swap3A_3371, %swap3A_3372] {strides = array<i32>} : memref<128x768xf32, #tpu.memory_space<vmem>>, vector<1x16xf32>,
        %swap3A_3374 = vector.shape_cast %swap3A_3373 : vector<1x16xf32> to vector<16xf32>
        %swap3A_3375 = vector.shape_cast %add3A_3370 : vector<16xf32> to vector<1x16xf32>
        tpu.vector_store %arg6[%swap3A_3371, %swap3A_3372], %swap3A_3375 {strides = array<i32>} : memref<128x768xf32, #tpu.memory_space<vmem>>, vector<1x16xf32>,
        %mul3A_3376 = arith.constant 4 : i32
        %mul3A_3377 = arith.muli %scan3A_37, %mul3A_3376 : i32
        %add3A_3378 = arith.constant 3 : i32
        %add3A_3379 = arith.addi %mul3A_3377, %add3A_3378 : i32
        %get3A_3380 = arith.index_cast %add3A_3379 : i32 to index
        %get3A_3381 = arith.constant 624 : index
        %get3A_3382 = tpu.vector_load %arg6[%get3A_3380, %get3A_3381] {strides = array<i32>} : memref<128x768xf32, #tpu.memory_space<vmem>>, vector<1x16xf32>,
        %get3A_3383 = vector.shape_cast %get3A_3382 : vector<1x16xf32> to vector<16xf32>
        %get3A_3384 = arith.constant 3 : i32
        %get3A_3385 = arith.index_cast %get3A_3384 : i32 to index
        %get3A_3386 = arith.constant 624 : index
        %get3A_3387 = tpu.vector_load %arg8[%get3A_3385, %get3A_3386] {strides = array<i32>} : memref<4x768xf32, #tpu.memory_space<vmem>>, vector<1x16xf32>,
        %get3A_3388 = vector.shape_cast %get3A_3387 : vector<1x16xf32> to vector<16xf32>
        %add3A_3389 = arith.addf %get3A_3315, %get3A_3388 : vector<16xf32>
        %add3A_3390 = arith.addf %get3A_3383, %add3A_3389 : vector<16xf32>
        %swap3A_3391 = arith.index_cast %add3A_3379 : i32 to index
        %swap3A_3392 = arith.constant 624 : index
        %swap3A_3393 = tpu.vector_load %arg6[%swap3A_3391, %swap3A_3392] {strides = array<i32>} : memref<128x768xf32, #tpu.memory_space<vmem>>, vector<1x16xf32>,
        %swap3A_3394 = vector.shape_cast %swap3A_3393 : vector<1x16xf32> to vector<16xf32>
        %swap3A_3395 = vector.shape_cast %add3A_3390 : vector<16xf32> to vector<1x16xf32>
        tpu.vector_store %arg6[%swap3A_3391, %swap3A_3392], %swap3A_3395 {strides = array<i32>} : memref<128x768xf32, #tpu.memory_space<vmem>>, vector<1x16xf32>,
        %get3A_3396 = arith.index_cast %scan3A_37 : i32 to index
        %get3A_3397 = arith.constant 640 : index
        %get3A_3398 = tpu.vector_load %arg7[%get3A_3396, %get3A_3397] {strides = array<i32>} : memref<32x768xf32, #tpu.memory_space<vmem>>, vector<1x16xf32>,
        %get3A_3399 = vector.shape_cast %get3A_3398 : vector<1x16xf32> to vector<16xf32>
        %mul3A_3400 = arith.constant 4 : i32
        %mul3A_3401 = arith.muli %scan3A_37, %mul3A_3400 : i32
        %add3A_3402 = arith.constant 0 : i32
        %add3A_3403 = arith.addi %mul3A_3401, %add3A_3402 : i32
        %get3A_3404 = arith.index_cast %add3A_3403 : i32 to index
        %get3A_3405 = arith.constant 640 : index
        %get3A_3406 = tpu.vector_load %arg6[%get3A_3404, %get3A_3405] {strides = array<i32>} : memref<128x768xf32, #tpu.memory_space<vmem>>, vector<1x16xf32>,
        %get3A_3407 = vector.shape_cast %get3A_3406 : vector<1x16xf32> to vector<16xf32>
        %get3A_3408 = arith.constant 0 : i32
        %get3A_3409 = arith.index_cast %get3A_3408 : i32 to index
        %get3A_3410 = arith.constant 640 : index
        %get3A_3411 = tpu.vector_load %arg8[%get3A_3409, %get3A_3410] {strides = array<i32>} : memref<4x768xf32, #tpu.memory_space<vmem>>, vector<1x16xf32>,
        %get3A_3412 = vector.shape_cast %get3A_3411 : vector<1x16xf32> to vector<16xf32>
        %add3A_3413 = arith.addf %get3A_3399, %get3A_3412 : vector<16xf32>
        %add3A_3414 = arith.addf %get3A_3407, %add3A_3413 : vector<16xf32>
        %swap3A_3415 = arith.index_cast %add3A_3403 : i32 to index
        %swap3A_3416 = arith.constant 640 : index
        %swap3A_3417 = tpu.vector_load %arg6[%swap3A_3415, %swap3A_3416] {strides = array<i32>} : memref<128x768xf32, #tpu.memory_space<vmem>>, vector<1x16xf32>,
        %swap3A_3418 = vector.shape_cast %swap3A_3417 : vector<1x16xf32> to vector<16xf32>
        %swap3A_3419 = vector.shape_cast %add3A_3414 : vector<16xf32> to vector<1x16xf32>
        tpu.vector_store %arg6[%swap3A_3415, %swap3A_3416], %swap3A_3419 {strides = array<i32>} : memref<128x768xf32, #tpu.memory_space<vmem>>, vector<1x16xf32>,
        %mul3A_3420 = arith.constant 4 : i32
        %mul3A_3421 = arith.muli %scan3A_37, %mul3A_3420 : i32
        %add3A_3422 = arith.constant 1 : i32
        %add3A_3423 = arith.addi %mul3A_3421, %add3A_3422 : i32
        %get3A_3424 = arith.index_cast %add3A_3423 : i32 to index
        %get3A_3425 = arith.constant 640 : index
        %get3A_3426 = tpu.vector_load %arg6[%get3A_3424, %get3A_3425] {strides = array<i32>} : memref<128x768xf32, #tpu.memory_space<vmem>>, vector<1x16xf32>,
        %get3A_3427 = vector.shape_cast %get3A_3426 : vector<1x16xf32> to vector<16xf32>
        %get3A_3428 = arith.constant 1 : i32
        %get3A_3429 = arith.index_cast %get3A_3428 : i32 to index
        %get3A_3430 = arith.constant 640 : index
        %get3A_3431 = tpu.vector_load %arg8[%get3A_3429, %get3A_3430] {strides = array<i32>} : memref<4x768xf32, #tpu.memory_space<vmem>>, vector<1x16xf32>,
        %get3A_3432 = vector.shape_cast %get3A_3431 : vector<1x16xf32> to vector<16xf32>
        %add3A_3433 = arith.addf %get3A_3399, %get3A_3432 : vector<16xf32>
        %add3A_3434 = arith.addf %get3A_3427, %add3A_3433 : vector<16xf32>
        %swap3A_3435 = arith.index_cast %add3A_3423 : i32 to index
        %swap3A_3436 = arith.constant 640 : index
        %swap3A_3437 = tpu.vector_load %arg6[%swap3A_3435, %swap3A_3436] {strides = array<i32>} : memref<128x768xf32, #tpu.memory_space<vmem>>, vector<1x16xf32>,
        %swap3A_3438 = vector.shape_cast %swap3A_3437 : vector<1x16xf32> to vector<16xf32>
        %swap3A_3439 = vector.shape_cast %add3A_3434 : vector<16xf32> to vector<1x16xf32>
        tpu.vector_store %arg6[%swap3A_3435, %swap3A_3436], %swap3A_3439 {strides = array<i32>} : memref<128x768xf32, #tpu.memory_space<vmem>>, vector<1x16xf32>,
        %mul3A_3440 = arith.constant 4 : i32
        %mul3A_3441 = arith.muli %scan3A_37, %mul3A_3440 : i32
        %add3A_3442 = arith.constant 2 : i32
        %add3A_3443 = arith.addi %mul3A_3441, %add3A_3442 : i32
        %get3A_3444 = arith.index_cast %add3A_3443 : i32 to index
        %get3A_3445 = arith.constant 640 : index
        %get3A_3446 = tpu.vector_load %arg6[%get3A_3444, %get3A_3445] {strides = array<i32>} : memref<128x768xf32, #tpu.memory_space<vmem>>, vector<1x16xf32>,
        %get3A_3447 = vector.shape_cast %get3A_3446 : vector<1x16xf32> to vector<16xf32>
        %get3A_3448 = arith.constant 2 : i32
        %get3A_3449 = arith.index_cast %get3A_3448 : i32 to index
        %get3A_3450 = arith.constant 640 : index
        %get3A_3451 = tpu.vector_load %arg8[%get3A_3449, %get3A_3450] {strides = array<i32>} : memref<4x768xf32, #tpu.memory_space<vmem>>, vector<1x16xf32>,
        %get3A_3452 = vector.shape_cast %get3A_3451 : vector<1x16xf32> to vector<16xf32>
        %add3A_3453 = arith.addf %get3A_3399, %get3A_3452 : vector<16xf32>
        %add3A_3454 = arith.addf %get3A_3447, %add3A_3453 : vector<16xf32>
        %swap3A_3455 = arith.index_cast %add3A_3443 : i32 to index
        %swap3A_3456 = arith.constant 640 : index
        %swap3A_3457 = tpu.vector_load %arg6[%swap3A_3455, %swap3A_3456] {strides = array<i32>} : memref<128x768xf32, #tpu.memory_space<vmem>>, vector<1x16xf32>,
        %swap3A_3458 = vector.shape_cast %swap3A_3457 : vector<1x16xf32> to vector<16xf32>
        %swap3A_3459 = vector.shape_cast %add3A_3454 : vector<16xf32> to vector<1x16xf32>
        tpu.vector_store %arg6[%swap3A_3455, %swap3A_3456], %swap3A_3459 {strides = array<i32>} : memref<128x768xf32, #tpu.memory_space<vmem>>, vector<1x16xf32>,
        %mul3A_3460 = arith.constant 4 : i32
        %mul3A_3461 = arith.muli %scan3A_37, %mul3A_3460 : i32
        %add3A_3462 = arith.constant 3 : i32
        %add3A_3463 = arith.addi %mul3A_3461, %add3A_3462 : i32
        %get3A_3464 = arith.index_cast %add3A_3463 : i32 to index
        %get3A_3465 = arith.constant 640 : index
        %get3A_3466 = tpu.vector_load %arg6[%get3A_3464, %get3A_3465] {strides = array<i32>} : memref<128x768xf32, #tpu.memory_space<vmem>>, vector<1x16xf32>,
        %get3A_3467 = vector.shape_cast %get3A_3466 : vector<1x16xf32> to vector<16xf32>
        %get3A_3468 = arith.constant 3 : i32
        %get3A_3469 = arith.index_cast %get3A_3468 : i32 to index
        %get3A_3470 = arith.constant 640 : index
        %get3A_3471 = tpu.vector_load %arg8[%get3A_3469, %get3A_3470] {strides = array<i32>} : memref<4x768xf32, #tpu.memory_space<vmem>>, vector<1x16xf32>,
        %get3A_3472 = vector.shape_cast %get3A_3471 : vector<1x16xf32> to vector<16xf32>
        %add3A_3473 = arith.addf %get3A_3399, %get3A_3472 : vector<16xf32>
        %add3A_3474 = arith.addf %get3A_3467, %add3A_3473 : vector<16xf32>
        %swap3A_3475 = arith.index_cast %add3A_3463 : i32 to index
        %swap3A_3476 = arith.constant 640 : index
        %swap3A_3477 = tpu.vector_load %arg6[%swap3A_3475, %swap3A_3476] {strides = array<i32>} : memref<128x768xf32, #tpu.memory_space<vmem>>, vector<1x16xf32>,
        %swap3A_3478 = vector.shape_cast %swap3A_3477 : vector<1x16xf32> to vector<16xf32>
        %swap3A_3479 = vector.shape_cast %add3A_3474 : vector<16xf32> to vector<1x16xf32>
        tpu.vector_store %arg6[%swap3A_3475, %swap3A_3476], %swap3A_3479 {strides = array<i32>} : memref<128x768xf32, #tpu.memory_space<vmem>>, vector<1x16xf32>,
        %get3A_3480 = arith.index_cast %scan3A_37 : i32 to index
        %get3A_3481 = arith.constant 656 : index
        %get3A_3482 = tpu.vector_load %arg7[%get3A_3480, %get3A_3481] {strides = array<i32>} : memref<32x768xf32, #tpu.memory_space<vmem>>, vector<1x16xf32>,
        %get3A_3483 = vector.shape_cast %get3A_3482 : vector<1x16xf32> to vector<16xf32>
        %mul3A_3484 = arith.constant 4 : i32
        %mul3A_3485 = arith.muli %scan3A_37, %mul3A_3484 : i32
        %add3A_3486 = arith.constant 0 : i32
        %add3A_3487 = arith.addi %mul3A_3485, %add3A_3486 : i32
        %get3A_3488 = arith.index_cast %add3A_3487 : i32 to index
        %get3A_3489 = arith.constant 656 : index
        %get3A_3490 = tpu.vector_load %arg6[%get3A_3488, %get3A_3489] {strides = array<i32>} : memref<128x768xf32, #tpu.memory_space<vmem>>, vector<1x16xf32>,
        %get3A_3491 = vector.shape_cast %get3A_3490 : vector<1x16xf32> to vector<16xf32>
        %get3A_3492 = arith.constant 0 : i32
        %get3A_3493 = arith.index_cast %get3A_3492 : i32 to index
        %get3A_3494 = arith.constant 656 : index
        %get3A_3495 = tpu.vector_load %arg8[%get3A_3493, %get3A_3494] {strides = array<i32>} : memref<4x768xf32, #tpu.memory_space<vmem>>, vector<1x16xf32>,
        %get3A_3496 = vector.shape_cast %get3A_3495 : vector<1x16xf32> to vector<16xf32>
        %add3A_3497 = arith.addf %get3A_3483, %get3A_3496 : vector<16xf32>
        %add3A_3498 = arith.addf %get3A_3491, %add3A_3497 : vector<16xf32>
        %swap3A_3499 = arith.index_cast %add3A_3487 : i32 to index
        %swap3A_3500 = arith.constant 656 : index
        %swap3A_3501 = tpu.vector_load %arg6[%swap3A_3499, %swap3A_3500] {strides = array<i32>} : memref<128x768xf32, #tpu.memory_space<vmem>>, vector<1x16xf32>,
        %swap3A_3502 = vector.shape_cast %swap3A_3501 : vector<1x16xf32> to vector<16xf32>
        %swap3A_3503 = vector.shape_cast %add3A_3498 : vector<16xf32> to vector<1x16xf32>
        tpu.vector_store %arg6[%swap3A_3499, %swap3A_3500], %swap3A_3503 {strides = array<i32>} : memref<128x768xf32, #tpu.memory_space<vmem>>, vector<1x16xf32>,
        %mul3A_3504 = arith.constant 4 : i32
        %mul3A_3505 = arith.muli %scan3A_37, %mul3A_3504 : i32
        %add3A_3506 = arith.constant 1 : i32
        %add3A_3507 = arith.addi %mul3A_3505, %add3A_3506 : i32
        %get3A_3508 = arith.index_cast %add3A_3507 : i32 to index
        %get3A_3509 = arith.constant 656 : index
        %get3A_3510 = tpu.vector_load %arg6[%get3A_3508, %get3A_3509] {strides = array<i32>} : memref<128x768xf32, #tpu.memory_space<vmem>>, vector<1x16xf32>,
        %get3A_3511 = vector.shape_cast %get3A_3510 : vector<1x16xf32> to vector<16xf32>
        %get3A_3512 = arith.constant 1 : i32
        %get3A_3513 = arith.index_cast %get3A_3512 : i32 to index
        %get3A_3514 = arith.constant 656 : index
        %get3A_3515 = tpu.vector_load %arg8[%get3A_3513, %get3A_3514] {strides = array<i32>} : memref<4x768xf32, #tpu.memory_space<vmem>>, vector<1x16xf32>,
        %get3A_3516 = vector.shape_cast %get3A_3515 : vector<1x16xf32> to vector<16xf32>
        %add3A_3517 = arith.addf %get3A_3483, %get3A_3516 : vector<16xf32>
        %add3A_3518 = arith.addf %get3A_3511, %add3A_3517 : vector<16xf32>
        %swap3A_3519 = arith.index_cast %add3A_3507 : i32 to index
        %swap3A_3520 = arith.constant 656 : index
        %swap3A_3521 = tpu.vector_load %arg6[%swap3A_3519, %swap3A_3520] {strides = array<i32>} : memref<128x768xf32, #tpu.memory_space<vmem>>, vector<1x16xf32>,
        %swap3A_3522 = vector.shape_cast %swap3A_3521 : vector<1x16xf32> to vector<16xf32>
        %swap3A_3523 = vector.shape_cast %add3A_3518 : vector<16xf32> to vector<1x16xf32>
        tpu.vector_store %arg6[%swap3A_3519, %swap3A_3520], %swap3A_3523 {strides = array<i32>} : memref<128x768xf32, #tpu.memory_space<vmem>>, vector<1x16xf32>,
        %mul3A_3524 = arith.constant 4 : i32
        %mul3A_3525 = arith.muli %scan3A_37, %mul3A_3524 : i32
        %add3A_3526 = arith.constant 2 : i32
        %add3A_3527 = arith.addi %mul3A_3525, %add3A_3526 : i32
        %get3A_3528 = arith.index_cast %add3A_3527 : i32 to index
        %get3A_3529 = arith.constant 656 : index
        %get3A_3530 = tpu.vector_load %arg6[%get3A_3528, %get3A_3529] {strides = array<i32>} : memref<128x768xf32, #tpu.memory_space<vmem>>, vector<1x16xf32>,
        %get3A_3531 = vector.shape_cast %get3A_3530 : vector<1x16xf32> to vector<16xf32>
        %get3A_3532 = arith.constant 2 : i32
        %get3A_3533 = arith.index_cast %get3A_3532 : i32 to index
        %get3A_3534 = arith.constant 656 : index
        %get3A_3535 = tpu.vector_load %arg8[%get3A_3533, %get3A_3534] {strides = array<i32>} : memref<4x768xf32, #tpu.memory_space<vmem>>, vector<1x16xf32>,
        %get3A_3536 = vector.shape_cast %get3A_3535 : vector<1x16xf32> to vector<16xf32>
        %add3A_3537 = arith.addf %get3A_3483, %get3A_3536 : vector<16xf32>
        %add3A_3538 = arith.addf %get3A_3531, %add3A_3537 : vector<16xf32>
        %swap3A_3539 = arith.index_cast %add3A_3527 : i32 to index
        %swap3A_3540 = arith.constant 656 : index
        %swap3A_3541 = tpu.vector_load %arg6[%swap3A_3539, %swap3A_3540] {strides = array<i32>} : memref<128x768xf32, #tpu.memory_space<vmem>>, vector<1x16xf32>,
        %swap3A_3542 = vector.shape_cast %swap3A_3541 : vector<1x16xf32> to vector<16xf32>
        %swap3A_3543 = vector.shape_cast %add3A_3538 : vector<16xf32> to vector<1x16xf32>
        tpu.vector_store %arg6[%swap3A_3539, %swap3A_3540], %swap3A_3543 {strides = array<i32>} : memref<128x768xf32, #tpu.memory_space<vmem>>, vector<1x16xf32>,
        %mul3A_3544 = arith.constant 4 : i32
        %mul3A_3545 = arith.muli %scan3A_37, %mul3A_3544 : i32
        %add3A_3546 = arith.constant 3 : i32
        %add3A_3547 = arith.addi %mul3A_3545, %add3A_3546 : i32
        %get3A_3548 = arith.index_cast %add3A_3547 : i32 to index
        %get3A_3549 = arith.constant 656 : index
        %get3A_3550 = tpu.vector_load %arg6[%get3A_3548, %get3A_3549] {strides = array<i32>} : memref<128x768xf32, #tpu.memory_space<vmem>>, vector<1x16xf32>,
        %get3A_3551 = vector.shape_cast %get3A_3550 : vector<1x16xf32> to vector<16xf32>
        %get3A_3552 = arith.constant 3 : i32
        %get3A_3553 = arith.index_cast %get3A_3552 : i32 to index
        %get3A_3554 = arith.constant 656 : index
        %get3A_3555 = tpu.vector_load %arg8[%get3A_3553, %get3A_3554] {strides = array<i32>} : memref<4x768xf32, #tpu.memory_space<vmem>>, vector<1x16xf32>,
        %get3A_3556 = vector.shape_cast %get3A_3555 : vector<1x16xf32> to vector<16xf32>
        %add3A_3557 = arith.addf %get3A_3483, %get3A_3556 : vector<16xf32>
        %add3A_3558 = arith.addf %get3A_3551, %add3A_3557 : vector<16xf32>
        %swap3A_3559 = arith.index_cast %add3A_3547 : i32 to index
        %swap3A_3560 = arith.constant 656 : index
        %swap3A_3561 = tpu.vector_load %arg6[%swap3A_3559, %swap3A_3560] {strides = array<i32>} : memref<128x768xf32, #tpu.memory_space<vmem>>, vector<1x16xf32>,
        %swap3A_3562 = vector.shape_cast %swap3A_3561 : vector<1x16xf32> to vector<16xf32>
        %swap3A_3563 = vector.shape_cast %add3A_3558 : vector<16xf32> to vector<1x16xf32>
        tpu.vector_store %arg6[%swap3A_3559, %swap3A_3560], %swap3A_3563 {strides = array<i32>} : memref<128x768xf32, #tpu.memory_space<vmem>>, vector<1x16xf32>,
        %get3A_3564 = arith.index_cast %scan3A_37 : i32 to index
        %get3A_3565 = arith.constant 672 : index
        %get3A_3566 = tpu.vector_load %arg7[%get3A_3564, %get3A_3565] {strides = array<i32>} : memref<32x768xf32, #tpu.memory_space<vmem>>, vector<1x16xf32>,
        %get3A_3567 = vector.shape_cast %get3A_3566 : vector<1x16xf32> to vector<16xf32>
        %mul3A_3568 = arith.constant 4 : i32
        %mul3A_3569 = arith.muli %scan3A_37, %mul3A_3568 : i32
        %add3A_3570 = arith.constant 0 : i32
        %add3A_3571 = arith.addi %mul3A_3569, %add3A_3570 : i32
        %get3A_3572 = arith.index_cast %add3A_3571 : i32 to index
        %get3A_3573 = arith.constant 672 : index
        %get3A_3574 = tpu.vector_load %arg6[%get3A_3572, %get3A_3573] {strides = array<i32>} : memref<128x768xf32, #tpu.memory_space<vmem>>, vector<1x16xf32>,
        %get3A_3575 = vector.shape_cast %get3A_3574 : vector<1x16xf32> to vector<16xf32>
        %get3A_3576 = arith.constant 0 : i32
        %get3A_3577 = arith.index_cast %get3A_3576 : i32 to index
        %get3A_3578 = arith.constant 672 : index
        %get3A_3579 = tpu.vector_load %arg8[%get3A_3577, %get3A_3578] {strides = array<i32>} : memref<4x768xf32, #tpu.memory_space<vmem>>, vector<1x16xf32>,
        %get3A_3580 = vector.shape_cast %get3A_3579 : vector<1x16xf32> to vector<16xf32>
        %add3A_3581 = arith.addf %get3A_3567, %get3A_3580 : vector<16xf32>
        %add3A_3582 = arith.addf %get3A_3575, %add3A_3581 : vector<16xf32>
        %swap3A_3583 = arith.index_cast %add3A_3571 : i32 to index
        %swap3A_3584 = arith.constant 672 : index
        %swap3A_3585 = tpu.vector_load %arg6[%swap3A_3583, %swap3A_3584] {strides = array<i32>} : memref<128x768xf32, #tpu.memory_space<vmem>>, vector<1x16xf32>,
        %swap3A_3586 = vector.shape_cast %swap3A_3585 : vector<1x16xf32> to vector<16xf32>
        %swap3A_3587 = vector.shape_cast %add3A_3582 : vector<16xf32> to vector<1x16xf32>
        tpu.vector_store %arg6[%swap3A_3583, %swap3A_3584], %swap3A_3587 {strides = array<i32>} : memref<128x768xf32, #tpu.memory_space<vmem>>, vector<1x16xf32>,
        %mul3A_3588 = arith.constant 4 : i32
        %mul3A_3589 = arith.muli %scan3A_37, %mul3A_3588 : i32
        %add3A_3590 = arith.constant 1 : i32
        %add3A_3591 = arith.addi %mul3A_3589, %add3A_3590 : i32
        %get3A_3592 = arith.index_cast %add3A_3591 : i32 to index
        %get3A_3593 = arith.constant 672 : index
        %get3A_3594 = tpu.vector_load %arg6[%get3A_3592, %get3A_3593] {strides = array<i32>} : memref<128x768xf32, #tpu.memory_space<vmem>>, vector<1x16xf32>,
        %get3A_3595 = vector.shape_cast %get3A_3594 : vector<1x16xf32> to vector<16xf32>
        %get3A_3596 = arith.constant 1 : i32
        %get3A_3597 = arith.index_cast %get3A_3596 : i32 to index
        %get3A_3598 = arith.constant 672 : index
        %get3A_3599 = tpu.vector_load %arg8[%get3A_3597, %get3A_3598] {strides = array<i32>} : memref<4x768xf32, #tpu.memory_space<vmem>>, vector<1x16xf32>,
        %get3A_3600 = vector.shape_cast %get3A_3599 : vector<1x16xf32> to vector<16xf32>
        %add3A_3601 = arith.addf %get3A_3567, %get3A_3600 : vector<16xf32>
        %add3A_3602 = arith.addf %get3A_3595, %add3A_3601 : vector<16xf32>
        %swap3A_3603 = arith.index_cast %add3A_3591 : i32 to index
        %swap3A_3604 = arith.constant 672 : index
        %swap3A_3605 = tpu.vector_load %arg6[%swap3A_3603, %swap3A_3604] {strides = array<i32>} : memref<128x768xf32, #tpu.memory_space<vmem>>, vector<1x16xf32>,
        %swap3A_3606 = vector.shape_cast %swap3A_3605 : vector<1x16xf32> to vector<16xf32>
        %swap3A_3607 = vector.shape_cast %add3A_3602 : vector<16xf32> to vector<1x16xf32>
        tpu.vector_store %arg6[%swap3A_3603, %swap3A_3604], %swap3A_3607 {strides = array<i32>} : memref<128x768xf32, #tpu.memory_space<vmem>>, vector<1x16xf32>,
        %mul3A_3608 = arith.constant 4 : i32
        %mul3A_3609 = arith.muli %scan3A_37, %mul3A_3608 : i32
        %add3A_3610 = arith.constant 2 : i32
        %add3A_3611 = arith.addi %mul3A_3609, %add3A_3610 : i32
        %get3A_3612 = arith.index_cast %add3A_3611 : i32 to index
        %get3A_3613 = arith.constant 672 : index
        %get3A_3614 = tpu.vector_load %arg6[%get3A_3612, %get3A_3613] {strides = array<i32>} : memref<128x768xf32, #tpu.memory_space<vmem>>, vector<1x16xf32>,
        %get3A_3615 = vector.shape_cast %get3A_3614 : vector<1x16xf32> to vector<16xf32>
        %get3A_3616 = arith.constant 2 : i32
        %get3A_3617 = arith.index_cast %get3A_3616 : i32 to index
        %get3A_3618 = arith.constant 672 : index
        %get3A_3619 = tpu.vector_load %arg8[%get3A_3617, %get3A_3618] {strides = array<i32>} : memref<4x768xf32, #tpu.memory_space<vmem>>, vector<1x16xf32>,
        %get3A_3620 = vector.shape_cast %get3A_3619 : vector<1x16xf32> to vector<16xf32>
        %add3A_3621 = arith.addf %get3A_3567, %get3A_3620 : vector<16xf32>
        %add3A_3622 = arith.addf %get3A_3615, %add3A_3621 : vector<16xf32>
        %swap3A_3623 = arith.index_cast %add3A_3611 : i32 to index
        %swap3A_3624 = arith.constant 672 : index
        %swap3A_3625 = tpu.vector_load %arg6[%swap3A_3623, %swap3A_3624] {strides = array<i32>} : memref<128x768xf32, #tpu.memory_space<vmem>>, vector<1x16xf32>,
        %swap3A_3626 = vector.shape_cast %swap3A_3625 : vector<1x16xf32> to vector<16xf32>
        %swap3A_3627 = vector.shape_cast %add3A_3622 : vector<16xf32> to vector<1x16xf32>
        tpu.vector_store %arg6[%swap3A_3623, %swap3A_3624], %swap3A_3627 {strides = array<i32>} : memref<128x768xf32, #tpu.memory_space<vmem>>, vector<1x16xf32>,
        %mul3A_3628 = arith.constant 4 : i32
        %mul3A_3629 = arith.muli %scan3A_37, %mul3A_3628 : i32
        %add3A_3630 = arith.constant 3 : i32
        %add3A_3631 = arith.addi %mul3A_3629, %add3A_3630 : i32
        %get3A_3632 = arith.index_cast %add3A_3631 : i32 to index
        %get3A_3633 = arith.constant 672 : index
        %get3A_3634 = tpu.vector_load %arg6[%get3A_3632, %get3A_3633] {strides = array<i32>} : memref<128x768xf32, #tpu.memory_space<vmem>>, vector<1x16xf32>,
        %get3A_3635 = vector.shape_cast %get3A_3634 : vector<1x16xf32> to vector<16xf32>
        %get3A_3636 = arith.constant 3 : i32
        %get3A_3637 = arith.index_cast %get3A_3636 : i32 to index
        %get3A_3638 = arith.constant 672 : index
        %get3A_3639 = tpu.vector_load %arg8[%get3A_3637, %get3A_3638] {strides = array<i32>} : memref<4x768xf32, #tpu.memory_space<vmem>>, vector<1x16xf32>,
        %get3A_3640 = vector.shape_cast %get3A_3639 : vector<1x16xf32> to vector<16xf32>
        %add3A_3641 = arith.addf %get3A_3567, %get3A_3640 : vector<16xf32>
        %add3A_3642 = arith.addf %get3A_3635, %add3A_3641 : vector<16xf32>
        %swap3A_3643 = arith.index_cast %add3A_3631 : i32 to index
        %swap3A_3644 = arith.constant 672 : index
        %swap3A_3645 = tpu.vector_load %arg6[%swap3A_3643, %swap3A_3644] {strides = array<i32>} : memref<128x768xf32, #tpu.memory_space<vmem>>, vector<1x16xf32>,
        %swap3A_3646 = vector.shape_cast %swap3A_3645 : vector<1x16xf32> to vector<16xf32>
        %swap3A_3647 = vector.shape_cast %add3A_3642 : vector<16xf32> to vector<1x16xf32>
        tpu.vector_store %arg6[%swap3A_3643, %swap3A_3644], %swap3A_3647 {strides = array<i32>} : memref<128x768xf32, #tpu.memory_space<vmem>>, vector<1x16xf32>,
        %get3A_3648 = arith.index_cast %scan3A_37 : i32 to index
        %get3A_3649 = arith.constant 688 : index
        %get3A_3650 = tpu.vector_load %arg7[%get3A_3648, %get3A_3649] {strides = array<i32>} : memref<32x768xf32, #tpu.memory_space<vmem>>, vector<1x16xf32>,
        %get3A_3651 = vector.shape_cast %get3A_3650 : vector<1x16xf32> to vector<16xf32>
        %mul3A_3652 = arith.constant 4 : i32
        %mul3A_3653 = arith.muli %scan3A_37, %mul3A_3652 : i32
        %add3A_3654 = arith.constant 0 : i32
        %add3A_3655 = arith.addi %mul3A_3653, %add3A_3654 : i32
        %get3A_3656 = arith.index_cast %add3A_3655 : i32 to index
        %get3A_3657 = arith.constant 688 : index
        %get3A_3658 = tpu.vector_load %arg6[%get3A_3656, %get3A_3657] {strides = array<i32>} : memref<128x768xf32, #tpu.memory_space<vmem>>, vector<1x16xf32>,
        %get3A_3659 = vector.shape_cast %get3A_3658 : vector<1x16xf32> to vector<16xf32>
        %get3A_3660 = arith.constant 0 : i32
        %get3A_3661 = arith.index_cast %get3A_3660 : i32 to index
        %get3A_3662 = arith.constant 688 : index
        %get3A_3663 = tpu.vector_load %arg8[%get3A_3661, %get3A_3662] {strides = array<i32>} : memref<4x768xf32, #tpu.memory_space<vmem>>, vector<1x16xf32>,
        %get3A_3664 = vector.shape_cast %get3A_3663 : vector<1x16xf32> to vector<16xf32>
        %add3A_3665 = arith.addf %get3A_3651, %get3A_3664 : vector<16xf32>
        %add3A_3666 = arith.addf %get3A_3659, %add3A_3665 : vector<16xf32>
        %swap3A_3667 = arith.index_cast %add3A_3655 : i32 to index
        %swap3A_3668 = arith.constant 688 : index
        %swap3A_3669 = tpu.vector_load %arg6[%swap3A_3667, %swap3A_3668] {strides = array<i32>} : memref<128x768xf32, #tpu.memory_space<vmem>>, vector<1x16xf32>,
        %swap3A_3670 = vector.shape_cast %swap3A_3669 : vector<1x16xf32> to vector<16xf32>
        %swap3A_3671 = vector.shape_cast %add3A_3666 : vector<16xf32> to vector<1x16xf32>
        tpu.vector_store %arg6[%swap3A_3667, %swap3A_3668], %swap3A_3671 {strides = array<i32>} : memref<128x768xf32, #tpu.memory_space<vmem>>, vector<1x16xf32>,
        %mul3A_3672 = arith.constant 4 : i32
        %mul3A_3673 = arith.muli %scan3A_37, %mul3A_3672 : i32
        %add3A_3674 = arith.constant 1 : i32
        %add3A_3675 = arith.addi %mul3A_3673, %add3A_3674 : i32
        %get3A_3676 = arith.index_cast %add3A_3675 : i32 to index
        %get3A_3677 = arith.constant 688 : index
        %get3A_3678 = tpu.vector_load %arg6[%get3A_3676, %get3A_3677] {strides = array<i32>} : memref<128x768xf32, #tpu.memory_space<vmem>>, vector<1x16xf32>,
        %get3A_3679 = vector.shape_cast %get3A_3678 : vector<1x16xf32> to vector<16xf32>
        %get3A_3680 = arith.constant 1 : i32
        %get3A_3681 = arith.index_cast %get3A_3680 : i32 to index
        %get3A_3682 = arith.constant 688 : index
        %get3A_3683 = tpu.vector_load %arg8[%get3A_3681, %get3A_3682] {strides = array<i32>} : memref<4x768xf32, #tpu.memory_space<vmem>>, vector<1x16xf32>,
        %get3A_3684 = vector.shape_cast %get3A_3683 : vector<1x16xf32> to vector<16xf32>
        %add3A_3685 = arith.addf %get3A_3651, %get3A_3684 : vector<16xf32>
        %add3A_3686 = arith.addf %get3A_3679, %add3A_3685 : vector<16xf32>
        %swap3A_3687 = arith.index_cast %add3A_3675 : i32 to index
        %swap3A_3688 = arith.constant 688 : index
        %swap3A_3689 = tpu.vector_load %arg6[%swap3A_3687, %swap3A_3688] {strides = array<i32>} : memref<128x768xf32, #tpu.memory_space<vmem>>, vector<1x16xf32>,
        %swap3A_3690 = vector.shape_cast %swap3A_3689 : vector<1x16xf32> to vector<16xf32>
        %swap3A_3691 = vector.shape_cast %add3A_3686 : vector<16xf32> to vector<1x16xf32>
        tpu.vector_store %arg6[%swap3A_3687, %swap3A_3688], %swap3A_3691 {strides = array<i32>} : memref<128x768xf32, #tpu.memory_space<vmem>>, vector<1x16xf32>,
        %mul3A_3692 = arith.constant 4 : i32
        %mul3A_3693 = arith.muli %scan3A_37, %mul3A_3692 : i32
        %add3A_3694 = arith.constant 2 : i32
        %add3A_3695 = arith.addi %mul3A_3693, %add3A_3694 : i32
        %get3A_3696 = arith.index_cast %add3A_3695 : i32 to index
        %get3A_3697 = arith.constant 688 : index
        %get3A_3698 = tpu.vector_load %arg6[%get3A_3696, %get3A_3697] {strides = array<i32>} : memref<128x768xf32, #tpu.memory_space<vmem>>, vector<1x16xf32>,
        %get3A_3699 = vector.shape_cast %get3A_3698 : vector<1x16xf32> to vector<16xf32>
        %get3A_3700 = arith.constant 2 : i32
        %get3A_3701 = arith.index_cast %get3A_3700 : i32 to index
        %get3A_3702 = arith.constant 688 : index
        %get3A_3703 = tpu.vector_load %arg8[%get3A_3701, %get3A_3702] {strides = array<i32>} : memref<4x768xf32, #tpu.memory_space<vmem>>, vector<1x16xf32>,
        %get3A_3704 = vector.shape_cast %get3A_3703 : vector<1x16xf32> to vector<16xf32>
        %add3A_3705 = arith.addf %get3A_3651, %get3A_3704 : vector<16xf32>
        %add3A_3706 = arith.addf %get3A_3699, %add3A_3705 : vector<16xf32>
        %swap3A_3707 = arith.index_cast %add3A_3695 : i32 to index
        %swap3A_3708 = arith.constant 688 : index
        %swap3A_3709 = tpu.vector_load %arg6[%swap3A_3707, %swap3A_3708] {strides = array<i32>} : memref<128x768xf32, #tpu.memory_space<vmem>>, vector<1x16xf32>,
        %swap3A_3710 = vector.shape_cast %swap3A_3709 : vector<1x16xf32> to vector<16xf32>
        %swap3A_3711 = vector.shape_cast %add3A_3706 : vector<16xf32> to vector<1x16xf32>
        tpu.vector_store %arg6[%swap3A_3707, %swap3A_3708], %swap3A_3711 {strides = array<i32>} : memref<128x768xf32, #tpu.memory_space<vmem>>, vector<1x16xf32>,
        %mul3A_3712 = arith.constant 4 : i32
        %mul3A_3713 = arith.muli %scan3A_37, %mul3A_3712 : i32
        %add3A_3714 = arith.constant 3 : i32
        %add3A_3715 = arith.addi %mul3A_3713, %add3A_3714 : i32
        %get3A_3716 = arith.index_cast %add3A_3715 : i32 to index
        %get3A_3717 = arith.constant 688 : index
        %get3A_3718 = tpu.vector_load %arg6[%get3A_3716, %get3A_3717] {strides = array<i32>} : memref<128x768xf32, #tpu.memory_space<vmem>>, vector<1x16xf32>,
        %get3A_3719 = vector.shape_cast %get3A_3718 : vector<1x16xf32> to vector<16xf32>
        %get3A_3720 = arith.constant 3 : i32
        %get3A_3721 = arith.index_cast %get3A_3720 : i32 to index
        %get3A_3722 = arith.constant 688 : index
        %get3A_3723 = tpu.vector_load %arg8[%get3A_3721, %get3A_3722] {strides = array<i32>} : memref<4x768xf32, #tpu.memory_space<vmem>>, vector<1x16xf32>,
        %get3A_3724 = vector.shape_cast %get3A_3723 : vector<1x16xf32> to vector<16xf32>
        %add3A_3725 = arith.addf %get3A_3651, %get3A_3724 : vector<16xf32>
        %add3A_3726 = arith.addf %get3A_3719, %add3A_3725 : vector<16xf32>
        %swap3A_3727 = arith.index_cast %add3A_3715 : i32 to index
        %swap3A_3728 = arith.constant 688 : index
        %swap3A_3729 = tpu.vector_load %arg6[%swap3A_3727, %swap3A_3728] {strides = array<i32>} : memref<128x768xf32, #tpu.memory_space<vmem>>, vector<1x16xf32>,
        %swap3A_3730 = vector.shape_cast %swap3A_3729 : vector<1x16xf32> to vector<16xf32>
        %swap3A_3731 = vector.shape_cast %add3A_3726 : vector<16xf32> to vector<1x16xf32>
        tpu.vector_store %arg6[%swap3A_3727, %swap3A_3728], %swap3A_3731 {strides = array<i32>} : memref<128x768xf32, #tpu.memory_space<vmem>>, vector<1x16xf32>,
        %get3A_3732 = arith.index_cast %scan3A_37 : i32 to index
        %get3A_3733 = arith.constant 704 : index
        %get3A_3734 = tpu.vector_load %arg7[%get3A_3732, %get3A_3733] {strides = array<i32>} : memref<32x768xf32, #tpu.memory_space<vmem>>, vector<1x16xf32>,
        %get3A_3735 = vector.shape_cast %get3A_3734 : vector<1x16xf32> to vector<16xf32>
        %mul3A_3736 = arith.constant 4 : i32
        %mul3A_3737 = arith.muli %scan3A_37, %mul3A_3736 : i32
        %add3A_3738 = arith.constant 0 : i32
        %add3A_3739 = arith.addi %mul3A_3737, %add3A_3738 : i32
        %get3A_3740 = arith.index_cast %add3A_3739 : i32 to index
        %get3A_3741 = arith.constant 704 : index
        %get3A_3742 = tpu.vector_load %arg6[%get3A_3740, %get3A_3741] {strides = array<i32>} : memref<128x768xf32, #tpu.memory_space<vmem>>, vector<1x16xf32>,
        %get3A_3743 = vector.shape_cast %get3A_3742 : vector<1x16xf32> to vector<16xf32>
        %get3A_3744 = arith.constant 0 : i32
        %get3A_3745 = arith.index_cast %get3A_3744 : i32 to index
        %get3A_3746 = arith.constant 704 : index
        %get3A_3747 = tpu.vector_load %arg8[%get3A_3745, %get3A_3746] {strides = array<i32>} : memref<4x768xf32, #tpu.memory_space<vmem>>, vector<1x16xf32>,
        %get3A_3748 = vector.shape_cast %get3A_3747 : vector<1x16xf32> to vector<16xf32>
        %add3A_3749 = arith.addf %get3A_3735, %get3A_3748 : vector<16xf32>
        %add3A_3750 = arith.addf %get3A_3743, %add3A_3749 : vector<16xf32>
        %swap3A_3751 = arith.index_cast %add3A_3739 : i32 to index
        %swap3A_3752 = arith.constant 704 : index
        %swap3A_3753 = tpu.vector_load %arg6[%swap3A_3751, %swap3A_3752] {strides = array<i32>} : memref<128x768xf32, #tpu.memory_space<vmem>>, vector<1x16xf32>,
        %swap3A_3754 = vector.shape_cast %swap3A_3753 : vector<1x16xf32> to vector<16xf32>
        %swap3A_3755 = vector.shape_cast %add3A_3750 : vector<16xf32> to vector<1x16xf32>
        tpu.vector_store %arg6[%swap3A_3751, %swap3A_3752], %swap3A_3755 {strides = array<i32>} : memref<128x768xf32, #tpu.memory_space<vmem>>, vector<1x16xf32>,
        %mul3A_3756 = arith.constant 4 : i32
        %mul3A_3757 = arith.muli %scan3A_37, %mul3A_3756 : i32
        %add3A_3758 = arith.constant 1 : i32
        %add3A_3759 = arith.addi %mul3A_3757, %add3A_3758 : i32
        %get3A_3760 = arith.index_cast %add3A_3759 : i32 to index
        %get3A_3761 = arith.constant 704 : index
        %get3A_3762 = tpu.vector_load %arg6[%get3A_3760, %get3A_3761] {strides = array<i32>} : memref<128x768xf32, #tpu.memory_space<vmem>>, vector<1x16xf32>,
        %get3A_3763 = vector.shape_cast %get3A_3762 : vector<1x16xf32> to vector<16xf32>
        %get3A_3764 = arith.constant 1 : i32
        %get3A_3765 = arith.index_cast %get3A_3764 : i32 to index
        %get3A_3766 = arith.constant 704 : index
        %get3A_3767 = tpu.vector_load %arg8[%get3A_3765, %get3A_3766] {strides = array<i32>} : memref<4x768xf32, #tpu.memory_space<vmem>>, vector<1x16xf32>,
        %get3A_3768 = vector.shape_cast %get3A_3767 : vector<1x16xf32> to vector<16xf32>
        %add3A_3769 = arith.addf %get3A_3735, %get3A_3768 : vector<16xf32>
        %add3A_3770 = arith.addf %get3A_3763, %add3A_3769 : vector<16xf32>
        %swap3A_3771 = arith.index_cast %add3A_3759 : i32 to index
        %swap3A_3772 = arith.constant 704 : index
        %swap3A_3773 = tpu.vector_load %arg6[%swap3A_3771, %swap3A_3772] {strides = array<i32>} : memref<128x768xf32, #tpu.memory_space<vmem>>, vector<1x16xf32>,
        %swap3A_3774 = vector.shape_cast %swap3A_3773 : vector<1x16xf32> to vector<16xf32>
        %swap3A_3775 = vector.shape_cast %add3A_3770 : vector<16xf32> to vector<1x16xf32>
        tpu.vector_store %arg6[%swap3A_3771, %swap3A_3772], %swap3A_3775 {strides = array<i32>} : memref<128x768xf32, #tpu.memory_space<vmem>>, vector<1x16xf32>,
        %mul3A_3776 = arith.constant 4 : i32
        %mul3A_3777 = arith.muli %scan3A_37, %mul3A_3776 : i32
        %add3A_3778 = arith.constant 2 : i32
        %add3A_3779 = arith.addi %mul3A_3777, %add3A_3778 : i32
        %get3A_3780 = arith.index_cast %add3A_3779 : i32 to index
        %get3A_3781 = arith.constant 704 : index
        %get3A_3782 = tpu.vector_load %arg6[%get3A_3780, %get3A_3781] {strides = array<i32>} : memref<128x768xf32, #tpu.memory_space<vmem>>, vector<1x16xf32>,
        %get3A_3783 = vector.shape_cast %get3A_3782 : vector<1x16xf32> to vector<16xf32>
        %get3A_3784 = arith.constant 2 : i32
        %get3A_3785 = arith.index_cast %get3A_3784 : i32 to index
        %get3A_3786 = arith.constant 704 : index
        %get3A_3787 = tpu.vector_load %arg8[%get3A_3785, %get3A_3786] {strides = array<i32>} : memref<4x768xf32, #tpu.memory_space<vmem>>, vector<1x16xf32>,
        %get3A_3788 = vector.shape_cast %get3A_3787 : vector<1x16xf32> to vector<16xf32>
        %add3A_3789 = arith.addf %get3A_3735, %get3A_3788 : vector<16xf32>
        %add3A_3790 = arith.addf %get3A_3783, %add3A_3789 : vector<16xf32>
        %swap3A_3791 = arith.index_cast %add3A_3779 : i32 to index
        %swap3A_3792 = arith.constant 704 : index
        %swap3A_3793 = tpu.vector_load %arg6[%swap3A_3791, %swap3A_3792] {strides = array<i32>} : memref<128x768xf32, #tpu.memory_space<vmem>>, vector<1x16xf32>,
        %swap3A_3794 = vector.shape_cast %swap3A_3793 : vector<1x16xf32> to vector<16xf32>
        %swap3A_3795 = vector.shape_cast %add3A_3790 : vector<16xf32> to vector<1x16xf32>
        tpu.vector_store %arg6[%swap3A_3791, %swap3A_3792], %swap3A_3795 {strides = array<i32>} : memref<128x768xf32, #tpu.memory_space<vmem>>, vector<1x16xf32>,
        %mul3A_3796 = arith.constant 4 : i32
        %mul3A_3797 = arith.muli %scan3A_37, %mul3A_3796 : i32
        %add3A_3798 = arith.constant 3 : i32
        %add3A_3799 = arith.addi %mul3A_3797, %add3A_3798 : i32
        %get3A_3800 = arith.index_cast %add3A_3799 : i32 to index
        %get3A_3801 = arith.constant 704 : index
        %get3A_3802 = tpu.vector_load %arg6[%get3A_3800, %get3A_3801] {strides = array<i32>} : memref<128x768xf32, #tpu.memory_space<vmem>>, vector<1x16xf32>,
        %get3A_3803 = vector.shape_cast %get3A_3802 : vector<1x16xf32> to vector<16xf32>
        %get3A_3804 = arith.constant 3 : i32
        %get3A_3805 = arith.index_cast %get3A_3804 : i32 to index
        %get3A_3806 = arith.constant 704 : index
        %get3A_3807 = tpu.vector_load %arg8[%get3A_3805, %get3A_3806] {strides = array<i32>} : memref<4x768xf32, #tpu.memory_space<vmem>>, vector<1x16xf32>,
        %get3A_3808 = vector.shape_cast %get3A_3807 : vector<1x16xf32> to vector<16xf32>
        %add3A_3809 = arith.addf %get3A_3735, %get3A_3808 : vector<16xf32>
        %add3A_3810 = arith.addf %get3A_3803, %add3A_3809 : vector<16xf32>
        %swap3A_3811 = arith.index_cast %add3A_3799 : i32 to index
        %swap3A_3812 = arith.constant 704 : index
        %swap3A_3813 = tpu.vector_load %arg6[%swap3A_3811, %swap3A_3812] {strides = array<i32>} : memref<128x768xf32, #tpu.memory_space<vmem>>, vector<1x16xf32>,
        %swap3A_3814 = vector.shape_cast %swap3A_3813 : vector<1x16xf32> to vector<16xf32>
        %swap3A_3815 = vector.shape_cast %add3A_3810 : vector<16xf32> to vector<1x16xf32>
        tpu.vector_store %arg6[%swap3A_3811, %swap3A_3812], %swap3A_3815 {strides = array<i32>} : memref<128x768xf32, #tpu.memory_space<vmem>>, vector<1x16xf32>,
        %get3A_3816 = arith.index_cast %scan3A_37 : i32 to index
        %get3A_3817 = arith.constant 720 : index
        %get3A_3818 = tpu.vector_load %arg7[%get3A_3816, %get3A_3817] {strides = array<i32>} : memref<32x768xf32, #tpu.memory_space<vmem>>, vector<1x16xf32>,
        %get3A_3819 = vector.shape_cast %get3A_3818 : vector<1x16xf32> to vector<16xf32>
        %mul3A_3820 = arith.constant 4 : i32
        %mul3A_3821 = arith.muli %scan3A_37, %mul3A_3820 : i32
        %add3A_3822 = arith.constant 0 : i32
        %add3A_3823 = arith.addi %mul3A_3821, %add3A_3822 : i32
        %get3A_3824 = arith.index_cast %add3A_3823 : i32 to index
        %get3A_3825 = arith.constant 720 : index
        %get3A_3826 = tpu.vector_load %arg6[%get3A_3824, %get3A_3825] {strides = array<i32>} : memref<128x768xf32, #tpu.memory_space<vmem>>, vector<1x16xf32>,
        %get3A_3827 = vector.shape_cast %get3A_3826 : vector<1x16xf32> to vector<16xf32>
        %get3A_3828 = arith.constant 0 : i32
        %get3A_3829 = arith.index_cast %get3A_3828 : i32 to index
        %get3A_3830 = arith.constant 720 : index
        %get3A_3831 = tpu.vector_load %arg8[%get3A_3829, %get3A_3830] {strides = array<i32>} : memref<4x768xf32, #tpu.memory_space<vmem>>, vector<1x16xf32>,
        %get3A_3832 = vector.shape_cast %get3A_3831 : vector<1x16xf32> to vector<16xf32>
        %add3A_3833 = arith.addf %get3A_3819, %get3A_3832 : vector<16xf32>
        %add3A_3834 = arith.addf %get3A_3827, %add3A_3833 : vector<16xf32>
        %swap3A_3835 = arith.index_cast %add3A_3823 : i32 to index
        %swap3A_3836 = arith.constant 720 : index
        %swap3A_3837 = tpu.vector_load %arg6[%swap3A_3835, %swap3A_3836] {strides = array<i32>} : memref<128x768xf32, #tpu.memory_space<vmem>>, vector<1x16xf32>,
        %swap3A_3838 = vector.shape_cast %swap3A_3837 : vector<1x16xf32> to vector<16xf32>
        %swap3A_3839 = vector.shape_cast %add3A_3834 : vector<16xf32> to vector<1x16xf32>
        tpu.vector_store %arg6[%swap3A_3835, %swap3A_3836], %swap3A_3839 {strides = array<i32>} : memref<128x768xf32, #tpu.memory_space<vmem>>, vector<1x16xf32>,
        %mul3A_3840 = arith.constant 4 : i32
        %mul3A_3841 = arith.muli %scan3A_37, %mul3A_3840 : i32
        %add3A_3842 = arith.constant 1 : i32
        %add3A_3843 = arith.addi %mul3A_3841, %add3A_3842 : i32
        %get3A_3844 = arith.index_cast %add3A_3843 : i32 to index
        %get3A_3845 = arith.constant 720 : index
        %get3A_3846 = tpu.vector_load %arg6[%get3A_3844, %get3A_3845] {strides = array<i32>} : memref<128x768xf32, #tpu.memory_space<vmem>>, vector<1x16xf32>,
        %get3A_3847 = vector.shape_cast %get3A_3846 : vector<1x16xf32> to vector<16xf32>
        %get3A_3848 = arith.constant 1 : i32
        %get3A_3849 = arith.index_cast %get3A_3848 : i32 to index
        %get3A_3850 = arith.constant 720 : index
        %get3A_3851 = tpu.vector_load %arg8[%get3A_3849, %get3A_3850] {strides = array<i32>} : memref<4x768xf32, #tpu.memory_space<vmem>>, vector<1x16xf32>,
        %get3A_3852 = vector.shape_cast %get3A_3851 : vector<1x16xf32> to vector<16xf32>
        %add3A_3853 = arith.addf %get3A_3819, %get3A_3852 : vector<16xf32>
        %add3A_3854 = arith.addf %get3A_3847, %add3A_3853 : vector<16xf32>
        %swap3A_3855 = arith.index_cast %add3A_3843 : i32 to index
        %swap3A_3856 = arith.constant 720 : index
        %swap3A_3857 = tpu.vector_load %arg6[%swap3A_3855, %swap3A_3856] {strides = array<i32>} : memref<128x768xf32, #tpu.memory_space<vmem>>, vector<1x16xf32>,
        %swap3A_3858 = vector.shape_cast %swap3A_3857 : vector<1x16xf32> to vector<16xf32>
        %swap3A_3859 = vector.shape_cast %add3A_3854 : vector<16xf32> to vector<1x16xf32>
        tpu.vector_store %arg6[%swap3A_3855, %swap3A_3856], %swap3A_3859 {strides = array<i32>} : memref<128x768xf32, #tpu.memory_space<vmem>>, vector<1x16xf32>,
        %mul3A_3860 = arith.constant 4 : i32
        %mul3A_3861 = arith.muli %scan3A_37, %mul3A_3860 : i32
        %add3A_3862 = arith.constant 2 : i32
        %add3A_3863 = arith.addi %mul3A_3861, %add3A_3862 : i32
        %get3A_3864 = arith.index_cast %add3A_3863 : i32 to index
        %get3A_3865 = arith.constant 720 : index
        %get3A_3866 = tpu.vector_load %arg6[%get3A_3864, %get3A_3865] {strides = array<i32>} : memref<128x768xf32, #tpu.memory_space<vmem>>, vector<1x16xf32>,
        %get3A_3867 = vector.shape_cast %get3A_3866 : vector<1x16xf32> to vector<16xf32>
        %get3A_3868 = arith.constant 2 : i32
        %get3A_3869 = arith.index_cast %get3A_3868 : i32 to index
        %get3A_3870 = arith.constant 720 : index
        %get3A_3871 = tpu.vector_load %arg8[%get3A_3869, %get3A_3870] {strides = array<i32>} : memref<4x768xf32, #tpu.memory_space<vmem>>, vector<1x16xf32>,
        %get3A_3872 = vector.shape_cast %get3A_3871 : vector<1x16xf32> to vector<16xf32>
        %add3A_3873 = arith.addf %get3A_3819, %get3A_3872 : vector<16xf32>
        %add3A_3874 = arith.addf %get3A_3867, %add3A_3873 : vector<16xf32>
        %swap3A_3875 = arith.index_cast %add3A_3863 : i32 to index
        %swap3A_3876 = arith.constant 720 : index
        %swap3A_3877 = tpu.vector_load %arg6[%swap3A_3875, %swap3A_3876] {strides = array<i32>} : memref<128x768xf32, #tpu.memory_space<vmem>>, vector<1x16xf32>,
        %swap3A_3878 = vector.shape_cast %swap3A_3877 : vector<1x16xf32> to vector<16xf32>
        %swap3A_3879 = vector.shape_cast %add3A_3874 : vector<16xf32> to vector<1x16xf32>
        tpu.vector_store %arg6[%swap3A_3875, %swap3A_3876], %swap3A_3879 {strides = array<i32>} : memref<128x768xf32, #tpu.memory_space<vmem>>, vector<1x16xf32>,
        %mul3A_3880 = arith.constant 4 : i32
        %mul3A_3881 = arith.muli %scan3A_37, %mul3A_3880 : i32
        %add3A_3882 = arith.constant 3 : i32
        %add3A_3883 = arith.addi %mul3A_3881, %add3A_3882 : i32
        %get3A_3884 = arith.index_cast %add3A_3883 : i32 to index
        %get3A_3885 = arith.constant 720 : index
        %get3A_3886 = tpu.vector_load %arg6[%get3A_3884, %get3A_3885] {strides = array<i32>} : memref<128x768xf32, #tpu.memory_space<vmem>>, vector<1x16xf32>,
        %get3A_3887 = vector.shape_cast %get3A_3886 : vector<1x16xf32> to vector<16xf32>
        %get3A_3888 = arith.constant 3 : i32
        %get3A_3889 = arith.index_cast %get3A_3888 : i32 to index
        %get3A_3890 = arith.constant 720 : index
        %get3A_3891 = tpu.vector_load %arg8[%get3A_3889, %get3A_3890] {strides = array<i32>} : memref<4x768xf32, #tpu.memory_space<vmem>>, vector<1x16xf32>,
        %get3A_3892 = vector.shape_cast %get3A_3891 : vector<1x16xf32> to vector<16xf32>
        %add3A_3893 = arith.addf %get3A_3819, %get3A_3892 : vector<16xf32>
        %add3A_3894 = arith.addf %get3A_3887, %add3A_3893 : vector<16xf32>
        %swap3A_3895 = arith.index_cast %add3A_3883 : i32 to index
        %swap3A_3896 = arith.constant 720 : index
        %swap3A_3897 = tpu.vector_load %arg6[%swap3A_3895, %swap3A_3896] {strides = array<i32>} : memref<128x768xf32, #tpu.memory_space<vmem>>, vector<1x16xf32>,
        %swap3A_3898 = vector.shape_cast %swap3A_3897 : vector<1x16xf32> to vector<16xf32>
        %swap3A_3899 = vector.shape_cast %add3A_3894 : vector<16xf32> to vector<1x16xf32>
        tpu.vector_store %arg6[%swap3A_3895, %swap3A_3896], %swap3A_3899 {strides = array<i32>} : memref<128x768xf32, #tpu.memory_space<vmem>>, vector<1x16xf32>,
        %get3A_3900 = arith.index_cast %scan3A_37 : i32 to index
        %get3A_3901 = arith.constant 736 : index
        %get3A_3902 = tpu.vector_load %arg7[%get3A_3900, %get3A_3901] {strides = array<i32>} : memref<32x768xf32, #tpu.memory_space<vmem>>, vector<1x16xf32>,
        %get3A_3903 = vector.shape_cast %get3A_3902 : vector<1x16xf32> to vector<16xf32>
        %mul3A_3904 = arith.constant 4 : i32
        %mul3A_3905 = arith.muli %scan3A_37, %mul3A_3904 : i32
        %add3A_3906 = arith.constant 0 : i32
        %add3A_3907 = arith.addi %mul3A_3905, %add3A_3906 : i32
        %get3A_3908 = arith.index_cast %add3A_3907 : i32 to index
        %get3A_3909 = arith.constant 736 : index
        %get3A_3910 = tpu.vector_load %arg6[%get3A_3908, %get3A_3909] {strides = array<i32>} : memref<128x768xf32, #tpu.memory_space<vmem>>, vector<1x16xf32>,
        %get3A_3911 = vector.shape_cast %get3A_3910 : vector<1x16xf32> to vector<16xf32>
        %get3A_3912 = arith.constant 0 : i32
        %get3A_3913 = arith.index_cast %get3A_3912 : i32 to index
        %get3A_3914 = arith.constant 736 : index
        %get3A_3915 = tpu.vector_load %arg8[%get3A_3913, %get3A_3914] {strides = array<i32>} : memref<4x768xf32, #tpu.memory_space<vmem>>, vector<1x16xf32>,
        %get3A_3916 = vector.shape_cast %get3A_3915 : vector<1x16xf32> to vector<16xf32>
        %add3A_3917 = arith.addf %get3A_3903, %get3A_3916 : vector<16xf32>
        %add3A_3918 = arith.addf %get3A_3911, %add3A_3917 : vector<16xf32>
        %swap3A_3919 = arith.index_cast %add3A_3907 : i32 to index
        %swap3A_3920 = arith.constant 736 : index
        %swap3A_3921 = tpu.vector_load %arg6[%swap3A_3919, %swap3A_3920] {strides = array<i32>} : memref<128x768xf32, #tpu.memory_space<vmem>>, vector<1x16xf32>,
        %swap3A_3922 = vector.shape_cast %swap3A_3921 : vector<1x16xf32> to vector<16xf32>
        %swap3A_3923 = vector.shape_cast %add3A_3918 : vector<16xf32> to vector<1x16xf32>
        tpu.vector_store %arg6[%swap3A_3919, %swap3A_3920], %swap3A_3923 {strides = array<i32>} : memref<128x768xf32, #tpu.memory_space<vmem>>, vector<1x16xf32>,
        %mul3A_3924 = arith.constant 4 : i32
        %mul3A_3925 = arith.muli %scan3A_37, %mul3A_3924 : i32
        %add3A_3926 = arith.constant 1 : i32
        %add3A_3927 = arith.addi %mul3A_3925, %add3A_3926 : i32
        %get3A_3928 = arith.index_cast %add3A_3927 : i32 to index
        %get3A_3929 = arith.constant 736 : index
        %get3A_3930 = tpu.vector_load %arg6[%get3A_3928, %get3A_3929] {strides = array<i32>} : memref<128x768xf32, #tpu.memory_space<vmem>>, vector<1x16xf32>,
        %get3A_3931 = vector.shape_cast %get3A_3930 : vector<1x16xf32> to vector<16xf32>
        %get3A_3932 = arith.constant 1 : i32
        %get3A_3933 = arith.index_cast %get3A_3932 : i32 to index
        %get3A_3934 = arith.constant 736 : index
        %get3A_3935 = tpu.vector_load %arg8[%get3A_3933, %get3A_3934] {strides = array<i32>} : memref<4x768xf32, #tpu.memory_space<vmem>>, vector<1x16xf32>,
        %get3A_3936 = vector.shape_cast %get3A_3935 : vector<1x16xf32> to vector<16xf32>
        %add3A_3937 = arith.addf %get3A_3903, %get3A_3936 : vector<16xf32>
        %add3A_3938 = arith.addf %get3A_3931, %add3A_3937 : vector<16xf32>
        %swap3A_3939 = arith.index_cast %add3A_3927 : i32 to index
        %swap3A_3940 = arith.constant 736 : index
        %swap3A_3941 = tpu.vector_load %arg6[%swap3A_3939, %swap3A_3940] {strides = array<i32>} : memref<128x768xf32, #tpu.memory_space<vmem>>, vector<1x16xf32>,
        %swap3A_3942 = vector.shape_cast %swap3A_3941 : vector<1x16xf32> to vector<16xf32>
        %swap3A_3943 = vector.shape_cast %add3A_3938 : vector<16xf32> to vector<1x16xf32>
        tpu.vector_store %arg6[%swap3A_3939, %swap3A_3940], %swap3A_3943 {strides = array<i32>} : memref<128x768xf32, #tpu.memory_space<vmem>>, vector<1x16xf32>,
        %mul3A_3944 = arith.constant 4 : i32
        %mul3A_3945 = arith.muli %scan3A_37, %mul3A_3944 : i32
        %add3A_3946 = arith.constant 2 : i32
        %add3A_3947 = arith.addi %mul3A_3945, %add3A_3946 : i32
        %get3A_3948 = arith.index_cast %add3A_3947 : i32 to index
        %get3A_3949 = arith.constant 736 : index
        %get3A_3950 = tpu.vector_load %arg6[%get3A_3948, %get3A_3949] {strides = array<i32>} : memref<128x768xf32, #tpu.memory_space<vmem>>, vector<1x16xf32>,
        %get3A_3951 = vector.shape_cast %get3A_3950 : vector<1x16xf32> to vector<16xf32>
        %get3A_3952 = arith.constant 2 : i32
        %get3A_3953 = arith.index_cast %get3A_3952 : i32 to index
        %get3A_3954 = arith.constant 736 : index
        %get3A_3955 = tpu.vector_load %arg8[%get3A_3953, %get3A_3954] {strides = array<i32>} : memref<4x768xf32, #tpu.memory_space<vmem>>, vector<1x16xf32>,
        %get3A_3956 = vector.shape_cast %get3A_3955 : vector<1x16xf32> to vector<16xf32>
        %add3A_3957 = arith.addf %get3A_3903, %get3A_3956 : vector<16xf32>
        %add3A_3958 = arith.addf %get3A_3951, %add3A_3957 : vector<16xf32>
        %swap3A_3959 = arith.index_cast %add3A_3947 : i32 to index
        %swap3A_3960 = arith.constant 736 : index
        %swap3A_3961 = tpu.vector_load %arg6[%swap3A_3959, %swap3A_3960] {strides = array<i32>} : memref<128x768xf32, #tpu.memory_space<vmem>>, vector<1x16xf32>,
        %swap3A_3962 = vector.shape_cast %swap3A_3961 : vector<1x16xf32> to vector<16xf32>
        %swap3A_3963 = vector.shape_cast %add3A_3958 : vector<16xf32> to vector<1x16xf32>
        tpu.vector_store %arg6[%swap3A_3959, %swap3A_3960], %swap3A_3963 {strides = array<i32>} : memref<128x768xf32, #tpu.memory_space<vmem>>, vector<1x16xf32>,
        %mul3A_3964 = arith.constant 4 : i32
        %mul3A_3965 = arith.muli %scan3A_37, %mul3A_3964 : i32
        %add3A_3966 = arith.constant 3 : i32
        %add3A_3967 = arith.addi %mul3A_3965, %add3A_3966 : i32
        %get3A_3968 = arith.index_cast %add3A_3967 : i32 to index
        %get3A_3969 = arith.constant 736 : index
        %get3A_3970 = tpu.vector_load %arg6[%get3A_3968, %get3A_3969] {strides = array<i32>} : memref<128x768xf32, #tpu.memory_space<vmem>>, vector<1x16xf32>,
        %get3A_3971 = vector.shape_cast %get3A_3970 : vector<1x16xf32> to vector<16xf32>
        %get3A_3972 = arith.constant 3 : i32
        %get3A_3973 = arith.index_cast %get3A_3972 : i32 to index
        %get3A_3974 = arith.constant 736 : index
        %get3A_3975 = tpu.vector_load %arg8[%get3A_3973, %get3A_3974] {strides = array<i32>} : memref<4x768xf32, #tpu.memory_space<vmem>>, vector<1x16xf32>,
        %get3A_3976 = vector.shape_cast %get3A_3975 : vector<1x16xf32> to vector<16xf32>
        %add3A_3977 = arith.addf %get3A_3903, %get3A_3976 : vector<16xf32>
        %add3A_3978 = arith.addf %get3A_3971, %add3A_3977 : vector<16xf32>
        %swap3A_3979 = arith.index_cast %add3A_3967 : i32 to index
        %swap3A_3980 = arith.constant 736 : index
        %swap3A_3981 = tpu.vector_load %arg6[%swap3A_3979, %swap3A_3980] {strides = array<i32>} : memref<128x768xf32, #tpu.memory_space<vmem>>, vector<1x16xf32>,
        %swap3A_3982 = vector.shape_cast %swap3A_3981 : vector<1x16xf32> to vector<16xf32>
        %swap3A_3983 = vector.shape_cast %add3A_3978 : vector<16xf32> to vector<1x16xf32>
        tpu.vector_store %arg6[%swap3A_3979, %swap3A_3980], %swap3A_3983 {strides = array<i32>} : memref<128x768xf32, #tpu.memory_space<vmem>>, vector<1x16xf32>,
        %get3A_3984 = arith.index_cast %scan3A_37 : i32 to index
        %get3A_3985 = arith.constant 752 : index
        %get3A_3986 = tpu.vector_load %arg7[%get3A_3984, %get3A_3985] {strides = array<i32>} : memref<32x768xf32, #tpu.memory_space<vmem>>, vector<1x16xf32>,
        %get3A_3987 = vector.shape_cast %get3A_3986 : vector<1x16xf32> to vector<16xf32>
        %mul3A_3988 = arith.constant 4 : i32
        %mul3A_3989 = arith.muli %scan3A_37, %mul3A_3988 : i32
        %add3A_3990 = arith.constant 0 : i32
        %add3A_3991 = arith.addi %mul3A_3989, %add3A_3990 : i32
        %get3A_3992 = arith.index_cast %add3A_3991 : i32 to index
        %get3A_3993 = arith.constant 752 : index
        %get3A_3994 = tpu.vector_load %arg6[%get3A_3992, %get3A_3993] {strides = array<i32>} : memref<128x768xf32, #tpu.memory_space<vmem>>, vector<1x16xf32>,
        %get3A_3995 = vector.shape_cast %get3A_3994 : vector<1x16xf32> to vector<16xf32>
        %get3A_3996 = arith.constant 0 : i32
        %get3A_3997 = arith.index_cast %get3A_3996 : i32 to index
        %get3A_3998 = arith.constant 752 : index
        %get3A_3999 = tpu.vector_load %arg8[%get3A_3997, %get3A_3998] {strides = array<i32>} : memref<4x768xf32, #tpu.memory_space<vmem>>, vector<1x16xf32>,
        %get3A_4000 = vector.shape_cast %get3A_3999 : vector<1x16xf32> to vector<16xf32>
        %add3A_4001 = arith.addf %get3A_3987, %get3A_4000 : vector<16xf32>
        %add3A_4002 = arith.addf %get3A_3995, %add3A_4001 : vector<16xf32>
        %swap3A_4003 = arith.index_cast %add3A_3991 : i32 to index
        %swap3A_4004 = arith.constant 752 : index
        %swap3A_4005 = tpu.vector_load %arg6[%swap3A_4003, %swap3A_4004] {strides = array<i32>} : memref<128x768xf32, #tpu.memory_space<vmem>>, vector<1x16xf32>,
        %swap3A_4006 = vector.shape_cast %swap3A_4005 : vector<1x16xf32> to vector<16xf32>
        %swap3A_4007 = vector.shape_cast %add3A_4002 : vector<16xf32> to vector<1x16xf32>
        tpu.vector_store %arg6[%swap3A_4003, %swap3A_4004], %swap3A_4007 {strides = array<i32>} : memref<128x768xf32, #tpu.memory_space<vmem>>, vector<1x16xf32>,
        %mul3A_4008 = arith.constant 4 : i32
        %mul3A_4009 = arith.muli %scan3A_37, %mul3A_4008 : i32
        %add3A_4010 = arith.constant 1 : i32
        %add3A_4011 = arith.addi %mul3A_4009, %add3A_4010 : i32
        %get3A_4012 = arith.index_cast %add3A_4011 : i32 to index
        %get3A_4013 = arith.constant 752 : index
        %get3A_4014 = tpu.vector_load %arg6[%get3A_4012, %get3A_4013] {strides = array<i32>} : memref<128x768xf32, #tpu.memory_space<vmem>>, vector<1x16xf32>,
        %get3A_4015 = vector.shape_cast %get3A_4014 : vector<1x16xf32> to vector<16xf32>
        %get3A_4016 = arith.constant 1 : i32
        %get3A_4017 = arith.index_cast %get3A_4016 : i32 to index
        %get3A_4018 = arith.constant 752 : index
        %get3A_4019 = tpu.vector_load %arg8[%get3A_4017, %get3A_4018] {strides = array<i32>} : memref<4x768xf32, #tpu.memory_space<vmem>>, vector<1x16xf32>,
        %get3A_4020 = vector.shape_cast %get3A_4019 : vector<1x16xf32> to vector<16xf32>
        %add3A_4021 = arith.addf %get3A_3987, %get3A_4020 : vector<16xf32>
        %add3A_4022 = arith.addf %get3A_4015, %add3A_4021 : vector<16xf32>
        %swap3A_4023 = arith.index_cast %add3A_4011 : i32 to index
        %swap3A_4024 = arith.constant 752 : index
        %swap3A_4025 = tpu.vector_load %arg6[%swap3A_4023, %swap3A_4024] {strides = array<i32>} : memref<128x768xf32, #tpu.memory_space<vmem>>, vector<1x16xf32>,
        %swap3A_4026 = vector.shape_cast %swap3A_4025 : vector<1x16xf32> to vector<16xf32>
        %swap3A_4027 = vector.shape_cast %add3A_4022 : vector<16xf32> to vector<1x16xf32>
        tpu.vector_store %arg6[%swap3A_4023, %swap3A_4024], %swap3A_4027 {strides = array<i32>} : memref<128x768xf32, #tpu.memory_space<vmem>>, vector<1x16xf32>,
        %mul3A_4028 = arith.constant 4 : i32
        %mul3A_4029 = arith.muli %scan3A_37, %mul3A_4028 : i32
        %add3A_4030 = arith.constant 2 : i32
        %add3A_4031 = arith.addi %mul3A_4029, %add3A_4030 : i32
        %get3A_4032 = arith.index_cast %add3A_4031 : i32 to index
        %get3A_4033 = arith.constant 752 : index
        %get3A_4034 = tpu.vector_load %arg6[%get3A_4032, %get3A_4033] {strides = array<i32>} : memref<128x768xf32, #tpu.memory_space<vmem>>, vector<1x16xf32>,
        %get3A_4035 = vector.shape_cast %get3A_4034 : vector<1x16xf32> to vector<16xf32>
        %get3A_4036 = arith.constant 2 : i32
        %get3A_4037 = arith.index_cast %get3A_4036 : i32 to index
        %get3A_4038 = arith.constant 752 : index
        %get3A_4039 = tpu.vector_load %arg8[%get3A_4037, %get3A_4038] {strides = array<i32>} : memref<4x768xf32, #tpu.memory_space<vmem>>, vector<1x16xf32>,
        %get3A_4040 = vector.shape_cast %get3A_4039 : vector<1x16xf32> to vector<16xf32>
        %add3A_4041 = arith.addf %get3A_3987, %get3A_4040 : vector<16xf32>
        %add3A_4042 = arith.addf %get3A_4035, %add3A_4041 : vector<16xf32>
        %swap3A_4043 = arith.index_cast %add3A_4031 : i32 to index
        %swap3A_4044 = arith.constant 752 : index
        %swap3A_4045 = tpu.vector_load %arg6[%swap3A_4043, %swap3A_4044] {strides = array<i32>} : memref<128x768xf32, #tpu.memory_space<vmem>>, vector<1x16xf32>,
        %swap3A_4046 = vector.shape_cast %swap3A_4045 : vector<1x16xf32> to vector<16xf32>
        %swap3A_4047 = vector.shape_cast %add3A_4042 : vector<16xf32> to vector<1x16xf32>
        tpu.vector_store %arg6[%swap3A_4043, %swap3A_4044], %swap3A_4047 {strides = array<i32>} : memref<128x768xf32, #tpu.memory_space<vmem>>, vector<1x16xf32>,
        %mul3A_4048 = arith.constant 4 : i32
        %mul3A_4049 = arith.muli %scan3A_37, %mul3A_4048 : i32
        %add3A_4050 = arith.constant 3 : i32
        %add3A_4051 = arith.addi %mul3A_4049, %add3A_4050 : i32
        %get3A_4052 = arith.index_cast %add3A_4051 : i32 to index
        %get3A_4053 = arith.constant 752 : index
        %get3A_4054 = tpu.vector_load %arg6[%get3A_4052, %get3A_4053] {strides = array<i32>} : memref<128x768xf32, #tpu.memory_space<vmem>>, vector<1x16xf32>,
        %get3A_4055 = vector.shape_cast %get3A_4054 : vector<1x16xf32> to vector<16xf32>
        %get3A_4056 = arith.constant 3 : i32
        %get3A_4057 = arith.index_cast %get3A_4056 : i32 to index
        %get3A_4058 = arith.constant 752 : index
        %get3A_4059 = tpu.vector_load %arg8[%get3A_4057, %get3A_4058] {strides = array<i32>} : memref<4x768xf32, #tpu.memory_space<vmem>>, vector<1x16xf32>,
        %get3A_4060 = vector.shape_cast %get3A_4059 : vector<1x16xf32> to vector<16xf32>
        %add3A_4061 = arith.addf %get3A_3987, %get3A_4060 : vector<16xf32>
        %add3A_4062 = arith.addf %get3A_4055, %add3A_4061 : vector<16xf32>
        %swap3A_4063 = arith.index_cast %add3A_4051 : i32 to index
        %swap3A_4064 = arith.constant 752 : index
        %swap3A_4065 = tpu.vector_load %arg6[%swap3A_4063, %swap3A_4064] {strides = array<i32>} : memref<128x768xf32, #tpu.memory_space<vmem>>, vector<1x16xf32>,
        %swap3A_4066 = vector.shape_cast %swap3A_4065 : vector<1x16xf32> to vector<16xf32>
        %swap3A_4067 = vector.shape_cast %add3A_4062 : vector<16xf32> to vector<1x16xf32>
        tpu.vector_store %arg6[%swap3A_4063, %swap3A_4064], %swap3A_4067 {strides = array<i32>} : memref<128x768xf32, #tpu.memory_space<vmem>>, vector<1x16xf32>,
      }
      %scan3A_36 = arith.constant 32 : i32
      "tpu.region"() ({
        %run_scoped3A = tpu.sem_alloc : memref<!tpu.dma_semaphore, #tpu.memory_space<semaphore_mem>>
        %dma_start3A = arith.constant 0 : i32
        %dma_start3A_37 = tpu.memref_slice %arg5[%add3A_11, %dma_start3A] : memref<32768x768xf32, #tpu.memory_space<hbm>> -> memref<128x768xf32, #tpu.memory_space<hbm>>
        %dma_start3A_38 = arith.constant 0 : i32
        %dma_start3A_39 = tpu.memref_slice %arg5[%add3A_11, %dma_start3A_38] : memref<32768x768xf32, #tpu.memory_space<hbm>> -> memref<128x768xf32, #tpu.memory_space<hbm>>
        tpu.enqueue_dma source(%arg6 : memref<128x768xf32, #tpu.memory_space<vmem>>) target(%dma_start3A_39 : memref<128x768xf32, #tpu.memory_space<hbm>>) target_semaphore(%run_scoped3A : memref<!tpu.dma_semaphore, #tpu.memory_space<semaphore_mem>>)
        %dma_wait3A = arith.constant 0 : i32
        %dma_wait3A_40 = tpu.memref_slice %arg5[%add3A_11, %dma_wait3A] : memref<32768x768xf32, #tpu.memory_space<hbm>> -> memref<128x768xf32, #tpu.memory_space<hbm>>
        %dma_wait3A_41 = arith.constant 0 : i32
        %dma_wait3A_42 = tpu.memref_slice %arg5[%add3A_11, %dma_wait3A_41] : memref<32768x768xf32, #tpu.memory_space<hbm>> -> memref<128x768xf32, #tpu.memory_space<hbm>>
        tpu.wait_dma2 semaphore(%run_scoped3A : memref<!tpu.dma_semaphore, #tpu.memory_space<semaphore_mem>>) src(%arg6 : memref<128x768xf32, #tpu.memory_space<vmem>>) dst(%dma_wait3A_42 : memref<128x768xf32, #tpu.memory_space<hbm>>)
        tpu.yield
      }) : () -> ()
    }
    %scan3A_7 = arith.constant 8 : i32
    return
  }
}

</mosaic_0001>

<sc_bundles>
// kernel: kernel.3.cloned.1.call-start
scs
__scs_entry_jumppad:
0x0: {  	(pc) =	sbr.rel $0x88, $3  }
0x1: {  	(tag) =	ssettag $0x0;
	lr =	simm.s32 $0x1  }
0x2: {  	[smem:$0x3F9E] =	sst lr;
	_ =	strace $0xD0000000  }
0x3: {  	_ = 	snop  }
0x4: {  	_ = 	snop  }
0x5: {  	_ = 	snop  }
0x6: {  	_ = 	snop  }
0x7: {  	_ = 	snop  }
__scs_overlays_trampoline_lowered:
0x8: {  	[smem:$0x3FAD] =	sst s0  }
0x9: {  	[smem:$0x3FAE] =	sst s1  }
0xa: {  	[smem:$0x3FAF] =	sst s2  }
0xb: {  	[smem:$0x3FB0] =	sst s3  }
0xc: {  	[smem:$0x3FB1] =	sst s4  }
0xd: {  	[smem:$0x3FB2] =	sst s5  }
0xe: {  	[smem:$0x3FB3] =	sst s6  }
0xf: {  	[smem:$0x3FB4] =	sst s7  }
0x10: {  	[smem:$0x3FB5] =	sst s8  }
0x11: {  	[smem:$0x3FB6] =	sst s9;
	s0 =	simm.s32 @!p0 $0x0  }
0x12: {  	s1 =	sld [smem:$0x3F9C];
	s0 =	simm.s32 @p0 $0x1  }
0x13: {  	[smem:$0x3FB7] =	sst s0;
	s0 =	simm.s32 @!p1 $0x0  }
0x14: {  	s2 =	sld [smem:$0x3F9B];
	s0 =	simm.s32 @p1 $0x1  }
0x15: {  	[smem:$0x3FB8] =	sst s0;
	s0 =	simm.s32 @!p2 $0x0  }
0x16: {  	s3 =	sld [smem:$0x3FDB];
	s0 =	simm.s32 @p2 $0x1  }
0x17: {  	s4 =	simm.s32 $0x1BF5;
	[smem:$0x3FBA] =	sst s0  }
0x18: {  	s0 =	sld [smem:$0x3F9D];
	_ =	swait.ge [sflag:s4], $0x0  }
0x19: {  	s7 =	sld [smem:$0x3F9E]  }
0x1a: {  	s8 =	sadd.s32 $0xFFFFE003, lr  }
0x1b: {  	s9 =	sadd.s32 $0xFFFFFEF7, lr;
	s5 =	simm.s32 $0xFFFFFFFF;
	p2 =	slt.u32 s8, $0xFFFFF086  }
0x1c: {  	p1 =	slt.u32 s9, $0xF7A;
	s5 =	simm.s32 @!p2 $0x0  }
0x1d: {  	s5 =	simm.s32 @p1 $0x1;
	p0 =	seq.s32 s7, s2  }
0x1e: {  	s7 =	smul.u32 @!p0 $0xF7A, s2;
	p2 =	seq.s32 @!p0 s5, $0x0  }
0x1f: {  	s9 =	smul.u32 $0xF7A, s1;
	s8 =	simm.s32 @!p0 $0x1BF5;
	p2 =	por !p2, p0  }
0x20: {  	[sflag:s8] =	ssyncset.s32 @!p0 $0xFFFFF086;
	s6 =	sadd.s32 @!p0 s3, s7;
	s7 =	simm.s32 @!p0 $0x108  }
0x21: {  	s3 =	sadd.s32 s3, s9;
	s6 =	sadd.s32 @!p0 $0x88, s6;
	s7 =	simm.s32 @p2 $0x1082  }
0x22: {  	[simem:s7], [sflag:s8] =	dma.local @!p0 [hbm:s6], $0xF7A  }
0x23: {  	s9 =	sor.u32 $0xD0000000, s2;
	s6 =	simm.s32 $0x108;
	_ =	swait.ge @!p0 [sflag:s8], $0x0  }
0x24: {  	s3 =	sadd.s32 $0x88, s3;
	s6 =	simm.s32 @!p1 $0x1082;
	[sflag:s4] =	ssyncset.s32 $0xFFFFF086  }
0x25: {  	[simem:s6], [sflag:s4] =	dma.local [hbm:s3], $0xF7A  }
0x26: {  	[smem:$0x3F9E] =	sst s1;
	(tag) =	ssettag s2;
	_ =	strace s9  }
0x27: {  	s1 =	sld [smem:$0x3FAE]  }
0x28: {  	s2 =	sld [smem:$0x3FAF]  }
0x29: {  	s4 =	sld [smem:$0x3FB1]  }
0x2a: {  	p0 =	seq.s32 s5, $0x0;
	s5 =	sld [smem:$0x3FB2]  }
0x2b: {  	s6 =	sld [smem:$0x3FB3]  }
0x2c: {  	s7 =	sld [smem:$0x3FB4]  }
0x2d: {  	s3 =	simm.s32 $0x108;
	s8 =	sld [smem:$0x3FB5]  }
0x2e: {  	s3 =	simm.s32 @!p0 $0x1082;
	s9 =	sld [smem:$0x3FB6]  }
0x2f: {  	lr =	sadd.s32 s0, s3;
	s0 =	sld [smem:$0x3FAD]  }
0x30: {  	s3 =	sld [smem:$0x3FB0]  }
0x31: {  	[smem:$0x3FB9] =	sst s10  }
0x32: {  	s10 =	sld [smem:$0x3FB7];
	_ =	sdelay $0x3  }
0x33: {  	p0 =	seq.s32 s10, $0x1;
	s10 =	sld [smem:$0x3FB9];
	_ =	sdelay $0x3  }
0x34: {  	[smem:$0x3FB9] =	sst s10  }
0x35: {  	s10 =	sld [smem:$0x3FB8];
	_ =	sdelay $0x3  }
0x36: {  	p1 =	seq.s32 s10, $0x1;
	s10 =	sld [smem:$0x3FB9];
	_ =	sdelay $0x3  }
0x37: {  	[smem:$0x3FB9] =	sst s10  }
0x38: {  	s10 =	sld [smem:$0x3FBA]  }
0x39: {  	_ = 	snop;
	(pc) =	sbr.ind lr, $3  }
0x3a: {  	_ = 	snop  }
0x3b: {  	_ = 	snop  }
0x3c: {  	p2 =	seq.s32 s10, $0x1;
	s10 =	sld [smem:$0x3FB9]  }
0x3d: {  	_ =	shalt  }
0x3e: {  	_ =	shalt  }
0x3f: {  	_ =	shalt  }
0x40: {  	_ =	shalt  }
0x41: {  	_ =	shalt  }
0x42: {  	_ =	shalt  }
0x43: {  	_ =	shalt  }
0x44: {  	_ =	shalt  }
0x45: {  	_ =	shalt  }
0x46: {  	_ =	shalt  }
0x47: {  	_ =	shalt  }
0x48: {  	_ =	shalt  }
0x49: {  	_ =	shalt  }
0x4a: {  	_ =	shalt  }
0x4b: {  	_ =	shalt  }
0x4c: {  	_ =	shalt  }
0x4d: {  	_ =	shalt  }
0x4e: {  	_ =	shalt  }
0x4f: {  	_ =	shalt  }
0x50: {  	_ =	shalt  }
0x51: {  	_ =	shalt  }
0x52: {  	_ =	shalt  }
0x53: {  	_ =	shalt  }
0x54: {  	_ =	shalt  }
0x55: {  	_ =	shalt  }
0x56: {  	_ =	shalt  }
0x57: {  	_ =	shalt  }
0x58: {  	_ =	shalt  }
0x59: {  	_ =	shalt  }
0x5a: {  	_ =	shalt  }
0x5b: {  	_ =	shalt  }
0x5c: {  	_ =	shalt  }
0x5d: {  	_ =	shalt  }
0x5e: {  	_ =	shalt  }
0x5f: {  	_ =	shalt  }
0x60: {  	_ =	shalt  }
0x61: {  	_ =	shalt  }
0x62: {  	_ =	shalt  }
0x63: {  	_ =	shalt  }
0x64: {  	_ =	shalt  }
0x65: {  	_ =	shalt  }
0x66: {  	_ =	shalt  }
0x67: {  	_ =	shalt  }
0x68: {  	_ =	shalt  }
0x69: {  	_ =	shalt  }
0x6a: {  	_ =	shalt  }
0x6b: {  	_ =	shalt  }
0x6c: {  	_ =	shalt  }
0x6d: {  	_ =	shalt  }
0x6e: {  	_ =	shalt  }
0x6f: {  	_ =	shalt  }
0x70: {  	_ =	shalt  }
0x71: {  	_ =	shalt  }
0x72: {  	_ =	shalt  }
0x73: {  	_ =	shalt  }
0x74: {  	_ =	shalt  }
0x75: {  	_ =	shalt  }
0x76: {  	_ =	shalt  }
0x77: {  	_ =	shalt  }
0x78: {  	_ =	shalt  }
0x79: {  	_ =	shalt  }
0x7a: {  	_ =	shalt  }
0x7b: {  	_ =	shalt  }
0x7c: {  	_ =	shalt  }
0x7d: {  	_ =	shalt  }
0x7e: {  	_ =	shalt  }
0x7f: {  	_ =	shalt  }
0x80: {  	_ =	shalt  }
0x81: {  	_ =	shalt  }
0x82: {  	_ =	shalt  }
0x83: {  	_ =	shalt  }
0x84: {  	_ =	shalt  }
0x85: {  	_ =	shalt  }
0x86: {  	_ =	shalt  }
0x87: {  	_ =	shalt  }
.Lfunc_end0:
.L_simem_size_0:
called_computation_lowered:
.L_overlay_start_0:
0x88: {  	s2 =	sld [smem:$0x3FD9]  }
0x89: {  	s3 =	sld [smem:$0x3FFE];
	_ =	sdelay $0x1  }
0x8a: {  	s1 =	srdreg.scid  }
0x8b: {  	s0 =	sand.u32 $0x1, s1  }
0x8c: {  	s17 =	sshll.u32 s0, $0xA;
	s2 =	sadd.s32 s3, s2  }
0x8d: {  	s2 =	sadd.s32 s2, s17  }
0x8e: {  	[smem:$0x3FC5] =	sst s2  }
0x8f: {  	_ = 	snop  }
0x90: {  	s2 =	sld [smem:$0x3FC9]  }
0x91: {  	s18 =	sld [smem:$0x3FC7]  }
0x92: {  	s4 =	sld [smem:$0x3FD0];
	(tm) =	ssettm $0x1  }
0x93: {  	s5 =	sld [smem:$0x3FFB];
	_ =	sdelay $0x3  }
0x94: {  	_ =	strace s5  }
0x95: {  	s5 =	sld [smem:$0x3FFC];
	_ =	sdelay $0x3  }
0x96: {  	_ =	strace s5  }
0x97: {  	s5 =	sld [smem:$0x3FFD];
	_ =	sdelay $0x3  }
0x98: {  	_ =	strace s5  }
0x99: {  	_ =	strace $0x8FFFFFFF  }
0x9a: {  	s19 =	sld [smem:$0x3FDB];
	_ =	sdelay $0x1  }
0x9b: {  	s6 =	simm.s32 $_scs_section_size  }
0x9c: {  	s7 =	simm.s32 $_size__tile_overlayer_lowered;
	s8 =	simm.s32 $_tile_overlayer_lowered  }
0x9d: {  	s22 =	simm.s32 $0x1BFF;
	s21 =	sshll.u32 s8, $0x1;
	s5 =	sadd.s32 s6, s19  }
0x9e: {  	s9 =	simm.s32 $0x0;
	s20 =	sshll.u32 s7, $0x1;
	s7 =	sadd.s32 s21, s5  }
0x9f: {  	[timem:s9], [sflag:s22] =	dma.local [hbm:s7], s20  }
0xa0: {  	_ =	swait.ge [sflag:s22], s20  }
0xa1: {  	s6 =	ssub.s32 $0x0, s20;
	[sflag:s22] =	ssyncset.done $0x0  }
0xa2: {  	[sflag:s22] =	ssyncadd.s32 s6;
	_ =	sdelay $0x1  }
0xa3: {  	s23 =	simm.s32 $0x1B8B  }
0xa4: {  	_ =	swait.ge [sflag:s23], $0x1  }
0xa5: {  	[sflag:s23] =	ssyncset.done $0x0  }
0xa6: {  	s25 =	simm.s32 $0x1B8E;
	s24 =	sld [smem:$0x3FFE];
	[sflag:s23] =	ssyncadd.s32 $0xFFFFFFFF  }
0xa7: {  	s26 =	simm.s32 $execute0_lowered;
	[smem:$0x3FD2] =	sst s25  }
0xa8: {  	s7 =	sshll.u32 s26, $0x1;
	_ =	strace $0x80000046;
	[dreg:$0x1] =	wrdreg $0xFFFFFFFF  }
0xa9: {  	s28 =	simm.s32 $_size_execute0_lowered;
	s5 =	sadd.s32 s5, s7;
	[dreg:$0x0] =	wrdreg $0x0  }
0xaa: {  	s7 =	sshll.u32 s28, $0x1;
	[dreg:$0x2] =	wrdreg s5  }
0xab: {  	[dreg:$0x3] =	wrdreg s7  }
0xac: {  	[dreg:$0x4] =	wrdreg $0xC0  }
0xad: {  	_ =	task [dreg:s9], $0x5FFFF  }
0xae: {  	[dreg:$0x1] =	wrdreg $0xFFFFFFFF  }
0xaf: {  	[dreg:$0x0] =	wrdreg $0x60  }
0xb0: {  	[dreg:$0x2] =	wrdreg s2  }
0xb1: {  	[dreg:$0x3] =	wrdreg s24  }
0xb2: {  	[dreg:$0x4] =	wrdreg s18  }
0xb3: {  	[dreg:$0x5] =	wrdreg s4  }
0xb4: {  	[dreg:$0x6] =	wrdreg $0x9  }
0xb5: {  	_ =	task.clear_ibuf [dreg:s9], $0x7FFFF;
	_ =	strace $0x90000046  }
0xb6: {  	s29 =	simm.s32 $0x9;
	_ =	strace $0x80000048  }
0xb7: {  	_ =	swait.ge [sflag:s29], $0x1  }
0xb8: {  	[sflag:s29] =	ssyncadd.s32 $0xFFFFFFFF  }
0xb9: {  	_ =	strace $0x90000048  }
0xba: {  	_ =	sfence  }
0xbb: {  	s30 =	sld [smem:$0x0];
	_ =	sdelay $0x2  }
0xbc: {  	s31 =	sshll.u32 s1, $0xD;
	s1 =	sshrl.u32 s1, $0x2  }
0xbd: {  	s3 =	sand.u32 $0x4000, s31;
	s1 =	sadd.s32 s1, s30  }
0xbe: {  	s0 =	sor.u32 s3, s0;
	s1 =	sshll.u32 s1, $0x11  }
0xbf: {  	s0 =	sor.u32 s1, s0  }
0xc0: {  	s0 =	sadd.s32 $0x8F2B, s0  }
0xc1: {  	[sflag:s0] =	ssyncadd.remote.s32 $0x1  }
0xc2: {  	_ =	sfence.sel $0xFFFF  }
0xc3: {  	[dreg:$0x0] =	wrdreg $0xFFFFFFFF;
	(pc) =	sbr.abs _section_cstart, $3  }
0xc4: {  	[dreg:$0x1] =	wrdreg $0xFFFFFFFF  }
0xc5: {  	_ =	task.clear_ibuf [dreg:s9], $0x2FFFF;
	_ =	strace $0x9FFFFFFF  }
0xc6: {  	(tm) =	ssettm $0x7FFFFFFF  }
0xc7: {  	_ =	shalt  }
tec
execute0_lowered:
.L_overlay_start_1:
0x0: {  	(tag) =	ssettag $0x1  }
0x1: {  	s1 =	rddreg [dreg:$0x0]  }
0x2: {  	s5 =	rddreg [dreg:$0x1]  }
0x3: {  	s2 =	rddreg [dreg:$0x2]  }
0x4: {  	s3 =	rddreg [dreg:$0x3]  }
0x5: {  	s0 =	rddreg [dreg:$0x4]  }
0x6: {  	s4 =	simm.s32 $0x0;
	s6 =	srdreg.scid;
	s10 =	simm.s32 $0x1  }
0x7: {  	s11 =	simm.s32 $0x18000;
	s12 =	simm.s32 $0x0;
	s7 =	sand.u32 $0x1, s6  }
0x8: {  	[smem:$0x7FF] =	sst s4;
	s6 =	sadd.s32 $0x400, s5;
	s8 =	ssub.s32 $0x2, s7  }
0x9: {  	s5 =	stileid.u32;
	_ =	strace $0x80000047;
	s9 =	sshrl.u32 s8, $0x1  }
0xa: {  	s31 =	sshll.u32 s5, $0xB;
	s7 =	sshll.u32 s7, $0xA;
	s8 =	ssub.s32 s8, s9  }
0xb: {  	s7 =	sor.u32 s7, s31;
	s9 =	simm.s32 $0x1E000;
	s8 =	smax.u32 s8, $0x1  }
.LBB2_1:
0xc: {  	[tilespmem:s9], [sflag:$0x1] =	stream.linear.gather [hbm4b:s2+s4], $0xC00, $0x38;
	[tilespmem:$0x1EC00] =	vst v63  }
0xd: {  	_ =	swait.ge [sflag:s10], $0xC00  }
0xe: {  	[sflag:s10] =	ssyncset.done $0x0  }
0xf: {  	s13 =	simm.s32 $0x0;
	[sflag:s10] =	ssyncadd.s32 $0xFFFFF400  }
.LBB2_2:
0x10: {  	s14 =	sshll.u32 s13, $0x7  }
0x11: {  	s16 =	sadd.s32 s7, s14  }
0x12: {  	s14 =	sshrl.u32 s16, $0x3  }
0x13: {  	s14 =	smul.u32 $0x300, s14  }
0x14: {  	s16 =	sshrl.u32 s16, $0x5  }
0x15: {  	s15 =	simm.s32 $0x0;
	s16 =	sand.u32 $0xFC, s16;
	s17 =	sadd.s32 s1, s14  }
0x16: {  	[tilespmem:s15], [sflag:$0x1] =	stream.linear.gather [hbm4b:s17+s15], $0x18000, $0x38;
	[tilespmem:$0x1EC00] =	vst v63  }
0x17: {  	s16 =	smul.u32 $0x300, s16;
	_ =	swait.ge [sflag:s10], $0x18000  }
0x18: {  	[sflag:s10] =	ssyncset.done $0x0  }
0x19: {  	s16 =	sadd.s32 s6, s16;
	[sflag:s10] =	ssyncadd.s32 $0xFFFE8000  }
0x1a: {  	[tilespmem:s11], [sflag:$0x1] =	stream.linear.gather [hbm4b:s16+s15], $0x6000, $0x38;
	[tilespmem:$0x1EC00] =	vst v63  }
0x1b: {  	_ =	swait.ge [sflag:s10], $0x6000  }
0x1c: {  	[sflag:s10] =	ssyncset.done $0x0  }
0x1d: {  	s17 =	simm.s32 $0x0;
	s16 =	simm.s32 $0x0;
	[sflag:s10] =	ssyncadd.s32 $0xFFFFA000  }
.LBB2_3:
0x1e: {  	s18 =	sshrl.u32 s17, $0x3  }
0x1f: {  	s18 =	smul.u32 $0x6000, s18  }
0x20: {  	s20 =	sshrl.u32 s17, $0x1  }
0x21: {  	s19 =	sand.u32 $0x380, s15;
	s20 =	smul.u32 $0x6000, s20;
	s18 =	sshra.s32 s18, $0x2  }
0x22: {  	v1 =	vld [tilespmem:$0x1E000];
	s18 =	sor.u32 s19, s18  }
0x23: {  	s21 =	sshra.s32 s20, $0x2;
	s19 =	sand.u32 $0x200, s16;
	v0 =	vld [tilespmem:s18+$0x18000]  }
0x24: {  	s24 =	sor.u32 s19, s21  }
0x25: {  	v2 =	vld [tilespmem:s24+$0x0];
	_ =	sdelay $0x2  }
0x26: {  	v1 =	vadd.f32 v1, v0;
	_ =	sdelay $0x1  }
0x27: {  	v1 =	vadd.f32 v1, v2;
	_ =	sdelay $0x1  }
0x28: {  	[tilespmem:s24+$0x0] =	vst v1  }
0x29: {  	s20 =	sor.u32 $0x80, s19;
	v1 =	vld [tilespmem:$0x1E080]  }
0x2a: {  	s25 =	sor.u32 s20, s21  }
0x2b: {  	v6 =	vld [tilespmem:s25+$0x0];
	_ =	sdelay $0x2  }
0x2c: {  	v1 =	vadd.f32 v1, v0;
	_ =	sdelay $0x1  }
0x2d: {  	v1 =	vadd.f32 v1, v6;
	_ =	sdelay $0x1  }
0x2e: {  	[tilespmem:s25+$0x0] =	vst v1  }
0x2f: {  	s22 =	sor.u32 $0x100, s19;
	v1 =	vld [tilespmem:$0x1E100]  }
0x30: {  	s26 =	sor.u32 s22, s21  }
0x31: {  	v7 =	vld [tilespmem:s26+$0x0];
	_ =	sdelay $0x2  }
0x32: {  	v1 =	vadd.f32 v1, v0;
	_ =	sdelay $0x1  }
0x33: {  	v1 =	vadd.f32 v1, v7;
	_ =	sdelay $0x1  }
0x34: {  	[tilespmem:s26+$0x0] =	vst v1  }
0x35: {  	s23 =	sor.u32 $0x180, s19;
	v1 =	vld [tilespmem:$0x1E180]  }
0x36: {  	s28 =	sor.u32 s23, s21  }
0x37: {  	v8 =	vld [tilespmem:s28+$0x0];
	_ =	sdelay $0x2  }
0x38: {  	v0 =	vadd.f32 v1, v0;
	_ =	sdelay $0x1  }
0x39: {  	v0 =	vadd.f32 v0, v8;
	_ =	sdelay $0x1  }
0x3a: {  	s29 =	sadd.s32 $0x18000, s18;
	[tilespmem:s28+$0x0] =	vst v0  }
0x3b: {  	v0 =	vld [tilespmem:s29+$0x10]  }
0x3c: {  	v9 =	vld [tilespmem:$0x1E010];
	_ =	sdelay $0x1  }
0x3d: {  	v10 =	vld [tilespmem:s24+$0x10];
	_ =	sdelay $0x2  }
0x3e: {  	v1 =	vadd.f32 v9, v0;
	_ =	sdelay $0x1  }
0x3f: {  	v1 =	vadd.f32 v1, v10;
	_ =	sdelay $0x1  }
0x40: {  	[tilespmem:s24+$0x10] =	vst v1  }
0x41: {  	v1 =	vld [tilespmem:$0x1E090];
	_ =	sdelay $0x1  }
0x42: {  	v11 =	vld [tilespmem:s25+$0x10];
	_ =	sdelay $0x2  }
0x43: {  	v1 =	vadd.f32 v1, v0;
	_ =	sdelay $0x1  }
0x44: {  	v1 =	vadd.f32 v1, v11;
	_ =	sdelay $0x1  }
0x45: {  	[tilespmem:s25+$0x10] =	vst v1  }
0x46: {  	v1 =	vld [tilespmem:$0x1E110];
	_ =	sdelay $0x1  }
0x47: {  	v12 =	vld [tilespmem:s26+$0x10];
	_ =	sdelay $0x2  }
0x48: {  	v1 =	vadd.f32 v1, v0;
	_ =	sdelay $0x1  }
0x49: {  	v1 =	vadd.f32 v1, v12;
	_ =	sdelay $0x1  }
0x4a: {  	[tilespmem:s26+$0x10] =	vst v1  }
0x4b: {  	v1 =	vld [tilespmem:$0x1E190];
	_ =	sdelay $0x1  }
0x4c: {  	v13 =	vld [tilespmem:s28+$0x10];
	_ =	sdelay $0x2  }
0x4d: {  	v0 =	vadd.f32 v1, v0;
	_ =	sdelay $0x1  }
0x4e: {  	v0 =	vadd.f32 v0, v13;
	_ =	sdelay $0x1  }
0x4f: {  	[tilespmem:s28+$0x10] =	vst v0  }
0x50: {  	v0 =	vld [tilespmem:s29+$0x20]  }
0x51: {  	v14 =	vld [tilespmem:$0x1E020];
	_ =	sdelay $0x1  }
0x52: {  	v15 =	vld [tilespmem:s24+$0x20];
	_ =	sdelay $0x2  }
0x53: {  	v1 =	vadd.f32 v14, v0;
	_ =	sdelay $0x1  }
0x54: {  	v1 =	vadd.f32 v1, v15;
	_ =	sdelay $0x1  }
0x55: {  	[tilespmem:s24+$0x20] =	vst v1  }
0x56: {  	v1 =	vld [tilespmem:$0x1E0A0];
	_ =	sdelay $0x1  }
0x57: {  	v16 =	vld [tilespmem:s25+$0x20];
	_ =	sdelay $0x2  }
0x58: {  	v1 =	vadd.f32 v1, v0;
	_ =	sdelay $0x1  }
0x59: {  	v1 =	vadd.f32 v1, v16;
	_ =	sdelay $0x1  }
0x5a: {  	[tilespmem:s25+$0x20] =	vst v1  }
0x5b: {  	v1 =	vld [tilespmem:$0x1E120];
	_ =	sdelay $0x1  }
0x5c: {  	v17 =	vld [tilespmem:s26+$0x20];
	_ =	sdelay $0x2  }
0x5d: {  	v1 =	vadd.f32 v1, v0;
	_ =	sdelay $0x1  }
0x5e: {  	v1 =	vadd.f32 v1, v17;
	_ =	sdelay $0x1  }
0x5f: {  	[tilespmem:s26+$0x20] =	vst v1  }
0x60: {  	v1 =	vld [tilespmem:$0x1E1A0];
	_ =	sdelay $0x1  }
0x61: {  	v18 =	vld [tilespmem:s28+$0x20];
	_ =	sdelay $0x2  }
0x62: {  	v0 =	vadd.f32 v1, v0;
	_ =	sdelay $0x1  }
0x63: {  	v0 =	vadd.f32 v0, v18;
	_ =	sdelay $0x1  }
0x64: {  	[tilespmem:s28+$0x20] =	vst v0  }
0x65: {  	v0 =	vld [tilespmem:s29+$0x30]  }
0x66: {  	v19 =	vld [tilespmem:$0x1E030];
	_ =	sdelay $0x1  }
0x67: {  	v20 =	vld [tilespmem:s24+$0x30];
	_ =	sdelay $0x2  }
0x68: {  	v1 =	vadd.f32 v19, v0;
	_ =	sdelay $0x1  }
0x69: {  	v1 =	vadd.f32 v1, v20;
	_ =	sdelay $0x1  }
0x6a: {  	[tilespmem:s24+$0x30] =	vst v1  }
0x6b: {  	v1 =	vld [tilespmem:$0x1E0B0];
	_ =	sdelay $0x1  }
0x6c: {  	v21 =	vld [tilespmem:s25+$0x30];
	_ =	sdelay $0x2  }
0x6d: {  	v1 =	vadd.f32 v1, v0;
	_ =	sdelay $0x1  }
0x6e: {  	v1 =	vadd.f32 v1, v21;
	_ =	sdelay $0x1  }
0x6f: {  	[tilespmem:s25+$0x30] =	vst v1  }
0x70: {  	v1 =	vld [tilespmem:$0x1E130];
	_ =	sdelay $0x1  }
0x71: {  	v22 =	vld [tilespmem:s26+$0x30];
	_ =	sdelay $0x2  }
0x72: {  	v1 =	vadd.f32 v1, v0;
	_ =	sdelay $0x1  }
0x73: {  	v1 =	vadd.f32 v1, v22;
	_ =	sdelay $0x1  }
0x74: {  	[tilespmem:s26+$0x30] =	vst v1  }
0x75: {  	v1 =	vld [tilespmem:$0x1E1B0];
	_ =	sdelay $0x1  }
0x76: {  	v23 =	vld [tilespmem:s28+$0x30];
	_ =	sdelay $0x2  }
0x77: {  	v0 =	vadd.f32 v1, v0;
	_ =	sdelay $0x1  }
0x78: {  	v0 =	vadd.f32 v0, v23;
	_ =	sdelay $0x1  }
0x79: {  	[tilespmem:s28+$0x30] =	vst v0  }
0x7a: {  	v0 =	vld [tilespmem:s29+$0x40]  }
0x7b: {  	v24 =	vld [tilespmem:$0x1E040];
	_ =	sdelay $0x1  }
0x7c: {  	v25 =	vld [tilespmem:s24+$0x40];
	_ =	sdelay $0x2  }
0x7d: {  	v1 =	vadd.f32 v24, v0;
	_ =	sdelay $0x1  }
0x7e: {  	v1 =	vadd.f32 v1, v25;
	_ =	sdelay $0x1  }
0x7f: {  	[tilespmem:s24+$0x40] =	vst v1  }
0x80: {  	v1 =	vld [tilespmem:$0x1E0C0];
	_ =	sdelay $0x1  }
0x81: {  	v26 =	vld [tilespmem:s25+$0x40];
	_ =	sdelay $0x2  }
0x82: {  	v1 =	vadd.f32 v1, v0;
	_ =	sdelay $0x1  }
0x83: {  	v1 =	vadd.f32 v1, v26;
	_ =	sdelay $0x1  }
0x84: {  	[tilespmem:s25+$0x40] =	vst v1  }
0x85: {  	v1 =	vld [tilespmem:$0x1E140];
	_ =	sdelay $0x1  }
0x86: {  	v27 =	vld [tilespmem:s26+$0x40];
	_ =	sdelay $0x2  }
0x87: {  	v1 =	vadd.f32 v1, v0;
	_ =	sdelay $0x1  }
0x88: {  	v1 =	vadd.f32 v1, v27;
	_ =	sdelay $0x1  }
0x89: {  	[tilespmem:s26+$0x40] =	vst v1  }
0x8a: {  	v1 =	vld [tilespmem:$0x1E1C0];
	_ =	sdelay $0x1  }
0x8b: {  	v28 =	vld [tilespmem:s28+$0x40];
	_ =	sdelay $0x2  }
0x8c: {  	v0 =	vadd.f32 v1, v0;
	_ =	sdelay $0x1  }
0x8d: {  	v0 =	vadd.f32 v0, v28;
	_ =	sdelay $0x1  }
0x8e: {  	[tilespmem:s28+$0x40] =	vst v0  }
0x8f: {  	v0 =	vld [tilespmem:s29+$0x50]  }
0x90: {  	v29 =	vld [tilespmem:$0x1E050];
	_ =	sdelay $0x1  }
0x91: {  	v30 =	vld [tilespmem:s24+$0x50];
	_ =	sdelay $0x2  }
0x92: {  	v1 =	vadd.f32 v29, v0;
	_ =	sdelay $0x1  }
0x93: {  	v1 =	vadd.f32 v1, v30;
	_ =	sdelay $0x1  }
0x94: {  	[tilespmem:s24+$0x50] =	vst v1  }
0x95: {  	v1 =	vld [tilespmem:$0x1E0D0];
	_ =	sdelay $0x1  }
0x96: {  	v31 =	vld [tilespmem:s25+$0x50];
	_ =	sdelay $0x2  }
0x97: {  	v1 =	vadd.f32 v1, v0;
	_ =	sdelay $0x1  }
0x98: {  	v1 =	vadd.f32 v1, v31;
	_ =	sdelay $0x1  }
0x99: {  	[tilespmem:s25+$0x50] =	vst v1  }
0x9a: {  	v1 =	vld [tilespmem:$0x1E150];
	_ =	sdelay $0x1  }
0x9b: {  	v32 =	vld [tilespmem:s26+$0x50];
	_ =	sdelay $0x2  }
0x9c: {  	v1 =	vadd.f32 v1, v0;
	_ =	sdelay $0x1  }
0x9d: {  	v1 =	vadd.f32 v1, v32;
	_ =	sdelay $0x1  }
0x9e: {  	[tilespmem:s26+$0x50] =	vst v1  }
0x9f: {  	v1 =	vld [tilespmem:$0x1E1D0];
	_ =	sdelay $0x1  }
0xa0: {  	v33 =	vld [tilespmem:s28+$0x50];
	_ =	sdelay $0x2  }
0xa1: {  	v0 =	vadd.f32 v1, v0;
	_ =	sdelay $0x1  }
0xa2: {  	v0 =	vadd.f32 v0, v33;
	_ =	sdelay $0x1  }
0xa3: {  	[tilespmem:s28+$0x50] =	vst v0  }
0xa4: {  	v0 =	vld [tilespmem:s29+$0x60]  }
0xa5: {  	v34 =	vld [tilespmem:$0x1E060];
	_ =	sdelay $0x1  }
0xa6: {  	v35 =	vld [tilespmem:s24+$0x60];
	_ =	sdelay $0x2  }
0xa7: {  	v1 =	vadd.f32 v34, v0;
	_ =	sdelay $0x1  }
0xa8: {  	v1 =	vadd.f32 v1, v35;
	_ =	sdelay $0x1  }
0xa9: {  	[tilespmem:s24+$0x60] =	vst v1  }
0xaa: {  	v1 =	vld [tilespmem:$0x1E0E0];
	_ =	sdelay $0x1  }
0xab: {  	v36 =	vld [tilespmem:s25+$0x60];
	_ =	sdelay $0x2  }
0xac: {  	v1 =	vadd.f32 v1, v0;
	_ =	sdelay $0x1  }
0xad: {  	v1 =	vadd.f32 v1, v36;
	_ =	sdelay $0x1  }
0xae: {  	[tilespmem:s25+$0x60] =	vst v1  }
0xaf: {  	v1 =	vld [tilespmem:$0x1E160];
	_ =	sdelay $0x1  }
0xb0: {  	v37 =	vld [tilespmem:s26+$0x60];
	_ =	sdelay $0x2  }
0xb1: {  	v1 =	vadd.f32 v1, v0;
	_ =	sdelay $0x1  }
0xb2: {  	v1 =	vadd.f32 v1, v37;
	_ =	sdelay $0x1  }
0xb3: {  	[tilespmem:s26+$0x60] =	vst v1  }
0xb4: {  	v1 =	vld [tilespmem:$0x1E1E0];
	_ =	sdelay $0x1  }
0xb5: {  	v38 =	vld [tilespmem:s28+$0x60];
	_ =	sdelay $0x2  }
0xb6: {  	v0 =	vadd.f32 v1, v0;
	_ =	sdelay $0x1  }
0xb7: {  	v0 =	vadd.f32 v0, v38;
	_ =	sdelay $0x1  }
0xb8: {  	[tilespmem:s28+$0x60] =	vst v0  }
0xb9: {  	v0 =	vld [tilespmem:s29+$0x70]  }
0xba: {  	v39 =	vld [tilespmem:$0x1E070];
	_ =	sdelay $0x1  }
0xbb: {  	v40 =	vld [tilespmem:s24+$0x70];
	_ =	sdelay $0x2  }
0xbc: {  	v1 =	vadd.f32 v39, v0;
	_ =	sdelay $0x1  }
0xbd: {  	v1 =	vadd.f32 v1, v40;
	_ =	sdelay $0x1  }
0xbe: {  	[tilespmem:s24+$0x70] =	vst v1  }
0xbf: {  	v1 =	vld [tilespmem:$0x1E0F0];
	_ =	sdelay $0x1  }
0xc0: {  	v41 =	vld [tilespmem:s25+$0x70];
	_ =	sdelay $0x2  }
0xc1: {  	v1 =	vadd.f32 v1, v0;
	_ =	sdelay $0x1  }
0xc2: {  	v1 =	vadd.f32 v1, v41;
	_ =	sdelay $0x1  }
0xc3: {  	[tilespmem:s25+$0x70] =	vst v1  }
0xc4: {  	v1 =	vld [tilespmem:$0x1E170];
	_ =	sdelay $0x1  }
0xc5: {  	v42 =	vld [tilespmem:s26+$0x70];
	_ =	sdelay $0x2  }
0xc6: {  	v1 =	vadd.f32 v1, v0;
	_ =	sdelay $0x1  }
0xc7: {  	v1 =	vadd.f32 v1, v42;
	_ =	sdelay $0x1  }
0xc8: {  	[tilespmem:s26+$0x70] =	vst v1  }
0xc9: {  	v1 =	vld [tilespmem:$0x1E1F0];
	_ =	sdelay $0x1  }
0xca: {  	v43 =	vld [tilespmem:s28+$0x70];
	_ =	sdelay $0x2  }
0xcb: {  	v0 =	vadd.f32 v1, v0;
	_ =	sdelay $0x1  }
0xcc: {  	v0 =	vadd.f32 v0, v43;
	_ =	sdelay $0x1  }
0xcd: {  	[tilespmem:s28+$0x70] =	vst v0  }
0xce: {  	v0 =	vld [tilespmem:s29+$0x400]  }
0xcf: {  	v44 =	vld [tilespmem:$0x1E200];
	_ =	sdelay $0x1  }
0xd0: {  	v45 =	vld [tilespmem:s24+$0x400];
	_ =	sdelay $0x2  }
0xd1: {  	v1 =	vadd.f32 v44, v0;
	_ =	sdelay $0x1  }
0xd2: {  	v1 =	vadd.f32 v1, v45;
	_ =	sdelay $0x1  }
0xd3: {  	[tilespmem:s24+$0x400] =	vst v1  }
0xd4: {  	v1 =	vld [tilespmem:$0x1E280];
	_ =	sdelay $0x1  }
0xd5: {  	v46 =	vld [tilespmem:s25+$0x400];
	_ =	sdelay $0x2  }
0xd6: {  	v1 =	vadd.f32 v1, v0;
	_ =	sdelay $0x1  }
0xd7: {  	v1 =	vadd.f32 v1, v46;
	_ =	sdelay $0x1  }
0xd8: {  	[tilespmem:s25+$0x400] =	vst v1  }
0xd9: {  	v1 =	vld [tilespmem:$0x1E300];
	_ =	sdelay $0x1  }
0xda: {  	v47 =	vld [tilespmem:s26+$0x400];
	_ =	sdelay $0x2  }
0xdb: {  	v1 =	vadd.f32 v1, v0;
	_ =	sdelay $0x1  }
0xdc: {  	v1 =	vadd.f32 v1, v47;
	_ =	sdelay $0x1  }
0xdd: {  	[tilespmem:s26+$0x400] =	vst v1  }
0xde: {  	v1 =	vld [tilespmem:$0x1E380];
	_ =	sdelay $0x1  }
0xdf: {  	v48 =	vld [tilespmem:s28+$0x400];
	_ =	sdelay $0x2  }
0xe0: {  	v0 =	vadd.f32 v1, v0;
	_ =	sdelay $0x1  }
0xe1: {  	v0 =	vadd.f32 v0, v48;
	_ =	sdelay $0x1  }
0xe2: {  	[tilespmem:s28+$0x400] =	vst v0  }
0xe3: {  	v0 =	vld [tilespmem:s29+$0x410]  }
0xe4: {  	v49 =	vld [tilespmem:$0x1E210];
	_ =	sdelay $0x1  }
0xe5: {  	v50 =	vld [tilespmem:s24+$0x410];
	_ =	sdelay $0x2  }
0xe6: {  	v1 =	vadd.f32 v49, v0;
	_ =	sdelay $0x1  }
0xe7: {  	v1 =	vadd.f32 v1, v50;
	_ =	sdelay $0x1  }
0xe8: {  	[tilespmem:s24+$0x410] =	vst v1  }
0xe9: {  	v1 =	vld [tilespmem:$0x1E290];
	_ =	sdelay $0x1  }
0xea: {  	v51 =	vld [tilespmem:s25+$0x410];
	_ =	sdelay $0x2  }
0xeb: {  	v1 =	vadd.f32 v1, v0;
	_ =	sdelay $0x1  }
0xec: {  	v1 =	vadd.f32 v1, v51;
	_ =	sdelay $0x1  }
0xed: {  	[tilespmem:s25+$0x410] =	vst v1  }
0xee: {  	v1 =	vld [tilespmem:s26+$0x410]  }
0xef: {  	v52 =	vld [tilespmem:$0x1E310];
	_ =	sdelay $0x4  }
0xf0: {  	v2 =	vadd.f32 v52, v0;
	_ =	sdelay $0x1  }
0xf1: {  	v1 =	vadd.f32 v2, v1;
	_ =	sdelay $0x1  }
0xf2: {  	[tilespmem:s26+$0x410] =	vst v1  }
0xf3: {  	v1 =	vld [tilespmem:$0x1E390];
	_ =	sdelay $0x1  }
0xf4: {  	v53 =	vld [tilespmem:s28+$0x410];
	_ =	sdelay $0x2  }
0xf5: {  	v0 =	vadd.f32 v1, v0;
	_ =	sdelay $0x1  }
0xf6: {  	v0 =	vadd.f32 v0, v53;
	_ =	sdelay $0x1  }
0xf7: {  	[tilespmem:s28+$0x410] =	vst v0  }
0xf8: {  	v0 =	vld [tilespmem:s29+$0x420]  }
0xf9: {  	v54 =	vld [tilespmem:$0x1E220];
	_ =	sdelay $0x1  }
0xfa: {  	v55 =	vld [tilespmem:s24+$0x420];
	_ =	sdelay $0x2  }
0xfb: {  	v1 =	vadd.f32 v54, v0;
	_ =	sdelay $0x1  }
0xfc: {  	v1 =	vadd.f32 v1, v55;
	_ =	sdelay $0x1  }
0xfd: {  	[tilespmem:s24+$0x420] =	vst v1  }
0xfe: {  	v1 =	vld [tilespmem:$0x1E2A0];
	_ =	sdelay $0x1  }
0xff: {  	v56 =	vld [tilespmem:s25+$0x420];
	_ =	sdelay $0x2  }
0x100: {  	v1 =	vadd.f32 v1, v0;
	_ =	sdelay $0x1  }
0x101: {  	v1 =	vadd.f32 v1, v56;
	_ =	sdelay $0x1  }
0x102: {  	[tilespmem:s25+$0x420] =	vst v1  }
0x103: {  	v1 =	vld [tilespmem:$0x1E320];
	_ =	sdelay $0x1  }
0x104: {  	v57 =	vld [tilespmem:s26+$0x420];
	_ =	sdelay $0x2  }
0x105: {  	v1 =	vadd.f32 v1, v0;
	_ =	sdelay $0x1  }
0x106: {  	v1 =	vadd.f32 v1, v57;
	_ =	sdelay $0x1  }
0x107: {  	[tilespmem:s26+$0x420] =	vst v1  }
0x108: {  	v1 =	vld [tilespmem:$0x1E3A0];
	_ =	sdelay $0x1  }
0x109: {  	v58 =	vld [tilespmem:s28+$0x420];
	_ =	sdelay $0x2  }
0x10a: {  	v0 =	vadd.f32 v1, v0;
	_ =	sdelay $0x1  }
0x10b: {  	v0 =	vadd.f32 v0, v58;
	_ =	sdelay $0x1  }
0x10c: {  	[tilespmem:s28+$0x420] =	vst v0  }
0x10d: {  	v0 =	vld [tilespmem:s29+$0x430]  }
0x10e: {  	v59 =	vld [tilespmem:$0x1E230];
	_ =	sdelay $0x1  }
0x10f: {  	v60 =	vld [tilespmem:s24+$0x430];
	_ =	sdelay $0x2  }
0x110: {  	v1 =	vadd.f32 v59, v0;
	_ =	sdelay $0x1  }
0x111: {  	v1 =	vadd.f32 v1, v60;
	_ =	sdelay $0x1  }
0x112: {  	[tilespmem:s24+$0x430] =	vst v1  }
0x113: {  	v1 =	vld [tilespmem:$0x1E2B0];
	_ =	sdelay $0x1  }
0x114: {  	v61 =	vld [tilespmem:s25+$0x430];
	_ =	sdelay $0x2  }
0x115: {  	v1 =	vadd.f32 v1, v0;
	_ =	sdelay $0x1  }
0x116: {  	v1 =	vadd.f32 v1, v61;
	_ =	sdelay $0x1  }
0x117: {  	[tilespmem:s25+$0x430] =	vst v1  }
0x118: {  	v1 =	vld [tilespmem:$0x1E330];
	_ =	sdelay $0x1  }
0x119: {  	v62 =	vld [tilespmem:s26+$0x430];
	_ =	sdelay $0x2  }
0x11a: {  	v1 =	vadd.f32 v1, v0;
	_ =	sdelay $0x1  }
0x11b: {  	v1 =	vadd.f32 v1, v62;
	_ =	sdelay $0x1  }
0x11c: {  	[tilespmem:s26+$0x430] =	vst v1  }
0x11d: {  	v1 =	vld [tilespmem:$0x1E3B0];
	_ =	sdelay $0x1  }
0x11e: {  	v63 =	vld [tilespmem:s28+$0x430];
	_ =	sdelay $0x2  }
0x11f: {  	v0 =	vadd.f32 v1, v0;
	_ =	sdelay $0x1  }
0x120: {  	v0 =	vadd.f32 v0, v63;
	_ =	sdelay $0x1  }
0x121: {  	[tilespmem:s28+$0x430] =	vst v0  }
0x122: {  	v0 =	vld [tilespmem:s29+$0x440]  }
0x123: {  	v4 =	vld [tilespmem:$0x1E240];
	_ =	sdelay $0x1  }
0x124: {  	v5 =	vld [tilespmem:s24+$0x440];
	_ =	sdelay $0x2  }
0x125: {  	v1 =	vadd.f32 v4, v0;
	_ =	sdelay $0x1  }
0x126: {  	v1 =	vadd.f32 v1, v5;
	_ =	sdelay $0x1  }
0x127: {  	[tilespmem:s24+$0x440] =	vst v1  }
0x128: {  	v1 =	vld [tilespmem:$0x1E2C0];
	_ =	sdelay $0x1  }
0x129: {  	v6 =	vld [tilespmem:s25+$0x440];
	_ =	sdelay $0x2  }
0x12a: {  	v1 =	vadd.f32 v1, v0;
	_ =	sdelay $0x1  }
0x12b: {  	v1 =	vadd.f32 v1, v6;
	_ =	sdelay $0x1  }
0x12c: {  	[tilespmem:s25+$0x440] =	vst v1  }
0x12d: {  	v1 =	vld [tilespmem:$0x1E340];
	_ =	sdelay $0x1  }
0x12e: {  	v7 =	vld [tilespmem:s26+$0x440];
	_ =	sdelay $0x2  }
0x12f: {  	v1 =	vadd.f32 v1, v0;
	_ =	sdelay $0x1  }
0x130: {  	v1 =	vadd.f32 v1, v7;
	_ =	sdelay $0x1  }
0x131: {  	[tilespmem:s26+$0x440] =	vst v1  }
0x132: {  	v1 =	vld [tilespmem:$0x1E3C0];
	_ =	sdelay $0x1  }
0x133: {  	v8 =	vld [tilespmem:s28+$0x440];
	_ =	sdelay $0x2  }
0x134: {  	v0 =	vadd.f32 v1, v0;
	_ =	sdelay $0x1  }
0x135: {  	v0 =	vadd.f32 v0, v8;
	_ =	sdelay $0x1  }
0x136: {  	[tilespmem:s28+$0x440] =	vst v0  }
0x137: {  	v0 =	vld [tilespmem:s29+$0x450]  }
0x138: {  	v9 =	vld [tilespmem:$0x1E250];
	_ =	sdelay $0x1  }
0x139: {  	v10 =	vld [tilespmem:s24+$0x450];
	_ =	sdelay $0x2  }
0x13a: {  	v1 =	vadd.f32 v9, v0;
	_ =	sdelay $0x1  }
0x13b: {  	v1 =	vadd.f32 v1, v10;
	_ =	sdelay $0x1  }
0x13c: {  	[tilespmem:s24+$0x450] =	vst v1  }
0x13d: {  	v1 =	vld [tilespmem:$0x1E2D0];
	_ =	sdelay $0x1  }
0x13e: {  	v11 =	vld [tilespmem:s25+$0x450];
	_ =	sdelay $0x2  }
0x13f: {  	v1 =	vadd.f32 v1, v0;
	_ =	sdelay $0x1  }
0x140: {  	v1 =	vadd.f32 v1, v11;
	_ =	sdelay $0x1  }
0x141: {  	[tilespmem:s25+$0x450] =	vst v1  }
0x142: {  	v1 =	vld [tilespmem:$0x1E350];
	_ =	sdelay $0x1  }
0x143: {  	v12 =	vld [tilespmem:s26+$0x450];
	_ =	sdelay $0x2  }
0x144: {  	v1 =	vadd.f32 v1, v0;
	_ =	sdelay $0x1  }
0x145: {  	v1 =	vadd.f32 v1, v12;
	_ =	sdelay $0x1  }
0x146: {  	[tilespmem:s26+$0x450] =	vst v1  }
0x147: {  	v1 =	vld [tilespmem:$0x1E3D0];
	_ =	sdelay $0x1  }
0x148: {  	v13 =	vld [tilespmem:s28+$0x450];
	_ =	sdelay $0x2  }
0x149: {  	v0 =	vadd.f32 v1, v0;
	_ =	sdelay $0x1  }
0x14a: {  	v0 =	vadd.f32 v0, v13;
	_ =	sdelay $0x1  }
0x14b: {  	[tilespmem:s28+$0x450] =	vst v0  }
0x14c: {  	v0 =	vld [tilespmem:s29+$0x460]  }
0x14d: {  	v14 =	vld [tilespmem:$0x1E260];
	_ =	sdelay $0x1  }
0x14e: {  	v15 =	vld [tilespmem:s24+$0x460];
	_ =	sdelay $0x2  }
0x14f: {  	v1 =	vadd.f32 v14, v0;
	_ =	sdelay $0x1  }
0x150: {  	v1 =	vadd.f32 v1, v15;
	_ =	sdelay $0x1  }
0x151: {  	[tilespmem:s24+$0x460] =	vst v1  }
0x152: {  	v1 =	vld [tilespmem:$0x1E2E0];
	_ =	sdelay $0x1  }
0x153: {  	v16 =	vld [tilespmem:s25+$0x460];
	_ =	sdelay $0x2  }
0x154: {  	v1 =	vadd.f32 v1, v0;
	_ =	sdelay $0x1  }
0x155: {  	v1 =	vadd.f32 v1, v16;
	_ =	sdelay $0x1  }
0x156: {  	[tilespmem:s25+$0x460] =	vst v1  }
0x157: {  	v1 =	vld [tilespmem:$0x1E360];
	_ =	sdelay $0x1  }
0x158: {  	v17 =	vld [tilespmem:s26+$0x460];
	_ =	sdelay $0x2  }
0x159: {  	v1 =	vadd.f32 v1, v0;
	_ =	sdelay $0x1  }
0x15a: {  	v1 =	vadd.f32 v1, v17;
	_ =	sdelay $0x1  }
0x15b: {  	[tilespmem:s26+$0x460] =	vst v1  }
0x15c: {  	v1 =	vld [tilespmem:$0x1E3E0];
	_ =	sdelay $0x1  }
0x15d: {  	v18 =	vld [tilespmem:s28+$0x460];
	_ =	sdelay $0x2  }
0x15e: {  	v0 =	vadd.f32 v1, v0;
	_ =	sdelay $0x1  }
0x15f: {  	v0 =	vadd.f32 v0, v18;
	_ =	sdelay $0x1  }
0x160: {  	[tilespmem:s28+$0x460] =	vst v0  }
0x161: {  	v0 =	vld [tilespmem:s29+$0x470]  }
0x162: {  	v19 =	vld [tilespmem:$0x1E270];
	_ =	sdelay $0x1  }
0x163: {  	v20 =	vld [tilespmem:s24+$0x470];
	_ =	sdelay $0x2  }
0x164: {  	v1 =	vadd.f32 v19, v0;
	_ =	sdelay $0x1  }
0x165: {  	v1 =	vadd.f32 v1, v20;
	_ =	sdelay $0x1  }
0x166: {  	[tilespmem:s24+$0x470] =	vst v1  }
0x167: {  	v1 =	vld [tilespmem:$0x1E2F0];
	_ =	sdelay $0x1  }
0x168: {  	v21 =	vld [tilespmem:s25+$0x470];
	_ =	sdelay $0x2  }
0x169: {  	v1 =	vadd.f32 v1, v0;
	_ =	sdelay $0x1  }
0x16a: {  	v1 =	vadd.f32 v1, v21;
	_ =	sdelay $0x1  }
0x16b: {  	[tilespmem:s25+$0x470] =	vst v1  }
0x16c: {  	v1 =	vld [tilespmem:$0x1E370];
	_ =	sdelay $0x1  }
0x16d: {  	v22 =	vld [tilespmem:s26+$0x470];
	_ =	sdelay $0x2  }
0x16e: {  	v1 =	vadd.f32 v1, v0;
	_ =	sdelay $0x1  }
0x16f: {  	v1 =	vadd.f32 v1, v22;
	_ =	sdelay $0x1  }
0x170: {  	[tilespmem:s26+$0x470] =	vst v1  }
0x171: {  	v1 =	vld [tilespmem:$0x1E3F0];
	_ =	sdelay $0x1  }
0x172: {  	v23 =	vld [tilespmem:s28+$0x470];
	_ =	sdelay $0x2  }
0x173: {  	v0 =	vadd.f32 v1, v0;
	_ =	sdelay $0x1  }
0x174: {  	v0 =	vadd.f32 v0, v23;
	_ =	sdelay $0x1  }
0x175: {  	[tilespmem:s28+$0x470] =	vst v0  }
0x176: {  	v0 =	vld [tilespmem:s18+$0x18800]  }
0x177: {  	s24 =	sadd.s32 $0x800, s21;
	v24 =	vld [tilespmem:$0x1E400]  }
0x178: {  	s25 =	sor.u32 s19, s24  }
0x179: {  	v25 =	vld [tilespmem:s25+$0x0];
	_ =	sdelay $0x2  }
0x17a: {  	v1 =	vadd.f32 v24, v0;
	_ =	sdelay $0x1  }
0x17b: {  	v1 =	vadd.f32 v1, v25;
	_ =	sdelay $0x1  }
0x17c: {  	[tilespmem:s25+$0x0] =	vst v1  }
0x17d: {  	v1 =	vld [tilespmem:$0x1E480]  }
0x17e: {  	s26 =	sor.u32 s20, s24  }
0x17f: {  	v26 =	vld [tilespmem:s26+$0x0];
	_ =	sdelay $0x2  }
0x180: {  	v1 =	vadd.f32 v1, v0;
	_ =	sdelay $0x1  }
0x181: {  	v1 =	vadd.f32 v1, v26;
	_ =	sdelay $0x1  }
0x182: {  	[tilespmem:s26+$0x0] =	vst v1  }
0x183: {  	v1 =	vld [tilespmem:$0x1E500]  }
0x184: {  	s30 =	sor.u32 s22, s24  }
0x185: {  	v27 =	vld [tilespmem:s30+$0x0];
	_ =	sdelay $0x2  }
0x186: {  	v1 =	vadd.f32 v1, v0;
	_ =	sdelay $0x1  }
0x187: {  	v1 =	vadd.f32 v1, v27;
	_ =	sdelay $0x1  }
0x188: {  	[tilespmem:s30+$0x0] =	vst v1  }
0x189: {  	v1 =	vld [tilespmem:$0x1E580]  }
0x18a: {  	s28 =	sor.u32 s23, s24  }
0x18b: {  	v28 =	vld [tilespmem:s28+$0x0];
	_ =	sdelay $0x2  }
0x18c: {  	v0 =	vadd.f32 v1, v0;
	_ =	sdelay $0x1  }
0x18d: {  	v0 =	vadd.f32 v0, v28;
	_ =	sdelay $0x1  }
0x18e: {  	s31 =	sadd.s32 $0x18800, s18;
	[tilespmem:s28+$0x0] =	vst v0  }
0x18f: {  	v0 =	vld [tilespmem:s31+$0x10]  }
0x190: {  	v29 =	vld [tilespmem:$0x1E410];
	_ =	sdelay $0x1  }
0x191: {  	v30 =	vld [tilespmem:s25+$0x10];
	_ =	sdelay $0x2  }
0x192: {  	v1 =	vadd.f32 v29, v0;
	_ =	sdelay $0x1  }
0x193: {  	v1 =	vadd.f32 v1, v30;
	_ =	sdelay $0x1  }
0x194: {  	[tilespmem:s25+$0x10] =	vst v1  }
0x195: {  	v1 =	vld [tilespmem:$0x1E490];
	_ =	sdelay $0x1  }
0x196: {  	v31 =	vld [tilespmem:s26+$0x10];
	_ =	sdelay $0x2  }
0x197: {  	v1 =	vadd.f32 v1, v0;
	_ =	sdelay $0x1  }
0x198: {  	v1 =	vadd.f32 v1, v31;
	_ =	sdelay $0x1  }
0x199: {  	[tilespmem:s26+$0x10] =	vst v1  }
0x19a: {  	v1 =	vld [tilespmem:$0x1E510];
	_ =	sdelay $0x1  }
0x19b: {  	v32 =	vld [tilespmem:s30+$0x10];
	_ =	sdelay $0x2  }
0x19c: {  	v1 =	vadd.f32 v1, v0;
	_ =	sdelay $0x1  }
0x19d: {  	v1 =	vadd.f32 v1, v32;
	_ =	sdelay $0x1  }
0x19e: {  	[tilespmem:s30+$0x10] =	vst v1  }
0x19f: {  	v1 =	vld [tilespmem:$0x1E590];
	_ =	sdelay $0x1  }
0x1a0: {  	v33 =	vld [tilespmem:s28+$0x10];
	_ =	sdelay $0x2  }
0x1a1: {  	v0 =	vadd.f32 v1, v0;
	_ =	sdelay $0x1  }
0x1a2: {  	v0 =	vadd.f32 v0, v33;
	_ =	sdelay $0x1  }
0x1a3: {  	[tilespmem:s28+$0x10] =	vst v0  }
0x1a4: {  	v0 =	vld [tilespmem:s31+$0x20]  }
0x1a5: {  	v34 =	vld [tilespmem:$0x1E420];
	_ =	sdelay $0x1  }
0x1a6: {  	v35 =	vld [tilespmem:s25+$0x20];
	_ =	sdelay $0x2  }
0x1a7: {  	v1 =	vadd.f32 v34, v0;
	_ =	sdelay $0x1  }
0x1a8: {  	v1 =	vadd.f32 v1, v35;
	_ =	sdelay $0x1  }
0x1a9: {  	[tilespmem:s25+$0x20] =	vst v1  }
0x1aa: {  	v1 =	vld [tilespmem:$0x1E4A0];
	_ =	sdelay $0x1  }
0x1ab: {  	v36 =	vld [tilespmem:s26+$0x20];
	_ =	sdelay $0x2  }
0x1ac: {  	v1 =	vadd.f32 v1, v0;
	_ =	sdelay $0x1  }
0x1ad: {  	v1 =	vadd.f32 v1, v36;
	_ =	sdelay $0x1  }
0x1ae: {  	[tilespmem:s26+$0x20] =	vst v1  }
0x1af: {  	v1 =	vld [tilespmem:$0x1E520];
	_ =	sdelay $0x1  }
0x1b0: {  	v37 =	vld [tilespmem:s30+$0x20];
	_ =	sdelay $0x2  }
0x1b1: {  	v1 =	vadd.f32 v1, v0;
	_ =	sdelay $0x1  }
0x1b2: {  	v1 =	vadd.f32 v1, v37;
	_ =	sdelay $0x1  }
0x1b3: {  	[tilespmem:s30+$0x20] =	vst v1  }
0x1b4: {  	v1 =	vld [tilespmem:$0x1E5A0];
	_ =	sdelay $0x1  }
0x1b5: {  	v38 =	vld [tilespmem:s28+$0x20];
	_ =	sdelay $0x2  }
0x1b6: {  	v0 =	vadd.f32 v1, v0;
	_ =	sdelay $0x1  }
0x1b7: {  	v0 =	vadd.f32 v0, v38;
	_ =	sdelay $0x1  }
0x1b8: {  	[tilespmem:s28+$0x20] =	vst v0  }
0x1b9: {  	v0 =	vld [tilespmem:s31+$0x30]  }
0x1ba: {  	v39 =	vld [tilespmem:$0x1E430];
	_ =	sdelay $0x1  }
0x1bb: {  	v40 =	vld [tilespmem:s25+$0x30];
	_ =	sdelay $0x2  }
0x1bc: {  	v1 =	vadd.f32 v39, v0;
	_ =	sdelay $0x1  }
0x1bd: {  	v1 =	vadd.f32 v1, v40;
	_ =	sdelay $0x1  }
0x1be: {  	[tilespmem:s25+$0x30] =	vst v1  }
0x1bf: {  	v1 =	vld [tilespmem:$0x1E4B0];
	_ =	sdelay $0x1  }
0x1c0: {  	v41 =	vld [tilespmem:s26+$0x30];
	_ =	sdelay $0x2  }
0x1c1: {  	v1 =	vadd.f32 v1, v0;
	_ =	sdelay $0x1  }
0x1c2: {  	v1 =	vadd.f32 v1, v41;
	_ =	sdelay $0x1  }
0x1c3: {  	[tilespmem:s26+$0x30] =	vst v1  }
0x1c4: {  	v1 =	vld [tilespmem:$0x1E530];
	_ =	sdelay $0x1  }
0x1c5: {  	v42 =	vld [tilespmem:s30+$0x30];
	_ =	sdelay $0x2  }
0x1c6: {  	v1 =	vadd.f32 v1, v0;
	_ =	sdelay $0x1  }
0x1c7: {  	v1 =	vadd.f32 v1, v42;
	_ =	sdelay $0x1  }
0x1c8: {  	[tilespmem:s30+$0x30] =	vst v1  }
0x1c9: {  	v1 =	vld [tilespmem:$0x1E5B0];
	_ =	sdelay $0x1  }
0x1ca: {  	v43 =	vld [tilespmem:s28+$0x30];
	_ =	sdelay $0x2  }
0x1cb: {  	v0 =	vadd.f32 v1, v0;
	_ =	sdelay $0x1  }
0x1cc: {  	v0 =	vadd.f32 v0, v43;
	_ =	sdelay $0x1  }
0x1cd: {  	[tilespmem:s28+$0x30] =	vst v0  }
0x1ce: {  	v0 =	vld [tilespmem:s31+$0x40]  }
0x1cf: {  	v44 =	vld [tilespmem:$0x1E440];
	_ =	sdelay $0x1  }
0x1d0: {  	v45 =	vld [tilespmem:s25+$0x40];
	_ =	sdelay $0x2  }
0x1d1: {  	v1 =	vadd.f32 v44, v0;
	_ =	sdelay $0x1  }
0x1d2: {  	v1 =	vadd.f32 v1, v45;
	_ =	sdelay $0x1  }
0x1d3: {  	[tilespmem:s25+$0x40] =	vst v1  }
0x1d4: {  	v1 =	vld [tilespmem:$0x1E4C0];
	_ =	sdelay $0x1  }
0x1d5: {  	v46 =	vld [tilespmem:s26+$0x40];
	_ =	sdelay $0x2  }
0x1d6: {  	v1 =	vadd.f32 v1, v0;
	_ =	sdelay $0x1  }
0x1d7: {  	v1 =	vadd.f32 v1, v46;
	_ =	sdelay $0x1  }
0x1d8: {  	[tilespmem:s26+$0x40] =	vst v1  }
0x1d9: {  	v1 =	vld [tilespmem:$0x1E540];
	_ =	sdelay $0x1  }
0x1da: {  	v47 =	vld [tilespmem:s30+$0x40];
	_ =	sdelay $0x2  }
0x1db: {  	v1 =	vadd.f32 v1, v0;
	_ =	sdelay $0x1  }
0x1dc: {  	v1 =	vadd.f32 v1, v47;
	_ =	sdelay $0x1  }
0x1dd: {  	[tilespmem:s30+$0x40] =	vst v1  }
0x1de: {  	v1 =	vld [tilespmem:$0x1E5C0];
	_ =	sdelay $0x1  }
0x1df: {  	v48 =	vld [tilespmem:s28+$0x40];
	_ =	sdelay $0x2  }
0x1e0: {  	v0 =	vadd.f32 v1, v0;
	_ =	sdelay $0x1  }
0x1e1: {  	v0 =	vadd.f32 v0, v48;
	_ =	sdelay $0x1  }
0x1e2: {  	[tilespmem:s28+$0x40] =	vst v0  }
0x1e3: {  	v0 =	vld [tilespmem:s31+$0x50]  }
0x1e4: {  	v49 =	vld [tilespmem:$0x1E450];
	_ =	sdelay $0x1  }
0x1e5: {  	v50 =	vld [tilespmem:s25+$0x50];
	_ =	sdelay $0x2  }
0x1e6: {  	v1 =	vadd.f32 v49, v0;
	_ =	sdelay $0x1  }
0x1e7: {  	v1 =	vadd.f32 v1, v50;
	_ =	sdelay $0x1  }
0x1e8: {  	[tilespmem:s25+$0x50] =	vst v1  }
0x1e9: {  	v1 =	vld [tilespmem:$0x1E4D0];
	_ =	sdelay $0x1  }
0x1ea: {  	v51 =	vld [tilespmem:s26+$0x50];
	_ =	sdelay $0x2  }
0x1eb: {  	v1 =	vadd.f32 v1, v0;
	_ =	sdelay $0x1  }
0x1ec: {  	v1 =	vadd.f32 v1, v51;
	_ =	sdelay $0x1  }
0x1ed: {  	[tilespmem:s26+$0x50] =	vst v1  }
0x1ee: {  	v1 =	vld [tilespmem:$0x1E550];
	_ =	sdelay $0x1  }
0x1ef: {  	v52 =	vld [tilespmem:s30+$0x50];
	_ =	sdelay $0x2  }
0x1f0: {  	v1 =	vadd.f32 v1, v0;
	_ =	sdelay $0x1  }
0x1f1: {  	v1 =	vadd.f32 v1, v52;
	_ =	sdelay $0x1  }
0x1f2: {  	[tilespmem:s30+$0x50] =	vst v1  }
0x1f3: {  	v1 =	vld [tilespmem:$0x1E5D0];
	_ =	sdelay $0x1  }
0x1f4: {  	v53 =	vld [tilespmem:s28+$0x50];
	_ =	sdelay $0x2  }
0x1f5: {  	v0 =	vadd.f32 v1, v0;
	_ =	sdelay $0x1  }
0x1f6: {  	v0 =	vadd.f32 v0, v53;
	_ =	sdelay $0x1  }
0x1f7: {  	[tilespmem:s28+$0x50] =	vst v0  }
0x1f8: {  	v0 =	vld [tilespmem:s31+$0x60]  }
0x1f9: {  	v54 =	vld [tilespmem:$0x1E460];
	_ =	sdelay $0x1  }
0x1fa: {  	v55 =	vld [tilespmem:s25+$0x60];
	_ =	sdelay $0x2  }
0x1fb: {  	v1 =	vadd.f32 v54, v0;
	_ =	sdelay $0x1  }
0x1fc: {  	v1 =	vadd.f32 v1, v55;
	_ =	sdelay $0x1  }
0x1fd: {  	[tilespmem:s25+$0x60] =	vst v1  }
0x1fe: {  	v1 =	vld [tilespmem:$0x1E4E0];
	_ =	sdelay $0x1  }
0x1ff: {  	v56 =	vld [tilespmem:s26+$0x60];
	_ =	sdelay $0x2  }
0x200: {  	v1 =	vadd.f32 v1, v0;
	_ =	sdelay $0x1  }
0x201: {  	v1 =	vadd.f32 v1, v56;
	_ =	sdelay $0x1  }
0x202: {  	[tilespmem:s26+$0x60] =	vst v1  }
0x203: {  	v1 =	vld [tilespmem:$0x1E560];
	_ =	sdelay $0x1  }
0x204: {  	v57 =	vld [tilespmem:s30+$0x60];
	_ =	sdelay $0x2  }
0x205: {  	v1 =	vadd.f32 v1, v0;
	_ =	sdelay $0x1  }
0x206: {  	v1 =	vadd.f32 v1, v57;
	_ =	sdelay $0x1  }
0x207: {  	[tilespmem:s30+$0x60] =	vst v1  }
0x208: {  	v1 =	vld [tilespmem:$0x1E5E0];
	_ =	sdelay $0x1  }
0x209: {  	v58 =	vld [tilespmem:s28+$0x60];
	_ =	sdelay $0x2  }
0x20a: {  	v0 =	vadd.f32 v1, v0;
	_ =	sdelay $0x1  }
0x20b: {  	v0 =	vadd.f32 v0, v58;
	_ =	sdelay $0x1  }
0x20c: {  	[tilespmem:s28+$0x60] =	vst v0  }
0x20d: {  	v0 =	vld [tilespmem:s31+$0x70]  }
0x20e: {  	v59 =	vld [tilespmem:$0x1E470];
	_ =	sdelay $0x1  }
0x20f: {  	v60 =	vld [tilespmem:s25+$0x70];
	_ =	sdelay $0x2  }
0x210: {  	v1 =	vadd.f32 v59, v0;
	_ =	sdelay $0x1  }
0x211: {  	v1 =	vadd.f32 v1, v60;
	_ =	sdelay $0x1  }
0x212: {  	[tilespmem:s25+$0x70] =	vst v1  }
0x213: {  	v1 =	vld [tilespmem:$0x1E4F0];
	_ =	sdelay $0x1  }
0x214: {  	v61 =	vld [tilespmem:s26+$0x70];
	_ =	sdelay $0x2  }
0x215: {  	v1 =	vadd.f32 v1, v0;
	_ =	sdelay $0x1  }
0x216: {  	v1 =	vadd.f32 v1, v61;
	_ =	sdelay $0x1  }
0x217: {  	[tilespmem:s26+$0x70] =	vst v1  }
0x218: {  	v1 =	vld [tilespmem:$0x1E570];
	_ =	sdelay $0x1  }
0x219: {  	v62 =	vld [tilespmem:s30+$0x70];
	_ =	sdelay $0x2  }
0x21a: {  	v1 =	vadd.f32 v1, v0;
	_ =	sdelay $0x1  }
0x21b: {  	v1 =	vadd.f32 v1, v62;
	_ =	sdelay $0x1  }
0x21c: {  	[tilespmem:s30+$0x70] =	vst v1  }
0x21d: {  	v1 =	vld [tilespmem:$0x1E5F0];
	_ =	sdelay $0x1  }
0x21e: {  	v63 =	vld [tilespmem:s28+$0x70];
	_ =	sdelay $0x2  }
0x21f: {  	v0 =	vadd.f32 v1, v0;
	_ =	sdelay $0x1  }
0x220: {  	v0 =	vadd.f32 v0, v63;
	_ =	sdelay $0x1  }
0x221: {  	[tilespmem:s28+$0x70] =	vst v0  }
0x222: {  	v0 =	vld [tilespmem:s18+$0x18C00]  }
0x223: {  	s24 =	sadd.s32 $0xC00, s21;
	v4 =	vld [tilespmem:$0x1E600]  }
0x224: {  	s25 =	sor.u32 s19, s24  }
0x225: {  	v5 =	vld [tilespmem:s25+$0x0];
	_ =	sdelay $0x2  }
0x226: {  	v1 =	vadd.f32 v4, v0;
	_ =	sdelay $0x1  }
0x227: {  	v1 =	vadd.f32 v1, v5;
	_ =	sdelay $0x1  }
0x228: {  	[tilespmem:s25+$0x0] =	vst v1  }
0x229: {  	v1 =	vld [tilespmem:$0x1E680]  }
0x22a: {  	s26 =	sor.u32 s20, s24  }
0x22b: {  	v6 =	vld [tilespmem:s26+$0x0];
	_ =	sdelay $0x2  }
0x22c: {  	v1 =	vadd.f32 v1, v0;
	_ =	sdelay $0x1  }
0x22d: {  	v1 =	vadd.f32 v1, v6;
	_ =	sdelay $0x1  }
0x22e: {  	[tilespmem:s26+$0x0] =	vst v1  }
0x22f: {  	v1 =	vld [tilespmem:$0x1E700]  }
0x230: {  	s30 =	sor.u32 s22, s24  }
0x231: {  	v7 =	vld [tilespmem:s30+$0x0];
	_ =	sdelay $0x2  }
0x232: {  	v1 =	vadd.f32 v1, v0;
	_ =	sdelay $0x1  }
0x233: {  	v1 =	vadd.f32 v1, v7;
	_ =	sdelay $0x1  }
0x234: {  	[tilespmem:s30+$0x0] =	vst v1  }
0x235: {  	v1 =	vld [tilespmem:$0x1E780]  }
0x236: {  	s28 =	sor.u32 s23, s24  }
0x237: {  	v8 =	vld [tilespmem:s28+$0x0];
	_ =	sdelay $0x2  }
0x238: {  	v0 =	vadd.f32 v1, v0;
	_ =	sdelay $0x1  }
0x239: {  	v0 =	vadd.f32 v0, v8;
	_ =	sdelay $0x1  }
0x23a: {  	s31 =	sadd.s32 $0x18C00, s18;
	[tilespmem:s28+$0x0] =	vst v0  }
0x23b: {  	v0 =	vld [tilespmem:s31+$0x10]  }
0x23c: {  	v9 =	vld [tilespmem:$0x1E610];
	_ =	sdelay $0x1  }
0x23d: {  	v10 =	vld [tilespmem:s25+$0x10];
	_ =	sdelay $0x2  }
0x23e: {  	v1 =	vadd.f32 v9, v0;
	_ =	sdelay $0x1  }
0x23f: {  	v1 =	vadd.f32 v1, v10;
	_ =	sdelay $0x1  }
0x240: {  	[tilespmem:s25+$0x10] =	vst v1  }
0x241: {  	v1 =	vld [tilespmem:$0x1E690];
	_ =	sdelay $0x1  }
0x242: {  	v11 =	vld [tilespmem:s26+$0x10];
	_ =	sdelay $0x2  }
0x243: {  	v1 =	vadd.f32 v1, v0;
	_ =	sdelay $0x1  }
0x244: {  	v1 =	vadd.f32 v1, v11;
	_ =	sdelay $0x1  }
0x245: {  	[tilespmem:s26+$0x10] =	vst v1  }
0x246: {  	v1 =	vld [tilespmem:$0x1E710];
	_ =	sdelay $0x1  }
0x247: {  	v12 =	vld [tilespmem:s30+$0x10];
	_ =	sdelay $0x2  }
0x248: {  	v1 =	vadd.f32 v1, v0;
	_ =	sdelay $0x1  }
0x249: {  	v1 =	vadd.f32 v1, v12;
	_ =	sdelay $0x1  }
0x24a: {  	[tilespmem:s30+$0x10] =	vst v1  }
0x24b: {  	v1 =	vld [tilespmem:$0x1E790];
	_ =	sdelay $0x1  }
0x24c: {  	v13 =	vld [tilespmem:s28+$0x10];
	_ =	sdelay $0x2  }
0x24d: {  	v0 =	vadd.f32 v1, v0;
	_ =	sdelay $0x1  }
0x24e: {  	v0 =	vadd.f32 v0, v13;
	_ =	sdelay $0x1  }
0x24f: {  	[tilespmem:s28+$0x10] =	vst v0  }
0x250: {  	v0 =	vld [tilespmem:s31+$0x20]  }
0x251: {  	v14 =	vld [tilespmem:$0x1E620];
	_ =	sdelay $0x1  }
0x252: {  	v15 =	vld [tilespmem:s25+$0x20];
	_ =	sdelay $0x2  }
0x253: {  	v1 =	vadd.f32 v14, v0;
	_ =	sdelay $0x1  }
0x254: {  	v1 =	vadd.f32 v1, v15;
	_ =	sdelay $0x1  }
0x255: {  	[tilespmem:s25+$0x20] =	vst v1  }
0x256: {  	v1 =	vld [tilespmem:$0x1E6A0];
	_ =	sdelay $0x1  }
0x257: {  	v16 =	vld [tilespmem:s26+$0x20];
	_ =	sdelay $0x2  }
0x258: {  	v1 =	vadd.f32 v1, v0;
	_ =	sdelay $0x1  }
0x259: {  	v1 =	vadd.f32 v1, v16;
	_ =	sdelay $0x1  }
0x25a: {  	[tilespmem:s26+$0x20] =	vst v1  }
0x25b: {  	v1 =	vld [tilespmem:$0x1E720];
	_ =	sdelay $0x1  }
0x25c: {  	v17 =	vld [tilespmem:s30+$0x20];
	_ =	sdelay $0x2  }
0x25d: {  	v1 =	vadd.f32 v1, v0;
	_ =	sdelay $0x1  }
0x25e: {  	v1 =	vadd.f32 v1, v17;
	_ =	sdelay $0x1  }
0x25f: {  	[tilespmem:s30+$0x20] =	vst v1  }
0x260: {  	v1 =	vld [tilespmem:$0x1E7A0];
	_ =	sdelay $0x1  }
0x261: {  	v18 =	vld [tilespmem:s28+$0x20];
	_ =	sdelay $0x2  }
0x262: {  	v0 =	vadd.f32 v1, v0;
	_ =	sdelay $0x1  }
0x263: {  	v0 =	vadd.f32 v0, v18;
	_ =	sdelay $0x1  }
0x264: {  	[tilespmem:s28+$0x20] =	vst v0  }
0x265: {  	v0 =	vld [tilespmem:s31+$0x30]  }
0x266: {  	v19 =	vld [tilespmem:$0x1E630];
	_ =	sdelay $0x1  }
0x267: {  	v20 =	vld [tilespmem:s25+$0x30];
	_ =	sdelay $0x2  }
0x268: {  	v1 =	vadd.f32 v19, v0;
	_ =	sdelay $0x1  }
0x269: {  	v1 =	vadd.f32 v1, v20;
	_ =	sdelay $0x1  }
0x26a: {  	[tilespmem:s25+$0x30] =	vst v1  }
0x26b: {  	v1 =	vld [tilespmem:$0x1E6B0];
	_ =	sdelay $0x1  }
0x26c: {  	v21 =	vld [tilespmem:s26+$0x30];
	_ =	sdelay $0x2  }
0x26d: {  	v1 =	vadd.f32 v1, v0;
	_ =	sdelay $0x1  }
0x26e: {  	v1 =	vadd.f32 v1, v21;
	_ =	sdelay $0x1  }
0x26f: {  	[tilespmem:s26+$0x30] =	vst v1  }
0x270: {  	v1 =	vld [tilespmem:$0x1E730];
	_ =	sdelay $0x1  }
0x271: {  	v22 =	vld [tilespmem:s30+$0x30];
	_ =	sdelay $0x2  }
0x272: {  	v1 =	vadd.f32 v1, v0;
	_ =	sdelay $0x1  }
0x273: {  	v1 =	vadd.f32 v1, v22;
	_ =	sdelay $0x1  }
0x274: {  	[tilespmem:s30+$0x30] =	vst v1  }
0x275: {  	v1 =	vld [tilespmem:$0x1E7B0];
	_ =	sdelay $0x1  }
0x276: {  	v23 =	vld [tilespmem:s28+$0x30];
	_ =	sdelay $0x2  }
0x277: {  	v0 =	vadd.f32 v1, v0;
	_ =	sdelay $0x1  }
0x278: {  	v0 =	vadd.f32 v0, v23;
	_ =	sdelay $0x1  }
0x279: {  	[tilespmem:s28+$0x30] =	vst v0  }
0x27a: {  	v0 =	vld [tilespmem:s31+$0x40]  }
0x27b: {  	v24 =	vld [tilespmem:$0x1E640];
	_ =	sdelay $0x1  }
0x27c: {  	v25 =	vld [tilespmem:s25+$0x40];
	_ =	sdelay $0x2  }
0x27d: {  	v1 =	vadd.f32 v24, v0;
	_ =	sdelay $0x1  }
0x27e: {  	v1 =	vadd.f32 v1, v25;
	_ =	sdelay $0x1  }
0x27f: {  	[tilespmem:s25+$0x40] =	vst v1  }
0x280: {  	v1 =	vld [tilespmem:$0x1E6C0];
	_ =	sdelay $0x1  }
0x281: {  	v26 =	vld [tilespmem:s26+$0x40];
	_ =	sdelay $0x2  }
0x282: {  	v1 =	vadd.f32 v1, v0;
	_ =	sdelay $0x1  }
0x283: {  	v1 =	vadd.f32 v1, v26;
	_ =	sdelay $0x1  }
0x284: {  	[tilespmem:s26+$0x40] =	vst v1  }
0x285: {  	v1 =	vld [tilespmem:$0x1E740];
	_ =	sdelay $0x1  }
0x286: {  	v27 =	vld [tilespmem:s30+$0x40];
	_ =	sdelay $0x2  }
0x287: {  	v1 =	vadd.f32 v1, v0;
	_ =	sdelay $0x1  }
0x288: {  	v1 =	vadd.f32 v1, v27;
	_ =	sdelay $0x1  }
0x289: {  	[tilespmem:s30+$0x40] =	vst v1  }
0x28a: {  	v1 =	vld [tilespmem:$0x1E7C0];
	_ =	sdelay $0x1  }
0x28b: {  	v28 =	vld [tilespmem:s28+$0x40];
	_ =	sdelay $0x2  }
0x28c: {  	v0 =	vadd.f32 v1, v0;
	_ =	sdelay $0x1  }
0x28d: {  	v0 =	vadd.f32 v0, v28;
	_ =	sdelay $0x1  }
0x28e: {  	[tilespmem:s28+$0x40] =	vst v0  }
0x28f: {  	v0 =	vld [tilespmem:s31+$0x50]  }
0x290: {  	v29 =	vld [tilespmem:$0x1E650];
	_ =	sdelay $0x1  }
0x291: {  	v30 =	vld [tilespmem:s25+$0x50];
	_ =	sdelay $0x2  }
0x292: {  	v1 =	vadd.f32 v29, v0;
	_ =	sdelay $0x1  }
0x293: {  	v1 =	vadd.f32 v1, v30;
	_ =	sdelay $0x1  }
0x294: {  	[tilespmem:s25+$0x50] =	vst v1  }
0x295: {  	v1 =	vld [tilespmem:$0x1E6D0];
	_ =	sdelay $0x1  }
0x296: {  	v31 =	vld [tilespmem:s26+$0x50];
	_ =	sdelay $0x2  }
0x297: {  	v1 =	vadd.f32 v1, v0;
	_ =	sdelay $0x1  }
0x298: {  	v1 =	vadd.f32 v1, v31;
	_ =	sdelay $0x1  }
0x299: {  	[tilespmem:s26+$0x50] =	vst v1  }
0x29a: {  	v1 =	vld [tilespmem:$0x1E750];
	_ =	sdelay $0x1  }
0x29b: {  	v32 =	vld [tilespmem:s30+$0x50];
	_ =	sdelay $0x2  }
0x29c: {  	v1 =	vadd.f32 v1, v0;
	_ =	sdelay $0x1  }
0x29d: {  	v1 =	vadd.f32 v1, v32;
	_ =	sdelay $0x1  }
0x29e: {  	[tilespmem:s30+$0x50] =	vst v1  }
0x29f: {  	v1 =	vld [tilespmem:$0x1E7D0];
	_ =	sdelay $0x1  }
0x2a0: {  	v33 =	vld [tilespmem:s28+$0x50];
	_ =	sdelay $0x2  }
0x2a1: {  	v0 =	vadd.f32 v1, v0;
	_ =	sdelay $0x1  }
0x2a2: {  	v0 =	vadd.f32 v0, v33;
	_ =	sdelay $0x1  }
0x2a3: {  	[tilespmem:s28+$0x50] =	vst v0  }
0x2a4: {  	v0 =	vld [tilespmem:s31+$0x60]  }
0x2a5: {  	v34 =	vld [tilespmem:$0x1E660];
	_ =	sdelay $0x1  }
0x2a6: {  	v35 =	vld [tilespmem:s25+$0x60];
	_ =	sdelay $0x2  }
0x2a7: {  	v1 =	vadd.f32 v34, v0;
	_ =	sdelay $0x1  }
0x2a8: {  	v1 =	vadd.f32 v1, v35;
	_ =	sdelay $0x1  }
0x2a9: {  	[tilespmem:s25+$0x60] =	vst v1  }
0x2aa: {  	v1 =	vld [tilespmem:$0x1E6E0];
	_ =	sdelay $0x1  }
0x2ab: {  	v36 =	vld [tilespmem:s26+$0x60];
	_ =	sdelay $0x2  }
0x2ac: {  	v1 =	vadd.f32 v1, v0;
	_ =	sdelay $0x1  }
0x2ad: {  	v1 =	vadd.f32 v1, v36;
	_ =	sdelay $0x1  }
0x2ae: {  	[tilespmem:s26+$0x60] =	vst v1  }
0x2af: {  	v1 =	vld [tilespmem:$0x1E760];
	_ =	sdelay $0x1  }
0x2b0: {  	v37 =	vld [tilespmem:s30+$0x60];
	_ =	sdelay $0x2  }
0x2b1: {  	v1 =	vadd.f32 v1, v0;
	_ =	sdelay $0x1  }
0x2b2: {  	v1 =	vadd.f32 v1, v37;
	_ =	sdelay $0x1  }
0x2b3: {  	[tilespmem:s30+$0x60] =	vst v1  }
0x2b4: {  	v1 =	vld [tilespmem:$0x1E7E0];
	_ =	sdelay $0x1  }
0x2b5: {  	v38 =	vld [tilespmem:s28+$0x60];
	_ =	sdelay $0x2  }
0x2b6: {  	v0 =	vadd.f32 v1, v0;
	_ =	sdelay $0x1  }
0x2b7: {  	v0 =	vadd.f32 v0, v38;
	_ =	sdelay $0x1  }
0x2b8: {  	[tilespmem:s28+$0x60] =	vst v0  }
0x2b9: {  	v0 =	vld [tilespmem:s31+$0x70]  }
0x2ba: {  	v39 =	vld [tilespmem:$0x1E670];
	_ =	sdelay $0x1  }
0x2bb: {  	v40 =	vld [tilespmem:s25+$0x70];
	_ =	sdelay $0x2  }
0x2bc: {  	v1 =	vadd.f32 v39, v0;
	_ =	sdelay $0x1  }
0x2bd: {  	v1 =	vadd.f32 v1, v40;
	_ =	sdelay $0x1  }
0x2be: {  	[tilespmem:s25+$0x70] =	vst v1  }
0x2bf: {  	v1 =	vld [tilespmem:$0x1E6F0];
	_ =	sdelay $0x1  }
0x2c0: {  	v41 =	vld [tilespmem:s26+$0x70];
	_ =	sdelay $0x2  }
0x2c1: {  	v1 =	vadd.f32 v1, v0;
	_ =	sdelay $0x1  }
0x2c2: {  	v1 =	vadd.f32 v1, v41;
	_ =	sdelay $0x1  }
0x2c3: {  	[tilespmem:s26+$0x70] =	vst v1  }
0x2c4: {  	v1 =	vld [tilespmem:$0x1E770];
	_ =	sdelay $0x1  }
0x2c5: {  	v42 =	vld [tilespmem:s30+$0x70];
	_ =	sdelay $0x2  }
0x2c6: {  	v1 =	vadd.f32 v1, v0;
	_ =	sdelay $0x1  }
0x2c7: {  	v1 =	vadd.f32 v1, v42;
	_ =	sdelay $0x1  }
0x2c8: {  	[tilespmem:s30+$0x70] =	vst v1  }
0x2c9: {  	v1 =	vld [tilespmem:$0x1E7F0];
	_ =	sdelay $0x1  }
0x2ca: {  	v43 =	vld [tilespmem:s28+$0x70];
	_ =	sdelay $0x2  }
0x2cb: {  	v0 =	vadd.f32 v1, v0;
	_ =	sdelay $0x1  }
0x2cc: {  	v0 =	vadd.f32 v0, v43;
	_ =	sdelay $0x1  }
0x2cd: {  	[tilespmem:s28+$0x70] =	vst v0  }
0x2ce: {  	v0 =	vld [tilespmem:s18+$0x19000]  }
0x2cf: {  	s24 =	sadd.s32 $0x1000, s21;
	v44 =	vld [tilespmem:$0x1E800]  }
0x2d0: {  	s25 =	sor.u32 s19, s24  }
0x2d1: {  	v45 =	vld [tilespmem:s25+$0x0];
	_ =	sdelay $0x2  }
0x2d2: {  	v1 =	vadd.f32 v44, v0;
	_ =	sdelay $0x1  }
0x2d3: {  	v1 =	vadd.f32 v1, v45;
	_ =	sdelay $0x1  }
0x2d4: {  	[tilespmem:s25+$0x0] =	vst v1  }
0x2d5: {  	v1 =	vld [tilespmem:$0x1E880]  }
0x2d6: {  	s26 =	sor.u32 s20, s24  }
0x2d7: {  	v46 =	vld [tilespmem:s26+$0x0];
	_ =	sdelay $0x2  }
0x2d8: {  	v1 =	vadd.f32 v1, v0;
	_ =	sdelay $0x1  }
0x2d9: {  	v1 =	vadd.f32 v1, v46;
	_ =	sdelay $0x1  }
0x2da: {  	[tilespmem:s26+$0x0] =	vst v1  }
0x2db: {  	v1 =	vld [tilespmem:$0x1E900]  }
0x2dc: {  	s30 =	sor.u32 s22, s24  }
0x2dd: {  	v47 =	vld [tilespmem:s30+$0x0];
	_ =	sdelay $0x2  }
0x2de: {  	v1 =	vadd.f32 v1, v0;
	_ =	sdelay $0x1  }
0x2df: {  	v1 =	vadd.f32 v1, v47;
	_ =	sdelay $0x1  }
0x2e0: {  	[tilespmem:s30+$0x0] =	vst v1  }
0x2e1: {  	v1 =	vld [tilespmem:$0x1E980]  }
0x2e2: {  	s28 =	sor.u32 s23, s24  }
0x2e3: {  	v48 =	vld [tilespmem:s28+$0x0];
	_ =	sdelay $0x2  }
0x2e4: {  	v0 =	vadd.f32 v1, v0;
	_ =	sdelay $0x1  }
0x2e5: {  	v0 =	vadd.f32 v0, v48;
	_ =	sdelay $0x1  }
0x2e6: {  	s31 =	sadd.s32 $0x19000, s18;
	[tilespmem:s28+$0x0] =	vst v0  }
0x2e7: {  	v0 =	vld [tilespmem:s31+$0x10]  }
0x2e8: {  	v49 =	vld [tilespmem:$0x1E810];
	_ =	sdelay $0x1  }
0x2e9: {  	v50 =	vld [tilespmem:s25+$0x10];
	_ =	sdelay $0x2  }
0x2ea: {  	v1 =	vadd.f32 v49, v0;
	_ =	sdelay $0x1  }
0x2eb: {  	v1 =	vadd.f32 v1, v50;
	_ =	sdelay $0x1  }
0x2ec: {  	[tilespmem:s25+$0x10] =	vst v1  }
0x2ed: {  	v1 =	vld [tilespmem:$0x1E890];
	_ =	sdelay $0x1  }
0x2ee: {  	v51 =	vld [tilespmem:s26+$0x10];
	_ =	sdelay $0x2  }
0x2ef: {  	v1 =	vadd.f32 v1, v0;
	_ =	sdelay $0x1  }
0x2f0: {  	v1 =	vadd.f32 v1, v51;
	_ =	sdelay $0x1  }
0x2f1: {  	[tilespmem:s26+$0x10] =	vst v1  }
0x2f2: {  	v1 =	vld [tilespmem:$0x1E910];
	_ =	sdelay $0x1  }
0x2f3: {  	v52 =	vld [tilespmem:s30+$0x10];
	_ =	sdelay $0x2  }
0x2f4: {  	v1 =	vadd.f32 v1, v0;
	_ =	sdelay $0x1  }
0x2f5: {  	v1 =	vadd.f32 v1, v52;
	_ =	sdelay $0x1  }
0x2f6: {  	[tilespmem:s30+$0x10] =	vst v1  }
0x2f7: {  	v1 =	vld [tilespmem:$0x1E990];
	_ =	sdelay $0x1  }
0x2f8: {  	v53 =	vld [tilespmem:s28+$0x10];
	_ =	sdelay $0x2  }
0x2f9: {  	v0 =	vadd.f32 v1, v0;
	_ =	sdelay $0x1  }
0x2fa: {  	v0 =	vadd.f32 v0, v53;
	_ =	sdelay $0x1  }
0x2fb: {  	[tilespmem:s28+$0x10] =	vst v0  }
0x2fc: {  	v0 =	vld [tilespmem:s31+$0x20]  }
0x2fd: {  	v54 =	vld [tilespmem:$0x1E820];
	_ =	sdelay $0x1  }
0x2fe: {  	v55 =	vld [tilespmem:s25+$0x20];
	_ =	sdelay $0x2  }
0x2ff: {  	v1 =	vadd.f32 v54, v0;
	_ =	sdelay $0x1  }
0x300: {  	v1 =	vadd.f32 v1, v55;
	_ =	sdelay $0x1  }
0x301: {  	[tilespmem:s25+$0x20] =	vst v1  }
0x302: {  	v1 =	vld [tilespmem:$0x1E8A0];
	_ =	sdelay $0x1  }
0x303: {  	v56 =	vld [tilespmem:s26+$0x20];
	_ =	sdelay $0x2  }
0x304: {  	v1 =	vadd.f32 v1, v0;
	_ =	sdelay $0x1  }
0x305: {  	v1 =	vadd.f32 v1, v56;
	_ =	sdelay $0x1  }
0x306: {  	[tilespmem:s26+$0x20] =	vst v1  }
0x307: {  	v1 =	vld [tilespmem:$0x1E920];
	_ =	sdelay $0x1  }
0x308: {  	v57 =	vld [tilespmem:s30+$0x20];
	_ =	sdelay $0x2  }
0x309: {  	v1 =	vadd.f32 v1, v0;
	_ =	sdelay $0x1  }
0x30a: {  	v1 =	vadd.f32 v1, v57;
	_ =	sdelay $0x1  }
0x30b: {  	[tilespmem:s30+$0x20] =	vst v1  }
0x30c: {  	v1 =	vld [tilespmem:$0x1E9A0];
	_ =	sdelay $0x1  }
0x30d: {  	v58 =	vld [tilespmem:s28+$0x20];
	_ =	sdelay $0x2  }
0x30e: {  	v0 =	vadd.f32 v1, v0;
	_ =	sdelay $0x1  }
0x30f: {  	v0 =	vadd.f32 v0, v58;
	_ =	sdelay $0x1  }
0x310: {  	[tilespmem:s28+$0x20] =	vst v0  }
0x311: {  	v0 =	vld [tilespmem:s31+$0x30]  }
0x312: {  	v59 =	vld [tilespmem:$0x1E830];
	_ =	sdelay $0x1  }
0x313: {  	v60 =	vld [tilespmem:s25+$0x30];
	_ =	sdelay $0x2  }
0x314: {  	v1 =	vadd.f32 v59, v0;
	_ =	sdelay $0x1  }
0x315: {  	v1 =	vadd.f32 v1, v60;
	_ =	sdelay $0x1  }
0x316: {  	[tilespmem:s25+$0x30] =	vst v1  }
0x317: {  	v1 =	vld [tilespmem:$0x1E8B0];
	_ =	sdelay $0x1  }
0x318: {  	v61 =	vld [tilespmem:s26+$0x30];
	_ =	sdelay $0x2  }
0x319: {  	v1 =	vadd.f32 v1, v0;
	_ =	sdelay $0x1  }
0x31a: {  	v1 =	vadd.f32 v1, v61;
	_ =	sdelay $0x1  }
0x31b: {  	[tilespmem:s26+$0x30] =	vst v1  }
0x31c: {  	v1 =	vld [tilespmem:$0x1E930];
	_ =	sdelay $0x1  }
0x31d: {  	v62 =	vld [tilespmem:s30+$0x30];
	_ =	sdelay $0x2  }
0x31e: {  	v1 =	vadd.f32 v1, v0;
	_ =	sdelay $0x1  }
0x31f: {  	v1 =	vadd.f32 v1, v62;
	_ =	sdelay $0x1  }
0x320: {  	[tilespmem:s30+$0x30] =	vst v1  }
0x321: {  	v1 =	vld [tilespmem:$0x1E9B0];
	_ =	sdelay $0x1  }
0x322: {  	v63 =	vld [tilespmem:s28+$0x30];
	_ =	sdelay $0x2  }
0x323: {  	v0 =	vadd.f32 v1, v0;
	_ =	sdelay $0x1  }
0x324: {  	v0 =	vadd.f32 v0, v63;
	_ =	sdelay $0x1  }
0x325: {  	[tilespmem:s28+$0x30] =	vst v0  }
0x326: {  	v0 =	vld [tilespmem:s31+$0x40]  }
0x327: {  	v4 =	vld [tilespmem:$0x1E840];
	_ =	sdelay $0x1  }
0x328: {  	v5 =	vld [tilespmem:s25+$0x40];
	_ =	sdelay $0x2  }
0x329: {  	v1 =	vadd.f32 v4, v0;
	_ =	sdelay $0x1  }
0x32a: {  	v1 =	vadd.f32 v1, v5;
	_ =	sdelay $0x1  }
0x32b: {  	[tilespmem:s25+$0x40] =	vst v1  }
0x32c: {  	v1 =	vld [tilespmem:$0x1E8C0];
	_ =	sdelay $0x1  }
0x32d: {  	v6 =	vld [tilespmem:s26+$0x40];
	_ =	sdelay $0x2  }
0x32e: {  	v1 =	vadd.f32 v1, v0;
	_ =	sdelay $0x1  }
0x32f: {  	v1 =	vadd.f32 v1, v6;
	_ =	sdelay $0x1  }
0x330: {  	[tilespmem:s26+$0x40] =	vst v1  }
0x331: {  	v1 =	vld [tilespmem:$0x1E940];
	_ =	sdelay $0x1  }
0x332: {  	v7 =	vld [tilespmem:s30+$0x40];
	_ =	sdelay $0x2  }
0x333: {  	v1 =	vadd.f32 v1, v0;
	_ =	sdelay $0x1  }
0x334: {  	v1 =	vadd.f32 v1, v7;
	_ =	sdelay $0x1  }
0x335: {  	[tilespmem:s30+$0x40] =	vst v1  }
0x336: {  	v1 =	vld [tilespmem:$0x1E9C0];
	_ =	sdelay $0x1  }
0x337: {  	v8 =	vld [tilespmem:s28+$0x40];
	_ =	sdelay $0x2  }
0x338: {  	v0 =	vadd.f32 v1, v0;
	_ =	sdelay $0x1  }
0x339: {  	v0 =	vadd.f32 v0, v8;
	_ =	sdelay $0x1  }
0x33a: {  	[tilespmem:s28+$0x40] =	vst v0  }
0x33b: {  	v0 =	vld [tilespmem:s31+$0x50]  }
0x33c: {  	v9 =	vld [tilespmem:$0x1E850];
	_ =	sdelay $0x1  }
0x33d: {  	v10 =	vld [tilespmem:s25+$0x50];
	_ =	sdelay $0x2  }
0x33e: {  	v1 =	vadd.f32 v9, v0;
	_ =	sdelay $0x1  }
0x33f: {  	v1 =	vadd.f32 v1, v10;
	_ =	sdelay $0x1  }
0x340: {  	[tilespmem:s25+$0x50] =	vst v1  }
0x341: {  	v1 =	vld [tilespmem:$0x1E8D0];
	_ =	sdelay $0x1  }
0x342: {  	v11 =	vld [tilespmem:s26+$0x50];
	_ =	sdelay $0x2  }
0x343: {  	v1 =	vadd.f32 v1, v0;
	_ =	sdelay $0x1  }
0x344: {  	v1 =	vadd.f32 v1, v11;
	_ =	sdelay $0x1  }
0x345: {  	[tilespmem:s26+$0x50] =	vst v1  }
0x346: {  	v1 =	vld [tilespmem:$0x1E950];
	_ =	sdelay $0x1  }
0x347: {  	v12 =	vld [tilespmem:s30+$0x50];
	_ =	sdelay $0x2  }
0x348: {  	v1 =	vadd.f32 v1, v0;
	_ =	sdelay $0x1  }
0x349: {  	v1 =	vadd.f32 v1, v12;
	_ =	sdelay $0x1  }
0x34a: {  	[tilespmem:s30+$0x50] =	vst v1  }
0x34b: {  	v1 =	vld [tilespmem:$0x1E9D0];
	_ =	sdelay $0x1  }
0x34c: {  	v13 =	vld [tilespmem:s28+$0x50];
	_ =	sdelay $0x2  }
0x34d: {  	v0 =	vadd.f32 v1, v0;
	_ =	sdelay $0x1  }
0x34e: {  	v0 =	vadd.f32 v0, v13;
	_ =	sdelay $0x1  }
0x34f: {  	[tilespmem:s28+$0x50] =	vst v0  }
0x350: {  	v0 =	vld [tilespmem:s31+$0x60]  }
0x351: {  	v14 =	vld [tilespmem:$0x1E860];
	_ =	sdelay $0x1  }
0x352: {  	v15 =	vld [tilespmem:s25+$0x60];
	_ =	sdelay $0x2  }
0x353: {  	v1 =	vadd.f32 v14, v0;
	_ =	sdelay $0x1  }
0x354: {  	v1 =	vadd.f32 v1, v15;
	_ =	sdelay $0x1  }
0x355: {  	[tilespmem:s25+$0x60] =	vst v1  }
0x356: {  	v1 =	vld [tilespmem:$0x1E8E0];
	_ =	sdelay $0x1  }
0x357: {  	v16 =	vld [tilespmem:s26+$0x60];
	_ =	sdelay $0x2  }
0x358: {  	v1 =	vadd.f32 v1, v0;
	_ =	sdelay $0x1  }
0x359: {  	v1 =	vadd.f32 v1, v16;
	_ =	sdelay $0x1  }
0x35a: {  	[tilespmem:s26+$0x60] =	vst v1  }
0x35b: {  	v1 =	vld [tilespmem:$0x1E960];
	_ =	sdelay $0x1  }
0x35c: {  	v17 =	vld [tilespmem:s30+$0x60];
	_ =	sdelay $0x2  }
0x35d: {  	v1 =	vadd.f32 v1, v0;
	_ =	sdelay $0x1  }
0x35e: {  	v1 =	vadd.f32 v1, v17;
	_ =	sdelay $0x1  }
0x35f: {  	[tilespmem:s30+$0x60] =	vst v1  }
0x360: {  	v1 =	vld [tilespmem:$0x1E9E0];
	_ =	sdelay $0x1  }
0x361: {  	v18 =	vld [tilespmem:s28+$0x60];
	_ =	sdelay $0x2  }
0x362: {  	v0 =	vadd.f32 v1, v0;
	_ =	sdelay $0x1  }
0x363: {  	v0 =	vadd.f32 v0, v18;
	_ =	sdelay $0x1  }
0x364: {  	[tilespmem:s28+$0x60] =	vst v0  }
0x365: {  	v0 =	vld [tilespmem:s31+$0x70]  }
0x366: {  	v19 =	vld [tilespmem:$0x1E870];
	_ =	sdelay $0x1  }
0x367: {  	v20 =	vld [tilespmem:s25+$0x70];
	_ =	sdelay $0x2  }
0x368: {  	v1 =	vadd.f32 v19, v0;
	_ =	sdelay $0x1  }
0x369: {  	v1 =	vadd.f32 v1, v20;
	_ =	sdelay $0x1  }
0x36a: {  	[tilespmem:s25+$0x70] =	vst v1  }
0x36b: {  	v1 =	vld [tilespmem:$0x1E8F0];
	_ =	sdelay $0x1  }
0x36c: {  	v21 =	vld [tilespmem:s26+$0x70];
	_ =	sdelay $0x2  }
0x36d: {  	v1 =	vadd.f32 v1, v0;
	_ =	sdelay $0x1  }
0x36e: {  	v1 =	vadd.f32 v1, v21;
	_ =	sdelay $0x1  }
0x36f: {  	[tilespmem:s26+$0x70] =	vst v1  }
0x370: {  	v1 =	vld [tilespmem:$0x1E970];
	_ =	sdelay $0x1  }
0x371: {  	v22 =	vld [tilespmem:s30+$0x70];
	_ =	sdelay $0x2  }
0x372: {  	v1 =	vadd.f32 v1, v0;
	_ =	sdelay $0x1  }
0x373: {  	v1 =	vadd.f32 v1, v22;
	_ =	sdelay $0x1  }
0x374: {  	[tilespmem:s30+$0x70] =	vst v1  }
0x375: {  	v1 =	vld [tilespmem:$0x1E9F0];
	_ =	sdelay $0x1  }
0x376: {  	v23 =	vld [tilespmem:s28+$0x70];
	_ =	sdelay $0x2  }
0x377: {  	v0 =	vadd.f32 v1, v0;
	_ =	sdelay $0x1  }
0x378: {  	v0 =	vadd.f32 v0, v23;
	_ =	sdelay $0x1  }
0x379: {  	[tilespmem:s28+$0x70] =	vst v0  }
0x37a: {  	v0 =	vld [tilespmem:s18+$0x19400]  }
0x37b: {  	s30 =	sadd.s32 $0x1400, s21;
	v24 =	vld [tilespmem:$0x1EA00]  }
0x37c: {  	s19 =	sor.u32 s19, s30  }
0x37d: {  	v25 =	vld [tilespmem:s19+$0x0];
	_ =	sdelay $0x2  }
0x37e: {  	v1 =	vadd.f32 v24, v0;
	_ =	sdelay $0x1  }
0x37f: {  	v1 =	vadd.f32 v1, v25;
	_ =	sdelay $0x1  }
0x380: {  	[tilespmem:s19+$0x0] =	vst v1  }
0x381: {  	v1 =	vld [tilespmem:$0x1EA80]  }
0x382: {  	s20 =	sor.u32 s20, s30  }
0x383: {  	v26 =	vld [tilespmem:s20+$0x0];
	_ =	sdelay $0x2  }
0x384: {  	v1 =	vadd.f32 v1, v0;
	_ =	sdelay $0x1  }
0x385: {  	v1 =	vadd.f32 v1, v26;
	_ =	sdelay $0x1  }
0x386: {  	[tilespmem:s20+$0x0] =	vst v1  }
0x387: {  	v1 =	vld [tilespmem:$0x1EB00]  }
0x388: {  	s21 =	sor.u32 s22, s30  }
0x389: {  	v27 =	vld [tilespmem:s21+$0x0];
	_ =	sdelay $0x2  }
0x38a: {  	v1 =	vadd.f32 v1, v0;
	_ =	sdelay $0x1  }
0x38b: {  	v1 =	vadd.f32 v1, v27;
	_ =	sdelay $0x1  }
0x38c: {  	[tilespmem:s21+$0x0] =	vst v1  }
0x38d: {  	v1 =	vld [tilespmem:$0x1EB80]  }
0x38e: {  	s31 =	sor.u32 s23, s30  }
0x38f: {  	v28 =	vld [tilespmem:s31+$0x0];
	_ =	sdelay $0x2  }
0x390: {  	v0 =	vadd.f32 v1, v0;
	_ =	sdelay $0x1  }
0x391: {  	v0 =	vadd.f32 v0, v28;
	_ =	sdelay $0x1  }
0x392: {  	s18 =	sadd.s32 $0x19400, s18;
	[tilespmem:s31+$0x0] =	vst v0  }
0x393: {  	v0 =	vld [tilespmem:s18+$0x10]  }
0x394: {  	v29 =	vld [tilespmem:$0x1EA10];
	_ =	sdelay $0x1  }
0x395: {  	v30 =	vld [tilespmem:s19+$0x10];
	_ =	sdelay $0x2  }
0x396: {  	v1 =	vadd.f32 v29, v0;
	_ =	sdelay $0x1  }
0x397: {  	v1 =	vadd.f32 v1, v30;
	_ =	sdelay $0x1  }
0x398: {  	[tilespmem:s19+$0x10] =	vst v1  }
0x399: {  	v1 =	vld [tilespmem:$0x1EA90];
	_ =	sdelay $0x1  }
0x39a: {  	v31 =	vld [tilespmem:s20+$0x10];
	_ =	sdelay $0x2  }
0x39b: {  	v1 =	vadd.f32 v1, v0;
	_ =	sdelay $0x1  }
0x39c: {  	v1 =	vadd.f32 v1, v31;
	_ =	sdelay $0x1  }
0x39d: {  	[tilespmem:s20+$0x10] =	vst v1  }
0x39e: {  	v1 =	vld [tilespmem:$0x1EB10];
	_ =	sdelay $0x1  }
0x39f: {  	v32 =	vld [tilespmem:s21+$0x10];
	_ =	sdelay $0x2  }
0x3a0: {  	v1 =	vadd.f32 v1, v0;
	_ =	sdelay $0x1  }
0x3a1: {  	v1 =	vadd.f32 v1, v32;
	_ =	sdelay $0x1  }
0x3a2: {  	[tilespmem:s21+$0x10] =	vst v1  }
0x3a3: {  	v1 =	vld [tilespmem:$0x1EB90];
	_ =	sdelay $0x1  }
0x3a4: {  	v33 =	vld [tilespmem:s31+$0x10];
	_ =	sdelay $0x2  }
0x3a5: {  	v0 =	vadd.f32 v1, v0;
	_ =	sdelay $0x1  }
0x3a6: {  	v0 =	vadd.f32 v0, v33;
	_ =	sdelay $0x1  }
0x3a7: {  	[tilespmem:s31+$0x10] =	vst v0  }
0x3a8: {  	v0 =	vld [tilespmem:s18+$0x20]  }
0x3a9: {  	v34 =	vld [tilespmem:$0x1EA20];
	_ =	sdelay $0x1  }
0x3aa: {  	v35 =	vld [tilespmem:s19+$0x20];
	_ =	sdelay $0x2  }
0x3ab: {  	v1 =	vadd.f32 v34, v0;
	_ =	sdelay $0x1  }
0x3ac: {  	v1 =	vadd.f32 v1, v35;
	_ =	sdelay $0x1  }
0x3ad: {  	[tilespmem:s19+$0x20] =	vst v1  }
0x3ae: {  	v1 =	vld [tilespmem:$0x1EAA0];
	_ =	sdelay $0x1  }
0x3af: {  	v36 =	vld [tilespmem:s20+$0x20];
	_ =	sdelay $0x2  }
0x3b0: {  	v1 =	vadd.f32 v1, v0;
	_ =	sdelay $0x1  }
0x3b1: {  	v1 =	vadd.f32 v1, v36;
	_ =	sdelay $0x1  }
0x3b2: {  	[tilespmem:s20+$0x20] =	vst v1  }
0x3b3: {  	v1 =	vld [tilespmem:$0x1EB20];
	_ =	sdelay $0x1  }
0x3b4: {  	v37 =	vld [tilespmem:s21+$0x20];
	_ =	sdelay $0x2  }
0x3b5: {  	v1 =	vadd.f32 v1, v0;
	_ =	sdelay $0x1  }
0x3b6: {  	v1 =	vadd.f32 v1, v37;
	_ =	sdelay $0x1  }
0x3b7: {  	[tilespmem:s21+$0x20] =	vst v1  }
0x3b8: {  	v1 =	vld [tilespmem:$0x1EBA0];
	_ =	sdelay $0x1  }
0x3b9: {  	v38 =	vld [tilespmem:s31+$0x20];
	_ =	sdelay $0x2  }
0x3ba: {  	v0 =	vadd.f32 v1, v0;
	_ =	sdelay $0x1  }
0x3bb: {  	v0 =	vadd.f32 v0, v38;
	_ =	sdelay $0x1  }
0x3bc: {  	[tilespmem:s31+$0x20] =	vst v0  }
0x3bd: {  	v0 =	vld [tilespmem:s18+$0x30]  }
0x3be: {  	v39 =	vld [tilespmem:$0x1EA30];
	_ =	sdelay $0x1  }
0x3bf: {  	v40 =	vld [tilespmem:s19+$0x30];
	_ =	sdelay $0x2  }
0x3c0: {  	v1 =	vadd.f32 v39, v0;
	_ =	sdelay $0x1  }
0x3c1: {  	v1 =	vadd.f32 v1, v40;
	_ =	sdelay $0x1  }
0x3c2: {  	[tilespmem:s19+$0x30] =	vst v1  }
0x3c3: {  	v1 =	vld [tilespmem:$0x1EAB0];
	_ =	sdelay $0x1  }
0x3c4: {  	v41 =	vld [tilespmem:s20+$0x30];
	_ =	sdelay $0x2  }
0x3c5: {  	v1 =	vadd.f32 v1, v0;
	_ =	sdelay $0x1  }
0x3c6: {  	v1 =	vadd.f32 v1, v41;
	_ =	sdelay $0x1  }
0x3c7: {  	[tilespmem:s20+$0x30] =	vst v1  }
0x3c8: {  	v1 =	vld [tilespmem:$0x1EB30];
	_ =	sdelay $0x1  }
0x3c9: {  	v42 =	vld [tilespmem:s21+$0x30];
	_ =	sdelay $0x2  }
0x3ca: {  	v1 =	vadd.f32 v1, v0;
	_ =	sdelay $0x1  }
0x3cb: {  	v1 =	vadd.f32 v1, v42;
	_ =	sdelay $0x1  }
0x3cc: {  	[tilespmem:s21+$0x30] =	vst v1  }
0x3cd: {  	v1 =	vld [tilespmem:$0x1EBB0];
	_ =	sdelay $0x1  }
0x3ce: {  	v43 =	vld [tilespmem:s31+$0x30];
	_ =	sdelay $0x2  }
0x3cf: {  	v0 =	vadd.f32 v1, v0;
	_ =	sdelay $0x1  }
0x3d0: {  	v0 =	vadd.f32 v0, v43;
	_ =	sdelay $0x1  }
0x3d1: {  	[tilespmem:s31+$0x30] =	vst v0  }
0x3d2: {  	v0 =	vld [tilespmem:s18+$0x40]  }
0x3d3: {  	v44 =	vld [tilespmem:$0x1EA40];
	_ =	sdelay $0x1  }
0x3d4: {  	v45 =	vld [tilespmem:s19+$0x40];
	_ =	sdelay $0x2  }
0x3d5: {  	v1 =	vadd.f32 v44, v0;
	_ =	sdelay $0x1  }
0x3d6: {  	v1 =	vadd.f32 v1, v45;
	_ =	sdelay $0x1  }
0x3d7: {  	[tilespmem:s19+$0x40] =	vst v1  }
0x3d8: {  	v1 =	vld [tilespmem:$0x1EAC0];
	_ =	sdelay $0x1  }
0x3d9: {  	v46 =	vld [tilespmem:s20+$0x40];
	_ =	sdelay $0x2  }
0x3da: {  	v1 =	vadd.f32 v1, v0;
	_ =	sdelay $0x1  }
0x3db: {  	v1 =	vadd.f32 v1, v46;
	_ =	sdelay $0x1  }
0x3dc: {  	[tilespmem:s20+$0x40] =	vst v1  }
0x3dd: {  	v1 =	vld [tilespmem:$0x1EB40];
	_ =	sdelay $0x1  }
0x3de: {  	v47 =	vld [tilespmem:s21+$0x40];
	_ =	sdelay $0x2  }
0x3df: {  	v1 =	vadd.f32 v1, v0;
	_ =	sdelay $0x1  }
0x3e0: {  	v1 =	vadd.f32 v1, v47;
	_ =	sdelay $0x1  }
0x3e1: {  	[tilespmem:s21+$0x40] =	vst v1  }
0x3e2: {  	v1 =	vld [tilespmem:$0x1EBC0];
	_ =	sdelay $0x1  }
0x3e3: {  	v48 =	vld [tilespmem:s31+$0x40];
	_ =	sdelay $0x2  }
0x3e4: {  	v0 =	vadd.f32 v1, v0;
	_ =	sdelay $0x1  }
0x3e5: {  	v0 =	vadd.f32 v0, v48;
	_ =	sdelay $0x1  }
0x3e6: {  	[tilespmem:s31+$0x40] =	vst v0  }
0x3e7: {  	v0 =	vld [tilespmem:s18+$0x50]  }
0x3e8: {  	v49 =	vld [tilespmem:$0x1EA50];
	_ =	sdelay $0x1  }
0x3e9: {  	v50 =	vld [tilespmem:s19+$0x50];
	_ =	sdelay $0x2  }
0x3ea: {  	v1 =	vadd.f32 v49, v0;
	_ =	sdelay $0x1  }
0x3eb: {  	v1 =	vadd.f32 v1, v50;
	_ =	sdelay $0x1  }
0x3ec: {  	[tilespmem:s19+$0x50] =	vst v1  }
0x3ed: {  	v1 =	vld [tilespmem:$0x1EAD0];
	_ =	sdelay $0x1  }
0x3ee: {  	v51 =	vld [tilespmem:s20+$0x50];
	_ =	sdelay $0x2  }
0x3ef: {  	v1 =	vadd.f32 v1, v0;
	_ =	sdelay $0x1  }
0x3f0: {  	v1 =	vadd.f32 v1, v51;
	_ =	sdelay $0x1  }
0x3f1: {  	[tilespmem:s20+$0x50] =	vst v1  }
0x3f2: {  	v1 =	vld [tilespmem:$0x1EB50];
	_ =	sdelay $0x1  }
0x3f3: {  	v52 =	vld [tilespmem:s21+$0x50];
	_ =	sdelay $0x2  }
0x3f4: {  	v1 =	vadd.f32 v1, v0;
	_ =	sdelay $0x1  }
0x3f5: {  	v1 =	vadd.f32 v1, v52;
	_ =	sdelay $0x1  }
0x3f6: {  	[tilespmem:s21+$0x50] =	vst v1  }
0x3f7: {  	v1 =	vld [tilespmem:$0x1EBD0];
	_ =	sdelay $0x1  }
0x3f8: {  	v53 =	vld [tilespmem:s31+$0x50];
	_ =	sdelay $0x2  }
0x3f9: {  	v0 =	vadd.f32 v1, v0;
	_ =	sdelay $0x1  }
0x3fa: {  	v0 =	vadd.f32 v0, v53;
	_ =	sdelay $0x1  }
0x3fb: {  	[tilespmem:s31+$0x50] =	vst v0  }
0x3fc: {  	v0 =	vld [tilespmem:s18+$0x60]  }
0x3fd: {  	v54 =	vld [tilespmem:$0x1EA60];
	_ =	sdelay $0x1  }
0x3fe: {  	v55 =	vld [tilespmem:s19+$0x60];
	_ =	sdelay $0x2  }
0x3ff: {  	v1 =	vadd.f32 v54, v0;
	_ =	sdelay $0x1  }
0x400: {  	v1 =	vadd.f32 v1, v55;
	_ =	sdelay $0x1  }
0x401: {  	[tilespmem:s19+$0x60] =	vst v1  }
0x402: {  	v1 =	vld [tilespmem:$0x1EAE0];
	_ =	sdelay $0x1  }
0x403: {  	v56 =	vld [tilespmem:s20+$0x60];
	_ =	sdelay $0x2  }
0x404: {  	v1 =	vadd.f32 v1, v0;
	_ =	sdelay $0x1  }
0x405: {  	v1 =	vadd.f32 v1, v56;
	_ =	sdelay $0x1  }
0x406: {  	[tilespmem:s20+$0x60] =	vst v1  }
0x407: {  	v1 =	vld [tilespmem:$0x1EB60];
	_ =	sdelay $0x1  }
0x408: {  	v57 =	vld [tilespmem:s21+$0x60];
	_ =	sdelay $0x2  }
0x409: {  	v1 =	vadd.f32 v1, v0;
	_ =	sdelay $0x1  }
0x40a: {  	v1 =	vadd.f32 v1, v57;
	_ =	sdelay $0x1  }
0x40b: {  	[tilespmem:s21+$0x60] =	vst v1  }
0x40c: {  	v1 =	vld [tilespmem:$0x1EBE0];
	_ =	sdelay $0x1  }
0x40d: {  	v58 =	vld [tilespmem:s31+$0x60];
	_ =	sdelay $0x2  }
0x40e: {  	v0 =	vadd.f32 v1, v0;
	_ =	sdelay $0x1  }
0x40f: {  	v0 =	vadd.f32 v0, v58;
	_ =	sdelay $0x1  }
0x410: {  	[tilespmem:s31+$0x60] =	vst v0  }
0x411: {  	v0 =	vld [tilespmem:s18+$0x70]  }
0x412: {  	v59 =	vld [tilespmem:$0x1EA70];
	_ =	sdelay $0x1  }
0x413: {  	v60 =	vld [tilespmem:s19+$0x70];
	_ =	sdelay $0x2  }
0x414: {  	v1 =	vadd.f32 v59, v0;
	_ =	sdelay $0x1  }
0x415: {  	v1 =	vadd.f32 v1, v60;
	_ =	sdelay $0x1  }
0x416: {  	[tilespmem:s19+$0x70] =	vst v1  }
0x417: {  	v1 =	vld [tilespmem:$0x1EAF0];
	_ =	sdelay $0x1  }
0x418: {  	v61 =	vld [tilespmem:s20+$0x70];
	_ =	sdelay $0x2  }
0x419: {  	v1 =	vadd.f32 v1, v0;
	_ =	sdelay $0x1  }
0x41a: {  	v1 =	vadd.f32 v1, v61;
	_ =	sdelay $0x1  }
0x41b: {  	[tilespmem:s20+$0x70] =	vst v1  }
0x41c: {  	v1 =	vld [tilespmem:$0x1EB70];
	_ =	sdelay $0x1  }
0x41d: {  	v62 =	vld [tilespmem:s21+$0x70];
	_ =	sdelay $0x2  }
0x41e: {  	v1 =	vadd.f32 v1, v0;
	_ =	sdelay $0x1  }
0x41f: {  	v1 =	vadd.f32 v1, v62;
	_ =	sdelay $0x1  }
0x420: {  	[tilespmem:s21+$0x70] =	vst v1  }
0x421: {  	v1 =	vld [tilespmem:$0x1EBF0];
	_ =	sdelay $0x1  }
0x422: {  	v63 =	vld [tilespmem:s31+$0x70];
	_ =	sdelay $0x1  }
0x423: {  	p0 =	sne.s32 s17, $0x1F  }
.Ltmp0:
0x424: {  	v0 =	vadd.f32 v1, v0;
	(pc) =	sbr.rel @p0 .LBB2_3-.Ltmp0, $3  }
0x425: {  	_ = 	snop  }
0x426: {  	v0 =	vadd.f32 v0, v63;
	_ =	sdelay $0x1  }
0x427: {  	s15 =	sadd.s32 $0x80, s15;
	s17 =	sadd.s32 $0x1, s17;
	s16 =	sadd.s32 $0x200, s16;
	[tilespmem:s31+$0x70] =	vst v0  }
0x428: {  	s13 =	sadd.s32 $0x1, s13  }
0x429: {  	p0 =	sne.s32 s13, $0x8  }
.Ltmp1:
0x42a: {  	s14 =	sadd.s32 s3, s14;
	(pc) =	sbr.rel @p0 .LBB2_2-.Ltmp1, $4  }
0x42b: {  	[hbm4b:s14+s4] =	stream.linear.scatter [tilespmem:s4], [sflag:$0x1], $0x18000, $0x38;
	[tilespmem:$0x1EC00] =	vst v63  }
0x42c: {  	_ =	swait.ge [sflag:s10], $0x18000  }
0x42d: {  	[sflag:s10] =	ssyncset.done $0x0  }
0x42e: {  	[sflag:s10] =	ssyncadd.s32 $0xFFFE8000  }
0x42f: {  	s12 =	sadd.s32 $0x1, s12  }
0x430: {  	p0 =	sne.s32 s12, s8  }
.Ltmp2:
0x431: {  	_ = 	snop;
	(pc) =	sbr.rel @p0 .LBB2_1-.Ltmp2, $1  }
0x432: {  	_ =	sdelay $0x3  }
0x433: {  	_ =	sfence.sel $0x180000  }
0x434: {  	[bflag:$0x0] =	sbarrier.arrive $0xFFFF  }
0x435: {  	p0 =	sne.s32 s5, $0x0;
	_ =	strace $0x90000047  }
0x436: {  	s0 =	sadd.s32 @!p0 $0x100000, s0;
	[bflag:$0x2] =	sbarrier.arrive $0xFFFF  }
0x437: {  	[sflag:s0] =	ssyncadd.tile.s32 @!p0 $0x1;
	_ =	shalt  }
.Lfunc_end2:
_tile_overlayer_lowered:
.L_overlay_start_2:
0x438: {  	(tag) =	ssettag $0x2  }
0x439: {  	s0 =	rddreg [dreg:$0x0];
	s2 =	stileid.u32  }
0x43a: {  	s1 =	rddreg [dreg:$0x1];
	p0 =	sne.s32 s2, $0x0  }
0x43b: {  	s3 =	rddreg [dreg:$0x2];
	[bflag:$0x3] =	sbarrier.arrive $0xFFFF;
	s2 =	simm.s32 @!p0 $0x1C01  }
0x43c: {  	[timem:s3], [sflag:s2] =	dma.local @!p0 [hbm:s0], s1  }
0x43d: {  	s0 =	simm.s32 @!p0 $0x1  }
0x43e: {  	_ =	swait.ge @!p0 [sflag:s0], s1  }
0x43f: {  	s1 =	ssub.s32 @!p0 $0x0, s1;
	[sflag:s0] =	ssyncset.done @!p0 $0x0  }
0x440: {  	[sflag:s0] =	ssyncadd.s32 @!p0 s1  }
0x441: {  	[bflag:$0x3] =	sbarrier.arrive $0xFFFF  }
0x442: {  	_ =	shalt  }

</sc_bundles>
